<compile_context>
chip_gen: v7x
topology: tpu7x:2x2x1
jax: 0.10.2.dev20260603
libtpu: 0.0.44.dev20260713+nightly
codegen_flags: <defaults>
</compile_context>

<pallas_src>
import functools

import jax
import jax.numpy as jnp
from jax import lax
from jax.experimental import pallas as pl
from jax.experimental.pallas import tpu as pltpu
from jax.experimental.pallas import tpu_sc as plsc

N = 10000
E = 320000
F = 128
H = 128
C = 40

NCORE = 2
NSUB = 16
LANES = 16

DUMMY = N
N_T = 10112
ROWS_PER_TILE = N_T // NSUB
N_D = 10240
DEG_PER_TILE = N_D // NSUB
E_PAD = 327680
EDGES_PER_TILE32 = E_PAD // 32
CHUNK = 128

R_BLK = 2528
GRID_R = N_T // R_BLK

_mesh = plsc.VectorSubcoreMesh(
    core_axis_name="c", subcore_axis_name="s", num_cores=NCORE,
    num_subcores=NSUB)

f32 = jnp.float32


E_REAL_PER_TILE = E // 32
E_TAIL = EDGES_PER_TILE32 - E_REAL_PER_TILE


@functools.partial(
    pl.kernel,
    mesh=_mesh,
    compiler_params=pltpu.CompilerParams(
        needs_layout_passes=False, use_tc_tiling_on_sc=False),
    out_type=(
        jax.ShapeDtypeStruct((N_D,), f32),
        jax.ShapeDtypeStruct((N_D,), f32),
        jax.ShapeDtypeStruct((N_D,), f32),
        jax.ShapeDtypeStruct((N_D,), f32),
        jax.ShapeDtypeStruct((E_PAD,), jnp.int32),
        jax.ShapeDtypeStruct((E_PAD,), jnp.int32),
    ),
    scratch_types=dict(
        esrc=pltpu.VMEM((E_REAL_PER_TILE,), jnp.int32),
        edst=pltpu.VMEM((E_REAL_PER_TILE,), jnp.int32),
        tail=pltpu.VMEM((E_TAIL,), jnp.int32),
        hsrc=pltpu.VMEM((N_D,), f32),
        hdst=pltpu.VMEM((N_D,), f32),
        red=pltpu.VMEM((NSUB, 2, DEG_PER_TILE), f32),
        res=pltpu.VMEM((2, DEG_PER_TILE), f32),
        stage=pltpu.VMEM_SHARED((NSUB, 2, N_D), f32),
    ),
)
def _sc_degrees(ei, do0, do1, di0, di1, spad, dpad,
                esrc, edst, tail, hsrc, hdst, red, res, stage):
  cid = lax.axis_index("c")
  sid = lax.axis_index("s")
  wid = sid * NCORE + cid

  zeros16 = jnp.zeros((LANES,), f32)

  def zero_hist(i, _):
    hsrc[pl.ds(i * LANES, LANES)] = zeros16
    hdst[pl.ds(i * LANES, LANES)] = zeros16
    return 0
  lax.fori_loop(0, N_D // LANES, zero_hist, 0)

  base = wid * E_REAL_PER_TILE
  pltpu.sync_copy(ei.at[0, pl.ds(base, E_REAL_PER_TILE)], esrc)
  pltpu.sync_copy(ei.at[1, pl.ds(base, E_REAL_PER_TILE)], edst)

  dummy16 = jnp.full((LANES,), DUMMY, jnp.int32)
  for i in range(E_TAIL // LANES):
    tail[pl.ds(i * LANES, LANES)] = dummy16
  obase = wid * EDGES_PER_TILE32
  pltpu.sync_copy(esrc, spad.at[pl.ds(obase, E_REAL_PER_TILE)])
  pltpu.sync_copy(edst, dpad.at[pl.ds(obase, E_REAL_PER_TILE)])
  pltpu.sync_copy(tail, spad.at[pl.ds(obase + E_REAL_PER_TILE, E_TAIL)])
  pltpu.sync_copy(tail, dpad.at[pl.ds(obase + E_REAL_PER_TILE, E_TAIL)])

  ones16 = jnp.ones((LANES,), f32)

  def scatter_edges(i, _):
    off = i * LANES
    plsc.addupdate_scatter(hsrc, [esrc[pl.ds(off, LANES)]], ones16)
    plsc.addupdate_scatter(hdst, [edst[pl.ds(off, LANES)]], ones16)
    return 0
  lax.fori_loop(0, E_REAL_PER_TILE // LANES, scatter_edges, 0)

  pltpu.sync_copy(hsrc, stage.at[sid, 0])
  pltpu.sync_copy(hdst, stage.at[sid, 1])
  plsc.subcore_barrier()

  nbase = sid * DEG_PER_TILE
  pltpu.sync_copy(stage.at[:, :, pl.ds(nbase, DEG_PER_TILE)], red)

  def reduce_chunk(n, _):
    off = n * LANES
    for w in range(2):
      acc = red[0, w, pl.ds(off, LANES)]
      for t in range(1, NSUB):
        acc = acc + red[t, w, pl.ds(off, LANES)]
      res[w, pl.ds(off, LANES)] = acc
    return 0
  lax.fori_loop(0, DEG_PER_TILE // LANES, reduce_chunk, 0)

  rows = pl.ds(nbase, DEG_PER_TILE)

  @pl.when(cid == 0)
  def _():
    pltpu.sync_copy(res.at[0], do0.at[rows])
    pltpu.sync_copy(res.at[1], di0.at[rows])

  @pl.when(cid == 1)
  def _():
    pltpu.sync_copy(res.at[0], do1.at[rows])
    pltpu.sync_copy(res.at[1], di1.at[rows])


def _make_sc_agg(D, split32, NBUF, LA):
  ntile = 32 if split32 else 16
  nchunk = E_PAD // (ntile * CHUNK)
  NG = nchunk // NBUF
  ZROWS = ROWS_PER_TILE // 8

  @functools.partial(
      pl.kernel,
      mesh=_mesh,
      compiler_params=pltpu.CompilerParams(use_tc_tiling_on_sc=False),
      out_type=jax.ShapeDtypeStruct((N_T, 128), f32),
      scratch_types=dict(
          es=pltpu.VMEM((3, NBUF, CHUNK), jnp.int32),
          ed=pltpu.VMEM((3, NBUF, CHUNK), jnp.int32),
          gbuf=pltpu.VMEM((NBUF, CHUNK, D), f32),
          zbuf=pltpu.VMEM((ZROWS, D), f32),
          gsem=pltpu.SemaphoreType.DMA((NBUF,)),
          ssem=pltpu.SemaphoreType.DMA((NBUF,)),
          lsem=pltpu.SemaphoreType.DMA((3,)),
          acc=pltpu.VMEM_SHARED((N_T, D), f32),
          tab=pltpu.VMEM_SHARED((N_T, D), f32),
      ),
  )
  def agg(xs, src3, dst3, pout, es, ed, gbuf, zbuf, gsem, ssem,
          lsem, acc, tab):
    cid = lax.axis_index("c")
    sid = lax.axis_index("s")
    wid = sid * NCORE + cid if split32 else sid

    myrows = pl.ds(sid * ROWS_PER_TILE, ROWS_PER_TILE)
    scol = pl.ds(0, D) if split32 else pl.ds(cid * D, D)
    pltpu.sync_copy(xs.at[myrows, scol], tab.at[myrows])

    zeros16 = jnp.zeros((LANES,), f32)

    zoffs = [k * LANES for k in range(D // LANES)]
    if D % LANES:
      zoffs.append(D - LANES)

    def zero_rows(j, _):
      for off in zoffs:
        zbuf[j, pl.ds(off, LANES)] = zeros16
      return 0
    lax.fori_loop(0, ZROWS, zero_rows, 0)
    for z in range(ROWS_PER_TILE // ZROWS):
      pltpu.sync_copy(
          zbuf, acc.at[pl.ds(sid * ROWS_PER_TILE + z * ZROWS, ZROWS)])

    def start_load(g, slot):
      base = g * NBUF
      pltpu.async_copy(src3.at[wid, pl.ds(base, NBUF)], es.at[slot],
                       lsem.at[slot])
      pltpu.async_copy(dst3.at[wid, pl.ds(base, NBUF)], ed.at[slot],
                       lsem.at[slot])

    def wait_load(slot):
      pltpu.make_async_copy(src3.at[wid, pl.ds(0, NBUF)], es.at[slot],
                            lsem.at[slot]).wait()
      pltpu.make_async_copy(dst3.at[wid, pl.ds(0, NBUF)], ed.at[slot],
                            lsem.at[slot]).wait()

    def start_gather(idxref, slot):
      pltpu.async_copy(tab.at[idxref], gbuf.at[slot], gsem.at[slot])

    def wait_gather(slot):
      pltpu.make_async_copy(
          tab.at[es.at[0, 0]], gbuf.at[slot], gsem.at[slot]).wait()

    def wait_scatter(slot):
      pltpu.make_async_copy(
          gbuf.at[slot], acc.at[ed.at[0, 0]], ssem.at[slot]).wait()

    start_load(0, 0)
    wait_load(0)
    start_load(1, 1)
    plsc.subcore_barrier()
    for b in range(LA):
      start_gather(es.at[0, b], b)

    def group_body(g, _):
      cur = lax.rem(g, 3)
      nxt = lax.rem(g + 1, 3)

      @pl.when(g + 1 < NG)
      def _():
        wait_load(nxt)

      for b in range(NBUF):
        j = g * NBUF + b
        jn = j + LA
        slot_n = (b + LA) % NBUF

        @pl.when(jn < nchunk)
        def _():
          @pl.when(j >= LA)
          def _():
            wait_scatter(slot_n)
          if b < NBUF - LA:
            start_gather(es.at[cur, b + LA], slot_n)
          else:
            start_gather(es.at[nxt, b + LA - NBUF], slot_n)

        wait_gather(b)
        pltpu.async_copy(gbuf.at[b], acc.at[ed.at[cur, b]], ssem.at[b],
                         add=True)

      @pl.when(g + 2 < NG)
      def _():
        start_load(g + 2, lax.rem(g + 2, 3))
      return 0
    lax.fori_loop(0, NG, group_body, 0)

    for b in range(NBUF):
      wait_scatter(b)

    plsc.subcore_barrier()

    rows = pl.ds(sid * ROWS_PER_TILE, ROWS_PER_TILE)
    ocol = pl.ds(cid * D, D)
    pltpu.sync_copy(acc.at[rows], pout.at[rows, ocol])

  return agg


_sc_agg64 = _make_sc_agg(64, split32=False, NBUF=4, LA=2)
_sc_agg48 = _make_sc_agg(40, split32=True, NBUF=8, LA=4)


def _norm(d):
  return lax.rsqrt(jnp.where(d > 0.0, d, 1.0))


def _prescale_body(nf, do_c, di_c, xs, nsb, ndb):
  ns = _norm(do_c[...])
  nd = _norm(di_c[...])
  x = nf[...]
  xs[...] = x * ns
  nsb[...] = jnp.broadcast_to(ns.astype(jnp.bfloat16), x.shape)
  ndb[...] = jnp.broadcast_to(nd.astype(jnp.bfloat16), x.shape)


def _layer_body(a1, ndb, nsb, w1, b1, w2, out):
  nd = ndb[...].astype(f32)
  h = jnp.dot(a1[...] * nd, w1[...], preferred_element_type=f32)
  h = jax.nn.relu(h + b1[...])
  ns = nsb[...].astype(f32)
  out[...] = jnp.dot(h, w2[...], preferred_element_type=f32) * ns


def _final_body(pp, ndb, b2, out):
  p = pp[...]
  nd = ndb[...].astype(f32)
  out[...] = (p[:, :C] + p[:, C:2 * C]) * nd[:, :C] + b2[...]


def _row_spec(width):
  return pl.BlockSpec((R_BLK, width), lambda r: (r, 0))


def _full_spec(shape):
  return pl.BlockSpec(shape, lambda r: tuple(0 for _ in shape))


_tc_prescale = pl.pallas_call(
    _prescale_body,
    grid=(GRID_R,),
    in_specs=[_row_spec(128), _row_spec(1), _row_spec(1)],
    out_specs=[_row_spec(128)] * 3,
    out_shape=[jax.ShapeDtypeStruct((N_T, 128), f32),
               jax.ShapeDtypeStruct((N_T, 128), jnp.bfloat16),
               jax.ShapeDtypeStruct((N_T, 128), jnp.bfloat16)],
)

_tc_layer = pl.pallas_call(
    _layer_body,
    grid=(GRID_R,),
    in_specs=[_row_spec(128), _row_spec(128), _row_spec(128),
              _full_spec((128, 128)), _full_spec((1, 128)),
              _full_spec((128, 128))],
    out_specs=[_row_spec(128)],
    out_shape=[jax.ShapeDtypeStruct((N_T, 128), f32)],
)

F_BLK = 2000
_tc_final = pl.pallas_call(
    _final_body,
    grid=(N // F_BLK,),
    in_specs=[pl.BlockSpec((F_BLK, 128), lambda r: (r, 0)),
              pl.BlockSpec((F_BLK, 128), lambda r: (r, 0)),
              _full_spec((1, C))],
    out_specs=[pl.BlockSpec((F_BLK, C), lambda r: (r, 0))],
    out_shape=[jax.ShapeDtypeStruct((N, C), f32)],
)


def kernel(n_feats, edge_index, W1, b1, W2, b2):
  do0, do1, di0, di1, srcp, dstp = _sc_degrees(edge_index)
  src16 = srcp.reshape(16, E_PAD // (16 * CHUNK), CHUNK)
  dst16 = dstp.reshape(16, E_PAD // (16 * CHUNK), CHUNK)
  src32 = srcp.reshape(32, E_PAD // (32 * CHUNK), CHUNK)
  dst32 = dstp.reshape(32, E_PAD // (32 * CHUNK), CHUNK)
  do_c = (do0 + do1).reshape(N_D, 1)
  di_c = (di0 + di1).reshape(N_D, 1)

  xs, nsb, ndb = _tc_prescale(n_feats, do_c, di_c)
  a1 = _sc_agg64(xs, src16, dst16)

  w2p = jnp.pad(W2, ((0, 0), (0, 128 - C)))
  (t2,) = _tc_layer(a1, ndb, nsb, W1, b1.reshape(1, H), w2p)

  pp = _sc_agg48(t2, src32, dst32)
  (outp,) = _tc_final(pp, ndb, b2.reshape(1, C))
  return outp

# --- scband reference (transcript-rebuilt; emitter-appended) ---
"""Pipeline reference for scband-gcn-19052474925488 (READ-ONLY COPY).

The authoritative reference and input builder live on the scoring server;
editing this copy changes nothing except your own understanding.
"""

import jax, jax.numpy as jnp
import numpy as np

N = 10000
E = 320000
F_IN = 128
H = 128
C = 40


def setup_inputs(seed: int = 0) -> dict:
    key = jax.random.key(seed)
    k1, k2, k3, k4 = jax.random.split(key, 4)
    n_feats = jax.random.normal(k1, (N, F_IN), dtype=jnp.float32)
    edge_index = jax.random.randint(k2, (2, E), 0, N, dtype=jnp.int32)
    W1 = jax.random.normal(k3, (F_IN, H), dtype=jnp.float32) / np.sqrt(F_IN)
    b1 = jnp.zeros((H,), dtype=jnp.float32)
    W2 = jax.random.normal(k4, (H, C), dtype=jnp.float32) / np.sqrt(H)
    b2 = jnp.zeros((C,), dtype=jnp.float32)
    return {"n_feats": n_feats, "edge_index": edge_index, "W1": W1, "b1": b1, "W2": W2, "b2": b2}


def reference(n_feats, edge_index, W1, b1, W2, b2):
    # DGL GraphConv with norm='both': h = D_in^{-1/2} * A * (D_out^{-1/2} * x) @ W + b
    # weight applied before aggregation if in_feats > out_feats (DGL optimization, math-equivalent)
    src = edge_index[0]
    dst = edge_index[1]
    ones = jnp.ones((E,), dtype=jnp.float32)
    deg_out = jax.ops.segment_sum(ones, src, num_segments=N)
    deg_in = jax.ops.segment_sum(ones, dst, num_segments=N)
    norm_src = jnp.where(deg_out > 0.0, deg_out, 1.0) ** -0.5
    norm_dst = jnp.where(deg_in > 0.0, deg_in, 1.0) ** -0.5

    def graph_conv(x, W, b, mult_first):
        if mult_first:
            x = x @ W
        h = x * norm_src[:, None]
        msgs = jnp.take(h, src, axis=0)
        agg = jax.ops.segment_sum(msgs, dst, num_segments=N)
        agg = agg * norm_dst[:, None]
        if not mult_first:
            agg = agg @ W
        return agg + b

    # Layer 1: 128 -> 128 (aggregate first, then weight), ReLU activation
    h = jax.nn.relu(graph_conv(n_feats, W1, b1, mult_first=(F_IN > H)))
    # Dropout: identity in eval/inference mode
    # Layer 2: 128 -> 40 (in > out, so weight applied first)
    out = graph_conv(h, W2, b2, mult_first=(H > C))
    return out

if __name__ == "__main__":
    import jax
    _d = setup_inputs()
    print(jax.jit(kernel)(*tuple(_d.values())))

</pallas_src>

<mosaic_0001>
#map = affine_map<(d0, d1) -> (0, 0)>
#map1 = affine_map<(d0, d1) -> (0, 0, 0)>
module attributes {stable_mosaic.version = 14 : i64} {
  func.func @agg(%arg0: i32, %arg1: i32, %arg2: memref<10112x128xf32, #tpu.memory_space<hbm>>, %arg3: memref<32x80x128xi32, #tpu.memory_space<hbm>>, %arg4: memref<32x80x128xi32, #tpu.memory_space<hbm>>, %arg5: memref<10112x128xf32, #tpu.memory_space<hbm>>, %arg6: memref<10112x40xf32, #tpu.memory_space<vmem_shared>>, %arg7: memref<3x8x128xi32, #tpu.memory_space<vmem>>, %arg8: memref<3x8x128xi32, #tpu.memory_space<vmem>>, %arg9: memref<8x128x40xf32, #tpu.memory_space<vmem>>, %arg10: memref<8x!tpu.dma_semaphore, #tpu.memory_space<semaphore_mem>>, %arg11: memref<3x!tpu.dma_semaphore, #tpu.memory_space<semaphore_mem>>, %arg12: memref<8x!tpu.dma_semaphore, #tpu.memory_space<semaphore_mem>>, %arg13: memref<10112x40xf32, #tpu.memory_space<vmem_shared>>, %arg14: memref<79x40xf32, #tpu.memory_space<vmem>>) attributes {dimension_semantics = [#tpu.dimension_semantics<core_parallel>, #tpu.dimension_semantics<subcore_parallel>], iteration_bounds = array<i64: 2, 16>, scalar_prefetch = 0 : i64, scratch_operands = 9 : i64, tpu.core_type = #tpu.core_type<sc_vector_subcore>, window_params = [{transform_indices = #map}, {transform_indices = #map1}, {transform_indices = #map1}, {transform_indices = #map}]} {
    %mul3A = arith.constant 2 : i32
    %mul3A_0 = arith.muli %arg1, %mul3A : i32
    %add3A = arith.addi %mul3A_0, %arg0 : i32
    %mul3A_1 = arith.constant 632 : i32
    %mul3A_2 = arith.muli %arg1, %mul3A_1 : i32
    "tpu.region"() ({
      %run_scoped3A = tpu.sem_alloc : memref<!tpu.dma_semaphore, #tpu.memory_space<semaphore_mem>>
      %dma_start3A_364 = arith.constant 0 : i32
      %dma_start3A_365 = tpu.memref_slice %arg13[%mul3A_2, %dma_start3A_364] : memref<10112x40xf32, #tpu.memory_space<vmem_shared>> -> memref<632x40xf32, #tpu.memory_space<vmem_shared>>
      %dma_start3A_366 = arith.constant 0 : i32
      %dma_start3A_367 = tpu.memref_slice %arg2[%mul3A_2, %dma_start3A_366] : memref<10112x128xf32, #tpu.memory_space<hbm>> -> memref<632x40xf32, #tpu.memory_space<hbm>>
      tpu.enqueue_dma source(%dma_start3A_367 : memref<632x40xf32, #tpu.memory_space<hbm>>) target(%dma_start3A_365 : memref<632x40xf32, #tpu.memory_space<vmem_shared>>) target_semaphore(%run_scoped3A : memref<!tpu.dma_semaphore, #tpu.memory_space<semaphore_mem>>)
      %dma_wait3A_368 = arith.constant 0 : i32
      %dma_wait3A_369 = tpu.memref_slice %arg13[%mul3A_2, %dma_wait3A_368] : memref<10112x40xf32, #tpu.memory_space<vmem_shared>> -> memref<632x40xf32, #tpu.memory_space<vmem_shared>>
      %dma_wait3A_370 = arith.constant 0 : i32
      %dma_wait3A_371 = tpu.memref_slice %arg2[%mul3A_2, %dma_wait3A_370] : memref<10112x128xf32, #tpu.memory_space<hbm>> -> memref<632x40xf32, #tpu.memory_space<hbm>>
      tpu.wait_dma2 semaphore(%run_scoped3A : memref<!tpu.dma_semaphore, #tpu.memory_space<semaphore_mem>>) src(%dma_wait3A_371 : memref<632x40xf32, #tpu.memory_space<hbm>>) dst(%dma_wait3A_369 : memref<632x40xf32, #tpu.memory_space<vmem_shared>>)
      tpu.yield
    }) : () -> ()
    %broadcast_in_dim3A = arith.constant 0.000000e+00 : f32
    %broadcast_in_dim3A_3 = vector.broadcast %broadcast_in_dim3A : f32 to vector<16xf32>
    %scan3A = arith.constant 0 : i32
    %scan3A_4 = arith.constant 0 : i32
    %scan3A_5 = arith.constant 79 : i32
    %scan3A_6 = arith.addi %scan3A_4, %scan3A_5 : i32
    %scan3A_7 = arith.constant 1 : i32
    %scan3A_8 = scf.for %scan3A_364 = %scan3A_4 to %scan3A_6 step %scan3A_7 iter_args(%scan3A_365 = %scan3A) -> (i32)  : i32 {
      %swap3A = arith.index_cast %scan3A_364 : i32 to index
      %swap3A_366 = arith.constant 0 : index
      %swap3A_367 = tpu.vector_load %arg14[%swap3A, %swap3A_366] {strides = array<i32>} : memref<79x40xf32, #tpu.memory_space<vmem>>, vector<1x16xf32>,
      %swap3A_368 = vector.shape_cast %swap3A_367 : vector<1x16xf32> to vector<16xf32>
      %swap3A_369 = vector.shape_cast %broadcast_in_dim3A_3 : vector<16xf32> to vector<1x16xf32>
      tpu.vector_store %arg14[%swap3A, %swap3A_366], %swap3A_369 {strides = array<i32>} : memref<79x40xf32, #tpu.memory_space<vmem>>, vector<1x16xf32>,
      %swap3A_370 = arith.index_cast %scan3A_364 : i32 to index
      %swap3A_371 = arith.constant 16 : index
      %swap3A_372 = tpu.vector_load %arg14[%swap3A_370, %swap3A_371] {strides = array<i32>} : memref<79x40xf32, #tpu.memory_space<vmem>>, vector<1x16xf32>,
      %swap3A_373 = vector.shape_cast %swap3A_372 : vector<1x16xf32> to vector<16xf32>
      %swap3A_374 = vector.shape_cast %broadcast_in_dim3A_3 : vector<16xf32> to vector<1x16xf32>
      tpu.vector_store %arg14[%swap3A_370, %swap3A_371], %swap3A_374 {strides = array<i32>} : memref<79x40xf32, #tpu.memory_space<vmem>>, vector<1x16xf32>,
      %swap3A_375 = arith.index_cast %scan3A_364 : i32 to index
      %swap3A_376 = arith.constant 24 : index
      %swap3A_377 = tpu.vector_load %arg14[%swap3A_375, %swap3A_376] {strides = array<i32>} : memref<79x40xf32, #tpu.memory_space<vmem>>, vector<1x16xf32>,
      %swap3A_378 = vector.shape_cast %swap3A_377 : vector<1x16xf32> to vector<16xf32>
      %swap3A_379 = vector.shape_cast %broadcast_in_dim3A_3 : vector<16xf32> to vector<1x16xf32>
      tpu.vector_store %arg14[%swap3A_375, %swap3A_376], %swap3A_379 {strides = array<i32>} : memref<79x40xf32, #tpu.memory_space<vmem>>, vector<1x16xf32>,
      %scan3A_380 = arith.constant 0 : i32
      scf.yield %scan3A_380 : i32
    }
    %scan3A_9 = arith.constant 79 : i32
    %mul3A_10 = arith.constant 632 : i32
    %mul3A_11 = arith.muli %arg1, %mul3A_10 : i32
    %add3A_12 = arith.constant 0 : i32
    %add3A_13 = arith.addi %mul3A_11, %add3A_12 : i32
    "tpu.region"() ({
      %run_scoped3A = tpu.sem_alloc : memref<!tpu.dma_semaphore, #tpu.memory_space<semaphore_mem>>
      %dma_start3A_364 = arith.constant 0 : i32
      %dma_start3A_365 = tpu.memref_slice %arg6[%add3A_13, %dma_start3A_364] : memref<10112x40xf32, #tpu.memory_space<vmem_shared>> -> memref<79x40xf32, #tpu.memory_space<vmem_shared>>
      %dma_start3A_366 = arith.constant 0 : i32
      %dma_start3A_367 = tpu.memref_slice %arg6[%add3A_13, %dma_start3A_366] : memref<10112x40xf32, #tpu.memory_space<vmem_shared>> -> memref<79x40xf32, #tpu.memory_space<vmem_shared>>
      tpu.enqueue_dma source(%arg14 : memref<79x40xf32, #tpu.memory_space<vmem>>) target(%dma_start3A_367 : memref<79x40xf32, #tpu.memory_space<vmem_shared>>) target_semaphore(%run_scoped3A : memref<!tpu.dma_semaphore, #tpu.memory_space<semaphore_mem>>)
      %dma_wait3A_368 = arith.constant 0 : i32
      %dma_wait3A_369 = tpu.memref_slice %arg6[%add3A_13, %dma_wait3A_368] : memref<10112x40xf32, #tpu.memory_space<vmem_shared>> -> memref<79x40xf32, #tpu.memory_space<vmem_shared>>
      %dma_wait3A_370 = arith.constant 0 : i32
      %dma_wait3A_371 = tpu.memref_slice %arg6[%add3A_13, %dma_wait3A_370] : memref<10112x40xf32, #tpu.memory_space<vmem_shared>> -> memref<79x40xf32, #tpu.memory_space<vmem_shared>>
      tpu.wait_dma2 semaphore(%run_scoped3A : memref<!tpu.dma_semaphore, #tpu.memory_space<semaphore_mem>>) src(%arg14 : memref<79x40xf32, #tpu.memory_space<vmem>>) dst(%dma_wait3A_371 : memref<79x40xf32, #tpu.memory_space<vmem_shared>>)
      tpu.yield
    }) : () -> ()
    %mul3A_14 = arith.constant 632 : i32
    %mul3A_15 = arith.muli %arg1, %mul3A_14 : i32
    %add3A_16 = arith.constant 79 : i32
    %add3A_17 = arith.addi %mul3A_15, %add3A_16 : i32
    "tpu.region"() ({
      %run_scoped3A = tpu.sem_alloc : memref<!tpu.dma_semaphore, #tpu.memory_space<semaphore_mem>>
      %dma_start3A_364 = arith.constant 0 : i32
      %dma_start3A_365 = tpu.memref_slice %arg6[%add3A_17, %dma_start3A_364] : memref<10112x40xf32, #tpu.memory_space<vmem_shared>> -> memref<79x40xf32, #tpu.memory_space<vmem_shared>>
      %dma_start3A_366 = arith.constant 0 : i32
      %dma_start3A_367 = tpu.memref_slice %arg6[%add3A_17, %dma_start3A_366] : memref<10112x40xf32, #tpu.memory_space<vmem_shared>> -> memref<79x40xf32, #tpu.memory_space<vmem_shared>>
      tpu.enqueue_dma source(%arg14 : memref<79x40xf32, #tpu.memory_space<vmem>>) target(%dma_start3A_367 : memref<79x40xf32, #tpu.memory_space<vmem_shared>>) target_semaphore(%run_scoped3A : memref<!tpu.dma_semaphore, #tpu.memory_space<semaphore_mem>>)
      %dma_wait3A_368 = arith.constant 0 : i32
      %dma_wait3A_369 = tpu.memref_slice %arg6[%add3A_17, %dma_wait3A_368] : memref<10112x40xf32, #tpu.memory_space<vmem_shared>> -> memref<79x40xf32, #tpu.memory_space<vmem_shared>>
      %dma_wait3A_370 = arith.constant 0 : i32
      %dma_wait3A_371 = tpu.memref_slice %arg6[%add3A_17, %dma_wait3A_370] : memref<10112x40xf32, #tpu.memory_space<vmem_shared>> -> memref<79x40xf32, #tpu.memory_space<vmem_shared>>
      tpu.wait_dma2 semaphore(%run_scoped3A : memref<!tpu.dma_semaphore, #tpu.memory_space<semaphore_mem>>) src(%arg14 : memref<79x40xf32, #tpu.memory_space<vmem>>) dst(%dma_wait3A_371 : memref<79x40xf32, #tpu.memory_space<vmem_shared>>)
      tpu.yield
    }) : () -> ()
    %mul3A_18 = arith.constant 632 : i32
    %mul3A_19 = arith.muli %arg1, %mul3A_18 : i32
    %add3A_20 = arith.constant 158 : i32
    %add3A_21 = arith.addi %mul3A_19, %add3A_20 : i32
    "tpu.region"() ({
      %run_scoped3A = tpu.sem_alloc : memref<!tpu.dma_semaphore, #tpu.memory_space<semaphore_mem>>
      %dma_start3A_364 = arith.constant 0 : i32
      %dma_start3A_365 = tpu.memref_slice %arg6[%add3A_21, %dma_start3A_364] : memref<10112x40xf32, #tpu.memory_space<vmem_shared>> -> memref<79x40xf32, #tpu.memory_space<vmem_shared>>
      %dma_start3A_366 = arith.constant 0 : i32
      %dma_start3A_367 = tpu.memref_slice %arg6[%add3A_21, %dma_start3A_366] : memref<10112x40xf32, #tpu.memory_space<vmem_shared>> -> memref<79x40xf32, #tpu.memory_space<vmem_shared>>
      tpu.enqueue_dma source(%arg14 : memref<79x40xf32, #tpu.memory_space<vmem>>) target(%dma_start3A_367 : memref<79x40xf32, #tpu.memory_space<vmem_shared>>) target_semaphore(%run_scoped3A : memref<!tpu.dma_semaphore, #tpu.memory_space<semaphore_mem>>)
      %dma_wait3A_368 = arith.constant 0 : i32
      %dma_wait3A_369 = tpu.memref_slice %arg6[%add3A_21, %dma_wait3A_368] : memref<10112x40xf32, #tpu.memory_space<vmem_shared>> -> memref<79x40xf32, #tpu.memory_space<vmem_shared>>
      %dma_wait3A_370 = arith.constant 0 : i32
      %dma_wait3A_371 = tpu.memref_slice %arg6[%add3A_21, %dma_wait3A_370] : memref<10112x40xf32, #tpu.memory_space<vmem_shared>> -> memref<79x40xf32, #tpu.memory_space<vmem_shared>>
      tpu.wait_dma2 semaphore(%run_scoped3A : memref<!tpu.dma_semaphore, #tpu.memory_space<semaphore_mem>>) src(%arg14 : memref<79x40xf32, #tpu.memory_space<vmem>>) dst(%dma_wait3A_371 : memref<79x40xf32, #tpu.memory_space<vmem_shared>>)
      tpu.yield
    }) : () -> ()
    %mul3A_22 = arith.constant 632 : i32
    %mul3A_23 = arith.muli %arg1, %mul3A_22 : i32
    %add3A_24 = arith.constant 237 : i32
    %add3A_25 = arith.addi %mul3A_23, %add3A_24 : i32
    "tpu.region"() ({
      %run_scoped3A = tpu.sem_alloc : memref<!tpu.dma_semaphore, #tpu.memory_space<semaphore_mem>>
      %dma_start3A_364 = arith.constant 0 : i32
      %dma_start3A_365 = tpu.memref_slice %arg6[%add3A_25, %dma_start3A_364] : memref<10112x40xf32, #tpu.memory_space<vmem_shared>> -> memref<79x40xf32, #tpu.memory_space<vmem_shared>>
      %dma_start3A_366 = arith.constant 0 : i32
      %dma_start3A_367 = tpu.memref_slice %arg6[%add3A_25, %dma_start3A_366] : memref<10112x40xf32, #tpu.memory_space<vmem_shared>> -> memref<79x40xf32, #tpu.memory_space<vmem_shared>>
      tpu.enqueue_dma source(%arg14 : memref<79x40xf32, #tpu.memory_space<vmem>>) target(%dma_start3A_367 : memref<79x40xf32, #tpu.memory_space<vmem_shared>>) target_semaphore(%run_scoped3A : memref<!tpu.dma_semaphore, #tpu.memory_space<semaphore_mem>>)
      %dma_wait3A_368 = arith.constant 0 : i32
      %dma_wait3A_369 = tpu.memref_slice %arg6[%add3A_25, %dma_wait3A_368] : memref<10112x40xf32, #tpu.memory_space<vmem_shared>> -> memref<79x40xf32, #tpu.memory_space<vmem_shared>>
      %dma_wait3A_370 = arith.constant 0 : i32
      %dma_wait3A_371 = tpu.memref_slice %arg6[%add3A_25, %dma_wait3A_370] : memref<10112x40xf32, #tpu.memory_space<vmem_shared>> -> memref<79x40xf32, #tpu.memory_space<vmem_shared>>
      tpu.wait_dma2 semaphore(%run_scoped3A : memref<!tpu.dma_semaphore, #tpu.memory_space<semaphore_mem>>) src(%arg14 : memref<79x40xf32, #tpu.memory_space<vmem>>) dst(%dma_wait3A_371 : memref<79x40xf32, #tpu.memory_space<vmem_shared>>)
      tpu.yield
    }) : () -> ()
    %mul3A_26 = arith.constant 632 : i32
    %mul3A_27 = arith.muli %arg1, %mul3A_26 : i32
    %add3A_28 = arith.constant 316 : i32
    %add3A_29 = arith.addi %mul3A_27, %add3A_28 : i32
    "tpu.region"() ({
      %run_scoped3A = tpu.sem_alloc : memref<!tpu.dma_semaphore, #tpu.memory_space<semaphore_mem>>
      %dma_start3A_364 = arith.constant 0 : i32
      %dma_start3A_365 = tpu.memref_slice %arg6[%add3A_29, %dma_start3A_364] : memref<10112x40xf32, #tpu.memory_space<vmem_shared>> -> memref<79x40xf32, #tpu.memory_space<vmem_shared>>
      %dma_start3A_366 = arith.constant 0 : i32
      %dma_start3A_367 = tpu.memref_slice %arg6[%add3A_29, %dma_start3A_366] : memref<10112x40xf32, #tpu.memory_space<vmem_shared>> -> memref<79x40xf32, #tpu.memory_space<vmem_shared>>
      tpu.enqueue_dma source(%arg14 : memref<79x40xf32, #tpu.memory_space<vmem>>) target(%dma_start3A_367 : memref<79x40xf32, #tpu.memory_space<vmem_shared>>) target_semaphore(%run_scoped3A : memref<!tpu.dma_semaphore, #tpu.memory_space<semaphore_mem>>)
      %dma_wait3A_368 = arith.constant 0 : i32
      %dma_wait3A_369 = tpu.memref_slice %arg6[%add3A_29, %dma_wait3A_368] : memref<10112x40xf32, #tpu.memory_space<vmem_shared>> -> memref<79x40xf32, #tpu.memory_space<vmem_shared>>
      %dma_wait3A_370 = arith.constant 0 : i32
      %dma_wait3A_371 = tpu.memref_slice %arg6[%add3A_29, %dma_wait3A_370] : memref<10112x40xf32, #tpu.memory_space<vmem_shared>> -> memref<79x40xf32, #tpu.memory_space<vmem_shared>>
      tpu.wait_dma2 semaphore(%run_scoped3A : memref<!tpu.dma_semaphore, #tpu.memory_space<semaphore_mem>>) src(%arg14 : memref<79x40xf32, #tpu.memory_space<vmem>>) dst(%dma_wait3A_371 : memref<79x40xf32, #tpu.memory_space<vmem_shared>>)
      tpu.yield
    }) : () -> ()
    %mul3A_30 = arith.constant 632 : i32
    %mul3A_31 = arith.muli %arg1, %mul3A_30 : i32
    %add3A_32 = arith.constant 395 : i32
    %add3A_33 = arith.addi %mul3A_31, %add3A_32 : i32
    "tpu.region"() ({
      %run_scoped3A = tpu.sem_alloc : memref<!tpu.dma_semaphore, #tpu.memory_space<semaphore_mem>>
      %dma_start3A_364 = arith.constant 0 : i32
      %dma_start3A_365 = tpu.memref_slice %arg6[%add3A_33, %dma_start3A_364] : memref<10112x40xf32, #tpu.memory_space<vmem_shared>> -> memref<79x40xf32, #tpu.memory_space<vmem_shared>>
      %dma_start3A_366 = arith.constant 0 : i32
      %dma_start3A_367 = tpu.memref_slice %arg6[%add3A_33, %dma_start3A_366] : memref<10112x40xf32, #tpu.memory_space<vmem_shared>> -> memref<79x40xf32, #tpu.memory_space<vmem_shared>>
      tpu.enqueue_dma source(%arg14 : memref<79x40xf32, #tpu.memory_space<vmem>>) target(%dma_start3A_367 : memref<79x40xf32, #tpu.memory_space<vmem_shared>>) target_semaphore(%run_scoped3A : memref<!tpu.dma_semaphore, #tpu.memory_space<semaphore_mem>>)
      %dma_wait3A_368 = arith.constant 0 : i32
      %dma_wait3A_369 = tpu.memref_slice %arg6[%add3A_33, %dma_wait3A_368] : memref<10112x40xf32, #tpu.memory_space<vmem_shared>> -> memref<79x40xf32, #tpu.memory_space<vmem_shared>>
      %dma_wait3A_370 = arith.constant 0 : i32
      %dma_wait3A_371 = tpu.memref_slice %arg6[%add3A_33, %dma_wait3A_370] : memref<10112x40xf32, #tpu.memory_space<vmem_shared>> -> memref<79x40xf32, #tpu.memory_space<vmem_shared>>
      tpu.wait_dma2 semaphore(%run_scoped3A : memref<!tpu.dma_semaphore, #tpu.memory_space<semaphore_mem>>) src(%arg14 : memref<79x40xf32, #tpu.memory_space<vmem>>) dst(%dma_wait3A_371 : memref<79x40xf32, #tpu.memory_space<vmem_shared>>)
      tpu.yield
    }) : () -> ()
    %mul3A_34 = arith.constant 632 : i32
    %mul3A_35 = arith.muli %arg1, %mul3A_34 : i32
    %add3A_36 = arith.constant 474 : i32
    %add3A_37 = arith.addi %mul3A_35, %add3A_36 : i32
    "tpu.region"() ({
      %run_scoped3A = tpu.sem_alloc : memref<!tpu.dma_semaphore, #tpu.memory_space<semaphore_mem>>
      %dma_start3A_364 = arith.constant 0 : i32
      %dma_start3A_365 = tpu.memref_slice %arg6[%add3A_37, %dma_start3A_364] : memref<10112x40xf32, #tpu.memory_space<vmem_shared>> -> memref<79x40xf32, #tpu.memory_space<vmem_shared>>
      %dma_start3A_366 = arith.constant 0 : i32
      %dma_start3A_367 = tpu.memref_slice %arg6[%add3A_37, %dma_start3A_366] : memref<10112x40xf32, #tpu.memory_space<vmem_shared>> -> memref<79x40xf32, #tpu.memory_space<vmem_shared>>
      tpu.enqueue_dma source(%arg14 : memref<79x40xf32, #tpu.memory_space<vmem>>) target(%dma_start3A_367 : memref<79x40xf32, #tpu.memory_space<vmem_shared>>) target_semaphore(%run_scoped3A : memref<!tpu.dma_semaphore, #tpu.memory_space<semaphore_mem>>)
      %dma_wait3A_368 = arith.constant 0 : i32
      %dma_wait3A_369 = tpu.memref_slice %arg6[%add3A_37, %dma_wait3A_368] : memref<10112x40xf32, #tpu.memory_space<vmem_shared>> -> memref<79x40xf32, #tpu.memory_space<vmem_shared>>
      %dma_wait3A_370 = arith.constant 0 : i32
      %dma_wait3A_371 = tpu.memref_slice %arg6[%add3A_37, %dma_wait3A_370] : memref<10112x40xf32, #tpu.memory_space<vmem_shared>> -> memref<79x40xf32, #tpu.memory_space<vmem_shared>>
      tpu.wait_dma2 semaphore(%run_scoped3A : memref<!tpu.dma_semaphore, #tpu.memory_space<semaphore_mem>>) src(%arg14 : memref<79x40xf32, #tpu.memory_space<vmem>>) dst(%dma_wait3A_371 : memref<79x40xf32, #tpu.memory_space<vmem_shared>>)
      tpu.yield
    }) : () -> ()
    %mul3A_38 = arith.constant 632 : i32
    %mul3A_39 = arith.muli %arg1, %mul3A_38 : i32
    %add3A_40 = arith.constant 553 : i32
    %add3A_41 = arith.addi %mul3A_39, %add3A_40 : i32
    "tpu.region"() ({
      %run_scoped3A = tpu.sem_alloc : memref<!tpu.dma_semaphore, #tpu.memory_space<semaphore_mem>>
      %dma_start3A_364 = arith.constant 0 : i32
      %dma_start3A_365 = tpu.memref_slice %arg6[%add3A_41, %dma_start3A_364] : memref<10112x40xf32, #tpu.memory_space<vmem_shared>> -> memref<79x40xf32, #tpu.memory_space<vmem_shared>>
      %dma_start3A_366 = arith.constant 0 : i32
      %dma_start3A_367 = tpu.memref_slice %arg6[%add3A_41, %dma_start3A_366] : memref<10112x40xf32, #tpu.memory_space<vmem_shared>> -> memref<79x40xf32, #tpu.memory_space<vmem_shared>>
      tpu.enqueue_dma source(%arg14 : memref<79x40xf32, #tpu.memory_space<vmem>>) target(%dma_start3A_367 : memref<79x40xf32, #tpu.memory_space<vmem_shared>>) target_semaphore(%run_scoped3A : memref<!tpu.dma_semaphore, #tpu.memory_space<semaphore_mem>>)
      %dma_wait3A_368 = arith.constant 0 : i32
      %dma_wait3A_369 = tpu.memref_slice %arg6[%add3A_41, %dma_wait3A_368] : memref<10112x40xf32, #tpu.memory_space<vmem_shared>> -> memref<79x40xf32, #tpu.memory_space<vmem_shared>>
      %dma_wait3A_370 = arith.constant 0 : i32
      %dma_wait3A_371 = tpu.memref_slice %arg6[%add3A_41, %dma_wait3A_370] : memref<10112x40xf32, #tpu.memory_space<vmem_shared>> -> memref<79x40xf32, #tpu.memory_space<vmem_shared>>
      tpu.wait_dma2 semaphore(%run_scoped3A : memref<!tpu.dma_semaphore, #tpu.memory_space<semaphore_mem>>) src(%arg14 : memref<79x40xf32, #tpu.memory_space<vmem>>) dst(%dma_wait3A_371 : memref<79x40xf32, #tpu.memory_space<vmem_shared>>)
      tpu.yield
    }) : () -> ()
    %dma_start3A = arith.constant 0 : i32
    %dma_start3A_42 = arith.constant 0 : i32
    %dma_start3A_43 = arith.constant 0 : i32
    %dma_start3A_44 = arith.constant 0 : i32
    %dma_start3A_45 = tpu.memref_slice %arg8[%dma_start3A, %dma_start3A_43, %dma_start3A_44] : memref<3x8x128xi32, #tpu.memory_space<vmem>> -> memref<1x8x128xi32, #tpu.memory_space<vmem>>
    %dma_start3A_46 = tpu.memref_squeeze %dma_start3A_45 : memref<1x8x128xi32, #tpu.memory_space<vmem>> -> memref<8x128xi32, #tpu.memory_space<vmem>>
    %dma_start3A_47 = arith.constant 0 : i32
    %dma_start3A_48 = arith.constant 0 : i32
    %dma_start3A_49 = tpu.memref_slice %arg3[%add3A, %dma_start3A_47, %dma_start3A_48] : memref<32x80x128xi32, #tpu.memory_space<hbm>> -> memref<1x8x128xi32, #tpu.memory_space<hbm>>
    %dma_start3A_50 = tpu.memref_squeeze %dma_start3A_49 : memref<1x8x128xi32, #tpu.memory_space<hbm>> -> memref<8x128xi32, #tpu.memory_space<hbm>>
    %dma_start3A_51 = tpu.memref_slice %arg11[%dma_start3A_42] : memref<3x!tpu.dma_semaphore, #tpu.memory_space<semaphore_mem>> -> memref<1x!tpu.dma_semaphore, #tpu.memory_space<semaphore_mem>>
    %dma_start3A_52 = tpu.memref_squeeze %dma_start3A_51 : memref<1x!tpu.dma_semaphore, #tpu.memory_space<semaphore_mem>> -> memref<!tpu.dma_semaphore, #tpu.memory_space<semaphore_mem>>
    %dma_start3A_53 = arith.constant 0 : i32
    %dma_start3A_54 = arith.constant 0 : i32
    %dma_start3A_55 = tpu.memref_slice %arg8[%dma_start3A, %dma_start3A_53, %dma_start3A_54] : memref<3x8x128xi32, #tpu.memory_space<vmem>> -> memref<1x8x128xi32, #tpu.memory_space<vmem>>
    %dma_start3A_56 = tpu.memref_squeeze %dma_start3A_55 : memref<1x8x128xi32, #tpu.memory_space<vmem>> -> memref<8x128xi32, #tpu.memory_space<vmem>>
    %dma_start3A_57 = arith.constant 0 : i32
    %dma_start3A_58 = arith.constant 0 : i32
    %dma_start3A_59 = tpu.memref_slice %arg3[%add3A, %dma_start3A_57, %dma_start3A_58] : memref<32x80x128xi32, #tpu.memory_space<hbm>> -> memref<1x8x128xi32, #tpu.memory_space<hbm>>
    %dma_start3A_60 = tpu.memref_squeeze %dma_start3A_59 : memref<1x8x128xi32, #tpu.memory_space<hbm>> -> memref<8x128xi32, #tpu.memory_space<hbm>>
    tpu.enqueue_dma source(%dma_start3A_60 : memref<8x128xi32, #tpu.memory_space<hbm>>) target(%dma_start3A_56 : memref<8x128xi32, #tpu.memory_space<vmem>>) target_semaphore(%dma_start3A_52 : memref<!tpu.dma_semaphore, #tpu.memory_space<semaphore_mem>>)
    %dma_start3A_61 = arith.constant 0 : i32
    %dma_start3A_62 = arith.constant 0 : i32
    %dma_start3A_63 = arith.constant 0 : i32
    %dma_start3A_64 = arith.constant 0 : i32
    %dma_start3A_65 = tpu.memref_slice %arg7[%dma_start3A_61, %dma_start3A_63, %dma_start3A_64] : memref<3x8x128xi32, #tpu.memory_space<vmem>> -> memref<1x8x128xi32, #tpu.memory_space<vmem>>
    %dma_start3A_66 = tpu.memref_squeeze %dma_start3A_65 : memref<1x8x128xi32, #tpu.memory_space<vmem>> -> memref<8x128xi32, #tpu.memory_space<vmem>>
    %dma_start3A_67 = arith.constant 0 : i32
    %dma_start3A_68 = arith.constant 0 : i32
    %dma_start3A_69 = tpu.memref_slice %arg4[%add3A, %dma_start3A_67, %dma_start3A_68] : memref<32x80x128xi32, #tpu.memory_space<hbm>> -> memref<1x8x128xi32, #tpu.memory_space<hbm>>
    %dma_start3A_70 = tpu.memref_squeeze %dma_start3A_69 : memref<1x8x128xi32, #tpu.memory_space<hbm>> -> memref<8x128xi32, #tpu.memory_space<hbm>>
    %dma_start3A_71 = tpu.memref_slice %arg11[%dma_start3A_62] : memref<3x!tpu.dma_semaphore, #tpu.memory_space<semaphore_mem>> -> memref<1x!tpu.dma_semaphore, #tpu.memory_space<semaphore_mem>>
    %dma_start3A_72 = tpu.memref_squeeze %dma_start3A_71 : memref<1x!tpu.dma_semaphore, #tpu.memory_space<semaphore_mem>> -> memref<!tpu.dma_semaphore, #tpu.memory_space<semaphore_mem>>
    %dma_start3A_73 = arith.constant 0 : i32
    %dma_start3A_74 = arith.constant 0 : i32
    %dma_start3A_75 = tpu.memref_slice %arg7[%dma_start3A_61, %dma_start3A_73, %dma_start3A_74] : memref<3x8x128xi32, #tpu.memory_space<vmem>> -> memref<1x8x128xi32, #tpu.memory_space<vmem>>
    %dma_start3A_76 = tpu.memref_squeeze %dma_start3A_75 : memref<1x8x128xi32, #tpu.memory_space<vmem>> -> memref<8x128xi32, #tpu.memory_space<vmem>>
    %dma_start3A_77 = arith.constant 0 : i32
    %dma_start3A_78 = arith.constant 0 : i32
    %dma_start3A_79 = tpu.memref_slice %arg4[%add3A, %dma_start3A_77, %dma_start3A_78] : memref<32x80x128xi32, #tpu.memory_space<hbm>> -> memref<1x8x128xi32, #tpu.memory_space<hbm>>
    %dma_start3A_80 = tpu.memref_squeeze %dma_start3A_79 : memref<1x8x128xi32, #tpu.memory_space<hbm>> -> memref<8x128xi32, #tpu.memory_space<hbm>>
    tpu.enqueue_dma source(%dma_start3A_80 : memref<8x128xi32, #tpu.memory_space<hbm>>) target(%dma_start3A_76 : memref<8x128xi32, #tpu.memory_space<vmem>>) target_semaphore(%dma_start3A_72 : memref<!tpu.dma_semaphore, #tpu.memory_space<semaphore_mem>>)
    %dma_wait3A = arith.constant 0 : i32
    %dma_wait3A_81 = arith.constant 0 : i32
    %dma_wait3A_82 = arith.constant 0 : i32
    %dma_wait3A_83 = arith.constant 0 : i32
    %dma_wait3A_84 = tpu.memref_slice %arg8[%dma_wait3A, %dma_wait3A_82, %dma_wait3A_83] : memref<3x8x128xi32, #tpu.memory_space<vmem>> -> memref<1x8x128xi32, #tpu.memory_space<vmem>>
    %dma_wait3A_85 = tpu.memref_squeeze %dma_wait3A_84 : memref<1x8x128xi32, #tpu.memory_space<vmem>> -> memref<8x128xi32, #tpu.memory_space<vmem>>
    %dma_wait3A_86 = arith.constant 0 : i32
    %dma_wait3A_87 = arith.constant 0 : i32
    %dma_wait3A_88 = tpu.memref_slice %arg3[%add3A, %dma_wait3A_86, %dma_wait3A_87] : memref<32x80x128xi32, #tpu.memory_space<hbm>> -> memref<1x8x128xi32, #tpu.memory_space<hbm>>
    %dma_wait3A_89 = tpu.memref_squeeze %dma_wait3A_88 : memref<1x8x128xi32, #tpu.memory_space<hbm>> -> memref<8x128xi32, #tpu.memory_space<hbm>>
    %dma_wait3A_90 = tpu.memref_slice %arg11[%dma_wait3A_81] : memref<3x!tpu.dma_semaphore, #tpu.memory_space<semaphore_mem>> -> memref<1x!tpu.dma_semaphore, #tpu.memory_space<semaphore_mem>>
    %dma_wait3A_91 = tpu.memref_squeeze %dma_wait3A_90 : memref<1x!tpu.dma_semaphore, #tpu.memory_space<semaphore_mem>> -> memref<!tpu.dma_semaphore, #tpu.memory_space<semaphore_mem>>
    %dma_wait3A_92 = arith.constant 0 : i32
    %dma_wait3A_93 = arith.constant 0 : i32
    %dma_wait3A_94 = tpu.memref_slice %arg8[%dma_wait3A, %dma_wait3A_92, %dma_wait3A_93] : memref<3x8x128xi32, #tpu.memory_space<vmem>> -> memref<1x8x128xi32, #tpu.memory_space<vmem>>
    %dma_wait3A_95 = tpu.memref_squeeze %dma_wait3A_94 : memref<1x8x128xi32, #tpu.memory_space<vmem>> -> memref<8x128xi32, #tpu.memory_space<vmem>>
    %dma_wait3A_96 = arith.constant 0 : i32
    %dma_wait3A_97 = arith.constant 0 : i32
    %dma_wait3A_98 = tpu.memref_slice %arg3[%add3A, %dma_wait3A_96, %dma_wait3A_97] : memref<32x80x128xi32, #tpu.memory_space<hbm>> -> memref<1x8x128xi32, #tpu.memory_space<hbm>>
    %dma_wait3A_99 = tpu.memref_squeeze %dma_wait3A_98 : memref<1x8x128xi32, #tpu.memory_space<hbm>> -> memref<8x128xi32, #tpu.memory_space<hbm>>
    tpu.wait_dma2 semaphore(%dma_wait3A_91 : memref<!tpu.dma_semaphore, #tpu.memory_space<semaphore_mem>>) src(%dma_wait3A_99 : memref<8x128xi32, #tpu.memory_space<hbm>>) dst(%dma_wait3A_95 : memref<8x128xi32, #tpu.memory_space<vmem>>)
    %dma_wait3A_100 = arith.constant 0 : i32
    %dma_wait3A_101 = arith.constant 0 : i32
    %dma_wait3A_102 = arith.constant 0 : i32
    %dma_wait3A_103 = arith.constant 0 : i32
    %dma_wait3A_104 = tpu.memref_slice %arg7[%dma_wait3A_100, %dma_wait3A_102, %dma_wait3A_103] : memref<3x8x128xi32, #tpu.memory_space<vmem>> -> memref<1x8x128xi32, #tpu.memory_space<vmem>>
    %dma_wait3A_105 = tpu.memref_squeeze %dma_wait3A_104 : memref<1x8x128xi32, #tpu.memory_space<vmem>> -> memref<8x128xi32, #tpu.memory_space<vmem>>
    %dma_wait3A_106 = arith.constant 0 : i32
    %dma_wait3A_107 = arith.constant 0 : i32
    %dma_wait3A_108 = tpu.memref_slice %arg4[%add3A, %dma_wait3A_106, %dma_wait3A_107] : memref<32x80x128xi32, #tpu.memory_space<hbm>> -> memref<1x8x128xi32, #tpu.memory_space<hbm>>
    %dma_wait3A_109 = tpu.memref_squeeze %dma_wait3A_108 : memref<1x8x128xi32, #tpu.memory_space<hbm>> -> memref<8x128xi32, #tpu.memory_space<hbm>>
    %dma_wait3A_110 = tpu.memref_slice %arg11[%dma_wait3A_101] : memref<3x!tpu.dma_semaphore, #tpu.memory_space<semaphore_mem>> -> memref<1x!tpu.dma_semaphore, #tpu.memory_space<semaphore_mem>>
    %dma_wait3A_111 = tpu.memref_squeeze %dma_wait3A_110 : memref<1x!tpu.dma_semaphore, #tpu.memory_space<semaphore_mem>> -> memref<!tpu.dma_semaphore, #tpu.memory_space<semaphore_mem>>
    %dma_wait3A_112 = arith.constant 0 : i32
    %dma_wait3A_113 = arith.constant 0 : i32
    %dma_wait3A_114 = tpu.memref_slice %arg7[%dma_wait3A_100, %dma_wait3A_112, %dma_wait3A_113] : memref<3x8x128xi32, #tpu.memory_space<vmem>> -> memref<1x8x128xi32, #tpu.memory_space<vmem>>
    %dma_wait3A_115 = tpu.memref_squeeze %dma_wait3A_114 : memref<1x8x128xi32, #tpu.memory_space<vmem>> -> memref<8x128xi32, #tpu.memory_space<vmem>>
    %dma_wait3A_116 = arith.constant 0 : i32
    %dma_wait3A_117 = arith.constant 0 : i32
    %dma_wait3A_118 = tpu.memref_slice %arg4[%add3A, %dma_wait3A_116, %dma_wait3A_117] : memref<32x80x128xi32, #tpu.memory_space<hbm>> -> memref<1x8x128xi32, #tpu.memory_space<hbm>>
    %dma_wait3A_119 = tpu.memref_squeeze %dma_wait3A_118 : memref<1x8x128xi32, #tpu.memory_space<hbm>> -> memref<8x128xi32, #tpu.memory_space<hbm>>
    tpu.wait_dma2 semaphore(%dma_wait3A_111 : memref<!tpu.dma_semaphore, #tpu.memory_space<semaphore_mem>>) src(%dma_wait3A_119 : memref<8x128xi32, #tpu.memory_space<hbm>>) dst(%dma_wait3A_115 : memref<8x128xi32, #tpu.memory_space<vmem>>)
    %dma_start3A_120 = arith.constant 1 : i32
    %dma_start3A_121 = arith.constant 1 : i32
    %dma_start3A_122 = arith.constant 0 : i32
    %dma_start3A_123 = arith.constant 0 : i32
    %dma_start3A_124 = tpu.memref_slice %arg8[%dma_start3A_120, %dma_start3A_122, %dma_start3A_123] : memref<3x8x128xi32, #tpu.memory_space<vmem>> -> memref<1x8x128xi32, #tpu.memory_space<vmem>>
    %dma_start3A_125 = tpu.memref_squeeze %dma_start3A_124 : memref<1x8x128xi32, #tpu.memory_space<vmem>> -> memref<8x128xi32, #tpu.memory_space<vmem>>
    %dma_start3A_126 = arith.constant 8 : i32
    %dma_start3A_127 = arith.constant 0 : i32
    %dma_start3A_128 = tpu.memref_slice %arg3[%add3A, %dma_start3A_126, %dma_start3A_127] : memref<32x80x128xi32, #tpu.memory_space<hbm>> -> memref<1x8x128xi32, #tpu.memory_space<hbm>>
    %dma_start3A_129 = tpu.memref_squeeze %dma_start3A_128 : memref<1x8x128xi32, #tpu.memory_space<hbm>> -> memref<8x128xi32, #tpu.memory_space<hbm>>
    %dma_start3A_130 = tpu.memref_slice %arg11[%dma_start3A_121] : memref<3x!tpu.dma_semaphore, #tpu.memory_space<semaphore_mem>> -> memref<1x!tpu.dma_semaphore, #tpu.memory_space<semaphore_mem>>
    %dma_start3A_131 = tpu.memref_squeeze %dma_start3A_130 : memref<1x!tpu.dma_semaphore, #tpu.memory_space<semaphore_mem>> -> memref<!tpu.dma_semaphore, #tpu.memory_space<semaphore_mem>>
    %dma_start3A_132 = arith.constant 0 : i32
    %dma_start3A_133 = arith.constant 0 : i32
    %dma_start3A_134 = tpu.memref_slice %arg8[%dma_start3A_120, %dma_start3A_132, %dma_start3A_133] : memref<3x8x128xi32, #tpu.memory_space<vmem>> -> memref<1x8x128xi32, #tpu.memory_space<vmem>>
    %dma_start3A_135 = tpu.memref_squeeze %dma_start3A_134 : memref<1x8x128xi32, #tpu.memory_space<vmem>> -> memref<8x128xi32, #tpu.memory_space<vmem>>
    %dma_start3A_136 = arith.constant 8 : i32
    %dma_start3A_137 = arith.constant 0 : i32
    %dma_start3A_138 = tpu.memref_slice %arg3[%add3A, %dma_start3A_136, %dma_start3A_137] : memref<32x80x128xi32, #tpu.memory_space<hbm>> -> memref<1x8x128xi32, #tpu.memory_space<hbm>>
    %dma_start3A_139 = tpu.memref_squeeze %dma_start3A_138 : memref<1x8x128xi32, #tpu.memory_space<hbm>> -> memref<8x128xi32, #tpu.memory_space<hbm>>
    tpu.enqueue_dma source(%dma_start3A_139 : memref<8x128xi32, #tpu.memory_space<hbm>>) target(%dma_start3A_135 : memref<8x128xi32, #tpu.memory_space<vmem>>) target_semaphore(%dma_start3A_131 : memref<!tpu.dma_semaphore, #tpu.memory_space<semaphore_mem>>)
    %dma_start3A_140 = arith.constant 1 : i32
    %dma_start3A_141 = arith.constant 1 : i32
    %dma_start3A_142 = arith.constant 0 : i32
    %dma_start3A_143 = arith.constant 0 : i32
    %dma_start3A_144 = tpu.memref_slice %arg7[%dma_start3A_140, %dma_start3A_142, %dma_start3A_143] : memref<3x8x128xi32, #tpu.memory_space<vmem>> -> memref<1x8x128xi32, #tpu.memory_space<vmem>>
    %dma_start3A_145 = tpu.memref_squeeze %dma_start3A_144 : memref<1x8x128xi32, #tpu.memory_space<vmem>> -> memref<8x128xi32, #tpu.memory_space<vmem>>
    %dma_start3A_146 = arith.constant 8 : i32
    %dma_start3A_147 = arith.constant 0 : i32
    %dma_start3A_148 = tpu.memref_slice %arg4[%add3A, %dma_start3A_146, %dma_start3A_147] : memref<32x80x128xi32, #tpu.memory_space<hbm>> -> memref<1x8x128xi32, #tpu.memory_space<hbm>>
    %dma_start3A_149 = tpu.memref_squeeze %dma_start3A_148 : memref<1x8x128xi32, #tpu.memory_space<hbm>> -> memref<8x128xi32, #tpu.memory_space<hbm>>
    %dma_start3A_150 = tpu.memref_slice %arg11[%dma_start3A_141] : memref<3x!tpu.dma_semaphore, #tpu.memory_space<semaphore_mem>> -> memref<1x!tpu.dma_semaphore, #tpu.memory_space<semaphore_mem>>
    %dma_start3A_151 = tpu.memref_squeeze %dma_start3A_150 : memref<1x!tpu.dma_semaphore, #tpu.memory_space<semaphore_mem>> -> memref<!tpu.dma_semaphore, #tpu.memory_space<semaphore_mem>>
    %dma_start3A_152 = arith.constant 0 : i32
    %dma_start3A_153 = arith.constant 0 : i32
    %dma_start3A_154 = tpu.memref_slice %arg7[%dma_start3A_140, %dma_start3A_152, %dma_start3A_153] : memref<3x8x128xi32, #tpu.memory_space<vmem>> -> memref<1x8x128xi32, #tpu.memory_space<vmem>>
    %dma_start3A_155 = tpu.memref_squeeze %dma_start3A_154 : memref<1x8x128xi32, #tpu.memory_space<vmem>> -> memref<8x128xi32, #tpu.memory_space<vmem>>
    %dma_start3A_156 = arith.constant 8 : i32
    %dma_start3A_157 = arith.constant 0 : i32
    %dma_start3A_158 = tpu.memref_slice %arg4[%add3A, %dma_start3A_156, %dma_start3A_157] : memref<32x80x128xi32, #tpu.memory_space<hbm>> -> memref<1x8x128xi32, #tpu.memory_space<hbm>>
    %dma_start3A_159 = tpu.memref_squeeze %dma_start3A_158 : memref<1x8x128xi32, #tpu.memory_space<hbm>> -> memref<8x128xi32, #tpu.memory_space<hbm>>
    tpu.enqueue_dma source(%dma_start3A_159 : memref<8x128xi32, #tpu.memory_space<hbm>>) target(%dma_start3A_155 : memref<8x128xi32, #tpu.memory_space<vmem>>) target_semaphore(%dma_start3A_151 : memref<!tpu.dma_semaphore, #tpu.memory_space<semaphore_mem>>)
    %barrier3A = arith.constant 0 : index
    tpu.barrier barrier_id(%barrier3A)
    %dma_start3A_160 = arith.constant 0 : i32
    %dma_start3A_161 = arith.constant 0 : i32
    %dma_start3A_162 = arith.constant 0 : i32
    %dma_start3A_163 = arith.constant 0 : i32
    %dma_start3A_164 = arith.constant 0 : i32
    %dma_start3A_165 = arith.constant 0 : i32
    %dma_start3A_166 = tpu.memref_slice %arg9[%dma_start3A_162, %dma_start3A_164, %dma_start3A_165] : memref<8x128x40xf32, #tpu.memory_space<vmem>> -> memref<1x128x40xf32, #tpu.memory_space<vmem>>
    %dma_start3A_167 = tpu.memref_squeeze %dma_start3A_166 : memref<1x128x40xf32, #tpu.memory_space<vmem>> -> memref<128x40xf32, #tpu.memory_space<vmem>>
    %dma_start3A_168 = arith.constant 0 : i32
    %dma_start3A_169 = tpu.memref_slice %arg8[%dma_start3A_160, %dma_start3A_161, %dma_start3A_168] : memref<3x8x128xi32, #tpu.memory_space<vmem>> -> memref<1x1x128xi32, #tpu.memory_space<vmem>>
    %dma_start3A_170 = tpu.memref_squeeze %dma_start3A_169 : memref<1x1x128xi32, #tpu.memory_space<vmem>> -> memref<128xi32, #tpu.memory_space<vmem>>
    %dma_start3A_171 = arith.constant 0 : i32
    %dma_start3A_172 = arith.constant 0 : i32
    %dma_start3A_173 = tpu.memref_slice %arg13[%dma_start3A_171, %dma_start3A_172] : memref<10112x40xf32, #tpu.memory_space<vmem_shared>> -> memref<10112x40xf32, #tpu.memory_space<vmem_shared>>
    %dma_start3A_174 = tpu.memref_slice %arg10[%dma_start3A_163] : memref<8x!tpu.dma_semaphore, #tpu.memory_space<semaphore_mem>> -> memref<1x!tpu.dma_semaphore, #tpu.memory_space<semaphore_mem>>
    %dma_start3A_175 = tpu.memref_squeeze %dma_start3A_174 : memref<1x!tpu.dma_semaphore, #tpu.memory_space<semaphore_mem>> -> memref<!tpu.dma_semaphore, #tpu.memory_space<semaphore_mem>>
    tpu.enqueue_indirect_dma source(%dma_start3A_173 : memref<10112x40xf32, #tpu.memory_space<vmem_shared>>) target(%dma_start3A_167 : memref<128x40xf32, #tpu.memory_space<vmem>>) offsets(%dma_start3A_170 : memref<128xi32, #tpu.memory_space<vmem>>) semaphore(%dma_start3A_175 : memref<!tpu.dma_semaphore, #tpu.memory_space<semaphore_mem>>)
    %dma_start3A_176 = arith.constant 0 : i32
    %dma_start3A_177 = arith.constant 1 : i32
    %dma_start3A_178 = arith.constant 1 : i32
    %dma_start3A_179 = arith.constant 1 : i32
    %dma_start3A_180 = arith.constant 0 : i32
    %dma_start3A_181 = arith.constant 0 : i32
    %dma_start3A_182 = tpu.memref_slice %arg9[%dma_start3A_178, %dma_start3A_180, %dma_start3A_181] : memref<8x128x40xf32, #tpu.memory_space<vmem>> -> memref<1x128x40xf32, #tpu.memory_space<vmem>>
    %dma_start3A_183 = tpu.memref_squeeze %dma_start3A_182 : memref<1x128x40xf32, #tpu.memory_space<vmem>> -> memref<128x40xf32, #tpu.memory_space<vmem>>
    %dma_start3A_184 = arith.constant 0 : i32
    %dma_start3A_185 = tpu.memref_slice %arg8[%dma_start3A_176, %dma_start3A_177, %dma_start3A_184] : memref<3x8x128xi32, #tpu.memory_space<vmem>> -> memref<1x1x128xi32, #tpu.memory_space<vmem>>
    %dma_start3A_186 = tpu.memref_squeeze %dma_start3A_185 : memref<1x1x128xi32, #tpu.memory_space<vmem>> -> memref<128xi32, #tpu.memory_space<vmem>>
    %dma_start3A_187 = arith.constant 0 : i32
    %dma_start3A_188 = arith.constant 0 : i32
    %dma_start3A_189 = tpu.memref_slice %arg13[%dma_start3A_187, %dma_start3A_188] : memref<10112x40xf32, #tpu.memory_space<vmem_shared>> -> memref<10112x40xf32, #tpu.memory_space<vmem_shared>>
    %dma_start3A_190 = tpu.memref_slice %arg10[%dma_start3A_179] : memref<8x!tpu.dma_semaphore, #tpu.memory_space<semaphore_mem>> -> memref<1x!tpu.dma_semaphore, #tpu.memory_space<semaphore_mem>>
    %dma_start3A_191 = tpu.memref_squeeze %dma_start3A_190 : memref<1x!tpu.dma_semaphore, #tpu.memory_space<semaphore_mem>> -> memref<!tpu.dma_semaphore, #tpu.memory_space<semaphore_mem>>
    tpu.enqueue_indirect_dma source(%dma_start3A_189 : memref<10112x40xf32, #tpu.memory_space<vmem_shared>>) target(%dma_start3A_183 : memref<128x40xf32, #tpu.memory_space<vmem>>) offsets(%dma_start3A_186 : memref<128xi32, #tpu.memory_space<vmem>>) semaphore(%dma_start3A_191 : memref<!tpu.dma_semaphore, #tpu.memory_space<semaphore_mem>>)
    %dma_start3A_192 = arith.constant 0 : i32
    %dma_start3A_193 = arith.constant 2 : i32
    %dma_start3A_194 = arith.constant 2 : i32
    %dma_start3A_195 = arith.constant 2 : i32
    %dma_start3A_196 = arith.constant 0 : i32
    %dma_start3A_197 = arith.constant 0 : i32
    %dma_start3A_198 = tpu.memref_slice %arg9[%dma_start3A_194, %dma_start3A_196, %dma_start3A_197] : memref<8x128x40xf32, #tpu.memory_space<vmem>> -> memref<1x128x40xf32, #tpu.memory_space<vmem>>
    %dma_start3A_199 = tpu.memref_squeeze %dma_start3A_198 : memref<1x128x40xf32, #tpu.memory_space<vmem>> -> memref<128x40xf32, #tpu.memory_space<vmem>>
    %dma_start3A_200 = arith.constant 0 : i32
    %dma_start3A_201 = tpu.memref_slice %arg8[%dma_start3A_192, %dma_start3A_193, %dma_start3A_200] : memref<3x8x128xi32, #tpu.memory_space<vmem>> -> memref<1x1x128xi32, #tpu.memory_space<vmem>>
    %dma_start3A_202 = tpu.memref_squeeze %dma_start3A_201 : memref<1x1x128xi32, #tpu.memory_space<vmem>> -> memref<128xi32, #tpu.memory_space<vmem>>
    %dma_start3A_203 = arith.constant 0 : i32
    %dma_start3A_204 = arith.constant 0 : i32
    %dma_start3A_205 = tpu.memref_slice %arg13[%dma_start3A_203, %dma_start3A_204] : memref<10112x40xf32, #tpu.memory_space<vmem_shared>> -> memref<10112x40xf32, #tpu.memory_space<vmem_shared>>
    %dma_start3A_206 = tpu.memref_slice %arg10[%dma_start3A_195] : memref<8x!tpu.dma_semaphore, #tpu.memory_space<semaphore_mem>> -> memref<1x!tpu.dma_semaphore, #tpu.memory_space<semaphore_mem>>
    %dma_start3A_207 = tpu.memref_squeeze %dma_start3A_206 : memref<1x!tpu.dma_semaphore, #tpu.memory_space<semaphore_mem>> -> memref<!tpu.dma_semaphore, #tpu.memory_space<semaphore_mem>>
    tpu.enqueue_indirect_dma source(%dma_start3A_205 : memref<10112x40xf32, #tpu.memory_space<vmem_shared>>) target(%dma_start3A_199 : memref<128x40xf32, #tpu.memory_space<vmem>>) offsets(%dma_start3A_202 : memref<128xi32, #tpu.memory_space<vmem>>) semaphore(%dma_start3A_207 : memref<!tpu.dma_semaphore, #tpu.memory_space<semaphore_mem>>)
    %dma_start3A_208 = arith.constant 0 : i32
    %dma_start3A_209 = arith.constant 3 : i32
    %dma_start3A_210 = arith.constant 3 : i32
    %dma_start3A_211 = arith.constant 3 : i32
    %dma_start3A_212 = arith.constant 0 : i32
    %dma_start3A_213 = arith.constant 0 : i32
    %dma_start3A_214 = tpu.memref_slice %arg9[%dma_start3A_210, %dma_start3A_212, %dma_start3A_213] : memref<8x128x40xf32, #tpu.memory_space<vmem>> -> memref<1x128x40xf32, #tpu.memory_space<vmem>>
    %dma_start3A_215 = tpu.memref_squeeze %dma_start3A_214 : memref<1x128x40xf32, #tpu.memory_space<vmem>> -> memref<128x40xf32, #tpu.memory_space<vmem>>
    %dma_start3A_216 = arith.constant 0 : i32
    %dma_start3A_217 = tpu.memref_slice %arg8[%dma_start3A_208, %dma_start3A_209, %dma_start3A_216] : memref<3x8x128xi32, #tpu.memory_space<vmem>> -> memref<1x1x128xi32, #tpu.memory_space<vmem>>
    %dma_start3A_218 = tpu.memref_squeeze %dma_start3A_217 : memref<1x1x128xi32, #tpu.memory_space<vmem>> -> memref<128xi32, #tpu.memory_space<vmem>>
    %dma_start3A_219 = arith.constant 0 : i32
    %dma_start3A_220 = arith.constant 0 : i32
    %dma_start3A_221 = tpu.memref_slice %arg13[%dma_start3A_219, %dma_start3A_220] : memref<10112x40xf32, #tpu.memory_space<vmem_shared>> -> memref<10112x40xf32, #tpu.memory_space<vmem_shared>>
    %dma_start3A_222 = tpu.memref_slice %arg10[%dma_start3A_211] : memref<8x!tpu.dma_semaphore, #tpu.memory_space<semaphore_mem>> -> memref<1x!tpu.dma_semaphore, #tpu.memory_space<semaphore_mem>>
    %dma_start3A_223 = tpu.memref_squeeze %dma_start3A_222 : memref<1x!tpu.dma_semaphore, #tpu.memory_space<semaphore_mem>> -> memref<!tpu.dma_semaphore, #tpu.memory_space<semaphore_mem>>
    tpu.enqueue_indirect_dma source(%dma_start3A_221 : memref<10112x40xf32, #tpu.memory_space<vmem_shared>>) target(%dma_start3A_215 : memref<128x40xf32, #tpu.memory_space<vmem>>) offsets(%dma_start3A_218 : memref<128xi32, #tpu.memory_space<vmem>>) semaphore(%dma_start3A_223 : memref<!tpu.dma_semaphore, #tpu.memory_space<semaphore_mem>>)
    %scan3A_224 = arith.constant 0 : i32
    %scan3A_225 = arith.constant 0 : i32
    %scan3A_226 = arith.constant 10 : i32
    %scan3A_227 = arith.addi %scan3A_225, %scan3A_226 : i32
    %scan3A_228 = arith.constant 1 : i32
    %scan3A_229 = scf.for %scan3A_364 = %scan3A_225 to %scan3A_227 step %scan3A_228 iter_args(%scan3A_365 = %scan3A_224) -> (i32)  : i32 {
      %rem3A = arith.constant 3 : i32
      %rem3A_366 = arith.remsi %scan3A_364, %rem3A : i32
      %add3A_367 = arith.constant 1 : i32
      %add3A_368 = arith.addi %scan3A_364, %add3A_367 : i32
      %rem3A_369 = arith.constant 3 : i32
      %rem3A_370 = arith.remsi %add3A_368, %rem3A_369 : i32
      %add3A_371 = arith.constant 1 : i32
      %add3A_372 = arith.addi %scan3A_364, %add3A_371 : i32
      %lt3A = arith.constant 10 : i32
      %lt3A_373 = arith.cmpi slt, %add3A_372, %lt3A : i32
      %convert_element_type3A = arith.extui %lt3A_373 : i1 to i32
      %cond3A = arith.constant 0 : i32
      %cond3A_374 = arith.cmpi ne, %convert_element_type3A, %cond3A : i32
      scf.if %cond3A_374 {
        %dma_wait3A_719 = arith.constant 0 : i32
        %dma_wait3A_720 = arith.constant 0 : i32
        %dma_wait3A_721 = tpu.memref_slice %arg8[%rem3A_370, %dma_wait3A_719, %dma_wait3A_720] : memref<3x8x128xi32, #tpu.memory_space<vmem>> -> memref<1x8x128xi32, #tpu.memory_space<vmem>>
        %dma_wait3A_722 = tpu.memref_squeeze %dma_wait3A_721 : memref<1x8x128xi32, #tpu.memory_space<vmem>> -> memref<8x128xi32, #tpu.memory_space<vmem>>
        %dma_wait3A_723 = arith.constant 0 : i32
        %dma_wait3A_724 = arith.constant 0 : i32
        %dma_wait3A_725 = tpu.memref_slice %arg3[%add3A, %dma_wait3A_723, %dma_wait3A_724] : memref<32x80x128xi32, #tpu.memory_space<hbm>> -> memref<1x8x128xi32, #tpu.memory_space<hbm>>
        %dma_wait3A_726 = tpu.memref_squeeze %dma_wait3A_725 : memref<1x8x128xi32, #tpu.memory_space<hbm>> -> memref<8x128xi32, #tpu.memory_space<hbm>>
        %dma_wait3A_727 = tpu.memref_slice %arg11[%rem3A_370] : memref<3x!tpu.dma_semaphore, #tpu.memory_space<semaphore_mem>> -> memref<1x!tpu.dma_semaphore, #tpu.memory_space<semaphore_mem>>
        %dma_wait3A_728 = tpu.memref_squeeze %dma_wait3A_727 : memref<1x!tpu.dma_semaphore, #tpu.memory_space<semaphore_mem>> -> memref<!tpu.dma_semaphore, #tpu.memory_space<semaphore_mem>>
        %dma_wait3A_729 = arith.constant 0 : i32
        %dma_wait3A_730 = arith.constant 0 : i32
        %dma_wait3A_731 = tpu.memref_slice %arg8[%rem3A_370, %dma_wait3A_729, %dma_wait3A_730] : memref<3x8x128xi32, #tpu.memory_space<vmem>> -> memref<1x8x128xi32, #tpu.memory_space<vmem>>
        %dma_wait3A_732 = tpu.memref_squeeze %dma_wait3A_731 : memref<1x8x128xi32, #tpu.memory_space<vmem>> -> memref<8x128xi32, #tpu.memory_space<vmem>>
        %dma_wait3A_733 = arith.constant 0 : i32
        %dma_wait3A_734 = arith.constant 0 : i32
        %dma_wait3A_735 = tpu.memref_slice %arg3[%add3A, %dma_wait3A_733, %dma_wait3A_734] : memref<32x80x128xi32, #tpu.memory_space<hbm>> -> memref<1x8x128xi32, #tpu.memory_space<hbm>>
        %dma_wait3A_736 = tpu.memref_squeeze %dma_wait3A_735 : memref<1x8x128xi32, #tpu.memory_space<hbm>> -> memref<8x128xi32, #tpu.memory_space<hbm>>
        tpu.wait_dma2 semaphore(%dma_wait3A_728 : memref<!tpu.dma_semaphore, #tpu.memory_space<semaphore_mem>>) src(%dma_wait3A_736 : memref<8x128xi32, #tpu.memory_space<hbm>>) dst(%dma_wait3A_732 : memref<8x128xi32, #tpu.memory_space<vmem>>)
        %dma_wait3A_737 = arith.constant 0 : i32
        %dma_wait3A_738 = arith.constant 0 : i32
        %dma_wait3A_739 = tpu.memref_slice %arg7[%rem3A_370, %dma_wait3A_737, %dma_wait3A_738] : memref<3x8x128xi32, #tpu.memory_space<vmem>> -> memref<1x8x128xi32, #tpu.memory_space<vmem>>
        %dma_wait3A_740 = tpu.memref_squeeze %dma_wait3A_739 : memref<1x8x128xi32, #tpu.memory_space<vmem>> -> memref<8x128xi32, #tpu.memory_space<vmem>>
        %dma_wait3A_741 = arith.constant 0 : i32
        %dma_wait3A_742 = arith.constant 0 : i32
        %dma_wait3A_743 = tpu.memref_slice %arg4[%add3A, %dma_wait3A_741, %dma_wait3A_742] : memref<32x80x128xi32, #tpu.memory_space<hbm>> -> memref<1x8x128xi32, #tpu.memory_space<hbm>>
        %dma_wait3A_744 = tpu.memref_squeeze %dma_wait3A_743 : memref<1x8x128xi32, #tpu.memory_space<hbm>> -> memref<8x128xi32, #tpu.memory_space<hbm>>
        %dma_wait3A_745 = tpu.memref_slice %arg11[%rem3A_370] : memref<3x!tpu.dma_semaphore, #tpu.memory_space<semaphore_mem>> -> memref<1x!tpu.dma_semaphore, #tpu.memory_space<semaphore_mem>>
        %dma_wait3A_746 = tpu.memref_squeeze %dma_wait3A_745 : memref<1x!tpu.dma_semaphore, #tpu.memory_space<semaphore_mem>> -> memref<!tpu.dma_semaphore, #tpu.memory_space<semaphore_mem>>
        %dma_wait3A_747 = arith.constant 0 : i32
        %dma_wait3A_748 = arith.constant 0 : i32
        %dma_wait3A_749 = tpu.memref_slice %arg7[%rem3A_370, %dma_wait3A_747, %dma_wait3A_748] : memref<3x8x128xi32, #tpu.memory_space<vmem>> -> memref<1x8x128xi32, #tpu.memory_space<vmem>>
        %dma_wait3A_750 = tpu.memref_squeeze %dma_wait3A_749 : memref<1x8x128xi32, #tpu.memory_space<vmem>> -> memref<8x128xi32, #tpu.memory_space<vmem>>
        %dma_wait3A_751 = arith.constant 0 : i32
        %dma_wait3A_752 = arith.constant 0 : i32
        %dma_wait3A_753 = tpu.memref_slice %arg4[%add3A, %dma_wait3A_751, %dma_wait3A_752] : memref<32x80x128xi32, #tpu.memory_space<hbm>> -> memref<1x8x128xi32, #tpu.memory_space<hbm>>
        %dma_wait3A_754 = tpu.memref_squeeze %dma_wait3A_753 : memref<1x8x128xi32, #tpu.memory_space<hbm>> -> memref<8x128xi32, #tpu.memory_space<hbm>>
        tpu.wait_dma2 semaphore(%dma_wait3A_746 : memref<!tpu.dma_semaphore, #tpu.memory_space<semaphore_mem>>) src(%dma_wait3A_754 : memref<8x128xi32, #tpu.memory_space<hbm>>) dst(%dma_wait3A_750 : memref<8x128xi32, #tpu.memory_space<vmem>>)
      } else {
      }
      %mul3A_375 = arith.constant 8 : i32
      %mul3A_376 = arith.muli %scan3A_364, %mul3A_375 : i32
      %add3A_377 = arith.constant 0 : i32
      %add3A_378 = arith.addi %mul3A_376, %add3A_377 : i32
      %add3A_379 = arith.constant 4 : i32
      %add3A_380 = arith.addi %add3A_378, %add3A_379 : i32
      %lt3A_381 = arith.constant 80 : i32
      %lt3A_382 = arith.cmpi slt, %add3A_380, %lt3A_381 : i32
      %convert_element_type3A_383 = arith.extui %lt3A_382 : i1 to i32
      %cond3A_384 = arith.constant 0 : i32
      %cond3A_385 = arith.cmpi ne, %convert_element_type3A_383, %cond3A_384 : i32
      scf.if %cond3A_385 {
        %ge3A = arith.constant 4 : i32
        %ge3A_719 = arith.cmpi sge, %add3A_378, %ge3A : i32
        %convert_element_type3A_720 = arith.extui %ge3A_719 : i1 to i32
        %cond3A_721 = arith.constant 0 : i32
        %cond3A_722 = arith.cmpi ne, %convert_element_type3A_720, %cond3A_721 : i32
        scf.if %cond3A_722 {
          %dma_wait3A_738 = arith.constant 4 : i32
          %dma_wait3A_739 = arith.constant 0 : i32
          %dma_wait3A_740 = arith.constant 0 : i32
          %dma_wait3A_741 = arith.constant 4 : i32
          %dma_wait3A_742 = arith.constant 0 : i32
          %dma_wait3A_743 = arith.constant 0 : i32
          %dma_wait3A_744 = tpu.memref_slice %arg9[%dma_wait3A_738, %dma_wait3A_742, %dma_wait3A_743] : memref<8x128x40xf32, #tpu.memory_space<vmem>> -> memref<1x128x40xf32, #tpu.memory_space<vmem>>
          %dma_wait3A_745 = tpu.memref_squeeze %dma_wait3A_744 : memref<1x128x40xf32, #tpu.memory_space<vmem>> -> memref<128x40xf32, #tpu.memory_space<vmem>>
          %dma_wait3A_746 = arith.constant 0 : i32
          %dma_wait3A_747 = tpu.memref_slice %arg7[%dma_wait3A_739, %dma_wait3A_740, %dma_wait3A_746] : memref<3x8x128xi32, #tpu.memory_space<vmem>> -> memref<1x1x128xi32, #tpu.memory_space<vmem>>
          %dma_wait3A_748 = tpu.memref_squeeze %dma_wait3A_747 : memref<1x1x128xi32, #tpu.memory_space<vmem>> -> memref<128xi32, #tpu.memory_space<vmem>>
          %dma_wait3A_749 = arith.constant 0 : i32
          %dma_wait3A_750 = arith.constant 0 : i32
          %dma_wait3A_751 = tpu.memref_slice %arg6[%dma_wait3A_749, %dma_wait3A_750] : memref<10112x40xf32, #tpu.memory_space<vmem_shared>> -> memref<10112x40xf32, #tpu.memory_space<vmem_shared>>
          %dma_wait3A_752 = tpu.memref_slice %arg12[%dma_wait3A_741] : memref<8x!tpu.dma_semaphore, #tpu.memory_space<semaphore_mem>> -> memref<1x!tpu.dma_semaphore, #tpu.memory_space<semaphore_mem>>
          %dma_wait3A_753 = tpu.memref_squeeze %dma_wait3A_752 : memref<1x!tpu.dma_semaphore, #tpu.memory_space<semaphore_mem>> -> memref<!tpu.dma_semaphore, #tpu.memory_space<semaphore_mem>>
          tpu.wait_indirect_dma semaphore(%dma_wait3A_753 : memref<!tpu.dma_semaphore, #tpu.memory_space<semaphore_mem>>) src(%dma_wait3A_745 : memref<128x40xf32, #tpu.memory_space<vmem>>) dst(%dma_wait3A_751 : memref<10112x40xf32, #tpu.memory_space<vmem_shared>>)
        } else {
        }
        %dma_start3A_723 = arith.constant 4 : i32
        %dma_start3A_724 = arith.constant 4 : i32
        %dma_start3A_725 = arith.constant 4 : i32
        %dma_start3A_726 = arith.constant 0 : i32
        %dma_start3A_727 = arith.constant 0 : i32
        %dma_start3A_728 = tpu.memref_slice %arg9[%dma_start3A_724, %dma_start3A_726, %dma_start3A_727] : memref<8x128x40xf32, #tpu.memory_space<vmem>> -> memref<1x128x40xf32, #tpu.memory_space<vmem>>
        %dma_start3A_729 = tpu.memref_squeeze %dma_start3A_728 : memref<1x128x40xf32, #tpu.memory_space<vmem>> -> memref<128x40xf32, #tpu.memory_space<vmem>>
        %dma_start3A_730 = arith.constant 0 : i32
        %dma_start3A_731 = tpu.memref_slice %arg8[%rem3A_366, %dma_start3A_723, %dma_start3A_730] : memref<3x8x128xi32, #tpu.memory_space<vmem>> -> memref<1x1x128xi32, #tpu.memory_space<vmem>>
        %dma_start3A_732 = tpu.memref_squeeze %dma_start3A_731 : memref<1x1x128xi32, #tpu.memory_space<vmem>> -> memref<128xi32, #tpu.memory_space<vmem>>
        %dma_start3A_733 = arith.constant 0 : i32
        %dma_start3A_734 = arith.constant 0 : i32
        %dma_start3A_735 = tpu.memref_slice %arg13[%dma_start3A_733, %dma_start3A_734] : memref<10112x40xf32, #tpu.memory_space<vmem_shared>> -> memref<10112x40xf32, #tpu.memory_space<vmem_shared>>
        %dma_start3A_736 = tpu.memref_slice %arg10[%dma_start3A_725] : memref<8x!tpu.dma_semaphore, #tpu.memory_space<semaphore_mem>> -> memref<1x!tpu.dma_semaphore, #tpu.memory_space<semaphore_mem>>
        %dma_start3A_737 = tpu.memref_squeeze %dma_start3A_736 : memref<1x!tpu.dma_semaphore, #tpu.memory_space<semaphore_mem>> -> memref<!tpu.dma_semaphore, #tpu.memory_space<semaphore_mem>>
        tpu.enqueue_indirect_dma source(%dma_start3A_735 : memref<10112x40xf32, #tpu.memory_space<vmem_shared>>) target(%dma_start3A_729 : memref<128x40xf32, #tpu.memory_space<vmem>>) offsets(%dma_start3A_732 : memref<128xi32, #tpu.memory_space<vmem>>) semaphore(%dma_start3A_737 : memref<!tpu.dma_semaphore, #tpu.memory_space<semaphore_mem>>)
      } else {
      }
      %dma_wait3A_386 = arith.constant 0 : i32
      %dma_wait3A_387 = arith.constant 0 : i32
      %dma_wait3A_388 = arith.constant 0 : i32
      %dma_wait3A_389 = arith.constant 0 : i32
      %dma_wait3A_390 = arith.constant 0 : i32
      %dma_wait3A_391 = arith.constant 0 : i32
      %dma_wait3A_392 = tpu.memref_slice %arg9[%dma_wait3A_388, %dma_wait3A_390, %dma_wait3A_391] : memref<8x128x40xf32, #tpu.memory_space<vmem>> -> memref<1x128x40xf32, #tpu.memory_space<vmem>>
      %dma_wait3A_393 = tpu.memref_squeeze %dma_wait3A_392 : memref<1x128x40xf32, #tpu.memory_space<vmem>> -> memref<128x40xf32, #tpu.memory_space<vmem>>
      %dma_wait3A_394 = arith.constant 0 : i32
      %dma_wait3A_395 = tpu.memref_slice %arg8[%dma_wait3A_386, %dma_wait3A_387, %dma_wait3A_394] : memref<3x8x128xi32, #tpu.memory_space<vmem>> -> memref<1x1x128xi32, #tpu.memory_space<vmem>>
      %dma_wait3A_396 = tpu.memref_squeeze %dma_wait3A_395 : memref<1x1x128xi32, #tpu.memory_space<vmem>> -> memref<128xi32, #tpu.memory_space<vmem>>
      %dma_wait3A_397 = arith.constant 0 : i32
      %dma_wait3A_398 = arith.constant 0 : i32
      %dma_wait3A_399 = tpu.memref_slice %arg13[%dma_wait3A_397, %dma_wait3A_398] : memref<10112x40xf32, #tpu.memory_space<vmem_shared>> -> memref<10112x40xf32, #tpu.memory_space<vmem_shared>>
      %dma_wait3A_400 = tpu.memref_slice %arg10[%dma_wait3A_389] : memref<8x!tpu.dma_semaphore, #tpu.memory_space<semaphore_mem>> -> memref<1x!tpu.dma_semaphore, #tpu.memory_space<semaphore_mem>>
      %dma_wait3A_401 = tpu.memref_squeeze %dma_wait3A_400 : memref<1x!tpu.dma_semaphore, #tpu.memory_space<semaphore_mem>> -> memref<!tpu.dma_semaphore, #tpu.memory_space<semaphore_mem>>
      tpu.wait_indirect_dma semaphore(%dma_wait3A_401 : memref<!tpu.dma_semaphore, #tpu.memory_space<semaphore_mem>>) src(%dma_wait3A_399 : memref<10112x40xf32, #tpu.memory_space<vmem_shared>>) dst(%dma_wait3A_393 : memref<128x40xf32, #tpu.memory_space<vmem>>)
      %dma_start3A_402 = arith.constant 0 : i32
      %dma_start3A_403 = arith.constant 0 : i32
      %dma_start3A_404 = arith.constant 0 : i32
      %dma_start3A_405 = arith.constant 0 : i32
      %dma_start3A_406 = arith.constant 0 : i32
      %dma_start3A_407 = tpu.memref_slice %arg9[%dma_start3A_402, %dma_start3A_405, %dma_start3A_406] : memref<8x128x40xf32, #tpu.memory_space<vmem>> -> memref<1x128x40xf32, #tpu.memory_space<vmem>>
      %dma_start3A_408 = tpu.memref_squeeze %dma_start3A_407 : memref<1x128x40xf32, #tpu.memory_space<vmem>> -> memref<128x40xf32, #tpu.memory_space<vmem>>
      %dma_start3A_409 = arith.constant 0 : i32
      %dma_start3A_410 = tpu.memref_slice %arg7[%rem3A_366, %dma_start3A_403, %dma_start3A_409] : memref<3x8x128xi32, #tpu.memory_space<vmem>> -> memref<1x1x128xi32, #tpu.memory_space<vmem>>
      %dma_start3A_411 = tpu.memref_squeeze %dma_start3A_410 : memref<1x1x128xi32, #tpu.memory_space<vmem>> -> memref<128xi32, #tpu.memory_space<vmem>>
      %dma_start3A_412 = arith.constant 0 : i32
      %dma_start3A_413 = arith.constant 0 : i32
      %dma_start3A_414 = tpu.memref_slice %arg6[%dma_start3A_412, %dma_start3A_413] : memref<10112x40xf32, #tpu.memory_space<vmem_shared>> -> memref<10112x40xf32, #tpu.memory_space<vmem_shared>>
      %dma_start3A_415 = tpu.memref_slice %arg12[%dma_start3A_404] : memref<8x!tpu.dma_semaphore, #tpu.memory_space<semaphore_mem>> -> memref<1x!tpu.dma_semaphore, #tpu.memory_space<semaphore_mem>>
      %dma_start3A_416 = tpu.memref_squeeze %dma_start3A_415 : memref<1x!tpu.dma_semaphore, #tpu.memory_space<semaphore_mem>> -> memref<!tpu.dma_semaphore, #tpu.memory_space<semaphore_mem>>
      tpu.enqueue_indirect_dma source(%dma_start3A_408 : memref<128x40xf32, #tpu.memory_space<vmem>>) target(%dma_start3A_414 : memref<10112x40xf32, #tpu.memory_space<vmem_shared>>) offsets(%dma_start3A_411 : memref<128xi32, #tpu.memory_space<vmem>>) semaphore(%dma_start3A_416 : memref<!tpu.dma_semaphore, #tpu.memory_space<semaphore_mem>>) {add = true}
      %mul3A_417 = arith.constant 8 : i32
      %mul3A_418 = arith.muli %scan3A_364, %mul3A_417 : i32
      %add3A_419 = arith.constant 1 : i32
      %add3A_420 = arith.addi %mul3A_418, %add3A_419 : i32
      %add3A_421 = arith.constant 4 : i32
      %add3A_422 = arith.addi %add3A_420, %add3A_421 : i32
      %lt3A_423 = arith.constant 80 : i32
      %lt3A_424 = arith.cmpi slt, %add3A_422, %lt3A_423 : i32
      %convert_element_type3A_425 = arith.extui %lt3A_424 : i1 to i32
      %cond3A_426 = arith.constant 0 : i32
      %cond3A_427 = arith.cmpi ne, %convert_element_type3A_425, %cond3A_426 : i32
      scf.if %cond3A_427 {
        %ge3A = arith.constant 4 : i32
        %ge3A_719 = arith.cmpi sge, %add3A_420, %ge3A : i32
        %convert_element_type3A_720 = arith.extui %ge3A_719 : i1 to i32
        %cond3A_721 = arith.constant 0 : i32
        %cond3A_722 = arith.cmpi ne, %convert_element_type3A_720, %cond3A_721 : i32
        scf.if %cond3A_722 {
          %dma_wait3A_738 = arith.constant 5 : i32
          %dma_wait3A_739 = arith.constant 0 : i32
          %dma_wait3A_740 = arith.constant 0 : i32
          %dma_wait3A_741 = arith.constant 5 : i32
          %dma_wait3A_742 = arith.constant 0 : i32
          %dma_wait3A_743 = arith.constant 0 : i32
          %dma_wait3A_744 = tpu.memref_slice %arg9[%dma_wait3A_738, %dma_wait3A_742, %dma_wait3A_743] : memref<8x128x40xf32, #tpu.memory_space<vmem>> -> memref<1x128x40xf32, #tpu.memory_space<vmem>>
          %dma_wait3A_745 = tpu.memref_squeeze %dma_wait3A_744 : memref<1x128x40xf32, #tpu.memory_space<vmem>> -> memref<128x40xf32, #tpu.memory_space<vmem>>
          %dma_wait3A_746 = arith.constant 0 : i32
          %dma_wait3A_747 = tpu.memref_slice %arg7[%dma_wait3A_739, %dma_wait3A_740, %dma_wait3A_746] : memref<3x8x128xi32, #tpu.memory_space<vmem>> -> memref<1x1x128xi32, #tpu.memory_space<vmem>>
          %dma_wait3A_748 = tpu.memref_squeeze %dma_wait3A_747 : memref<1x1x128xi32, #tpu.memory_space<vmem>> -> memref<128xi32, #tpu.memory_space<vmem>>
          %dma_wait3A_749 = arith.constant 0 : i32
          %dma_wait3A_750 = arith.constant 0 : i32
          %dma_wait3A_751 = tpu.memref_slice %arg6[%dma_wait3A_749, %dma_wait3A_750] : memref<10112x40xf32, #tpu.memory_space<vmem_shared>> -> memref<10112x40xf32, #tpu.memory_space<vmem_shared>>
          %dma_wait3A_752 = tpu.memref_slice %arg12[%dma_wait3A_741] : memref<8x!tpu.dma_semaphore, #tpu.memory_space<semaphore_mem>> -> memref<1x!tpu.dma_semaphore, #tpu.memory_space<semaphore_mem>>
          %dma_wait3A_753 = tpu.memref_squeeze %dma_wait3A_752 : memref<1x!tpu.dma_semaphore, #tpu.memory_space<semaphore_mem>> -> memref<!tpu.dma_semaphore, #tpu.memory_space<semaphore_mem>>
          tpu.wait_indirect_dma semaphore(%dma_wait3A_753 : memref<!tpu.dma_semaphore, #tpu.memory_space<semaphore_mem>>) src(%dma_wait3A_745 : memref<128x40xf32, #tpu.memory_space<vmem>>) dst(%dma_wait3A_751 : memref<10112x40xf32, #tpu.memory_space<vmem_shared>>)
        } else {
        }
        %dma_start3A_723 = arith.constant 5 : i32
        %dma_start3A_724 = arith.constant 5 : i32
        %dma_start3A_725 = arith.constant 5 : i32
        %dma_start3A_726 = arith.constant 0 : i32
        %dma_start3A_727 = arith.constant 0 : i32
        %dma_start3A_728 = tpu.memref_slice %arg9[%dma_start3A_724, %dma_start3A_726, %dma_start3A_727] : memref<8x128x40xf32, #tpu.memory_space<vmem>> -> memref<1x128x40xf32, #tpu.memory_space<vmem>>
        %dma_start3A_729 = tpu.memref_squeeze %dma_start3A_728 : memref<1x128x40xf32, #tpu.memory_space<vmem>> -> memref<128x40xf32, #tpu.memory_space<vmem>>
        %dma_start3A_730 = arith.constant 0 : i32
        %dma_start3A_731 = tpu.memref_slice %arg8[%rem3A_366, %dma_start3A_723, %dma_start3A_730] : memref<3x8x128xi32, #tpu.memory_space<vmem>> -> memref<1x1x128xi32, #tpu.memory_space<vmem>>
        %dma_start3A_732 = tpu.memref_squeeze %dma_start3A_731 : memref<1x1x128xi32, #tpu.memory_space<vmem>> -> memref<128xi32, #tpu.memory_space<vmem>>
        %dma_start3A_733 = arith.constant 0 : i32
        %dma_start3A_734 = arith.constant 0 : i32
        %dma_start3A_735 = tpu.memref_slice %arg13[%dma_start3A_733, %dma_start3A_734] : memref<10112x40xf32, #tpu.memory_space<vmem_shared>> -> memref<10112x40xf32, #tpu.memory_space<vmem_shared>>
        %dma_start3A_736 = tpu.memref_slice %arg10[%dma_start3A_725] : memref<8x!tpu.dma_semaphore, #tpu.memory_space<semaphore_mem>> -> memref<1x!tpu.dma_semaphore, #tpu.memory_space<semaphore_mem>>
        %dma_start3A_737 = tpu.memref_squeeze %dma_start3A_736 : memref<1x!tpu.dma_semaphore, #tpu.memory_space<semaphore_mem>> -> memref<!tpu.dma_semaphore, #tpu.memory_space<semaphore_mem>>
        tpu.enqueue_indirect_dma source(%dma_start3A_735 : memref<10112x40xf32, #tpu.memory_space<vmem_shared>>) target(%dma_start3A_729 : memref<128x40xf32, #tpu.memory_space<vmem>>) offsets(%dma_start3A_732 : memref<128xi32, #tpu.memory_space<vmem>>) semaphore(%dma_start3A_737 : memref<!tpu.dma_semaphore, #tpu.memory_space<semaphore_mem>>)
      } else {
      }
      %dma_wait3A_428 = arith.constant 0 : i32
      %dma_wait3A_429 = arith.constant 0 : i32
      %dma_wait3A_430 = arith.constant 1 : i32
      %dma_wait3A_431 = arith.constant 1 : i32
      %dma_wait3A_432 = arith.constant 0 : i32
      %dma_wait3A_433 = arith.constant 0 : i32
      %dma_wait3A_434 = tpu.memref_slice %arg9[%dma_wait3A_430, %dma_wait3A_432, %dma_wait3A_433] : memref<8x128x40xf32, #tpu.memory_space<vmem>> -> memref<1x128x40xf32, #tpu.memory_space<vmem>>
      %dma_wait3A_435 = tpu.memref_squeeze %dma_wait3A_434 : memref<1x128x40xf32, #tpu.memory_space<vmem>> -> memref<128x40xf32, #tpu.memory_space<vmem>>
      %dma_wait3A_436 = arith.constant 0 : i32
      %dma_wait3A_437 = tpu.memref_slice %arg8[%dma_wait3A_428, %dma_wait3A_429, %dma_wait3A_436] : memref<3x8x128xi32, #tpu.memory_space<vmem>> -> memref<1x1x128xi32, #tpu.memory_space<vmem>>
      %dma_wait3A_438 = tpu.memref_squeeze %dma_wait3A_437 : memref<1x1x128xi32, #tpu.memory_space<vmem>> -> memref<128xi32, #tpu.memory_space<vmem>>
      %dma_wait3A_439 = arith.constant 0 : i32
      %dma_wait3A_440 = arith.constant 0 : i32
      %dma_wait3A_441 = tpu.memref_slice %arg13[%dma_wait3A_439, %dma_wait3A_440] : memref<10112x40xf32, #tpu.memory_space<vmem_shared>> -> memref<10112x40xf32, #tpu.memory_space<vmem_shared>>
      %dma_wait3A_442 = tpu.memref_slice %arg10[%dma_wait3A_431] : memref<8x!tpu.dma_semaphore, #tpu.memory_space<semaphore_mem>> -> memref<1x!tpu.dma_semaphore, #tpu.memory_space<semaphore_mem>>
      %dma_wait3A_443 = tpu.memref_squeeze %dma_wait3A_442 : memref<1x!tpu.dma_semaphore, #tpu.memory_space<semaphore_mem>> -> memref<!tpu.dma_semaphore, #tpu.memory_space<semaphore_mem>>
      tpu.wait_indirect_dma semaphore(%dma_wait3A_443 : memref<!tpu.dma_semaphore, #tpu.memory_space<semaphore_mem>>) src(%dma_wait3A_441 : memref<10112x40xf32, #tpu.memory_space<vmem_shared>>) dst(%dma_wait3A_435 : memref<128x40xf32, #tpu.memory_space<vmem>>)
      %dma_start3A_444 = arith.constant 1 : i32
      %dma_start3A_445 = arith.constant 1 : i32
      %dma_start3A_446 = arith.constant 1 : i32
      %dma_start3A_447 = arith.constant 0 : i32
      %dma_start3A_448 = arith.constant 0 : i32
      %dma_start3A_449 = tpu.memref_slice %arg9[%dma_start3A_444, %dma_start3A_447, %dma_start3A_448] : memref<8x128x40xf32, #tpu.memory_space<vmem>> -> memref<1x128x40xf32, #tpu.memory_space<vmem>>
      %dma_start3A_450 = tpu.memref_squeeze %dma_start3A_449 : memref<1x128x40xf32, #tpu.memory_space<vmem>> -> memref<128x40xf32, #tpu.memory_space<vmem>>
      %dma_start3A_451 = arith.constant 0 : i32
      %dma_start3A_452 = tpu.memref_slice %arg7[%rem3A_366, %dma_start3A_445, %dma_start3A_451] : memref<3x8x128xi32, #tpu.memory_space<vmem>> -> memref<1x1x128xi32, #tpu.memory_space<vmem>>
      %dma_start3A_453 = tpu.memref_squeeze %dma_start3A_452 : memref<1x1x128xi32, #tpu.memory_space<vmem>> -> memref<128xi32, #tpu.memory_space<vmem>>
      %dma_start3A_454 = arith.constant 0 : i32
      %dma_start3A_455 = arith.constant 0 : i32
      %dma_start3A_456 = tpu.memref_slice %arg6[%dma_start3A_454, %dma_start3A_455] : memref<10112x40xf32, #tpu.memory_space<vmem_shared>> -> memref<10112x40xf32, #tpu.memory_space<vmem_shared>>
      %dma_start3A_457 = tpu.memref_slice %arg12[%dma_start3A_446] : memref<8x!tpu.dma_semaphore, #tpu.memory_space<semaphore_mem>> -> memref<1x!tpu.dma_semaphore, #tpu.memory_space<semaphore_mem>>
      %dma_start3A_458 = tpu.memref_squeeze %dma_start3A_457 : memref<1x!tpu.dma_semaphore, #tpu.memory_space<semaphore_mem>> -> memref<!tpu.dma_semaphore, #tpu.memory_space<semaphore_mem>>
      tpu.enqueue_indirect_dma source(%dma_start3A_450 : memref<128x40xf32, #tpu.memory_space<vmem>>) target(%dma_start3A_456 : memref<10112x40xf32, #tpu.memory_space<vmem_shared>>) offsets(%dma_start3A_453 : memref<128xi32, #tpu.memory_space<vmem>>) semaphore(%dma_start3A_458 : memref<!tpu.dma_semaphore, #tpu.memory_space<semaphore_mem>>) {add = true}
      %mul3A_459 = arith.constant 8 : i32
      %mul3A_460 = arith.muli %scan3A_364, %mul3A_459 : i32
      %add3A_461 = arith.constant 2 : i32
      %add3A_462 = arith.addi %mul3A_460, %add3A_461 : i32
      %add3A_463 = arith.constant 4 : i32
      %add3A_464 = arith.addi %add3A_462, %add3A_463 : i32
      %lt3A_465 = arith.constant 80 : i32
      %lt3A_466 = arith.cmpi slt, %add3A_464, %lt3A_465 : i32
      %convert_element_type3A_467 = arith.extui %lt3A_466 : i1 to i32
      %cond3A_468 = arith.constant 0 : i32
      %cond3A_469 = arith.cmpi ne, %convert_element_type3A_467, %cond3A_468 : i32
      scf.if %cond3A_469 {
        %ge3A = arith.constant 4 : i32
        %ge3A_719 = arith.cmpi sge, %add3A_462, %ge3A : i32
        %convert_element_type3A_720 = arith.extui %ge3A_719 : i1 to i32
        %cond3A_721 = arith.constant 0 : i32
        %cond3A_722 = arith.cmpi ne, %convert_element_type3A_720, %cond3A_721 : i32
        scf.if %cond3A_722 {
          %dma_wait3A_738 = arith.constant 6 : i32
          %dma_wait3A_739 = arith.constant 0 : i32
          %dma_wait3A_740 = arith.constant 0 : i32
          %dma_wait3A_741 = arith.constant 6 : i32
          %dma_wait3A_742 = arith.constant 0 : i32
          %dma_wait3A_743 = arith.constant 0 : i32
          %dma_wait3A_744 = tpu.memref_slice %arg9[%dma_wait3A_738, %dma_wait3A_742, %dma_wait3A_743] : memref<8x128x40xf32, #tpu.memory_space<vmem>> -> memref<1x128x40xf32, #tpu.memory_space<vmem>>
          %dma_wait3A_745 = tpu.memref_squeeze %dma_wait3A_744 : memref<1x128x40xf32, #tpu.memory_space<vmem>> -> memref<128x40xf32, #tpu.memory_space<vmem>>
          %dma_wait3A_746 = arith.constant 0 : i32
          %dma_wait3A_747 = tpu.memref_slice %arg7[%dma_wait3A_739, %dma_wait3A_740, %dma_wait3A_746] : memref<3x8x128xi32, #tpu.memory_space<vmem>> -> memref<1x1x128xi32, #tpu.memory_space<vmem>>
          %dma_wait3A_748 = tpu.memref_squeeze %dma_wait3A_747 : memref<1x1x128xi32, #tpu.memory_space<vmem>> -> memref<128xi32, #tpu.memory_space<vmem>>
          %dma_wait3A_749 = arith.constant 0 : i32
          %dma_wait3A_750 = arith.constant 0 : i32
          %dma_wait3A_751 = tpu.memref_slice %arg6[%dma_wait3A_749, %dma_wait3A_750] : memref<10112x40xf32, #tpu.memory_space<vmem_shared>> -> memref<10112x40xf32, #tpu.memory_space<vmem_shared>>
          %dma_wait3A_752 = tpu.memref_slice %arg12[%dma_wait3A_741] : memref<8x!tpu.dma_semaphore, #tpu.memory_space<semaphore_mem>> -> memref<1x!tpu.dma_semaphore, #tpu.memory_space<semaphore_mem>>
          %dma_wait3A_753 = tpu.memref_squeeze %dma_wait3A_752 : memref<1x!tpu.dma_semaphore, #tpu.memory_space<semaphore_mem>> -> memref<!tpu.dma_semaphore, #tpu.memory_space<semaphore_mem>>
          tpu.wait_indirect_dma semaphore(%dma_wait3A_753 : memref<!tpu.dma_semaphore, #tpu.memory_space<semaphore_mem>>) src(%dma_wait3A_745 : memref<128x40xf32, #tpu.memory_space<vmem>>) dst(%dma_wait3A_751 : memref<10112x40xf32, #tpu.memory_space<vmem_shared>>)
        } else {
        }
        %dma_start3A_723 = arith.constant 6 : i32
        %dma_start3A_724 = arith.constant 6 : i32
        %dma_start3A_725 = arith.constant 6 : i32
        %dma_start3A_726 = arith.constant 0 : i32
        %dma_start3A_727 = arith.constant 0 : i32
        %dma_start3A_728 = tpu.memref_slice %arg9[%dma_start3A_724, %dma_start3A_726, %dma_start3A_727] : memref<8x128x40xf32, #tpu.memory_space<vmem>> -> memref<1x128x40xf32, #tpu.memory_space<vmem>>
        %dma_start3A_729 = tpu.memref_squeeze %dma_start3A_728 : memref<1x128x40xf32, #tpu.memory_space<vmem>> -> memref<128x40xf32, #tpu.memory_space<vmem>>
        %dma_start3A_730 = arith.constant 0 : i32
        %dma_start3A_731 = tpu.memref_slice %arg8[%rem3A_366, %dma_start3A_723, %dma_start3A_730] : memref<3x8x128xi32, #tpu.memory_space<vmem>> -> memref<1x1x128xi32, #tpu.memory_space<vmem>>
        %dma_start3A_732 = tpu.memref_squeeze %dma_start3A_731 : memref<1x1x128xi32, #tpu.memory_space<vmem>> -> memref<128xi32, #tpu.memory_space<vmem>>
        %dma_start3A_733 = arith.constant 0 : i32
        %dma_start3A_734 = arith.constant 0 : i32
        %dma_start3A_735 = tpu.memref_slice %arg13[%dma_start3A_733, %dma_start3A_734] : memref<10112x40xf32, #tpu.memory_space<vmem_shared>> -> memref<10112x40xf32, #tpu.memory_space<vmem_shared>>
        %dma_start3A_736 = tpu.memref_slice %arg10[%dma_start3A_725] : memref<8x!tpu.dma_semaphore, #tpu.memory_space<semaphore_mem>> -> memref<1x!tpu.dma_semaphore, #tpu.memory_space<semaphore_mem>>
        %dma_start3A_737 = tpu.memref_squeeze %dma_start3A_736 : memref<1x!tpu.dma_semaphore, #tpu.memory_space<semaphore_mem>> -> memref<!tpu.dma_semaphore, #tpu.memory_space<semaphore_mem>>
        tpu.enqueue_indirect_dma source(%dma_start3A_735 : memref<10112x40xf32, #tpu.memory_space<vmem_shared>>) target(%dma_start3A_729 : memref<128x40xf32, #tpu.memory_space<vmem>>) offsets(%dma_start3A_732 : memref<128xi32, #tpu.memory_space<vmem>>) semaphore(%dma_start3A_737 : memref<!tpu.dma_semaphore, #tpu.memory_space<semaphore_mem>>)
      } else {
      }
      %dma_wait3A_470 = arith.constant 0 : i32
      %dma_wait3A_471 = arith.constant 0 : i32
      %dma_wait3A_472 = arith.constant 2 : i32
      %dma_wait3A_473 = arith.constant 2 : i32
      %dma_wait3A_474 = arith.constant 0 : i32
      %dma_wait3A_475 = arith.constant 0 : i32
      %dma_wait3A_476 = tpu.memref_slice %arg9[%dma_wait3A_472, %dma_wait3A_474, %dma_wait3A_475] : memref<8x128x40xf32, #tpu.memory_space<vmem>> -> memref<1x128x40xf32, #tpu.memory_space<vmem>>
      %dma_wait3A_477 = tpu.memref_squeeze %dma_wait3A_476 : memref<1x128x40xf32, #tpu.memory_space<vmem>> -> memref<128x40xf32, #tpu.memory_space<vmem>>
      %dma_wait3A_478 = arith.constant 0 : i32
      %dma_wait3A_479 = tpu.memref_slice %arg8[%dma_wait3A_470, %dma_wait3A_471, %dma_wait3A_478] : memref<3x8x128xi32, #tpu.memory_space<vmem>> -> memref<1x1x128xi32, #tpu.memory_space<vmem>>
      %dma_wait3A_480 = tpu.memref_squeeze %dma_wait3A_479 : memref<1x1x128xi32, #tpu.memory_space<vmem>> -> memref<128xi32, #tpu.memory_space<vmem>>
      %dma_wait3A_481 = arith.constant 0 : i32
      %dma_wait3A_482 = arith.constant 0 : i32
      %dma_wait3A_483 = tpu.memref_slice %arg13[%dma_wait3A_481, %dma_wait3A_482] : memref<10112x40xf32, #tpu.memory_space<vmem_shared>> -> memref<10112x40xf32, #tpu.memory_space<vmem_shared>>
      %dma_wait3A_484 = tpu.memref_slice %arg10[%dma_wait3A_473] : memref<8x!tpu.dma_semaphore, #tpu.memory_space<semaphore_mem>> -> memref<1x!tpu.dma_semaphore, #tpu.memory_space<semaphore_mem>>
      %dma_wait3A_485 = tpu.memref_squeeze %dma_wait3A_484 : memref<1x!tpu.dma_semaphore, #tpu.memory_space<semaphore_mem>> -> memref<!tpu.dma_semaphore, #tpu.memory_space<semaphore_mem>>
      tpu.wait_indirect_dma semaphore(%dma_wait3A_485 : memref<!tpu.dma_semaphore, #tpu.memory_space<semaphore_mem>>) src(%dma_wait3A_483 : memref<10112x40xf32, #tpu.memory_space<vmem_shared>>) dst(%dma_wait3A_477 : memref<128x40xf32, #tpu.memory_space<vmem>>)
      %dma_start3A_486 = arith.constant 2 : i32
      %dma_start3A_487 = arith.constant 2 : i32
      %dma_start3A_488 = arith.constant 2 : i32
      %dma_start3A_489 = arith.constant 0 : i32
      %dma_start3A_490 = arith.constant 0 : i32
      %dma_start3A_491 = tpu.memref_slice %arg9[%dma_start3A_486, %dma_start3A_489, %dma_start3A_490] : memref<8x128x40xf32, #tpu.memory_space<vmem>> -> memref<1x128x40xf32, #tpu.memory_space<vmem>>
      %dma_start3A_492 = tpu.memref_squeeze %dma_start3A_491 : memref<1x128x40xf32, #tpu.memory_space<vmem>> -> memref<128x40xf32, #tpu.memory_space<vmem>>
      %dma_start3A_493 = arith.constant 0 : i32
      %dma_start3A_494 = tpu.memref_slice %arg7[%rem3A_366, %dma_start3A_487, %dma_start3A_493] : memref<3x8x128xi32, #tpu.memory_space<vmem>> -> memref<1x1x128xi32, #tpu.memory_space<vmem>>
      %dma_start3A_495 = tpu.memref_squeeze %dma_start3A_494 : memref<1x1x128xi32, #tpu.memory_space<vmem>> -> memref<128xi32, #tpu.memory_space<vmem>>
      %dma_start3A_496 = arith.constant 0 : i32
      %dma_start3A_497 = arith.constant 0 : i32
      %dma_start3A_498 = tpu.memref_slice %arg6[%dma_start3A_496, %dma_start3A_497] : memref<10112x40xf32, #tpu.memory_space<vmem_shared>> -> memref<10112x40xf32, #tpu.memory_space<vmem_shared>>
      %dma_start3A_499 = tpu.memref_slice %arg12[%dma_start3A_488] : memref<8x!tpu.dma_semaphore, #tpu.memory_space<semaphore_mem>> -> memref<1x!tpu.dma_semaphore, #tpu.memory_space<semaphore_mem>>
      %dma_start3A_500 = tpu.memref_squeeze %dma_start3A_499 : memref<1x!tpu.dma_semaphore, #tpu.memory_space<semaphore_mem>> -> memref<!tpu.dma_semaphore, #tpu.memory_space<semaphore_mem>>
      tpu.enqueue_indirect_dma source(%dma_start3A_492 : memref<128x40xf32, #tpu.memory_space<vmem>>) target(%dma_start3A_498 : memref<10112x40xf32, #tpu.memory_space<vmem_shared>>) offsets(%dma_start3A_495 : memref<128xi32, #tpu.memory_space<vmem>>) semaphore(%dma_start3A_500 : memref<!tpu.dma_semaphore, #tpu.memory_space<semaphore_mem>>) {add = true}
      %mul3A_501 = arith.constant 8 : i32
      %mul3A_502 = arith.muli %scan3A_364, %mul3A_501 : i32
      %add3A_503 = arith.constant 3 : i32
      %add3A_504 = arith.addi %mul3A_502, %add3A_503 : i32
      %add3A_505 = arith.constant 4 : i32
      %add3A_506 = arith.addi %add3A_504, %add3A_505 : i32
      %lt3A_507 = arith.constant 80 : i32
      %lt3A_508 = arith.cmpi slt, %add3A_506, %lt3A_507 : i32
      %convert_element_type3A_509 = arith.extui %lt3A_508 : i1 to i32
      %cond3A_510 = arith.constant 0 : i32
      %cond3A_511 = arith.cmpi ne, %convert_element_type3A_509, %cond3A_510 : i32
      scf.if %cond3A_511 {
        %ge3A = arith.constant 4 : i32
        %ge3A_719 = arith.cmpi sge, %add3A_504, %ge3A : i32
        %convert_element_type3A_720 = arith.extui %ge3A_719 : i1 to i32
        %cond3A_721 = arith.constant 0 : i32
        %cond3A_722 = arith.cmpi ne, %convert_element_type3A_720, %cond3A_721 : i32
        scf.if %cond3A_722 {
          %dma_wait3A_738 = arith.constant 7 : i32
          %dma_wait3A_739 = arith.constant 0 : i32
          %dma_wait3A_740 = arith.constant 0 : i32
          %dma_wait3A_741 = arith.constant 7 : i32
          %dma_wait3A_742 = arith.constant 0 : i32
          %dma_wait3A_743 = arith.constant 0 : i32
          %dma_wait3A_744 = tpu.memref_slice %arg9[%dma_wait3A_738, %dma_wait3A_742, %dma_wait3A_743] : memref<8x128x40xf32, #tpu.memory_space<vmem>> -> memref<1x128x40xf32, #tpu.memory_space<vmem>>
          %dma_wait3A_745 = tpu.memref_squeeze %dma_wait3A_744 : memref<1x128x40xf32, #tpu.memory_space<vmem>> -> memref<128x40xf32, #tpu.memory_space<vmem>>
          %dma_wait3A_746 = arith.constant 0 : i32
          %dma_wait3A_747 = tpu.memref_slice %arg7[%dma_wait3A_739, %dma_wait3A_740, %dma_wait3A_746] : memref<3x8x128xi32, #tpu.memory_space<vmem>> -> memref<1x1x128xi32, #tpu.memory_space<vmem>>
          %dma_wait3A_748 = tpu.memref_squeeze %dma_wait3A_747 : memref<1x1x128xi32, #tpu.memory_space<vmem>> -> memref<128xi32, #tpu.memory_space<vmem>>
          %dma_wait3A_749 = arith.constant 0 : i32
          %dma_wait3A_750 = arith.constant 0 : i32
          %dma_wait3A_751 = tpu.memref_slice %arg6[%dma_wait3A_749, %dma_wait3A_750] : memref<10112x40xf32, #tpu.memory_space<vmem_shared>> -> memref<10112x40xf32, #tpu.memory_space<vmem_shared>>
          %dma_wait3A_752 = tpu.memref_slice %arg12[%dma_wait3A_741] : memref<8x!tpu.dma_semaphore, #tpu.memory_space<semaphore_mem>> -> memref<1x!tpu.dma_semaphore, #tpu.memory_space<semaphore_mem>>
          %dma_wait3A_753 = tpu.memref_squeeze %dma_wait3A_752 : memref<1x!tpu.dma_semaphore, #tpu.memory_space<semaphore_mem>> -> memref<!tpu.dma_semaphore, #tpu.memory_space<semaphore_mem>>
          tpu.wait_indirect_dma semaphore(%dma_wait3A_753 : memref<!tpu.dma_semaphore, #tpu.memory_space<semaphore_mem>>) src(%dma_wait3A_745 : memref<128x40xf32, #tpu.memory_space<vmem>>) dst(%dma_wait3A_751 : memref<10112x40xf32, #tpu.memory_space<vmem_shared>>)
        } else {
        }
        %dma_start3A_723 = arith.constant 7 : i32
        %dma_start3A_724 = arith.constant 7 : i32
        %dma_start3A_725 = arith.constant 7 : i32
        %dma_start3A_726 = arith.constant 0 : i32
        %dma_start3A_727 = arith.constant 0 : i32
        %dma_start3A_728 = tpu.memref_slice %arg9[%dma_start3A_724, %dma_start3A_726, %dma_start3A_727] : memref<8x128x40xf32, #tpu.memory_space<vmem>> -> memref<1x128x40xf32, #tpu.memory_space<vmem>>
        %dma_start3A_729 = tpu.memref_squeeze %dma_start3A_728 : memref<1x128x40xf32, #tpu.memory_space<vmem>> -> memref<128x40xf32, #tpu.memory_space<vmem>>
        %dma_start3A_730 = arith.constant 0 : i32
        %dma_start3A_731 = tpu.memref_slice %arg8[%rem3A_366, %dma_start3A_723, %dma_start3A_730] : memref<3x8x128xi32, #tpu.memory_space<vmem>> -> memref<1x1x128xi32, #tpu.memory_space<vmem>>
        %dma_start3A_732 = tpu.memref_squeeze %dma_start3A_731 : memref<1x1x128xi32, #tpu.memory_space<vmem>> -> memref<128xi32, #tpu.memory_space<vmem>>
        %dma_start3A_733 = arith.constant 0 : i32
        %dma_start3A_734 = arith.constant 0 : i32
        %dma_start3A_735 = tpu.memref_slice %arg13[%dma_start3A_733, %dma_start3A_734] : memref<10112x40xf32, #tpu.memory_space<vmem_shared>> -> memref<10112x40xf32, #tpu.memory_space<vmem_shared>>
        %dma_start3A_736 = tpu.memref_slice %arg10[%dma_start3A_725] : memref<8x!tpu.dma_semaphore, #tpu.memory_space<semaphore_mem>> -> memref<1x!tpu.dma_semaphore, #tpu.memory_space<semaphore_mem>>
        %dma_start3A_737 = tpu.memref_squeeze %dma_start3A_736 : memref<1x!tpu.dma_semaphore, #tpu.memory_space<semaphore_mem>> -> memref<!tpu.dma_semaphore, #tpu.memory_space<semaphore_mem>>
        tpu.enqueue_indirect_dma source(%dma_start3A_735 : memref<10112x40xf32, #tpu.memory_space<vmem_shared>>) target(%dma_start3A_729 : memref<128x40xf32, #tpu.memory_space<vmem>>) offsets(%dma_start3A_732 : memref<128xi32, #tpu.memory_space<vmem>>) semaphore(%dma_start3A_737 : memref<!tpu.dma_semaphore, #tpu.memory_space<semaphore_mem>>)
      } else {
      }
      %dma_wait3A_512 = arith.constant 0 : i32
      %dma_wait3A_513 = arith.constant 0 : i32
      %dma_wait3A_514 = arith.constant 3 : i32
      %dma_wait3A_515 = arith.constant 3 : i32
      %dma_wait3A_516 = arith.constant 0 : i32
      %dma_wait3A_517 = arith.constant 0 : i32
      %dma_wait3A_518 = tpu.memref_slice %arg9[%dma_wait3A_514, %dma_wait3A_516, %dma_wait3A_517] : memref<8x128x40xf32, #tpu.memory_space<vmem>> -> memref<1x128x40xf32, #tpu.memory_space<vmem>>
      %dma_wait3A_519 = tpu.memref_squeeze %dma_wait3A_518 : memref<1x128x40xf32, #tpu.memory_space<vmem>> -> memref<128x40xf32, #tpu.memory_space<vmem>>
      %dma_wait3A_520 = arith.constant 0 : i32
      %dma_wait3A_521 = tpu.memref_slice %arg8[%dma_wait3A_512, %dma_wait3A_513, %dma_wait3A_520] : memref<3x8x128xi32, #tpu.memory_space<vmem>> -> memref<1x1x128xi32, #tpu.memory_space<vmem>>
      %dma_wait3A_522 = tpu.memref_squeeze %dma_wait3A_521 : memref<1x1x128xi32, #tpu.memory_space<vmem>> -> memref<128xi32, #tpu.memory_space<vmem>>
      %dma_wait3A_523 = arith.constant 0 : i32
      %dma_wait3A_524 = arith.constant 0 : i32
      %dma_wait3A_525 = tpu.memref_slice %arg13[%dma_wait3A_523, %dma_wait3A_524] : memref<10112x40xf32, #tpu.memory_space<vmem_shared>> -> memref<10112x40xf32, #tpu.memory_space<vmem_shared>>
      %dma_wait3A_526 = tpu.memref_slice %arg10[%dma_wait3A_515] : memref<8x!tpu.dma_semaphore, #tpu.memory_space<semaphore_mem>> -> memref<1x!tpu.dma_semaphore, #tpu.memory_space<semaphore_mem>>
      %dma_wait3A_527 = tpu.memref_squeeze %dma_wait3A_526 : memref<1x!tpu.dma_semaphore, #tpu.memory_space<semaphore_mem>> -> memref<!tpu.dma_semaphore, #tpu.memory_space<semaphore_mem>>
      tpu.wait_indirect_dma semaphore(%dma_wait3A_527 : memref<!tpu.dma_semaphore, #tpu.memory_space<semaphore_mem>>) src(%dma_wait3A_525 : memref<10112x40xf32, #tpu.memory_space<vmem_shared>>) dst(%dma_wait3A_519 : memref<128x40xf32, #tpu.memory_space<vmem>>)
      %dma_start3A_528 = arith.constant 3 : i32
      %dma_start3A_529 = arith.constant 3 : i32
      %dma_start3A_530 = arith.constant 3 : i32
      %dma_start3A_531 = arith.constant 0 : i32
      %dma_start3A_532 = arith.constant 0 : i32
      %dma_start3A_533 = tpu.memref_slice %arg9[%dma_start3A_528, %dma_start3A_531, %dma_start3A_532] : memref<8x128x40xf32, #tpu.memory_space<vmem>> -> memref<1x128x40xf32, #tpu.memory_space<vmem>>
      %dma_start3A_534 = tpu.memref_squeeze %dma_start3A_533 : memref<1x128x40xf32, #tpu.memory_space<vmem>> -> memref<128x40xf32, #tpu.memory_space<vmem>>
      %dma_start3A_535 = arith.constant 0 : i32
      %dma_start3A_536 = tpu.memref_slice %arg7[%rem3A_366, %dma_start3A_529, %dma_start3A_535] : memref<3x8x128xi32, #tpu.memory_space<vmem>> -> memref<1x1x128xi32, #tpu.memory_space<vmem>>
      %dma_start3A_537 = tpu.memref_squeeze %dma_start3A_536 : memref<1x1x128xi32, #tpu.memory_space<vmem>> -> memref<128xi32, #tpu.memory_space<vmem>>
      %dma_start3A_538 = arith.constant 0 : i32
      %dma_start3A_539 = arith.constant 0 : i32
      %dma_start3A_540 = tpu.memref_slice %arg6[%dma_start3A_538, %dma_start3A_539] : memref<10112x40xf32, #tpu.memory_space<vmem_shared>> -> memref<10112x40xf32, #tpu.memory_space<vmem_shared>>
      %dma_start3A_541 = tpu.memref_slice %arg12[%dma_start3A_530] : memref<8x!tpu.dma_semaphore, #tpu.memory_space<semaphore_mem>> -> memref<1x!tpu.dma_semaphore, #tpu.memory_space<semaphore_mem>>
      %dma_start3A_542 = tpu.memref_squeeze %dma_start3A_541 : memref<1x!tpu.dma_semaphore, #tpu.memory_space<semaphore_mem>> -> memref<!tpu.dma_semaphore, #tpu.memory_space<semaphore_mem>>
      tpu.enqueue_indirect_dma source(%dma_start3A_534 : memref<128x40xf32, #tpu.memory_space<vmem>>) target(%dma_start3A_540 : memref<10112x40xf32, #tpu.memory_space<vmem_shared>>) offsets(%dma_start3A_537 : memref<128xi32, #tpu.memory_space<vmem>>) semaphore(%dma_start3A_542 : memref<!tpu.dma_semaphore, #tpu.memory_space<semaphore_mem>>) {add = true}
      %mul3A_543 = arith.constant 8 : i32
      %mul3A_544 = arith.muli %scan3A_364, %mul3A_543 : i32
      %add3A_545 = arith.constant 4 : i32
      %add3A_546 = arith.addi %mul3A_544, %add3A_545 : i32
      %add3A_547 = arith.constant 4 : i32
      %add3A_548 = arith.addi %add3A_546, %add3A_547 : i32
      %lt3A_549 = arith.constant 80 : i32
      %lt3A_550 = arith.cmpi slt, %add3A_548, %lt3A_549 : i32
      %convert_element_type3A_551 = arith.extui %lt3A_550 : i1 to i32
      %cond3A_552 = arith.constant 0 : i32
      %cond3A_553 = arith.cmpi ne, %convert_element_type3A_551, %cond3A_552 : i32
      scf.if %cond3A_553 {
        %ge3A = arith.constant 4 : i32
        %ge3A_719 = arith.cmpi sge, %add3A_546, %ge3A : i32
        %convert_element_type3A_720 = arith.extui %ge3A_719 : i1 to i32
        %cond3A_721 = arith.constant 0 : i32
        %cond3A_722 = arith.cmpi ne, %convert_element_type3A_720, %cond3A_721 : i32
        scf.if %cond3A_722 {
          %dma_wait3A_738 = arith.constant 0 : i32
          %dma_wait3A_739 = arith.constant 0 : i32
          %dma_wait3A_740 = arith.constant 0 : i32
          %dma_wait3A_741 = arith.constant 0 : i32
          %dma_wait3A_742 = arith.constant 0 : i32
          %dma_wait3A_743 = arith.constant 0 : i32
          %dma_wait3A_744 = tpu.memref_slice %arg9[%dma_wait3A_738, %dma_wait3A_742, %dma_wait3A_743] : memref<8x128x40xf32, #tpu.memory_space<vmem>> -> memref<1x128x40xf32, #tpu.memory_space<vmem>>
          %dma_wait3A_745 = tpu.memref_squeeze %dma_wait3A_744 : memref<1x128x40xf32, #tpu.memory_space<vmem>> -> memref<128x40xf32, #tpu.memory_space<vmem>>
          %dma_wait3A_746 = arith.constant 0 : i32
          %dma_wait3A_747 = tpu.memref_slice %arg7[%dma_wait3A_739, %dma_wait3A_740, %dma_wait3A_746] : memref<3x8x128xi32, #tpu.memory_space<vmem>> -> memref<1x1x128xi32, #tpu.memory_space<vmem>>
          %dma_wait3A_748 = tpu.memref_squeeze %dma_wait3A_747 : memref<1x1x128xi32, #tpu.memory_space<vmem>> -> memref<128xi32, #tpu.memory_space<vmem>>
          %dma_wait3A_749 = arith.constant 0 : i32
          %dma_wait3A_750 = arith.constant 0 : i32
          %dma_wait3A_751 = tpu.memref_slice %arg6[%dma_wait3A_749, %dma_wait3A_750] : memref<10112x40xf32, #tpu.memory_space<vmem_shared>> -> memref<10112x40xf32, #tpu.memory_space<vmem_shared>>
          %dma_wait3A_752 = tpu.memref_slice %arg12[%dma_wait3A_741] : memref<8x!tpu.dma_semaphore, #tpu.memory_space<semaphore_mem>> -> memref<1x!tpu.dma_semaphore, #tpu.memory_space<semaphore_mem>>
          %dma_wait3A_753 = tpu.memref_squeeze %dma_wait3A_752 : memref<1x!tpu.dma_semaphore, #tpu.memory_space<semaphore_mem>> -> memref<!tpu.dma_semaphore, #tpu.memory_space<semaphore_mem>>
          tpu.wait_indirect_dma semaphore(%dma_wait3A_753 : memref<!tpu.dma_semaphore, #tpu.memory_space<semaphore_mem>>) src(%dma_wait3A_745 : memref<128x40xf32, #tpu.memory_space<vmem>>) dst(%dma_wait3A_751 : memref<10112x40xf32, #tpu.memory_space<vmem_shared>>)
        } else {
        }
        %dma_start3A_723 = arith.constant 0 : i32
        %dma_start3A_724 = arith.constant 0 : i32
        %dma_start3A_725 = arith.constant 0 : i32
        %dma_start3A_726 = arith.constant 0 : i32
        %dma_start3A_727 = arith.constant 0 : i32
        %dma_start3A_728 = tpu.memref_slice %arg9[%dma_start3A_724, %dma_start3A_726, %dma_start3A_727] : memref<8x128x40xf32, #tpu.memory_space<vmem>> -> memref<1x128x40xf32, #tpu.memory_space<vmem>>
        %dma_start3A_729 = tpu.memref_squeeze %dma_start3A_728 : memref<1x128x40xf32, #tpu.memory_space<vmem>> -> memref<128x40xf32, #tpu.memory_space<vmem>>
        %dma_start3A_730 = arith.constant 0 : i32
        %dma_start3A_731 = tpu.memref_slice %arg8[%rem3A_370, %dma_start3A_723, %dma_start3A_730] : memref<3x8x128xi32, #tpu.memory_space<vmem>> -> memref<1x1x128xi32, #tpu.memory_space<vmem>>
        %dma_start3A_732 = tpu.memref_squeeze %dma_start3A_731 : memref<1x1x128xi32, #tpu.memory_space<vmem>> -> memref<128xi32, #tpu.memory_space<vmem>>
        %dma_start3A_733 = arith.constant 0 : i32
        %dma_start3A_734 = arith.constant 0 : i32
        %dma_start3A_735 = tpu.memref_slice %arg13[%dma_start3A_733, %dma_start3A_734] : memref<10112x40xf32, #tpu.memory_space<vmem_shared>> -> memref<10112x40xf32, #tpu.memory_space<vmem_shared>>
        %dma_start3A_736 = tpu.memref_slice %arg10[%dma_start3A_725] : memref<8x!tpu.dma_semaphore, #tpu.memory_space<semaphore_mem>> -> memref<1x!tpu.dma_semaphore, #tpu.memory_space<semaphore_mem>>
        %dma_start3A_737 = tpu.memref_squeeze %dma_start3A_736 : memref<1x!tpu.dma_semaphore, #tpu.memory_space<semaphore_mem>> -> memref<!tpu.dma_semaphore, #tpu.memory_space<semaphore_mem>>
        tpu.enqueue_indirect_dma source(%dma_start3A_735 : memref<10112x40xf32, #tpu.memory_space<vmem_shared>>) target(%dma_start3A_729 : memref<128x40xf32, #tpu.memory_space<vmem>>) offsets(%dma_start3A_732 : memref<128xi32, #tpu.memory_space<vmem>>) semaphore(%dma_start3A_737 : memref<!tpu.dma_semaphore, #tpu.memory_space<semaphore_mem>>)
      } else {
      }
      %dma_wait3A_554 = arith.constant 0 : i32
      %dma_wait3A_555 = arith.constant 0 : i32
      %dma_wait3A_556 = arith.constant 4 : i32
      %dma_wait3A_557 = arith.constant 4 : i32
      %dma_wait3A_558 = arith.constant 0 : i32
      %dma_wait3A_559 = arith.constant 0 : i32
      %dma_wait3A_560 = tpu.memref_slice %arg9[%dma_wait3A_556, %dma_wait3A_558, %dma_wait3A_559] : memref<8x128x40xf32, #tpu.memory_space<vmem>> -> memref<1x128x40xf32, #tpu.memory_space<vmem>>
      %dma_wait3A_561 = tpu.memref_squeeze %dma_wait3A_560 : memref<1x128x40xf32, #tpu.memory_space<vmem>> -> memref<128x40xf32, #tpu.memory_space<vmem>>
      %dma_wait3A_562 = arith.constant 0 : i32
      %dma_wait3A_563 = tpu.memref_slice %arg8[%dma_wait3A_554, %dma_wait3A_555, %dma_wait3A_562] : memref<3x8x128xi32, #tpu.memory_space<vmem>> -> memref<1x1x128xi32, #tpu.memory_space<vmem>>
      %dma_wait3A_564 = tpu.memref_squeeze %dma_wait3A_563 : memref<1x1x128xi32, #tpu.memory_space<vmem>> -> memref<128xi32, #tpu.memory_space<vmem>>
      %dma_wait3A_565 = arith.constant 0 : i32
      %dma_wait3A_566 = arith.constant 0 : i32
      %dma_wait3A_567 = tpu.memref_slice %arg13[%dma_wait3A_565, %dma_wait3A_566] : memref<10112x40xf32, #tpu.memory_space<vmem_shared>> -> memref<10112x40xf32, #tpu.memory_space<vmem_shared>>
      %dma_wait3A_568 = tpu.memref_slice %arg10[%dma_wait3A_557] : memref<8x!tpu.dma_semaphore, #tpu.memory_space<semaphore_mem>> -> memref<1x!tpu.dma_semaphore, #tpu.memory_space<semaphore_mem>>
      %dma_wait3A_569 = tpu.memref_squeeze %dma_wait3A_568 : memref<1x!tpu.dma_semaphore, #tpu.memory_space<semaphore_mem>> -> memref<!tpu.dma_semaphore, #tpu.memory_space<semaphore_mem>>
      tpu.wait_indirect_dma semaphore(%dma_wait3A_569 : memref<!tpu.dma_semaphore, #tpu.memory_space<semaphore_mem>>) src(%dma_wait3A_567 : memref<10112x40xf32, #tpu.memory_space<vmem_shared>>) dst(%dma_wait3A_561 : memref<128x40xf32, #tpu.memory_space<vmem>>)
      %dma_start3A_570 = arith.constant 4 : i32
      %dma_start3A_571 = arith.constant 4 : i32
      %dma_start3A_572 = arith.constant 4 : i32
      %dma_start3A_573 = arith.constant 0 : i32
      %dma_start3A_574 = arith.constant 0 : i32
      %dma_start3A_575 = tpu.memref_slice %arg9[%dma_start3A_570, %dma_start3A_573, %dma_start3A_574] : memref<8x128x40xf32, #tpu.memory_space<vmem>> -> memref<1x128x40xf32, #tpu.memory_space<vmem>>
      %dma_start3A_576 = tpu.memref_squeeze %dma_start3A_575 : memref<1x128x40xf32, #tpu.memory_space<vmem>> -> memref<128x40xf32, #tpu.memory_space<vmem>>
      %dma_start3A_577 = arith.constant 0 : i32
      %dma_start3A_578 = tpu.memref_slice %arg7[%rem3A_366, %dma_start3A_571, %dma_start3A_577] : memref<3x8x128xi32, #tpu.memory_space<vmem>> -> memref<1x1x128xi32, #tpu.memory_space<vmem>>
      %dma_start3A_579 = tpu.memref_squeeze %dma_start3A_578 : memref<1x1x128xi32, #tpu.memory_space<vmem>> -> memref<128xi32, #tpu.memory_space<vmem>>
      %dma_start3A_580 = arith.constant 0 : i32
      %dma_start3A_581 = arith.constant 0 : i32
      %dma_start3A_582 = tpu.memref_slice %arg6[%dma_start3A_580, %dma_start3A_581] : memref<10112x40xf32, #tpu.memory_space<vmem_shared>> -> memref<10112x40xf32, #tpu.memory_space<vmem_shared>>
      %dma_start3A_583 = tpu.memref_slice %arg12[%dma_start3A_572] : memref<8x!tpu.dma_semaphore, #tpu.memory_space<semaphore_mem>> -> memref<1x!tpu.dma_semaphore, #tpu.memory_space<semaphore_mem>>
      %dma_start3A_584 = tpu.memref_squeeze %dma_start3A_583 : memref<1x!tpu.dma_semaphore, #tpu.memory_space<semaphore_mem>> -> memref<!tpu.dma_semaphore, #tpu.memory_space<semaphore_mem>>
      tpu.enqueue_indirect_dma source(%dma_start3A_576 : memref<128x40xf32, #tpu.memory_space<vmem>>) target(%dma_start3A_582 : memref<10112x40xf32, #tpu.memory_space<vmem_shared>>) offsets(%dma_start3A_579 : memref<128xi32, #tpu.memory_space<vmem>>) semaphore(%dma_start3A_584 : memref<!tpu.dma_semaphore, #tpu.memory_space<semaphore_mem>>) {add = true}
      %mul3A_585 = arith.constant 8 : i32
      %mul3A_586 = arith.muli %scan3A_364, %mul3A_585 : i32
      %add3A_587 = arith.constant 5 : i32
      %add3A_588 = arith.addi %mul3A_586, %add3A_587 : i32
      %add3A_589 = arith.constant 4 : i32
      %add3A_590 = arith.addi %add3A_588, %add3A_589 : i32
      %lt3A_591 = arith.constant 80 : i32
      %lt3A_592 = arith.cmpi slt, %add3A_590, %lt3A_591 : i32
      %convert_element_type3A_593 = arith.extui %lt3A_592 : i1 to i32
      %cond3A_594 = arith.constant 0 : i32
      %cond3A_595 = arith.cmpi ne, %convert_element_type3A_593, %cond3A_594 : i32
      scf.if %cond3A_595 {
        %ge3A = arith.constant 4 : i32
        %ge3A_719 = arith.cmpi sge, %add3A_588, %ge3A : i32
        %convert_element_type3A_720 = arith.extui %ge3A_719 : i1 to i32
        %cond3A_721 = arith.constant 0 : i32
        %cond3A_722 = arith.cmpi ne, %convert_element_type3A_720, %cond3A_721 : i32
        scf.if %cond3A_722 {
          %dma_wait3A_738 = arith.constant 1 : i32
          %dma_wait3A_739 = arith.constant 0 : i32
          %dma_wait3A_740 = arith.constant 0 : i32
          %dma_wait3A_741 = arith.constant 1 : i32
          %dma_wait3A_742 = arith.constant 0 : i32
          %dma_wait3A_743 = arith.constant 0 : i32
          %dma_wait3A_744 = tpu.memref_slice %arg9[%dma_wait3A_738, %dma_wait3A_742, %dma_wait3A_743] : memref<8x128x40xf32, #tpu.memory_space<vmem>> -> memref<1x128x40xf32, #tpu.memory_space<vmem>>
          %dma_wait3A_745 = tpu.memref_squeeze %dma_wait3A_744 : memref<1x128x40xf32, #tpu.memory_space<vmem>> -> memref<128x40xf32, #tpu.memory_space<vmem>>
          %dma_wait3A_746 = arith.constant 0 : i32
          %dma_wait3A_747 = tpu.memref_slice %arg7[%dma_wait3A_739, %dma_wait3A_740, %dma_wait3A_746] : memref<3x8x128xi32, #tpu.memory_space<vmem>> -> memref<1x1x128xi32, #tpu.memory_space<vmem>>
          %dma_wait3A_748 = tpu.memref_squeeze %dma_wait3A_747 : memref<1x1x128xi32, #tpu.memory_space<vmem>> -> memref<128xi32, #tpu.memory_space<vmem>>
          %dma_wait3A_749 = arith.constant 0 : i32
          %dma_wait3A_750 = arith.constant 0 : i32
          %dma_wait3A_751 = tpu.memref_slice %arg6[%dma_wait3A_749, %dma_wait3A_750] : memref<10112x40xf32, #tpu.memory_space<vmem_shared>> -> memref<10112x40xf32, #tpu.memory_space<vmem_shared>>
          %dma_wait3A_752 = tpu.memref_slice %arg12[%dma_wait3A_741] : memref<8x!tpu.dma_semaphore, #tpu.memory_space<semaphore_mem>> -> memref<1x!tpu.dma_semaphore, #tpu.memory_space<semaphore_mem>>
          %dma_wait3A_753 = tpu.memref_squeeze %dma_wait3A_752 : memref<1x!tpu.dma_semaphore, #tpu.memory_space<semaphore_mem>> -> memref<!tpu.dma_semaphore, #tpu.memory_space<semaphore_mem>>
          tpu.wait_indirect_dma semaphore(%dma_wait3A_753 : memref<!tpu.dma_semaphore, #tpu.memory_space<semaphore_mem>>) src(%dma_wait3A_745 : memref<128x40xf32, #tpu.memory_space<vmem>>) dst(%dma_wait3A_751 : memref<10112x40xf32, #tpu.memory_space<vmem_shared>>)
        } else {
        }
        %dma_start3A_723 = arith.constant 1 : i32
        %dma_start3A_724 = arith.constant 1 : i32
        %dma_start3A_725 = arith.constant 1 : i32
        %dma_start3A_726 = arith.constant 0 : i32
        %dma_start3A_727 = arith.constant 0 : i32
        %dma_start3A_728 = tpu.memref_slice %arg9[%dma_start3A_724, %dma_start3A_726, %dma_start3A_727] : memref<8x128x40xf32, #tpu.memory_space<vmem>> -> memref<1x128x40xf32, #tpu.memory_space<vmem>>
        %dma_start3A_729 = tpu.memref_squeeze %dma_start3A_728 : memref<1x128x40xf32, #tpu.memory_space<vmem>> -> memref<128x40xf32, #tpu.memory_space<vmem>>
        %dma_start3A_730 = arith.constant 0 : i32
        %dma_start3A_731 = tpu.memref_slice %arg8[%rem3A_370, %dma_start3A_723, %dma_start3A_730] : memref<3x8x128xi32, #tpu.memory_space<vmem>> -> memref<1x1x128xi32, #tpu.memory_space<vmem>>
        %dma_start3A_732 = tpu.memref_squeeze %dma_start3A_731 : memref<1x1x128xi32, #tpu.memory_space<vmem>> -> memref<128xi32, #tpu.memory_space<vmem>>
        %dma_start3A_733 = arith.constant 0 : i32
        %dma_start3A_734 = arith.constant 0 : i32
        %dma_start3A_735 = tpu.memref_slice %arg13[%dma_start3A_733, %dma_start3A_734] : memref<10112x40xf32, #tpu.memory_space<vmem_shared>> -> memref<10112x40xf32, #tpu.memory_space<vmem_shared>>
        %dma_start3A_736 = tpu.memref_slice %arg10[%dma_start3A_725] : memref<8x!tpu.dma_semaphore, #tpu.memory_space<semaphore_mem>> -> memref<1x!tpu.dma_semaphore, #tpu.memory_space<semaphore_mem>>
        %dma_start3A_737 = tpu.memref_squeeze %dma_start3A_736 : memref<1x!tpu.dma_semaphore, #tpu.memory_space<semaphore_mem>> -> memref<!tpu.dma_semaphore, #tpu.memory_space<semaphore_mem>>
        tpu.enqueue_indirect_dma source(%dma_start3A_735 : memref<10112x40xf32, #tpu.memory_space<vmem_shared>>) target(%dma_start3A_729 : memref<128x40xf32, #tpu.memory_space<vmem>>) offsets(%dma_start3A_732 : memref<128xi32, #tpu.memory_space<vmem>>) semaphore(%dma_start3A_737 : memref<!tpu.dma_semaphore, #tpu.memory_space<semaphore_mem>>)
      } else {
      }
      %dma_wait3A_596 = arith.constant 0 : i32
      %dma_wait3A_597 = arith.constant 0 : i32
      %dma_wait3A_598 = arith.constant 5 : i32
      %dma_wait3A_599 = arith.constant 5 : i32
      %dma_wait3A_600 = arith.constant 0 : i32
      %dma_wait3A_601 = arith.constant 0 : i32
      %dma_wait3A_602 = tpu.memref_slice %arg9[%dma_wait3A_598, %dma_wait3A_600, %dma_wait3A_601] : memref<8x128x40xf32, #tpu.memory_space<vmem>> -> memref<1x128x40xf32, #tpu.memory_space<vmem>>
      %dma_wait3A_603 = tpu.memref_squeeze %dma_wait3A_602 : memref<1x128x40xf32, #tpu.memory_space<vmem>> -> memref<128x40xf32, #tpu.memory_space<vmem>>
      %dma_wait3A_604 = arith.constant 0 : i32
      %dma_wait3A_605 = tpu.memref_slice %arg8[%dma_wait3A_596, %dma_wait3A_597, %dma_wait3A_604] : memref<3x8x128xi32, #tpu.memory_space<vmem>> -> memref<1x1x128xi32, #tpu.memory_space<vmem>>
      %dma_wait3A_606 = tpu.memref_squeeze %dma_wait3A_605 : memref<1x1x128xi32, #tpu.memory_space<vmem>> -> memref<128xi32, #tpu.memory_space<vmem>>
      %dma_wait3A_607 = arith.constant 0 : i32
      %dma_wait3A_608 = arith.constant 0 : i32
      %dma_wait3A_609 = tpu.memref_slice %arg13[%dma_wait3A_607, %dma_wait3A_608] : memref<10112x40xf32, #tpu.memory_space<vmem_shared>> -> memref<10112x40xf32, #tpu.memory_space<vmem_shared>>
      %dma_wait3A_610 = tpu.memref_slice %arg10[%dma_wait3A_599] : memref<8x!tpu.dma_semaphore, #tpu.memory_space<semaphore_mem>> -> memref<1x!tpu.dma_semaphore, #tpu.memory_space<semaphore_mem>>
      %dma_wait3A_611 = tpu.memref_squeeze %dma_wait3A_610 : memref<1x!tpu.dma_semaphore, #tpu.memory_space<semaphore_mem>> -> memref<!tpu.dma_semaphore, #tpu.memory_space<semaphore_mem>>
      tpu.wait_indirect_dma semaphore(%dma_wait3A_611 : memref<!tpu.dma_semaphore, #tpu.memory_space<semaphore_mem>>) src(%dma_wait3A_609 : memref<10112x40xf32, #tpu.memory_space<vmem_shared>>) dst(%dma_wait3A_603 : memref<128x40xf32, #tpu.memory_space<vmem>>)
      %dma_start3A_612 = arith.constant 5 : i32
      %dma_start3A_613 = arith.constant 5 : i32
      %dma_start3A_614 = arith.constant 5 : i32
      %dma_start3A_615 = arith.constant 0 : i32
      %dma_start3A_616 = arith.constant 0 : i32
      %dma_start3A_617 = tpu.memref_slice %arg9[%dma_start3A_612, %dma_start3A_615, %dma_start3A_616] : memref<8x128x40xf32, #tpu.memory_space<vmem>> -> memref<1x128x40xf32, #tpu.memory_space<vmem>>
      %dma_start3A_618 = tpu.memref_squeeze %dma_start3A_617 : memref<1x128x40xf32, #tpu.memory_space<vmem>> -> memref<128x40xf32, #tpu.memory_space<vmem>>
      %dma_start3A_619 = arith.constant 0 : i32
      %dma_start3A_620 = tpu.memref_slice %arg7[%rem3A_366, %dma_start3A_613, %dma_start3A_619] : memref<3x8x128xi32, #tpu.memory_space<vmem>> -> memref<1x1x128xi32, #tpu.memory_space<vmem>>
      %dma_start3A_621 = tpu.memref_squeeze %dma_start3A_620 : memref<1x1x128xi32, #tpu.memory_space<vmem>> -> memref<128xi32, #tpu.memory_space<vmem>>
      %dma_start3A_622 = arith.constant 0 : i32
      %dma_start3A_623 = arith.constant 0 : i32
      %dma_start3A_624 = tpu.memref_slice %arg6[%dma_start3A_622, %dma_start3A_623] : memref<10112x40xf32, #tpu.memory_space<vmem_shared>> -> memref<10112x40xf32, #tpu.memory_space<vmem_shared>>
      %dma_start3A_625 = tpu.memref_slice %arg12[%dma_start3A_614] : memref<8x!tpu.dma_semaphore, #tpu.memory_space<semaphore_mem>> -> memref<1x!tpu.dma_semaphore, #tpu.memory_space<semaphore_mem>>
      %dma_start3A_626 = tpu.memref_squeeze %dma_start3A_625 : memref<1x!tpu.dma_semaphore, #tpu.memory_space<semaphore_mem>> -> memref<!tpu.dma_semaphore, #tpu.memory_space<semaphore_mem>>
      tpu.enqueue_indirect_dma source(%dma_start3A_618 : memref<128x40xf32, #tpu.memory_space<vmem>>) target(%dma_start3A_624 : memref<10112x40xf32, #tpu.memory_space<vmem_shared>>) offsets(%dma_start3A_621 : memref<128xi32, #tpu.memory_space<vmem>>) semaphore(%dma_start3A_626 : memref<!tpu.dma_semaphore, #tpu.memory_space<semaphore_mem>>) {add = true}
      %mul3A_627 = arith.constant 8 : i32
      %mul3A_628 = arith.muli %scan3A_364, %mul3A_627 : i32
      %add3A_629 = arith.constant 6 : i32
      %add3A_630 = arith.addi %mul3A_628, %add3A_629 : i32
      %add3A_631 = arith.constant 4 : i32
      %add3A_632 = arith.addi %add3A_630, %add3A_631 : i32
      %lt3A_633 = arith.constant 80 : i32
      %lt3A_634 = arith.cmpi slt, %add3A_632, %lt3A_633 : i32
      %convert_element_type3A_635 = arith.extui %lt3A_634 : i1 to i32
      %cond3A_636 = arith.constant 0 : i32
      %cond3A_637 = arith.cmpi ne, %convert_element_type3A_635, %cond3A_636 : i32
      scf.if %cond3A_637 {
        %ge3A = arith.constant 4 : i32
        %ge3A_719 = arith.cmpi sge, %add3A_630, %ge3A : i32
        %convert_element_type3A_720 = arith.extui %ge3A_719 : i1 to i32
        %cond3A_721 = arith.constant 0 : i32
        %cond3A_722 = arith.cmpi ne, %convert_element_type3A_720, %cond3A_721 : i32
        scf.if %cond3A_722 {
          %dma_wait3A_738 = arith.constant 2 : i32
          %dma_wait3A_739 = arith.constant 0 : i32
          %dma_wait3A_740 = arith.constant 0 : i32
          %dma_wait3A_741 = arith.constant 2 : i32
          %dma_wait3A_742 = arith.constant 0 : i32
          %dma_wait3A_743 = arith.constant 0 : i32
          %dma_wait3A_744 = tpu.memref_slice %arg9[%dma_wait3A_738, %dma_wait3A_742, %dma_wait3A_743] : memref<8x128x40xf32, #tpu.memory_space<vmem>> -> memref<1x128x40xf32, #tpu.memory_space<vmem>>
          %dma_wait3A_745 = tpu.memref_squeeze %dma_wait3A_744 : memref<1x128x40xf32, #tpu.memory_space<vmem>> -> memref<128x40xf32, #tpu.memory_space<vmem>>
          %dma_wait3A_746 = arith.constant 0 : i32
          %dma_wait3A_747 = tpu.memref_slice %arg7[%dma_wait3A_739, %dma_wait3A_740, %dma_wait3A_746] : memref<3x8x128xi32, #tpu.memory_space<vmem>> -> memref<1x1x128xi32, #tpu.memory_space<vmem>>
          %dma_wait3A_748 = tpu.memref_squeeze %dma_wait3A_747 : memref<1x1x128xi32, #tpu.memory_space<vmem>> -> memref<128xi32, #tpu.memory_space<vmem>>
          %dma_wait3A_749 = arith.constant 0 : i32
          %dma_wait3A_750 = arith.constant 0 : i32
          %dma_wait3A_751 = tpu.memref_slice %arg6[%dma_wait3A_749, %dma_wait3A_750] : memref<10112x40xf32, #tpu.memory_space<vmem_shared>> -> memref<10112x40xf32, #tpu.memory_space<vmem_shared>>
          %dma_wait3A_752 = tpu.memref_slice %arg12[%dma_wait3A_741] : memref<8x!tpu.dma_semaphore, #tpu.memory_space<semaphore_mem>> -> memref<1x!tpu.dma_semaphore, #tpu.memory_space<semaphore_mem>>
          %dma_wait3A_753 = tpu.memref_squeeze %dma_wait3A_752 : memref<1x!tpu.dma_semaphore, #tpu.memory_space<semaphore_mem>> -> memref<!tpu.dma_semaphore, #tpu.memory_space<semaphore_mem>>
          tpu.wait_indirect_dma semaphore(%dma_wait3A_753 : memref<!tpu.dma_semaphore, #tpu.memory_space<semaphore_mem>>) src(%dma_wait3A_745 : memref<128x40xf32, #tpu.memory_space<vmem>>) dst(%dma_wait3A_751 : memref<10112x40xf32, #tpu.memory_space<vmem_shared>>)
        } else {
        }
        %dma_start3A_723 = arith.constant 2 : i32
        %dma_start3A_724 = arith.constant 2 : i32
        %dma_start3A_725 = arith.constant 2 : i32
        %dma_start3A_726 = arith.constant 0 : i32
        %dma_start3A_727 = arith.constant 0 : i32
        %dma_start3A_728 = tpu.memref_slice %arg9[%dma_start3A_724, %dma_start3A_726, %dma_start3A_727] : memref<8x128x40xf32, #tpu.memory_space<vmem>> -> memref<1x128x40xf32, #tpu.memory_space<vmem>>
        %dma_start3A_729 = tpu.memref_squeeze %dma_start3A_728 : memref<1x128x40xf32, #tpu.memory_space<vmem>> -> memref<128x40xf32, #tpu.memory_space<vmem>>
        %dma_start3A_730 = arith.constant 0 : i32
        %dma_start3A_731 = tpu.memref_slice %arg8[%rem3A_370, %dma_start3A_723, %dma_start3A_730] : memref<3x8x128xi32, #tpu.memory_space<vmem>> -> memref<1x1x128xi32, #tpu.memory_space<vmem>>
        %dma_start3A_732 = tpu.memref_squeeze %dma_start3A_731 : memref<1x1x128xi32, #tpu.memory_space<vmem>> -> memref<128xi32, #tpu.memory_space<vmem>>
        %dma_start3A_733 = arith.constant 0 : i32
        %dma_start3A_734 = arith.constant 0 : i32
        %dma_start3A_735 = tpu.memref_slice %arg13[%dma_start3A_733, %dma_start3A_734] : memref<10112x40xf32, #tpu.memory_space<vmem_shared>> -> memref<10112x40xf32, #tpu.memory_space<vmem_shared>>
        %dma_start3A_736 = tpu.memref_slice %arg10[%dma_start3A_725] : memref<8x!tpu.dma_semaphore, #tpu.memory_space<semaphore_mem>> -> memref<1x!tpu.dma_semaphore, #tpu.memory_space<semaphore_mem>>
        %dma_start3A_737 = tpu.memref_squeeze %dma_start3A_736 : memref<1x!tpu.dma_semaphore, #tpu.memory_space<semaphore_mem>> -> memref<!tpu.dma_semaphore, #tpu.memory_space<semaphore_mem>>
        tpu.enqueue_indirect_dma source(%dma_start3A_735 : memref<10112x40xf32, #tpu.memory_space<vmem_shared>>) target(%dma_start3A_729 : memref<128x40xf32, #tpu.memory_space<vmem>>) offsets(%dma_start3A_732 : memref<128xi32, #tpu.memory_space<vmem>>) semaphore(%dma_start3A_737 : memref<!tpu.dma_semaphore, #tpu.memory_space<semaphore_mem>>)
      } else {
      }
      %dma_wait3A_638 = arith.constant 0 : i32
      %dma_wait3A_639 = arith.constant 0 : i32
      %dma_wait3A_640 = arith.constant 6 : i32
      %dma_wait3A_641 = arith.constant 6 : i32
      %dma_wait3A_642 = arith.constant 0 : i32
      %dma_wait3A_643 = arith.constant 0 : i32
      %dma_wait3A_644 = tpu.memref_slice %arg9[%dma_wait3A_640, %dma_wait3A_642, %dma_wait3A_643] : memref<8x128x40xf32, #tpu.memory_space<vmem>> -> memref<1x128x40xf32, #tpu.memory_space<vmem>>
      %dma_wait3A_645 = tpu.memref_squeeze %dma_wait3A_644 : memref<1x128x40xf32, #tpu.memory_space<vmem>> -> memref<128x40xf32, #tpu.memory_space<vmem>>
      %dma_wait3A_646 = arith.constant 0 : i32
      %dma_wait3A_647 = tpu.memref_slice %arg8[%dma_wait3A_638, %dma_wait3A_639, %dma_wait3A_646] : memref<3x8x128xi32, #tpu.memory_space<vmem>> -> memref<1x1x128xi32, #tpu.memory_space<vmem>>
      %dma_wait3A_648 = tpu.memref_squeeze %dma_wait3A_647 : memref<1x1x128xi32, #tpu.memory_space<vmem>> -> memref<128xi32, #tpu.memory_space<vmem>>
      %dma_wait3A_649 = arith.constant 0 : i32
      %dma_wait3A_650 = arith.constant 0 : i32
      %dma_wait3A_651 = tpu.memref_slice %arg13[%dma_wait3A_649, %dma_wait3A_650] : memref<10112x40xf32, #tpu.memory_space<vmem_shared>> -> memref<10112x40xf32, #tpu.memory_space<vmem_shared>>
      %dma_wait3A_652 = tpu.memref_slice %arg10[%dma_wait3A_641] : memref<8x!tpu.dma_semaphore, #tpu.memory_space<semaphore_mem>> -> memref<1x!tpu.dma_semaphore, #tpu.memory_space<semaphore_mem>>
      %dma_wait3A_653 = tpu.memref_squeeze %dma_wait3A_652 : memref<1x!tpu.dma_semaphore, #tpu.memory_space<semaphore_mem>> -> memref<!tpu.dma_semaphore, #tpu.memory_space<semaphore_mem>>
      tpu.wait_indirect_dma semaphore(%dma_wait3A_653 : memref<!tpu.dma_semaphore, #tpu.memory_space<semaphore_mem>>) src(%dma_wait3A_651 : memref<10112x40xf32, #tpu.memory_space<vmem_shared>>) dst(%dma_wait3A_645 : memref<128x40xf32, #tpu.memory_space<vmem>>)
      %dma_start3A_654 = arith.constant 6 : i32
      %dma_start3A_655 = arith.constant 6 : i32
      %dma_start3A_656 = arith.constant 6 : i32
      %dma_start3A_657 = arith.constant 0 : i32
      %dma_start3A_658 = arith.constant 0 : i32
      %dma_start3A_659 = tpu.memref_slice %arg9[%dma_start3A_654, %dma_start3A_657, %dma_start3A_658] : memref<8x128x40xf32, #tpu.memory_space<vmem>> -> memref<1x128x40xf32, #tpu.memory_space<vmem>>
      %dma_start3A_660 = tpu.memref_squeeze %dma_start3A_659 : memref<1x128x40xf32, #tpu.memory_space<vmem>> -> memref<128x40xf32, #tpu.memory_space<vmem>>
      %dma_start3A_661 = arith.constant 0 : i32
      %dma_start3A_662 = tpu.memref_slice %arg7[%rem3A_366, %dma_start3A_655, %dma_start3A_661] : memref<3x8x128xi32, #tpu.memory_space<vmem>> -> memref<1x1x128xi32, #tpu.memory_space<vmem>>
      %dma_start3A_663 = tpu.memref_squeeze %dma_start3A_662 : memref<1x1x128xi32, #tpu.memory_space<vmem>> -> memref<128xi32, #tpu.memory_space<vmem>>
      %dma_start3A_664 = arith.constant 0 : i32
      %dma_start3A_665 = arith.constant 0 : i32
      %dma_start3A_666 = tpu.memref_slice %arg6[%dma_start3A_664, %dma_start3A_665] : memref<10112x40xf32, #tpu.memory_space<vmem_shared>> -> memref<10112x40xf32, #tpu.memory_space<vmem_shared>>
      %dma_start3A_667 = tpu.memref_slice %arg12[%dma_start3A_656] : memref<8x!tpu.dma_semaphore, #tpu.memory_space<semaphore_mem>> -> memref<1x!tpu.dma_semaphore, #tpu.memory_space<semaphore_mem>>
      %dma_start3A_668 = tpu.memref_squeeze %dma_start3A_667 : memref<1x!tpu.dma_semaphore, #tpu.memory_space<semaphore_mem>> -> memref<!tpu.dma_semaphore, #tpu.memory_space<semaphore_mem>>
      tpu.enqueue_indirect_dma source(%dma_start3A_660 : memref<128x40xf32, #tpu.memory_space<vmem>>) target(%dma_start3A_666 : memref<10112x40xf32, #tpu.memory_space<vmem_shared>>) offsets(%dma_start3A_663 : memref<128xi32, #tpu.memory_space<vmem>>) semaphore(%dma_start3A_668 : memref<!tpu.dma_semaphore, #tpu.memory_space<semaphore_mem>>) {add = true}
      %mul3A_669 = arith.constant 8 : i32
      %mul3A_670 = arith.muli %scan3A_364, %mul3A_669 : i32
      %add3A_671 = arith.constant 7 : i32
      %add3A_672 = arith.addi %mul3A_670, %add3A_671 : i32
      %add3A_673 = arith.constant 4 : i32
      %add3A_674 = arith.addi %add3A_672, %add3A_673 : i32
      %lt3A_675 = arith.constant 80 : i32
      %lt3A_676 = arith.cmpi slt, %add3A_674, %lt3A_675 : i32
      %convert_element_type3A_677 = arith.extui %lt3A_676 : i1 to i32
      %cond3A_678 = arith.constant 0 : i32
      %cond3A_679 = arith.cmpi ne, %convert_element_type3A_677, %cond3A_678 : i32
      scf.if %cond3A_679 {
        %ge3A = arith.constant 4 : i32
        %ge3A_719 = arith.cmpi sge, %add3A_672, %ge3A : i32
        %convert_element_type3A_720 = arith.extui %ge3A_719 : i1 to i32
        %cond3A_721 = arith.constant 0 : i32
        %cond3A_722 = arith.cmpi ne, %convert_element_type3A_720, %cond3A_721 : i32
        scf.if %cond3A_722 {
          %dma_wait3A_738 = arith.constant 3 : i32
          %dma_wait3A_739 = arith.constant 0 : i32
          %dma_wait3A_740 = arith.constant 0 : i32
          %dma_wait3A_741 = arith.constant 3 : i32
          %dma_wait3A_742 = arith.constant 0 : i32
          %dma_wait3A_743 = arith.constant 0 : i32
          %dma_wait3A_744 = tpu.memref_slice %arg9[%dma_wait3A_738, %dma_wait3A_742, %dma_wait3A_743] : memref<8x128x40xf32, #tpu.memory_space<vmem>> -> memref<1x128x40xf32, #tpu.memory_space<vmem>>
          %dma_wait3A_745 = tpu.memref_squeeze %dma_wait3A_744 : memref<1x128x40xf32, #tpu.memory_space<vmem>> -> memref<128x40xf32, #tpu.memory_space<vmem>>
          %dma_wait3A_746 = arith.constant 0 : i32
          %dma_wait3A_747 = tpu.memref_slice %arg7[%dma_wait3A_739, %dma_wait3A_740, %dma_wait3A_746] : memref<3x8x128xi32, #tpu.memory_space<vmem>> -> memref<1x1x128xi32, #tpu.memory_space<vmem>>
          %dma_wait3A_748 = tpu.memref_squeeze %dma_wait3A_747 : memref<1x1x128xi32, #tpu.memory_space<vmem>> -> memref<128xi32, #tpu.memory_space<vmem>>
          %dma_wait3A_749 = arith.constant 0 : i32
          %dma_wait3A_750 = arith.constant 0 : i32
          %dma_wait3A_751 = tpu.memref_slice %arg6[%dma_wait3A_749, %dma_wait3A_750] : memref<10112x40xf32, #tpu.memory_space<vmem_shared>> -> memref<10112x40xf32, #tpu.memory_space<vmem_shared>>
          %dma_wait3A_752 = tpu.memref_slice %arg12[%dma_wait3A_741] : memref<8x!tpu.dma_semaphore, #tpu.memory_space<semaphore_mem>> -> memref<1x!tpu.dma_semaphore, #tpu.memory_space<semaphore_mem>>
          %dma_wait3A_753 = tpu.memref_squeeze %dma_wait3A_752 : memref<1x!tpu.dma_semaphore, #tpu.memory_space<semaphore_mem>> -> memref<!tpu.dma_semaphore, #tpu.memory_space<semaphore_mem>>
          tpu.wait_indirect_dma semaphore(%dma_wait3A_753 : memref<!tpu.dma_semaphore, #tpu.memory_space<semaphore_mem>>) src(%dma_wait3A_745 : memref<128x40xf32, #tpu.memory_space<vmem>>) dst(%dma_wait3A_751 : memref<10112x40xf32, #tpu.memory_space<vmem_shared>>)
        } else {
        }
        %dma_start3A_723 = arith.constant 3 : i32
        %dma_start3A_724 = arith.constant 3 : i32
        %dma_start3A_725 = arith.constant 3 : i32
        %dma_start3A_726 = arith.constant 0 : i32
        %dma_start3A_727 = arith.constant 0 : i32
        %dma_start3A_728 = tpu.memref_slice %arg9[%dma_start3A_724, %dma_start3A_726, %dma_start3A_727] : memref<8x128x40xf32, #tpu.memory_space<vmem>> -> memref<1x128x40xf32, #tpu.memory_space<vmem>>
        %dma_start3A_729 = tpu.memref_squeeze %dma_start3A_728 : memref<1x128x40xf32, #tpu.memory_space<vmem>> -> memref<128x40xf32, #tpu.memory_space<vmem>>
        %dma_start3A_730 = arith.constant 0 : i32
        %dma_start3A_731 = tpu.memref_slice %arg8[%rem3A_370, %dma_start3A_723, %dma_start3A_730] : memref<3x8x128xi32, #tpu.memory_space<vmem>> -> memref<1x1x128xi32, #tpu.memory_space<vmem>>
        %dma_start3A_732 = tpu.memref_squeeze %dma_start3A_731 : memref<1x1x128xi32, #tpu.memory_space<vmem>> -> memref<128xi32, #tpu.memory_space<vmem>>
        %dma_start3A_733 = arith.constant 0 : i32
        %dma_start3A_734 = arith.constant 0 : i32
        %dma_start3A_735 = tpu.memref_slice %arg13[%dma_start3A_733, %dma_start3A_734] : memref<10112x40xf32, #tpu.memory_space<vmem_shared>> -> memref<10112x40xf32, #tpu.memory_space<vmem_shared>>
        %dma_start3A_736 = tpu.memref_slice %arg10[%dma_start3A_725] : memref<8x!tpu.dma_semaphore, #tpu.memory_space<semaphore_mem>> -> memref<1x!tpu.dma_semaphore, #tpu.memory_space<semaphore_mem>>
        %dma_start3A_737 = tpu.memref_squeeze %dma_start3A_736 : memref<1x!tpu.dma_semaphore, #tpu.memory_space<semaphore_mem>> -> memref<!tpu.dma_semaphore, #tpu.memory_space<semaphore_mem>>
        tpu.enqueue_indirect_dma source(%dma_start3A_735 : memref<10112x40xf32, #tpu.memory_space<vmem_shared>>) target(%dma_start3A_729 : memref<128x40xf32, #tpu.memory_space<vmem>>) offsets(%dma_start3A_732 : memref<128xi32, #tpu.memory_space<vmem>>) semaphore(%dma_start3A_737 : memref<!tpu.dma_semaphore, #tpu.memory_space<semaphore_mem>>)
      } else {
      }
      %dma_wait3A_680 = arith.constant 0 : i32
      %dma_wait3A_681 = arith.constant 0 : i32
      %dma_wait3A_682 = arith.constant 7 : i32
      %dma_wait3A_683 = arith.constant 7 : i32
      %dma_wait3A_684 = arith.constant 0 : i32
      %dma_wait3A_685 = arith.constant 0 : i32
      %dma_wait3A_686 = tpu.memref_slice %arg9[%dma_wait3A_682, %dma_wait3A_684, %dma_wait3A_685] : memref<8x128x40xf32, #tpu.memory_space<vmem>> -> memref<1x128x40xf32, #tpu.memory_space<vmem>>
      %dma_wait3A_687 = tpu.memref_squeeze %dma_wait3A_686 : memref<1x128x40xf32, #tpu.memory_space<vmem>> -> memref<128x40xf32, #tpu.memory_space<vmem>>
      %dma_wait3A_688 = arith.constant 0 : i32
      %dma_wait3A_689 = tpu.memref_slice %arg8[%dma_wait3A_680, %dma_wait3A_681, %dma_wait3A_688] : memref<3x8x128xi32, #tpu.memory_space<vmem>> -> memref<1x1x128xi32, #tpu.memory_space<vmem>>
      %dma_wait3A_690 = tpu.memref_squeeze %dma_wait3A_689 : memref<1x1x128xi32, #tpu.memory_space<vmem>> -> memref<128xi32, #tpu.memory_space<vmem>>
      %dma_wait3A_691 = arith.constant 0 : i32
      %dma_wait3A_692 = arith.constant 0 : i32
      %dma_wait3A_693 = tpu.memref_slice %arg13[%dma_wait3A_691, %dma_wait3A_692] : memref<10112x40xf32, #tpu.memory_space<vmem_shared>> -> memref<10112x40xf32, #tpu.memory_space<vmem_shared>>
      %dma_wait3A_694 = tpu.memref_slice %arg10[%dma_wait3A_683] : memref<8x!tpu.dma_semaphore, #tpu.memory_space<semaphore_mem>> -> memref<1x!tpu.dma_semaphore, #tpu.memory_space<semaphore_mem>>
      %dma_wait3A_695 = tpu.memref_squeeze %dma_wait3A_694 : memref<1x!tpu.dma_semaphore, #tpu.memory_space<semaphore_mem>> -> memref<!tpu.dma_semaphore, #tpu.memory_space<semaphore_mem>>
      tpu.wait_indirect_dma semaphore(%dma_wait3A_695 : memref<!tpu.dma_semaphore, #tpu.memory_space<semaphore_mem>>) src(%dma_wait3A_693 : memref<10112x40xf32, #tpu.memory_space<vmem_shared>>) dst(%dma_wait3A_687 : memref<128x40xf32, #tpu.memory_space<vmem>>)
      %dma_start3A_696 = arith.constant 7 : i32
      %dma_start3A_697 = arith.constant 7 : i32
      %dma_start3A_698 = arith.constant 7 : i32
      %dma_start3A_699 = arith.constant 0 : i32
      %dma_start3A_700 = arith.constant 0 : i32
      %dma_start3A_701 = tpu.memref_slice %arg9[%dma_start3A_696, %dma_start3A_699, %dma_start3A_700] : memref<8x128x40xf32, #tpu.memory_space<vmem>> -> memref<1x128x40xf32, #tpu.memory_space<vmem>>
      %dma_start3A_702 = tpu.memref_squeeze %dma_start3A_701 : memref<1x128x40xf32, #tpu.memory_space<vmem>> -> memref<128x40xf32, #tpu.memory_space<vmem>>
      %dma_start3A_703 = arith.constant 0 : i32
      %dma_start3A_704 = tpu.memref_slice %arg7[%rem3A_366, %dma_start3A_697, %dma_start3A_703] : memref<3x8x128xi32, #tpu.memory_space<vmem>> -> memref<1x1x128xi32, #tpu.memory_space<vmem>>
      %dma_start3A_705 = tpu.memref_squeeze %dma_start3A_704 : memref<1x1x128xi32, #tpu.memory_space<vmem>> -> memref<128xi32, #tpu.memory_space<vmem>>
      %dma_start3A_706 = arith.constant 0 : i32
      %dma_start3A_707 = arith.constant 0 : i32
      %dma_start3A_708 = tpu.memref_slice %arg6[%dma_start3A_706, %dma_start3A_707] : memref<10112x40xf32, #tpu.memory_space<vmem_shared>> -> memref<10112x40xf32, #tpu.memory_space<vmem_shared>>
      %dma_start3A_709 = tpu.memref_slice %arg12[%dma_start3A_698] : memref<8x!tpu.dma_semaphore, #tpu.memory_space<semaphore_mem>> -> memref<1x!tpu.dma_semaphore, #tpu.memory_space<semaphore_mem>>
      %dma_start3A_710 = tpu.memref_squeeze %dma_start3A_709 : memref<1x!tpu.dma_semaphore, #tpu.memory_space<semaphore_mem>> -> memref<!tpu.dma_semaphore, #tpu.memory_space<semaphore_mem>>
      tpu.enqueue_indirect_dma source(%dma_start3A_702 : memref<128x40xf32, #tpu.memory_space<vmem>>) target(%dma_start3A_708 : memref<10112x40xf32, #tpu.memory_space<vmem_shared>>) offsets(%dma_start3A_705 : memref<128xi32, #tpu.memory_space<vmem>>) semaphore(%dma_start3A_710 : memref<!tpu.dma_semaphore, #tpu.memory_space<semaphore_mem>>) {add = true}
      %add3A_711 = arith.constant 2 : i32
      %add3A_712 = arith.addi %scan3A_364, %add3A_711 : i32
      %lt3A_713 = arith.constant 10 : i32
      %lt3A_714 = arith.cmpi slt, %add3A_712, %lt3A_713 : i32
      %convert_element_type3A_715 = arith.extui %lt3A_714 : i1 to i32
      %cond3A_716 = arith.constant 0 : i32
      %cond3A_717 = arith.cmpi ne, %convert_element_type3A_715, %cond3A_716 : i32
      scf.if %cond3A_717 {
        %add3A_719 = arith.constant 2 : i32
        %add3A_720 = arith.addi %scan3A_364, %add3A_719 : i32
        %add3A_721 = arith.constant 2 : i32
        %add3A_722 = arith.addi %scan3A_364, %add3A_721 : i32
        %rem3A_723 = arith.constant 3 : i32
        %rem3A_724 = arith.remsi %add3A_722, %rem3A_723 : i32
        %mul3A_725 = arith.constant 8 : i32
        %mul3A_726 = arith.muli %add3A_720, %mul3A_725 : i32
        %dma_start3A_727 = arith.constant 0 : i32
        %dma_start3A_728 = arith.constant 0 : i32
        %dma_start3A_729 = tpu.memref_slice %arg8[%rem3A_724, %dma_start3A_727, %dma_start3A_728] : memref<3x8x128xi32, #tpu.memory_space<vmem>> -> memref<1x8x128xi32, #tpu.memory_space<vmem>>
        %dma_start3A_730 = tpu.memref_squeeze %dma_start3A_729 : memref<1x8x128xi32, #tpu.memory_space<vmem>> -> memref<8x128xi32, #tpu.memory_space<vmem>>
        %dma_start3A_731 = arith.constant 0 : i32
        %dma_start3A_732 = tpu.memref_slice %arg3[%add3A, %mul3A_726, %dma_start3A_731] : memref<32x80x128xi32, #tpu.memory_space<hbm>> -> memref<1x8x128xi32, #tpu.memory_space<hbm>>
        %dma_start3A_733 = tpu.memref_squeeze %dma_start3A_732 : memref<1x8x128xi32, #tpu.memory_space<hbm>> -> memref<8x128xi32, #tpu.memory_space<hbm>>
        %dma_start3A_734 = tpu.memref_slice %arg11[%rem3A_724] : memref<3x!tpu.dma_semaphore, #tpu.memory_space<semaphore_mem>> -> memref<1x!tpu.dma_semaphore, #tpu.memory_space<semaphore_mem>>
        %dma_start3A_735 = tpu.memref_squeeze %dma_start3A_734 : memref<1x!tpu.dma_semaphore, #tpu.memory_space<semaphore_mem>> -> memref<!tpu.dma_semaphore, #tpu.memory_space<semaphore_mem>>
        %dma_start3A_736 = arith.constant 0 : i32
        %dma_start3A_737 = arith.constant 0 : i32
        %dma_start3A_738 = tpu.memref_slice %arg8[%rem3A_724, %dma_start3A_736, %dma_start3A_737] : memref<3x8x128xi32, #tpu.memory_space<vmem>> -> memref<1x8x128xi32, #tpu.memory_space<vmem>>
        %dma_start3A_739 = tpu.memref_squeeze %dma_start3A_738 : memref<1x8x128xi32, #tpu.memory_space<vmem>> -> memref<8x128xi32, #tpu.memory_space<vmem>>
        %dma_start3A_740 = arith.constant 0 : i32
        %dma_start3A_741 = tpu.memref_slice %arg3[%add3A, %mul3A_726, %dma_start3A_740] : memref<32x80x128xi32, #tpu.memory_space<hbm>> -> memref<1x8x128xi32, #tpu.memory_space<hbm>>
        %dma_start3A_742 = tpu.memref_squeeze %dma_start3A_741 : memref<1x8x128xi32, #tpu.memory_space<hbm>> -> memref<8x128xi32, #tpu.memory_space<hbm>>
        tpu.enqueue_dma source(%dma_start3A_742 : memref<8x128xi32, #tpu.memory_space<hbm>>) target(%dma_start3A_739 : memref<8x128xi32, #tpu.memory_space<vmem>>) target_semaphore(%dma_start3A_735 : memref<!tpu.dma_semaphore, #tpu.memory_space<semaphore_mem>>)
        %dma_start3A_743 = arith.constant 0 : i32
        %dma_start3A_744 = arith.constant 0 : i32
        %dma_start3A_745 = tpu.memref_slice %arg7[%rem3A_724, %dma_start3A_743, %dma_start3A_744] : memref<3x8x128xi32, #tpu.memory_space<vmem>> -> memref<1x8x128xi32, #tpu.memory_space<vmem>>
        %dma_start3A_746 = tpu.memref_squeeze %dma_start3A_745 : memref<1x8x128xi32, #tpu.memory_space<vmem>> -> memref<8x128xi32, #tpu.memory_space<vmem>>
        %dma_start3A_747 = arith.constant 0 : i32
        %dma_start3A_748 = tpu.memref_slice %arg4[%add3A, %mul3A_726, %dma_start3A_747] : memref<32x80x128xi32, #tpu.memory_space<hbm>> -> memref<1x8x128xi32, #tpu.memory_space<hbm>>
        %dma_start3A_749 = tpu.memref_squeeze %dma_start3A_748 : memref<1x8x128xi32, #tpu.memory_space<hbm>> -> memref<8x128xi32, #tpu.memory_space<hbm>>
        %dma_start3A_750 = tpu.memref_slice %arg11[%rem3A_724] : memref<3x!tpu.dma_semaphore, #tpu.memory_space<semaphore_mem>> -> memref<1x!tpu.dma_semaphore, #tpu.memory_space<semaphore_mem>>
        %dma_start3A_751 = tpu.memref_squeeze %dma_start3A_750 : memref<1x!tpu.dma_semaphore, #tpu.memory_space<semaphore_mem>> -> memref<!tpu.dma_semaphore, #tpu.memory_space<semaphore_mem>>
        %dma_start3A_752 = arith.constant 0 : i32
        %dma_start3A_753 = arith.constant 0 : i32
        %dma_start3A_754 = tpu.memref_slice %arg7[%rem3A_724, %dma_start3A_752, %dma_start3A_753] : memref<3x8x128xi32, #tpu.memory_space<vmem>> -> memref<1x8x128xi32, #tpu.memory_space<vmem>>
        %dma_start3A_755 = tpu.memref_squeeze %dma_start3A_754 : memref<1x8x128xi32, #tpu.memory_space<vmem>> -> memref<8x128xi32, #tpu.memory_space<vmem>>
        %dma_start3A_756 = arith.constant 0 : i32
        %dma_start3A_757 = tpu.memref_slice %arg4[%add3A, %mul3A_726, %dma_start3A_756] : memref<32x80x128xi32, #tpu.memory_space<hbm>> -> memref<1x8x128xi32, #tpu.memory_space<hbm>>
        %dma_start3A_758 = tpu.memref_squeeze %dma_start3A_757 : memref<1x8x128xi32, #tpu.memory_space<hbm>> -> memref<8x128xi32, #tpu.memory_space<hbm>>
        tpu.enqueue_dma source(%dma_start3A_758 : memref<8x128xi32, #tpu.memory_space<hbm>>) target(%dma_start3A_755 : memref<8x128xi32, #tpu.memory_space<vmem>>) target_semaphore(%dma_start3A_751 : memref<!tpu.dma_semaphore, #tpu.memory_space<semaphore_mem>>)
      } else {
      }
      %scan3A_718 = arith.constant 0 : i32
      scf.yield %scan3A_718 : i32
    }
    %scan3A_230 = arith.constant 10 : i32
    %dma_wait3A_231 = arith.constant 0 : i32
    %dma_wait3A_232 = arith.constant 0 : i32
    %dma_wait3A_233 = arith.constant 0 : i32
    %dma_wait3A_234 = arith.constant 0 : i32
    %dma_wait3A_235 = arith.constant 0 : i32
    %dma_wait3A_236 = arith.constant 0 : i32
    %dma_wait3A_237 = tpu.memref_slice %arg9[%dma_wait3A_231, %dma_wait3A_235, %dma_wait3A_236] : memref<8x128x40xf32, #tpu.memory_space<vmem>> -> memref<1x128x40xf32, #tpu.memory_space<vmem>>
    %dma_wait3A_238 = tpu.memref_squeeze %dma_wait3A_237 : memref<1x128x40xf32, #tpu.memory_space<vmem>> -> memref<128x40xf32, #tpu.memory_space<vmem>>
    %dma_wait3A_239 = arith.constant 0 : i32
    %dma_wait3A_240 = tpu.memref_slice %arg7[%dma_wait3A_232, %dma_wait3A_233, %dma_wait3A_239] : memref<3x8x128xi32, #tpu.memory_space<vmem>> -> memref<1x1x128xi32, #tpu.memory_space<vmem>>
    %dma_wait3A_241 = tpu.memref_squeeze %dma_wait3A_240 : memref<1x1x128xi32, #tpu.memory_space<vmem>> -> memref<128xi32, #tpu.memory_space<vmem>>
    %dma_wait3A_242 = arith.constant 0 : i32
    %dma_wait3A_243 = arith.constant 0 : i32
    %dma_wait3A_244 = tpu.memref_slice %arg6[%dma_wait3A_242, %dma_wait3A_243] : memref<10112x40xf32, #tpu.memory_space<vmem_shared>> -> memref<10112x40xf32, #tpu.memory_space<vmem_shared>>
    %dma_wait3A_245 = tpu.memref_slice %arg12[%dma_wait3A_234] : memref<8x!tpu.dma_semaphore, #tpu.memory_space<semaphore_mem>> -> memref<1x!tpu.dma_semaphore, #tpu.memory_space<semaphore_mem>>
    %dma_wait3A_246 = tpu.memref_squeeze %dma_wait3A_245 : memref<1x!tpu.dma_semaphore, #tpu.memory_space<semaphore_mem>> -> memref<!tpu.dma_semaphore, #tpu.memory_space<semaphore_mem>>
    tpu.wait_indirect_dma semaphore(%dma_wait3A_246 : memref<!tpu.dma_semaphore, #tpu.memory_space<semaphore_mem>>) src(%dma_wait3A_238 : memref<128x40xf32, #tpu.memory_space<vmem>>) dst(%dma_wait3A_244 : memref<10112x40xf32, #tpu.memory_space<vmem_shared>>)
    %dma_wait3A_247 = arith.constant 1 : i32
    %dma_wait3A_248 = arith.constant 0 : i32
    %dma_wait3A_249 = arith.constant 0 : i32
    %dma_wait3A_250 = arith.constant 1 : i32
    %dma_wait3A_251 = arith.constant 0 : i32
    %dma_wait3A_252 = arith.constant 0 : i32
    %dma_wait3A_253 = tpu.memref_slice %arg9[%dma_wait3A_247, %dma_wait3A_251, %dma_wait3A_252] : memref<8x128x40xf32, #tpu.memory_space<vmem>> -> memref<1x128x40xf32, #tpu.memory_space<vmem>>
    %dma_wait3A_254 = tpu.memref_squeeze %dma_wait3A_253 : memref<1x128x40xf32, #tpu.memory_space<vmem>> -> memref<128x40xf32, #tpu.memory_space<vmem>>
    %dma_wait3A_255 = arith.constant 0 : i32
    %dma_wait3A_256 = tpu.memref_slice %arg7[%dma_wait3A_248, %dma_wait3A_249, %dma_wait3A_255] : memref<3x8x128xi32, #tpu.memory_space<vmem>> -> memref<1x1x128xi32, #tpu.memory_space<vmem>>
    %dma_wait3A_257 = tpu.memref_squeeze %dma_wait3A_256 : memref<1x1x128xi32, #tpu.memory_space<vmem>> -> memref<128xi32, #tpu.memory_space<vmem>>
    %dma_wait3A_258 = arith.constant 0 : i32
    %dma_wait3A_259 = arith.constant 0 : i32
    %dma_wait3A_260 = tpu.memref_slice %arg6[%dma_wait3A_258, %dma_wait3A_259] : memref<10112x40xf32, #tpu.memory_space<vmem_shared>> -> memref<10112x40xf32, #tpu.memory_space<vmem_shared>>
    %dma_wait3A_261 = tpu.memref_slice %arg12[%dma_wait3A_250] : memref<8x!tpu.dma_semaphore, #tpu.memory_space<semaphore_mem>> -> memref<1x!tpu.dma_semaphore, #tpu.memory_space<semaphore_mem>>
    %dma_wait3A_262 = tpu.memref_squeeze %dma_wait3A_261 : memref<1x!tpu.dma_semaphore, #tpu.memory_space<semaphore_mem>> -> memref<!tpu.dma_semaphore, #tpu.memory_space<semaphore_mem>>
    tpu.wait_indirect_dma semaphore(%dma_wait3A_262 : memref<!tpu.dma_semaphore, #tpu.memory_space<semaphore_mem>>) src(%dma_wait3A_254 : memref<128x40xf32, #tpu.memory_space<vmem>>) dst(%dma_wait3A_260 : memref<10112x40xf32, #tpu.memory_space<vmem_shared>>)
    %dma_wait3A_263 = arith.constant 2 : i32
    %dma_wait3A_264 = arith.constant 0 : i32
    %dma_wait3A_265 = arith.constant 0 : i32
    %dma_wait3A_266 = arith.constant 2 : i32
    %dma_wait3A_267 = arith.constant 0 : i32
    %dma_wait3A_268 = arith.constant 0 : i32
    %dma_wait3A_269 = tpu.memref_slice %arg9[%dma_wait3A_263, %dma_wait3A_267, %dma_wait3A_268] : memref<8x128x40xf32, #tpu.memory_space<vmem>> -> memref<1x128x40xf32, #tpu.memory_space<vmem>>
    %dma_wait3A_270 = tpu.memref_squeeze %dma_wait3A_269 : memref<1x128x40xf32, #tpu.memory_space<vmem>> -> memref<128x40xf32, #tpu.memory_space<vmem>>
    %dma_wait3A_271 = arith.constant 0 : i32
    %dma_wait3A_272 = tpu.memref_slice %arg7[%dma_wait3A_264, %dma_wait3A_265, %dma_wait3A_271] : memref<3x8x128xi32, #tpu.memory_space<vmem>> -> memref<1x1x128xi32, #tpu.memory_space<vmem>>
    %dma_wait3A_273 = tpu.memref_squeeze %dma_wait3A_272 : memref<1x1x128xi32, #tpu.memory_space<vmem>> -> memref<128xi32, #tpu.memory_space<vmem>>
    %dma_wait3A_274 = arith.constant 0 : i32
    %dma_wait3A_275 = arith.constant 0 : i32
    %dma_wait3A_276 = tpu.memref_slice %arg6[%dma_wait3A_274, %dma_wait3A_275] : memref<10112x40xf32, #tpu.memory_space<vmem_shared>> -> memref<10112x40xf32, #tpu.memory_space<vmem_shared>>
    %dma_wait3A_277 = tpu.memref_slice %arg12[%dma_wait3A_266] : memref<8x!tpu.dma_semaphore, #tpu.memory_space<semaphore_mem>> -> memref<1x!tpu.dma_semaphore, #tpu.memory_space<semaphore_mem>>
    %dma_wait3A_278 = tpu.memref_squeeze %dma_wait3A_277 : memref<1x!tpu.dma_semaphore, #tpu.memory_space<semaphore_mem>> -> memref<!tpu.dma_semaphore, #tpu.memory_space<semaphore_mem>>
    tpu.wait_indirect_dma semaphore(%dma_wait3A_278 : memref<!tpu.dma_semaphore, #tpu.memory_space<semaphore_mem>>) src(%dma_wait3A_270 : memref<128x40xf32, #tpu.memory_space<vmem>>) dst(%dma_wait3A_276 : memref<10112x40xf32, #tpu.memory_space<vmem_shared>>)
    %dma_wait3A_279 = arith.constant 3 : i32
    %dma_wait3A_280 = arith.constant 0 : i32
    %dma_wait3A_281 = arith.constant 0 : i32
    %dma_wait3A_282 = arith.constant 3 : i32
    %dma_wait3A_283 = arith.constant 0 : i32
    %dma_wait3A_284 = arith.constant 0 : i32
    %dma_wait3A_285 = tpu.memref_slice %arg9[%dma_wait3A_279, %dma_wait3A_283, %dma_wait3A_284] : memref<8x128x40xf32, #tpu.memory_space<vmem>> -> memref<1x128x40xf32, #tpu.memory_space<vmem>>
    %dma_wait3A_286 = tpu.memref_squeeze %dma_wait3A_285 : memref<1x128x40xf32, #tpu.memory_space<vmem>> -> memref<128x40xf32, #tpu.memory_space<vmem>>
    %dma_wait3A_287 = arith.constant 0 : i32
    %dma_wait3A_288 = tpu.memref_slice %arg7[%dma_wait3A_280, %dma_wait3A_281, %dma_wait3A_287] : memref<3x8x128xi32, #tpu.memory_space<vmem>> -> memref<1x1x128xi32, #tpu.memory_space<vmem>>
    %dma_wait3A_289 = tpu.memref_squeeze %dma_wait3A_288 : memref<1x1x128xi32, #tpu.memory_space<vmem>> -> memref<128xi32, #tpu.memory_space<vmem>>
    %dma_wait3A_290 = arith.constant 0 : i32
    %dma_wait3A_291 = arith.constant 0 : i32
    %dma_wait3A_292 = tpu.memref_slice %arg6[%dma_wait3A_290, %dma_wait3A_291] : memref<10112x40xf32, #tpu.memory_space<vmem_shared>> -> memref<10112x40xf32, #tpu.memory_space<vmem_shared>>
    %dma_wait3A_293 = tpu.memref_slice %arg12[%dma_wait3A_282] : memref<8x!tpu.dma_semaphore, #tpu.memory_space<semaphore_mem>> -> memref<1x!tpu.dma_semaphore, #tpu.memory_space<semaphore_mem>>
    %dma_wait3A_294 = tpu.memref_squeeze %dma_wait3A_293 : memref<1x!tpu.dma_semaphore, #tpu.memory_space<semaphore_mem>> -> memref<!tpu.dma_semaphore, #tpu.memory_space<semaphore_mem>>
    tpu.wait_indirect_dma semaphore(%dma_wait3A_294 : memref<!tpu.dma_semaphore, #tpu.memory_space<semaphore_mem>>) src(%dma_wait3A_286 : memref<128x40xf32, #tpu.memory_space<vmem>>) dst(%dma_wait3A_292 : memref<10112x40xf32, #tpu.memory_space<vmem_shared>>)
    %dma_wait3A_295 = arith.constant 4 : i32
    %dma_wait3A_296 = arith.constant 0 : i32
    %dma_wait3A_297 = arith.constant 0 : i32
    %dma_wait3A_298 = arith.constant 4 : i32
    %dma_wait3A_299 = arith.constant 0 : i32
    %dma_wait3A_300 = arith.constant 0 : i32
    %dma_wait3A_301 = tpu.memref_slice %arg9[%dma_wait3A_295, %dma_wait3A_299, %dma_wait3A_300] : memref<8x128x40xf32, #tpu.memory_space<vmem>> -> memref<1x128x40xf32, #tpu.memory_space<vmem>>
    %dma_wait3A_302 = tpu.memref_squeeze %dma_wait3A_301 : memref<1x128x40xf32, #tpu.memory_space<vmem>> -> memref<128x40xf32, #tpu.memory_space<vmem>>
    %dma_wait3A_303 = arith.constant 0 : i32
    %dma_wait3A_304 = tpu.memref_slice %arg7[%dma_wait3A_296, %dma_wait3A_297, %dma_wait3A_303] : memref<3x8x128xi32, #tpu.memory_space<vmem>> -> memref<1x1x128xi32, #tpu.memory_space<vmem>>
    %dma_wait3A_305 = tpu.memref_squeeze %dma_wait3A_304 : memref<1x1x128xi32, #tpu.memory_space<vmem>> -> memref<128xi32, #tpu.memory_space<vmem>>
    %dma_wait3A_306 = arith.constant 0 : i32
    %dma_wait3A_307 = arith.constant 0 : i32
    %dma_wait3A_308 = tpu.memref_slice %arg6[%dma_wait3A_306, %dma_wait3A_307] : memref<10112x40xf32, #tpu.memory_space<vmem_shared>> -> memref<10112x40xf32, #tpu.memory_space<vmem_shared>>
    %dma_wait3A_309 = tpu.memref_slice %arg12[%dma_wait3A_298] : memref<8x!tpu.dma_semaphore, #tpu.memory_space<semaphore_mem>> -> memref<1x!tpu.dma_semaphore, #tpu.memory_space<semaphore_mem>>
    %dma_wait3A_310 = tpu.memref_squeeze %dma_wait3A_309 : memref<1x!tpu.dma_semaphore, #tpu.memory_space<semaphore_mem>> -> memref<!tpu.dma_semaphore, #tpu.memory_space<semaphore_mem>>
    tpu.wait_indirect_dma semaphore(%dma_wait3A_310 : memref<!tpu.dma_semaphore, #tpu.memory_space<semaphore_mem>>) src(%dma_wait3A_302 : memref<128x40xf32, #tpu.memory_space<vmem>>) dst(%dma_wait3A_308 : memref<10112x40xf32, #tpu.memory_space<vmem_shared>>)
    %dma_wait3A_311 = arith.constant 5 : i32
    %dma_wait3A_312 = arith.constant 0 : i32
    %dma_wait3A_313 = arith.constant 0 : i32
    %dma_wait3A_314 = arith.constant 5 : i32
    %dma_wait3A_315 = arith.constant 0 : i32
    %dma_wait3A_316 = arith.constant 0 : i32
    %dma_wait3A_317 = tpu.memref_slice %arg9[%dma_wait3A_311, %dma_wait3A_315, %dma_wait3A_316] : memref<8x128x40xf32, #tpu.memory_space<vmem>> -> memref<1x128x40xf32, #tpu.memory_space<vmem>>
    %dma_wait3A_318 = tpu.memref_squeeze %dma_wait3A_317 : memref<1x128x40xf32, #tpu.memory_space<vmem>> -> memref<128x40xf32, #tpu.memory_space<vmem>>
    %dma_wait3A_319 = arith.constant 0 : i32
    %dma_wait3A_320 = tpu.memref_slice %arg7[%dma_wait3A_312, %dma_wait3A_313, %dma_wait3A_319] : memref<3x8x128xi32, #tpu.memory_space<vmem>> -> memref<1x1x128xi32, #tpu.memory_space<vmem>>
    %dma_wait3A_321 = tpu.memref_squeeze %dma_wait3A_320 : memref<1x1x128xi32, #tpu.memory_space<vmem>> -> memref<128xi32, #tpu.memory_space<vmem>>
    %dma_wait3A_322 = arith.constant 0 : i32
    %dma_wait3A_323 = arith.constant 0 : i32
    %dma_wait3A_324 = tpu.memref_slice %arg6[%dma_wait3A_322, %dma_wait3A_323] : memref<10112x40xf32, #tpu.memory_space<vmem_shared>> -> memref<10112x40xf32, #tpu.memory_space<vmem_shared>>
    %dma_wait3A_325 = tpu.memref_slice %arg12[%dma_wait3A_314] : memref<8x!tpu.dma_semaphore, #tpu.memory_space<semaphore_mem>> -> memref<1x!tpu.dma_semaphore, #tpu.memory_space<semaphore_mem>>
    %dma_wait3A_326 = tpu.memref_squeeze %dma_wait3A_325 : memref<1x!tpu.dma_semaphore, #tpu.memory_space<semaphore_mem>> -> memref<!tpu.dma_semaphore, #tpu.memory_space<semaphore_mem>>
    tpu.wait_indirect_dma semaphore(%dma_wait3A_326 : memref<!tpu.dma_semaphore, #tpu.memory_space<semaphore_mem>>) src(%dma_wait3A_318 : memref<128x40xf32, #tpu.memory_space<vmem>>) dst(%dma_wait3A_324 : memref<10112x40xf32, #tpu.memory_space<vmem_shared>>)
    %dma_wait3A_327 = arith.constant 6 : i32
    %dma_wait3A_328 = arith.constant 0 : i32
    %dma_wait3A_329 = arith.constant 0 : i32
    %dma_wait3A_330 = arith.constant 6 : i32
    %dma_wait3A_331 = arith.constant 0 : i32
    %dma_wait3A_332 = arith.constant 0 : i32
    %dma_wait3A_333 = tpu.memref_slice %arg9[%dma_wait3A_327, %dma_wait3A_331, %dma_wait3A_332] : memref<8x128x40xf32, #tpu.memory_space<vmem>> -> memref<1x128x40xf32, #tpu.memory_space<vmem>>
    %dma_wait3A_334 = tpu.memref_squeeze %dma_wait3A_333 : memref<1x128x40xf32, #tpu.memory_space<vmem>> -> memref<128x40xf32, #tpu.memory_space<vmem>>
    %dma_wait3A_335 = arith.constant 0 : i32
    %dma_wait3A_336 = tpu.memref_slice %arg7[%dma_wait3A_328, %dma_wait3A_329, %dma_wait3A_335] : memref<3x8x128xi32, #tpu.memory_space<vmem>> -> memref<1x1x128xi32, #tpu.memory_space<vmem>>
    %dma_wait3A_337 = tpu.memref_squeeze %dma_wait3A_336 : memref<1x1x128xi32, #tpu.memory_space<vmem>> -> memref<128xi32, #tpu.memory_space<vmem>>
    %dma_wait3A_338 = arith.constant 0 : i32
    %dma_wait3A_339 = arith.constant 0 : i32
    %dma_wait3A_340 = tpu.memref_slice %arg6[%dma_wait3A_338, %dma_wait3A_339] : memref<10112x40xf32, #tpu.memory_space<vmem_shared>> -> memref<10112x40xf32, #tpu.memory_space<vmem_shared>>
    %dma_wait3A_341 = tpu.memref_slice %arg12[%dma_wait3A_330] : memref<8x!tpu.dma_semaphore, #tpu.memory_space<semaphore_mem>> -> memref<1x!tpu.dma_semaphore, #tpu.memory_space<semaphore_mem>>
    %dma_wait3A_342 = tpu.memref_squeeze %dma_wait3A_341 : memref<1x!tpu.dma_semaphore, #tpu.memory_space<semaphore_mem>> -> memref<!tpu.dma_semaphore, #tpu.memory_space<semaphore_mem>>
    tpu.wait_indirect_dma semaphore(%dma_wait3A_342 : memref<!tpu.dma_semaphore, #tpu.memory_space<semaphore_mem>>) src(%dma_wait3A_334 : memref<128x40xf32, #tpu.memory_space<vmem>>) dst(%dma_wait3A_340 : memref<10112x40xf32, #tpu.memory_space<vmem_shared>>)
    %dma_wait3A_343 = arith.constant 7 : i32
    %dma_wait3A_344 = arith.constant 0 : i32
    %dma_wait3A_345 = arith.constant 0 : i32
    %dma_wait3A_346 = arith.constant 7 : i32
    %dma_wait3A_347 = arith.constant 0 : i32
    %dma_wait3A_348 = arith.constant 0 : i32
    %dma_wait3A_349 = tpu.memref_slice %arg9[%dma_wait3A_343, %dma_wait3A_347, %dma_wait3A_348] : memref<8x128x40xf32, #tpu.memory_space<vmem>> -> memref<1x128x40xf32, #tpu.memory_space<vmem>>
    %dma_wait3A_350 = tpu.memref_squeeze %dma_wait3A_349 : memref<1x128x40xf32, #tpu.memory_space<vmem>> -> memref<128x40xf32, #tpu.memory_space<vmem>>
    %dma_wait3A_351 = arith.constant 0 : i32
    %dma_wait3A_352 = tpu.memref_slice %arg7[%dma_wait3A_344, %dma_wait3A_345, %dma_wait3A_351] : memref<3x8x128xi32, #tpu.memory_space<vmem>> -> memref<1x1x128xi32, #tpu.memory_space<vmem>>
    %dma_wait3A_353 = tpu.memref_squeeze %dma_wait3A_352 : memref<1x1x128xi32, #tpu.memory_space<vmem>> -> memref<128xi32, #tpu.memory_space<vmem>>
    %dma_wait3A_354 = arith.constant 0 : i32
    %dma_wait3A_355 = arith.constant 0 : i32
    %dma_wait3A_356 = tpu.memref_slice %arg6[%dma_wait3A_354, %dma_wait3A_355] : memref<10112x40xf32, #tpu.memory_space<vmem_shared>> -> memref<10112x40xf32, #tpu.memory_space<vmem_shared>>
    %dma_wait3A_357 = tpu.memref_slice %arg12[%dma_wait3A_346] : memref<8x!tpu.dma_semaphore, #tpu.memory_space<semaphore_mem>> -> memref<1x!tpu.dma_semaphore, #tpu.memory_space<semaphore_mem>>
    %dma_wait3A_358 = tpu.memref_squeeze %dma_wait3A_357 : memref<1x!tpu.dma_semaphore, #tpu.memory_space<semaphore_mem>> -> memref<!tpu.dma_semaphore, #tpu.memory_space<semaphore_mem>>
    tpu.wait_indirect_dma semaphore(%dma_wait3A_358 : memref<!tpu.dma_semaphore, #tpu.memory_space<semaphore_mem>>) src(%dma_wait3A_350 : memref<128x40xf32, #tpu.memory_space<vmem>>) dst(%dma_wait3A_356 : memref<10112x40xf32, #tpu.memory_space<vmem_shared>>)
    %barrier3A_359 = arith.constant 0 : index
    tpu.barrier barrier_id(%barrier3A_359)
    %mul3A_360 = arith.constant 632 : i32
    %mul3A_361 = arith.muli %arg1, %mul3A_360 : i32
    %mul3A_362 = arith.constant 40 : i32
    %mul3A_363 = arith.muli %arg0, %mul3A_362 : i32
    "tpu.region"() ({
      %run_scoped3A = tpu.sem_alloc : memref<!tpu.dma_semaphore, #tpu.memory_space<semaphore_mem>>
      %dma_start3A_364 = tpu.memref_slice %arg5[%mul3A_361, %mul3A_363] : memref<10112x128xf32, #tpu.memory_space<hbm>> -> memref<632x40xf32, #tpu.memory_space<hbm>>
      %dma_start3A_365 = arith.constant 0 : i32
      %dma_start3A_366 = tpu.memref_slice %arg6[%mul3A_361, %dma_start3A_365] : memref<10112x40xf32, #tpu.memory_space<vmem_shared>> -> memref<632x40xf32, #tpu.memory_space<vmem_shared>>
      tpu.enqueue_dma source(%dma_start3A_366 : memref<632x40xf32, #tpu.memory_space<vmem_shared>>) target(%dma_start3A_364 : memref<632x40xf32, #tpu.memory_space<hbm>>) target_semaphore(%run_scoped3A : memref<!tpu.dma_semaphore, #tpu.memory_space<semaphore_mem>>)
      %dma_wait3A_367 = tpu.memref_slice %arg5[%mul3A_361, %mul3A_363] : memref<10112x128xf32, #tpu.memory_space<hbm>> -> memref<632x40xf32, #tpu.memory_space<hbm>>
      %dma_wait3A_368 = arith.constant 0 : i32
      %dma_wait3A_369 = tpu.memref_slice %arg6[%mul3A_361, %dma_wait3A_368] : memref<10112x40xf32, #tpu.memory_space<vmem_shared>> -> memref<632x40xf32, #tpu.memory_space<vmem_shared>>
      tpu.wait_dma2 semaphore(%run_scoped3A : memref<!tpu.dma_semaphore, #tpu.memory_space<semaphore_mem>>) src(%dma_wait3A_369 : memref<632x40xf32, #tpu.memory_space<vmem_shared>>) dst(%dma_wait3A_367 : memref<632x40xf32, #tpu.memory_space<hbm>>)
      tpu.yield
    }) : () -> ()
    return
  }
}

#map = affine_map<(d0, d1) -> (0, 0)>
#map1 = affine_map<(d0, d1) -> (0)>
module attributes {stable_mosaic.version = 14 : i64} {
  func.func @_sc_degrees(%arg0: i32, %arg1: i32, %arg2: memref<2x320000xi32, #tpu.memory_space<hbm>>, %arg3: memref<10240xf32, #tpu.memory_space<hbm>>, %arg4: memref<10240xf32, #tpu.memory_space<hbm>>, %arg5: memref<10240xf32, #tpu.memory_space<hbm>>, %arg6: memref<10240xf32, #tpu.memory_space<hbm>>, %arg7: memref<327680xi32, #tpu.memory_space<hbm>>, %arg8: memref<327680xi32, #tpu.memory_space<hbm>>, %arg9: memref<10000xi32, #tpu.memory_space<vmem>>, %arg10: memref<10000xi32, #tpu.memory_space<vmem>>, %arg11: memref<10240xf32, #tpu.memory_space<vmem>>, %arg12: memref<10240xf32, #tpu.memory_space<vmem>>, %arg13: memref<16x2x640xf32, #tpu.memory_space<vmem>>, %arg14: memref<2x640xf32, #tpu.memory_space<vmem>>, %arg15: memref<16x2x10240xf32, #tpu.memory_space<vmem_shared>>, %arg16: memref<240xi32, #tpu.memory_space<vmem>>) attributes {dimension_semantics = [#tpu.dimension_semantics<core_parallel>, #tpu.dimension_semantics<subcore_parallel>], iteration_bounds = array<i64: 2, 16>, scalar_prefetch = 0 : i64, scratch_operands = 8 : i64, tpu.core_type = #tpu.core_type<sc_vector_subcore>, window_params = [{transform_indices = #map}, {transform_indices = #map1}, {transform_indices = #map1}, {transform_indices = #map1}, {transform_indices = #map1}, {transform_indices = #map1}, {transform_indices = #map1}]} {
    %mul3A = arith.constant 2 : i32
    %mul3A_0 = arith.muli %arg1, %mul3A : i32
    %add3A = arith.addi %mul3A_0, %arg0 : i32
    %broadcast_in_dim3A = arith.constant 0.000000e+00 : f32
    %broadcast_in_dim3A_1 = vector.broadcast %broadcast_in_dim3A : f32 to vector<16xf32>
    %scan3A = arith.constant 0 : i32
    %scan3A_2 = arith.constant 0 : i32
    %scan3A_3 = arith.constant 640 : i32
    %scan3A_4 = arith.addi %scan3A_2, %scan3A_3 : i32
    %scan3A_5 = arith.constant 1 : i32
    %scan3A_6 = scf.for %scan3A_75 = %scan3A_2 to %scan3A_4 step %scan3A_5 iter_args(%scan3A_76 = %scan3A) -> (i32)  : i32 {
      %mul3A_77 = arith.constant 16 : i32
      %mul3A_78 = arith.muli %scan3A_75, %mul3A_77 : i32
      %swap3A_79 = arith.index_cast %mul3A_78 : i32 to index
      %swap3A_80 = tpu.vector_load %arg12[%swap3A_79] {strides = array<i32>} : memref<10240xf32, #tpu.memory_space<vmem>>, vector<16xf32>,
      tpu.vector_store %arg12[%swap3A_79], %broadcast_in_dim3A_1 {strides = array<i32>} : memref<10240xf32, #tpu.memory_space<vmem>>, vector<16xf32>,
      %mul3A_81 = arith.constant 16 : i32
      %mul3A_82 = arith.muli %scan3A_75, %mul3A_81 : i32
      %swap3A_83 = arith.index_cast %mul3A_82 : i32 to index
      %swap3A_84 = tpu.vector_load %arg11[%swap3A_83] {strides = array<i32>} : memref<10240xf32, #tpu.memory_space<vmem>>, vector<16xf32>,
      tpu.vector_store %arg11[%swap3A_83], %broadcast_in_dim3A_1 {strides = array<i32>} : memref<10240xf32, #tpu.memory_space<vmem>>, vector<16xf32>,
      %scan3A_85 = arith.constant 0 : i32
      scf.yield %scan3A_85 : i32
    }
    %scan3A_7 = arith.constant 640 : i32
    %mul3A_8 = arith.constant 10000 : i32
    %mul3A_9 = arith.muli %add3A, %mul3A_8 : i32
    %run_scoped3A = arith.constant 0 : i32
    "tpu.region"() ({
      %run_scoped3A_75 = tpu.sem_alloc : memref<!tpu.dma_semaphore, #tpu.memory_space<semaphore_mem>>
      %dma_start3A = tpu.memref_slice %arg2[%run_scoped3A, %mul3A_9] : memref<2x320000xi32, #tpu.memory_space<hbm>> -> memref<1x10000xi32, #tpu.memory_space<hbm>>
      %dma_start3A_76 = tpu.memref_squeeze %dma_start3A : memref<1x10000xi32, #tpu.memory_space<hbm>> -> memref<10000xi32, #tpu.memory_space<hbm>>
      %dma_start3A_77 = tpu.memref_slice %arg2[%run_scoped3A, %mul3A_9] : memref<2x320000xi32, #tpu.memory_space<hbm>> -> memref<1x10000xi32, #tpu.memory_space<hbm>>
      %dma_start3A_78 = tpu.memref_squeeze %dma_start3A_77 : memref<1x10000xi32, #tpu.memory_space<hbm>> -> memref<10000xi32, #tpu.memory_space<hbm>>
      tpu.enqueue_dma source(%dma_start3A_78 : memref<10000xi32, #tpu.memory_space<hbm>>) target(%arg10 : memref<10000xi32, #tpu.memory_space<vmem>>) target_semaphore(%run_scoped3A_75 : memref<!tpu.dma_semaphore, #tpu.memory_space<semaphore_mem>>)
      %dma_wait3A = tpu.memref_slice %arg2[%run_scoped3A, %mul3A_9] : memref<2x320000xi32, #tpu.memory_space<hbm>> -> memref<1x10000xi32, #tpu.memory_space<hbm>>
      %dma_wait3A_79 = tpu.memref_squeeze %dma_wait3A : memref<1x10000xi32, #tpu.memory_space<hbm>> -> memref<10000xi32, #tpu.memory_space<hbm>>
      %dma_wait3A_80 = tpu.memref_slice %arg2[%run_scoped3A, %mul3A_9] : memref<2x320000xi32, #tpu.memory_space<hbm>> -> memref<1x10000xi32, #tpu.memory_space<hbm>>
      %dma_wait3A_81 = tpu.memref_squeeze %dma_wait3A_80 : memref<1x10000xi32, #tpu.memory_space<hbm>> -> memref<10000xi32, #tpu.memory_space<hbm>>
      tpu.wait_dma2 semaphore(%run_scoped3A_75 : memref<!tpu.dma_semaphore, #tpu.memory_space<semaphore_mem>>) src(%dma_wait3A_81 : memref<10000xi32, #tpu.memory_space<hbm>>) dst(%arg10 : memref<10000xi32, #tpu.memory_space<vmem>>)
      tpu.yield
    }) : () -> ()
    %run_scoped3A_10 = arith.constant 1 : i32
    "tpu.region"() ({
      %run_scoped3A_75 = tpu.sem_alloc : memref<!tpu.dma_semaphore, #tpu.memory_space<semaphore_mem>>
      %dma_start3A = tpu.memref_slice %arg2[%run_scoped3A_10, %mul3A_9] : memref<2x320000xi32, #tpu.memory_space<hbm>> -> memref<1x10000xi32, #tpu.memory_space<hbm>>
      %dma_start3A_76 = tpu.memref_squeeze %dma_start3A : memref<1x10000xi32, #tpu.memory_space<hbm>> -> memref<10000xi32, #tpu.memory_space<hbm>>
      %dma_start3A_77 = tpu.memref_slice %arg2[%run_scoped3A_10, %mul3A_9] : memref<2x320000xi32, #tpu.memory_space<hbm>> -> memref<1x10000xi32, #tpu.memory_space<hbm>>
      %dma_start3A_78 = tpu.memref_squeeze %dma_start3A_77 : memref<1x10000xi32, #tpu.memory_space<hbm>> -> memref<10000xi32, #tpu.memory_space<hbm>>
      tpu.enqueue_dma source(%dma_start3A_78 : memref<10000xi32, #tpu.memory_space<hbm>>) target(%arg9 : memref<10000xi32, #tpu.memory_space<vmem>>) target_semaphore(%run_scoped3A_75 : memref<!tpu.dma_semaphore, #tpu.memory_space<semaphore_mem>>)
      %dma_wait3A = tpu.memref_slice %arg2[%run_scoped3A_10, %mul3A_9] : memref<2x320000xi32, #tpu.memory_space<hbm>> -> memref<1x10000xi32, #tpu.memory_space<hbm>>
      %dma_wait3A_79 = tpu.memref_squeeze %dma_wait3A : memref<1x10000xi32, #tpu.memory_space<hbm>> -> memref<10000xi32, #tpu.memory_space<hbm>>
      %dma_wait3A_80 = tpu.memref_slice %arg2[%run_scoped3A_10, %mul3A_9] : memref<2x320000xi32, #tpu.memory_space<hbm>> -> memref<1x10000xi32, #tpu.memory_space<hbm>>
      %dma_wait3A_81 = tpu.memref_squeeze %dma_wait3A_80 : memref<1x10000xi32, #tpu.memory_space<hbm>> -> memref<10000xi32, #tpu.memory_space<hbm>>
      tpu.wait_dma2 semaphore(%run_scoped3A_75 : memref<!tpu.dma_semaphore, #tpu.memory_space<semaphore_mem>>) src(%dma_wait3A_81 : memref<10000xi32, #tpu.memory_space<hbm>>) dst(%arg9 : memref<10000xi32, #tpu.memory_space<vmem>>)
      tpu.yield
    }) : () -> ()
    %broadcast_in_dim3A_11 = arith.constant 10000 : i32
    %broadcast_in_dim3A_12 = vector.broadcast %broadcast_in_dim3A_11 : i32 to vector<16xi32>
    %swap3A = arith.constant 0 : index
    %swap3A_13 = tpu.vector_load %arg16[%swap3A] {strides = array<i32>} : memref<240xi32, #tpu.memory_space<vmem>>, vector<16xi32>,
    tpu.vector_store %arg16[%swap3A], %broadcast_in_dim3A_12 {strides = array<i32>} : memref<240xi32, #tpu.memory_space<vmem>>, vector<16xi32>,
    %swap3A_14 = arith.constant 16 : index
    %swap3A_15 = tpu.vector_load %arg16[%swap3A_14] {strides = array<i32>} : memref<240xi32, #tpu.memory_space<vmem>>, vector<16xi32>,
    tpu.vector_store %arg16[%swap3A_14], %broadcast_in_dim3A_12 {strides = array<i32>} : memref<240xi32, #tpu.memory_space<vmem>>, vector<16xi32>,
    %swap3A_16 = arith.constant 32 : index
    %swap3A_17 = tpu.vector_load %arg16[%swap3A_16] {strides = array<i32>} : memref<240xi32, #tpu.memory_space<vmem>>, vector<16xi32>,
    tpu.vector_store %arg16[%swap3A_16], %broadcast_in_dim3A_12 {strides = array<i32>} : memref<240xi32, #tpu.memory_space<vmem>>, vector<16xi32>,
    %swap3A_18 = arith.constant 48 : index
    %swap3A_19 = tpu.vector_load %arg16[%swap3A_18] {strides = array<i32>} : memref<240xi32, #tpu.memory_space<vmem>>, vector<16xi32>,
    tpu.vector_store %arg16[%swap3A_18], %broadcast_in_dim3A_12 {strides = array<i32>} : memref<240xi32, #tpu.memory_space<vmem>>, vector<16xi32>,
    %swap3A_20 = arith.constant 64 : index
    %swap3A_21 = tpu.vector_load %arg16[%swap3A_20] {strides = array<i32>} : memref<240xi32, #tpu.memory_space<vmem>>, vector<16xi32>,
    tpu.vector_store %arg16[%swap3A_20], %broadcast_in_dim3A_12 {strides = array<i32>} : memref<240xi32, #tpu.memory_space<vmem>>, vector<16xi32>,
    %swap3A_22 = arith.constant 80 : index
    %swap3A_23 = tpu.vector_load %arg16[%swap3A_22] {strides = array<i32>} : memref<240xi32, #tpu.memory_space<vmem>>, vector<16xi32>,
    tpu.vector_store %arg16[%swap3A_22], %broadcast_in_dim3A_12 {strides = array<i32>} : memref<240xi32, #tpu.memory_space<vmem>>, vector<16xi32>,
    %swap3A_24 = arith.constant 96 : index
    %swap3A_25 = tpu.vector_load %arg16[%swap3A_24] {strides = array<i32>} : memref<240xi32, #tpu.memory_space<vmem>>, vector<16xi32>,
    tpu.vector_store %arg16[%swap3A_24], %broadcast_in_dim3A_12 {strides = array<i32>} : memref<240xi32, #tpu.memory_space<vmem>>, vector<16xi32>,
    %swap3A_26 = arith.constant 112 : index
    %swap3A_27 = tpu.vector_load %arg16[%swap3A_26] {strides = array<i32>} : memref<240xi32, #tpu.memory_space<vmem>>, vector<16xi32>,
    tpu.vector_store %arg16[%swap3A_26], %broadcast_in_dim3A_12 {strides = array<i32>} : memref<240xi32, #tpu.memory_space<vmem>>, vector<16xi32>,
    %swap3A_28 = arith.constant 128 : index
    %swap3A_29 = tpu.vector_load %arg16[%swap3A_28] {strides = array<i32>} : memref<240xi32, #tpu.memory_space<vmem>>, vector<16xi32>,
    tpu.vector_store %arg16[%swap3A_28], %broadcast_in_dim3A_12 {strides = array<i32>} : memref<240xi32, #tpu.memory_space<vmem>>, vector<16xi32>,
    %swap3A_30 = arith.constant 144 : index
    %swap3A_31 = tpu.vector_load %arg16[%swap3A_30] {strides = array<i32>} : memref<240xi32, #tpu.memory_space<vmem>>, vector<16xi32>,
    tpu.vector_store %arg16[%swap3A_30], %broadcast_in_dim3A_12 {strides = array<i32>} : memref<240xi32, #tpu.memory_space<vmem>>, vector<16xi32>,
    %swap3A_32 = arith.constant 160 : index
    %swap3A_33 = tpu.vector_load %arg16[%swap3A_32] {strides = array<i32>} : memref<240xi32, #tpu.memory_space<vmem>>, vector<16xi32>,
    tpu.vector_store %arg16[%swap3A_32], %broadcast_in_dim3A_12 {strides = array<i32>} : memref<240xi32, #tpu.memory_space<vmem>>, vector<16xi32>,
    %swap3A_34 = arith.constant 176 : index
    %swap3A_35 = tpu.vector_load %arg16[%swap3A_34] {strides = array<i32>} : memref<240xi32, #tpu.memory_space<vmem>>, vector<16xi32>,
    tpu.vector_store %arg16[%swap3A_34], %broadcast_in_dim3A_12 {strides = array<i32>} : memref<240xi32, #tpu.memory_space<vmem>>, vector<16xi32>,
    %swap3A_36 = arith.constant 192 : index
    %swap3A_37 = tpu.vector_load %arg16[%swap3A_36] {strides = array<i32>} : memref<240xi32, #tpu.memory_space<vmem>>, vector<16xi32>,
    tpu.vector_store %arg16[%swap3A_36], %broadcast_in_dim3A_12 {strides = array<i32>} : memref<240xi32, #tpu.memory_space<vmem>>, vector<16xi32>,
    %swap3A_38 = arith.constant 208 : index
    %swap3A_39 = tpu.vector_load %arg16[%swap3A_38] {strides = array<i32>} : memref<240xi32, #tpu.memory_space<vmem>>, vector<16xi32>,
    tpu.vector_store %arg16[%swap3A_38], %broadcast_in_dim3A_12 {strides = array<i32>} : memref<240xi32, #tpu.memory_space<vmem>>, vector<16xi32>,
    %swap3A_40 = arith.constant 224 : index
    %swap3A_41 = tpu.vector_load %arg16[%swap3A_40] {strides = array<i32>} : memref<240xi32, #tpu.memory_space<vmem>>, vector<16xi32>,
    tpu.vector_store %arg16[%swap3A_40], %broadcast_in_dim3A_12 {strides = array<i32>} : memref<240xi32, #tpu.memory_space<vmem>>, vector<16xi32>,
    %mul3A_42 = arith.constant 10240 : i32
    %mul3A_43 = arith.muli %add3A, %mul3A_42 : i32
    "tpu.region"() ({
      %run_scoped3A_75 = tpu.sem_alloc : memref<!tpu.dma_semaphore, #tpu.memory_space<semaphore_mem>>
      %dma_start3A = tpu.memref_slice %arg7[%mul3A_43] : memref<327680xi32, #tpu.memory_space<hbm>> -> memref<10000xi32, #tpu.memory_space<hbm>>
      %dma_start3A_76 = tpu.memref_slice %arg7[%mul3A_43] : memref<327680xi32, #tpu.memory_space<hbm>> -> memref<10000xi32, #tpu.memory_space<hbm>>
      tpu.enqueue_dma source(%arg10 : memref<10000xi32, #tpu.memory_space<vmem>>) target(%dma_start3A_76 : memref<10000xi32, #tpu.memory_space<hbm>>) target_semaphore(%run_scoped3A_75 : memref<!tpu.dma_semaphore, #tpu.memory_space<semaphore_mem>>)
      %dma_wait3A = tpu.memref_slice %arg7[%mul3A_43] : memref<327680xi32, #tpu.memory_space<hbm>> -> memref<10000xi32, #tpu.memory_space<hbm>>
      %dma_wait3A_77 = tpu.memref_slice %arg7[%mul3A_43] : memref<327680xi32, #tpu.memory_space<hbm>> -> memref<10000xi32, #tpu.memory_space<hbm>>
      tpu.wait_dma2 semaphore(%run_scoped3A_75 : memref<!tpu.dma_semaphore, #tpu.memory_space<semaphore_mem>>) src(%arg10 : memref<10000xi32, #tpu.memory_space<vmem>>) dst(%dma_wait3A_77 : memref<10000xi32, #tpu.memory_space<hbm>>)
      tpu.yield
    }) : () -> ()
    "tpu.region"() ({
      %run_scoped3A_75 = tpu.sem_alloc : memref<!tpu.dma_semaphore, #tpu.memory_space<semaphore_mem>>
      %dma_start3A = tpu.memref_slice %arg8[%mul3A_43] : memref<327680xi32, #tpu.memory_space<hbm>> -> memref<10000xi32, #tpu.memory_space<hbm>>
      %dma_start3A_76 = tpu.memref_slice %arg8[%mul3A_43] : memref<327680xi32, #tpu.memory_space<hbm>> -> memref<10000xi32, #tpu.memory_space<hbm>>
      tpu.enqueue_dma source(%arg9 : memref<10000xi32, #tpu.memory_space<vmem>>) target(%dma_start3A_76 : memref<10000xi32, #tpu.memory_space<hbm>>) target_semaphore(%run_scoped3A_75 : memref<!tpu.dma_semaphore, #tpu.memory_space<semaphore_mem>>)
      %dma_wait3A = tpu.memref_slice %arg8[%mul3A_43] : memref<327680xi32, #tpu.memory_space<hbm>> -> memref<10000xi32, #tpu.memory_space<hbm>>
      %dma_wait3A_77 = tpu.memref_slice %arg8[%mul3A_43] : memref<327680xi32, #tpu.memory_space<hbm>> -> memref<10000xi32, #tpu.memory_space<hbm>>
      tpu.wait_dma2 semaphore(%run_scoped3A_75 : memref<!tpu.dma_semaphore, #tpu.memory_space<semaphore_mem>>) src(%arg9 : memref<10000xi32, #tpu.memory_space<vmem>>) dst(%dma_wait3A_77 : memref<10000xi32, #tpu.memory_space<hbm>>)
      tpu.yield
    }) : () -> ()
    %add3A_44 = arith.constant 10000 : i32
    %add3A_45 = arith.addi %mul3A_43, %add3A_44 : i32
    "tpu.region"() ({
      %run_scoped3A_75 = tpu.sem_alloc : memref<!tpu.dma_semaphore, #tpu.memory_space<semaphore_mem>>
      %dma_start3A = tpu.memref_slice %arg7[%add3A_45] : memref<327680xi32, #tpu.memory_space<hbm>> -> memref<240xi32, #tpu.memory_space<hbm>>
      %dma_start3A_76 = tpu.memref_slice %arg7[%add3A_45] : memref<327680xi32, #tpu.memory_space<hbm>> -> memref<240xi32, #tpu.memory_space<hbm>>
      tpu.enqueue_dma source(%arg16 : memref<240xi32, #tpu.memory_space<vmem>>) target(%dma_start3A_76 : memref<240xi32, #tpu.memory_space<hbm>>) target_semaphore(%run_scoped3A_75 : memref<!tpu.dma_semaphore, #tpu.memory_space<semaphore_mem>>)
      %dma_wait3A = tpu.memref_slice %arg7[%add3A_45] : memref<327680xi32, #tpu.memory_space<hbm>> -> memref<240xi32, #tpu.memory_space<hbm>>
      %dma_wait3A_77 = tpu.memref_slice %arg7[%add3A_45] : memref<327680xi32, #tpu.memory_space<hbm>> -> memref<240xi32, #tpu.memory_space<hbm>>
      tpu.wait_dma2 semaphore(%run_scoped3A_75 : memref<!tpu.dma_semaphore, #tpu.memory_space<semaphore_mem>>) src(%arg16 : memref<240xi32, #tpu.memory_space<vmem>>) dst(%dma_wait3A_77 : memref<240xi32, #tpu.memory_space<hbm>>)
      tpu.yield
    }) : () -> ()
    %add3A_46 = arith.constant 10000 : i32
    %add3A_47 = arith.addi %mul3A_43, %add3A_46 : i32
    "tpu.region"() ({
      %run_scoped3A_75 = tpu.sem_alloc : memref<!tpu.dma_semaphore, #tpu.memory_space<semaphore_mem>>
      %dma_start3A = tpu.memref_slice %arg8[%add3A_47] : memref<327680xi32, #tpu.memory_space<hbm>> -> memref<240xi32, #tpu.memory_space<hbm>>
      %dma_start3A_76 = tpu.memref_slice %arg8[%add3A_47] : memref<327680xi32, #tpu.memory_space<hbm>> -> memref<240xi32, #tpu.memory_space<hbm>>
      tpu.enqueue_dma source(%arg16 : memref<240xi32, #tpu.memory_space<vmem>>) target(%dma_start3A_76 : memref<240xi32, #tpu.memory_space<hbm>>) target_semaphore(%run_scoped3A_75 : memref<!tpu.dma_semaphore, #tpu.memory_space<semaphore_mem>>)
      %dma_wait3A = tpu.memref_slice %arg8[%add3A_47] : memref<327680xi32, #tpu.memory_space<hbm>> -> memref<240xi32, #tpu.memory_space<hbm>>
      %dma_wait3A_77 = tpu.memref_slice %arg8[%add3A_47] : memref<327680xi32, #tpu.memory_space<hbm>> -> memref<240xi32, #tpu.memory_space<hbm>>
      tpu.wait_dma2 semaphore(%run_scoped3A_75 : memref<!tpu.dma_semaphore, #tpu.memory_space<semaphore_mem>>) src(%arg16 : memref<240xi32, #tpu.memory_space<vmem>>) dst(%dma_wait3A_77 : memref<240xi32, #tpu.memory_space<hbm>>)
      tpu.yield
    }) : () -> ()
    %broadcast_in_dim3A_48 = arith.constant 1.000000e+00 : f32
    %broadcast_in_dim3A_49 = vector.broadcast %broadcast_in_dim3A_48 : f32 to vector<16xf32>
    %scan3A_50 = arith.constant 0 : i32
    %scan3A_51 = arith.constant 0 : i32
    %scan3A_52 = arith.constant 625 : i32
    %scan3A_53 = arith.addi %scan3A_51, %scan3A_52 : i32
    %scan3A_54 = arith.constant 1 : i32
    %scan3A_55 = scf.for %scan3A_75 = %scan3A_51 to %scan3A_53 step %scan3A_54 iter_args(%scan3A_76 = %scan3A_50) -> (i32)  : i32 {
      %mul3A_77 = arith.constant 16 : i32
      %mul3A_78 = arith.muli %scan3A_75, %mul3A_77 : i32
      %get3A = arith.index_cast %mul3A_78 : i32 to index
      %get3A_79 = tpu.vector_load %arg10[%get3A] {strides = array<i32>} : memref<10000xi32, #tpu.memory_space<vmem>>, vector<16xi32>,
      tpu.vector_store_idx %arg12[%get3A_79], %broadcast_in_dim3A_49 {add = true} : memref<10240xf32, #tpu.memory_space<vmem>>[vector<16xi32>], vector<16xf32>,
      %get3A_80 = arith.index_cast %mul3A_78 : i32 to index
      %get3A_81 = tpu.vector_load %arg9[%get3A_80] {strides = array<i32>} : memref<10000xi32, #tpu.memory_space<vmem>>, vector<16xi32>,
      tpu.vector_store_idx %arg11[%get3A_81], %broadcast_in_dim3A_49 {add = true} : memref<10240xf32, #tpu.memory_space<vmem>>[vector<16xi32>], vector<16xf32>,
      %scan3A_82 = arith.constant 0 : i32
      scf.yield %scan3A_82 : i32
    }
    %scan3A_56 = arith.constant 625 : i32
    %run_scoped3A_57 = arith.constant 0 : i32
    "tpu.region"() ({
      %run_scoped3A_75 = tpu.sem_alloc : memref<!tpu.dma_semaphore, #tpu.memory_space<semaphore_mem>>
      %dma_start3A = arith.constant 0 : i32
      %dma_start3A_76 = tpu.memref_slice %arg15[%arg1, %run_scoped3A_57, %dma_start3A] : memref<16x2x10240xf32, #tpu.memory_space<vmem_shared>> -> memref<1x1x10240xf32, #tpu.memory_space<vmem_shared>>
      %dma_start3A_77 = tpu.memref_squeeze %dma_start3A_76 : memref<1x1x10240xf32, #tpu.memory_space<vmem_shared>> -> memref<10240xf32, #tpu.memory_space<vmem_shared>>
      %dma_start3A_78 = arith.constant 0 : i32
      %dma_start3A_79 = tpu.memref_slice %arg15[%arg1, %run_scoped3A_57, %dma_start3A_78] : memref<16x2x10240xf32, #tpu.memory_space<vmem_shared>> -> memref<1x1x10240xf32, #tpu.memory_space<vmem_shared>>
      %dma_start3A_80 = tpu.memref_squeeze %dma_start3A_79 : memref<1x1x10240xf32, #tpu.memory_space<vmem_shared>> -> memref<10240xf32, #tpu.memory_space<vmem_shared>>
      tpu.enqueue_dma source(%arg12 : memref<10240xf32, #tpu.memory_space<vmem>>) target(%dma_start3A_80 : memref<10240xf32, #tpu.memory_space<vmem_shared>>) target_semaphore(%run_scoped3A_75 : memref<!tpu.dma_semaphore, #tpu.memory_space<semaphore_mem>>)
      %dma_wait3A = arith.constant 0 : i32
      %dma_wait3A_81 = tpu.memref_slice %arg15[%arg1, %run_scoped3A_57, %dma_wait3A] : memref<16x2x10240xf32, #tpu.memory_space<vmem_shared>> -> memref<1x1x10240xf32, #tpu.memory_space<vmem_shared>>
      %dma_wait3A_82 = tpu.memref_squeeze %dma_wait3A_81 : memref<1x1x10240xf32, #tpu.memory_space<vmem_shared>> -> memref<10240xf32, #tpu.memory_space<vmem_shared>>
      %dma_wait3A_83 = arith.constant 0 : i32
      %dma_wait3A_84 = tpu.memref_slice %arg15[%arg1, %run_scoped3A_57, %dma_wait3A_83] : memref<16x2x10240xf32, #tpu.memory_space<vmem_shared>> -> memref<1x1x10240xf32, #tpu.memory_space<vmem_shared>>
      %dma_wait3A_85 = tpu.memref_squeeze %dma_wait3A_84 : memref<1x1x10240xf32, #tpu.memory_space<vmem_shared>> -> memref<10240xf32, #tpu.memory_space<vmem_shared>>
      tpu.wait_dma2 semaphore(%run_scoped3A_75 : memref<!tpu.dma_semaphore, #tpu.memory_space<semaphore_mem>>) src(%arg12 : memref<10240xf32, #tpu.memory_space<vmem>>) dst(%dma_wait3A_85 : memref<10240xf32, #tpu.memory_space<vmem_shared>>)
      tpu.yield
    }) : () -> ()
    %run_scoped3A_58 = arith.constant 1 : i32
    "tpu.region"() ({
      %run_scoped3A_75 = tpu.sem_alloc : memref<!tpu.dma_semaphore, #tpu.memory_space<semaphore_mem>>
      %dma_start3A = arith.constant 0 : i32
      %dma_start3A_76 = tpu.memref_slice %arg15[%arg1, %run_scoped3A_58, %dma_start3A] : memref<16x2x10240xf32, #tpu.memory_space<vmem_shared>> -> memref<1x1x10240xf32, #tpu.memory_space<vmem_shared>>
      %dma_start3A_77 = tpu.memref_squeeze %dma_start3A_76 : memref<1x1x10240xf32, #tpu.memory_space<vmem_shared>> -> memref<10240xf32, #tpu.memory_space<vmem_shared>>
      %dma_start3A_78 = arith.constant 0 : i32
      %dma_start3A_79 = tpu.memref_slice %arg15[%arg1, %run_scoped3A_58, %dma_start3A_78] : memref<16x2x10240xf32, #tpu.memory_space<vmem_shared>> -> memref<1x1x10240xf32, #tpu.memory_space<vmem_shared>>
      %dma_start3A_80 = tpu.memref_squeeze %dma_start3A_79 : memref<1x1x10240xf32, #tpu.memory_space<vmem_shared>> -> memref<10240xf32, #tpu.memory_space<vmem_shared>>
      tpu.enqueue_dma source(%arg11 : memref<10240xf32, #tpu.memory_space<vmem>>) target(%dma_start3A_80 : memref<10240xf32, #tpu.memory_space<vmem_shared>>) target_semaphore(%run_scoped3A_75 : memref<!tpu.dma_semaphore, #tpu.memory_space<semaphore_mem>>)
      %dma_wait3A = arith.constant 0 : i32
      %dma_wait3A_81 = tpu.memref_slice %arg15[%arg1, %run_scoped3A_58, %dma_wait3A] : memref<16x2x10240xf32, #tpu.memory_space<vmem_shared>> -> memref<1x1x10240xf32, #tpu.memory_space<vmem_shared>>
      %dma_wait3A_82 = tpu.memref_squeeze %dma_wait3A_81 : memref<1x1x10240xf32, #tpu.memory_space<vmem_shared>> -> memref<10240xf32, #tpu.memory_space<vmem_shared>>
      %dma_wait3A_83 = arith.constant 0 : i32
      %dma_wait3A_84 = tpu.memref_slice %arg15[%arg1, %run_scoped3A_58, %dma_wait3A_83] : memref<16x2x10240xf32, #tpu.memory_space<vmem_shared>> -> memref<1x1x10240xf32, #tpu.memory_space<vmem_shared>>
      %dma_wait3A_85 = tpu.memref_squeeze %dma_wait3A_84 : memref<1x1x10240xf32, #tpu.memory_space<vmem_shared>> -> memref<10240xf32, #tpu.memory_space<vmem_shared>>
      tpu.wait_dma2 semaphore(%run_scoped3A_75 : memref<!tpu.dma_semaphore, #tpu.memory_space<semaphore_mem>>) src(%arg11 : memref<10240xf32, #tpu.memory_space<vmem>>) dst(%dma_wait3A_85 : memref<10240xf32, #tpu.memory_space<vmem_shared>>)
      tpu.yield
    }) : () -> ()
    %barrier3A = arith.constant 0 : index
    tpu.barrier barrier_id(%barrier3A)
    %mul3A_59 = arith.constant 640 : i32
    %mul3A_60 = arith.muli %arg1, %mul3A_59 : i32
    "tpu.region"() ({
      %run_scoped3A_75 = tpu.sem_alloc : memref<!tpu.dma_semaphore, #tpu.memory_space<semaphore_mem>>
      %dma_start3A = arith.constant 0 : i32
      %dma_start3A_76 = arith.constant 0 : i32
      %dma_start3A_77 = tpu.memref_slice %arg15[%dma_start3A, %dma_start3A_76, %mul3A_60] : memref<16x2x10240xf32, #tpu.memory_space<vmem_shared>> -> memref<16x2x640xf32, #tpu.memory_space<vmem_shared>>
      %dma_start3A_78 = arith.constant 0 : i32
      %dma_start3A_79 = arith.constant 0 : i32
      %dma_start3A_80 = tpu.memref_slice %arg15[%dma_start3A_78, %dma_start3A_79, %mul3A_60] : memref<16x2x10240xf32, #tpu.memory_space<vmem_shared>> -> memref<16x2x640xf32, #tpu.memory_space<vmem_shared>>
      tpu.enqueue_dma source(%dma_start3A_80 : memref<16x2x640xf32, #tpu.memory_space<vmem_shared>>) target(%arg13 : memref<16x2x640xf32, #tpu.memory_space<vmem>>) target_semaphore(%run_scoped3A_75 : memref<!tpu.dma_semaphore, #tpu.memory_space<semaphore_mem>>)
      %dma_wait3A = arith.constant 0 : i32
      %dma_wait3A_81 = arith.constant 0 : i32
      %dma_wait3A_82 = tpu.memref_slice %arg15[%dma_wait3A, %dma_wait3A_81, %mul3A_60] : memref<16x2x10240xf32, #tpu.memory_space<vmem_shared>> -> memref<16x2x640xf32, #tpu.memory_space<vmem_shared>>
      %dma_wait3A_83 = arith.constant 0 : i32
      %dma_wait3A_84 = arith.constant 0 : i32
      %dma_wait3A_85 = tpu.memref_slice %arg15[%dma_wait3A_83, %dma_wait3A_84, %mul3A_60] : memref<16x2x10240xf32, #tpu.memory_space<vmem_shared>> -> memref<16x2x640xf32, #tpu.memory_space<vmem_shared>>
      tpu.wait_dma2 semaphore(%run_scoped3A_75 : memref<!tpu.dma_semaphore, #tpu.memory_space<semaphore_mem>>) src(%dma_wait3A_85 : memref<16x2x640xf32, #tpu.memory_space<vmem_shared>>) dst(%arg13 : memref<16x2x640xf32, #tpu.memory_space<vmem>>)
      tpu.yield
    }) : () -> ()
    %scan3A_61 = arith.constant 0 : i32
    %scan3A_62 = arith.constant 0 : i32
    %scan3A_63 = arith.constant 40 : i32
    %scan3A_64 = arith.addi %scan3A_62, %scan3A_63 : i32
    %scan3A_65 = arith.constant 1 : i32
    %scan3A_66 = scf.for %scan3A_75 = %scan3A_62 to %scan3A_64 step %scan3A_65 iter_args(%scan3A_76 = %scan3A_61) -> (i32)  : i32 {
      %mul3A_77 = arith.constant 16 : i32
      %mul3A_78 = arith.muli %scan3A_75, %mul3A_77 : i32
      %get3A = arith.constant 0 : i32
      %get3A_79 = arith.constant 0 : i32
      %get3A_80 = arith.index_cast %get3A : i32 to index
      %get3A_81 = arith.index_cast %get3A_79 : i32 to index
      %get3A_82 = arith.index_cast %mul3A_78 : i32 to index
      %get3A_83 = tpu.vector_load %arg13[%get3A_80, %get3A_81, %get3A_82] {strides = array<i32>} : memref<16x2x640xf32, #tpu.memory_space<vmem>>, vector<16xf32>,
      %get3A_84 = arith.constant 1 : i32
      %get3A_85 = arith.constant 0 : i32
      %get3A_86 = arith.index_cast %get3A_84 : i32 to index
      %get3A_87 = arith.index_cast %get3A_85 : i32 to index
      %get3A_88 = arith.index_cast %mul3A_78 : i32 to index
      %get3A_89 = tpu.vector_load %arg13[%get3A_86, %get3A_87, %get3A_88] {strides = array<i32>} : memref<16x2x640xf32, #tpu.memory_space<vmem>>, vector<16xf32>,
      %add3A_90 = arith.addf %get3A_83, %get3A_89 : vector<16xf32>
      %get3A_91 = arith.constant 2 : i32
      %get3A_92 = arith.constant 0 : i32
      %get3A_93 = arith.index_cast %get3A_91 : i32 to index
      %get3A_94 = arith.index_cast %get3A_92 : i32 to index
      %get3A_95 = arith.index_cast %mul3A_78 : i32 to index
      %get3A_96 = tpu.vector_load %arg13[%get3A_93, %get3A_94, %get3A_95] {strides = array<i32>} : memref<16x2x640xf32, #tpu.memory_space<vmem>>, vector<16xf32>,
      %add3A_97 = arith.addf %add3A_90, %get3A_96 : vector<16xf32>
      %get3A_98 = arith.constant 3 : i32
      %get3A_99 = arith.constant 0 : i32
      %get3A_100 = arith.index_cast %get3A_98 : i32 to index
      %get3A_101 = arith.index_cast %get3A_99 : i32 to index
      %get3A_102 = arith.index_cast %mul3A_78 : i32 to index
      %get3A_103 = tpu.vector_load %arg13[%get3A_100, %get3A_101, %get3A_102] {strides = array<i32>} : memref<16x2x640xf32, #tpu.memory_space<vmem>>, vector<16xf32>,
      %add3A_104 = arith.addf %add3A_97, %get3A_103 : vector<16xf32>
      %get3A_105 = arith.constant 4 : i32
      %get3A_106 = arith.constant 0 : i32
      %get3A_107 = arith.index_cast %get3A_105 : i32 to index
      %get3A_108 = arith.index_cast %get3A_106 : i32 to index
      %get3A_109 = arith.index_cast %mul3A_78 : i32 to index
      %get3A_110 = tpu.vector_load %arg13[%get3A_107, %get3A_108, %get3A_109] {strides = array<i32>} : memref<16x2x640xf32, #tpu.memory_space<vmem>>, vector<16xf32>,
      %add3A_111 = arith.addf %add3A_104, %get3A_110 : vector<16xf32>
      %get3A_112 = arith.constant 5 : i32
      %get3A_113 = arith.constant 0 : i32
      %get3A_114 = arith.index_cast %get3A_112 : i32 to index
      %get3A_115 = arith.index_cast %get3A_113 : i32 to index
      %get3A_116 = arith.index_cast %mul3A_78 : i32 to index
      %get3A_117 = tpu.vector_load %arg13[%get3A_114, %get3A_115, %get3A_116] {strides = array<i32>} : memref<16x2x640xf32, #tpu.memory_space<vmem>>, vector<16xf32>,
      %add3A_118 = arith.addf %add3A_111, %get3A_117 : vector<16xf32>
      %get3A_119 = arith.constant 6 : i32
      %get3A_120 = arith.constant 0 : i32
      %get3A_121 = arith.index_cast %get3A_119 : i32 to index
      %get3A_122 = arith.index_cast %get3A_120 : i32 to index
      %get3A_123 = arith.index_cast %mul3A_78 : i32 to index
      %get3A_124 = tpu.vector_load %arg13[%get3A_121, %get3A_122, %get3A_123] {strides = array<i32>} : memref<16x2x640xf32, #tpu.memory_space<vmem>>, vector<16xf32>,
      %add3A_125 = arith.addf %add3A_118, %get3A_124 : vector<16xf32>
      %get3A_126 = arith.constant 7 : i32
      %get3A_127 = arith.constant 0 : i32
      %get3A_128 = arith.index_cast %get3A_126 : i32 to index
      %get3A_129 = arith.index_cast %get3A_127 : i32 to index
      %get3A_130 = arith.index_cast %mul3A_78 : i32 to index
      %get3A_131 = tpu.vector_load %arg13[%get3A_128, %get3A_129, %get3A_130] {strides = array<i32>} : memref<16x2x640xf32, #tpu.memory_space<vmem>>, vector<16xf32>,
      %add3A_132 = arith.addf %add3A_125, %get3A_131 : vector<16xf32>
      %get3A_133 = arith.constant 8 : i32
      %get3A_134 = arith.constant 0 : i32
      %get3A_135 = arith.index_cast %get3A_133 : i32 to index
      %get3A_136 = arith.index_cast %get3A_134 : i32 to index
      %get3A_137 = arith.index_cast %mul3A_78 : i32 to index
      %get3A_138 = tpu.vector_load %arg13[%get3A_135, %get3A_136, %get3A_137] {strides = array<i32>} : memref<16x2x640xf32, #tpu.memory_space<vmem>>, vector<16xf32>,
      %add3A_139 = arith.addf %add3A_132, %get3A_138 : vector<16xf32>
      %get3A_140 = arith.constant 9 : i32
      %get3A_141 = arith.constant 0 : i32
      %get3A_142 = arith.index_cast %get3A_140 : i32 to index
      %get3A_143 = arith.index_cast %get3A_141 : i32 to index
      %get3A_144 = arith.index_cast %mul3A_78 : i32 to index
      %get3A_145 = tpu.vector_load %arg13[%get3A_142, %get3A_143, %get3A_144] {strides = array<i32>} : memref<16x2x640xf32, #tpu.memory_space<vmem>>, vector<16xf32>,
      %add3A_146 = arith.addf %add3A_139, %get3A_145 : vector<16xf32>
      %get3A_147 = arith.constant 10 : i32
      %get3A_148 = arith.constant 0 : i32
      %get3A_149 = arith.index_cast %get3A_147 : i32 to index
      %get3A_150 = arith.index_cast %get3A_148 : i32 to index
      %get3A_151 = arith.index_cast %mul3A_78 : i32 to index
      %get3A_152 = tpu.vector_load %arg13[%get3A_149, %get3A_150, %get3A_151] {strides = array<i32>} : memref<16x2x640xf32, #tpu.memory_space<vmem>>, vector<16xf32>,
      %add3A_153 = arith.addf %add3A_146, %get3A_152 : vector<16xf32>
      %get3A_154 = arith.constant 11 : i32
      %get3A_155 = arith.constant 0 : i32
      %get3A_156 = arith.index_cast %get3A_154 : i32 to index
      %get3A_157 = arith.index_cast %get3A_155 : i32 to index
      %get3A_158 = arith.index_cast %mul3A_78 : i32 to index
      %get3A_159 = tpu.vector_load %arg13[%get3A_156, %get3A_157, %get3A_158] {strides = array<i32>} : memref<16x2x640xf32, #tpu.memory_space<vmem>>, vector<16xf32>,
      %add3A_160 = arith.addf %add3A_153, %get3A_159 : vector<16xf32>
      %get3A_161 = arith.constant 12 : i32
      %get3A_162 = arith.constant 0 : i32
      %get3A_163 = arith.index_cast %get3A_161 : i32 to index
      %get3A_164 = arith.index_cast %get3A_162 : i32 to index
      %get3A_165 = arith.index_cast %mul3A_78 : i32 to index
      %get3A_166 = tpu.vector_load %arg13[%get3A_163, %get3A_164, %get3A_165] {strides = array<i32>} : memref<16x2x640xf32, #tpu.memory_space<vmem>>, vector<16xf32>,
      %add3A_167 = arith.addf %add3A_160, %get3A_166 : vector<16xf32>
      %get3A_168 = arith.constant 13 : i32
      %get3A_169 = arith.constant 0 : i32
      %get3A_170 = arith.index_cast %get3A_168 : i32 to index
      %get3A_171 = arith.index_cast %get3A_169 : i32 to index
      %get3A_172 = arith.index_cast %mul3A_78 : i32 to index
      %get3A_173 = tpu.vector_load %arg13[%get3A_170, %get3A_171, %get3A_172] {strides = array<i32>} : memref<16x2x640xf32, #tpu.memory_space<vmem>>, vector<16xf32>,
      %add3A_174 = arith.addf %add3A_167, %get3A_173 : vector<16xf32>
      %get3A_175 = arith.constant 14 : i32
      %get3A_176 = arith.constant 0 : i32
      %get3A_177 = arith.index_cast %get3A_175 : i32 to index
      %get3A_178 = arith.index_cast %get3A_176 : i32 to index
      %get3A_179 = arith.index_cast %mul3A_78 : i32 to index
      %get3A_180 = tpu.vector_load %arg13[%get3A_177, %get3A_178, %get3A_179] {strides = array<i32>} : memref<16x2x640xf32, #tpu.memory_space<vmem>>, vector<16xf32>,
      %add3A_181 = arith.addf %add3A_174, %get3A_180 : vector<16xf32>
      %get3A_182 = arith.constant 15 : i32
      %get3A_183 = arith.constant 0 : i32
      %get3A_184 = arith.index_cast %get3A_182 : i32 to index
      %get3A_185 = arith.index_cast %get3A_183 : i32 to index
      %get3A_186 = arith.index_cast %mul3A_78 : i32 to index
      %get3A_187 = tpu.vector_load %arg13[%get3A_184, %get3A_185, %get3A_186] {strides = array<i32>} : memref<16x2x640xf32, #tpu.memory_space<vmem>>, vector<16xf32>,
      %add3A_188 = arith.addf %add3A_181, %get3A_187 : vector<16xf32>
      %swap3A_189 = arith.constant 0 : i32
      %swap3A_190 = arith.index_cast %swap3A_189 : i32 to index
      %swap3A_191 = arith.index_cast %mul3A_78 : i32 to index
      %swap3A_192 = tpu.vector_load %arg14[%swap3A_190, %swap3A_191] {strides = array<i32>} : memref<2x640xf32, #tpu.memory_space<vmem>>, vector<16xf32>,
      tpu.vector_store %arg14[%swap3A_190, %swap3A_191], %add3A_188 {strides = array<i32>} : memref<2x640xf32, #tpu.memory_space<vmem>>, vector<16xf32>,
      %get3A_193 = arith.constant 0 : i32
      %get3A_194 = arith.constant 1 : i32
      %get3A_195 = arith.index_cast %get3A_193 : i32 to index
      %get3A_196 = arith.index_cast %get3A_194 : i32 to index
      %get3A_197 = arith.index_cast %mul3A_78 : i32 to index
      %get3A_198 = tpu.vector_load %arg13[%get3A_195, %get3A_196, %get3A_197] {strides = array<i32>} : memref<16x2x640xf32, #tpu.memory_space<vmem>>, vector<16xf32>,
      %get3A_199 = arith.constant 1 : i32
      %get3A_200 = arith.constant 1 : i32
      %get3A_201 = arith.index_cast %get3A_199 : i32 to index
      %get3A_202 = arith.index_cast %get3A_200 : i32 to index
      %get3A_203 = arith.index_cast %mul3A_78 : i32 to index
      %get3A_204 = tpu.vector_load %arg13[%get3A_201, %get3A_202, %get3A_203] {strides = array<i32>} : memref<16x2x640xf32, #tpu.memory_space<vmem>>, vector<16xf32>,
      %add3A_205 = arith.addf %get3A_198, %get3A_204 : vector<16xf32>
      %get3A_206 = arith.constant 2 : i32
      %get3A_207 = arith.constant 1 : i32
      %get3A_208 = arith.index_cast %get3A_206 : i32 to index
      %get3A_209 = arith.index_cast %get3A_207 : i32 to index
      %get3A_210 = arith.index_cast %mul3A_78 : i32 to index
      %get3A_211 = tpu.vector_load %arg13[%get3A_208, %get3A_209, %get3A_210] {strides = array<i32>} : memref<16x2x640xf32, #tpu.memory_space<vmem>>, vector<16xf32>,
      %add3A_212 = arith.addf %add3A_205, %get3A_211 : vector<16xf32>
      %get3A_213 = arith.constant 3 : i32
      %get3A_214 = arith.constant 1 : i32
      %get3A_215 = arith.index_cast %get3A_213 : i32 to index
      %get3A_216 = arith.index_cast %get3A_214 : i32 to index
      %get3A_217 = arith.index_cast %mul3A_78 : i32 to index
      %get3A_218 = tpu.vector_load %arg13[%get3A_215, %get3A_216, %get3A_217] {strides = array<i32>} : memref<16x2x640xf32, #tpu.memory_space<vmem>>, vector<16xf32>,
      %add3A_219 = arith.addf %add3A_212, %get3A_218 : vector<16xf32>
      %get3A_220 = arith.constant 4 : i32
      %get3A_221 = arith.constant 1 : i32
      %get3A_222 = arith.index_cast %get3A_220 : i32 to index
      %get3A_223 = arith.index_cast %get3A_221 : i32 to index
      %get3A_224 = arith.index_cast %mul3A_78 : i32 to index
      %get3A_225 = tpu.vector_load %arg13[%get3A_222, %get3A_223, %get3A_224] {strides = array<i32>} : memref<16x2x640xf32, #tpu.memory_space<vmem>>, vector<16xf32>,
      %add3A_226 = arith.addf %add3A_219, %get3A_225 : vector<16xf32>
      %get3A_227 = arith.constant 5 : i32
      %get3A_228 = arith.constant 1 : i32
      %get3A_229 = arith.index_cast %get3A_227 : i32 to index
      %get3A_230 = arith.index_cast %get3A_228 : i32 to index
      %get3A_231 = arith.index_cast %mul3A_78 : i32 to index
      %get3A_232 = tpu.vector_load %arg13[%get3A_229, %get3A_230, %get3A_231] {strides = array<i32>} : memref<16x2x640xf32, #tpu.memory_space<vmem>>, vector<16xf32>,
      %add3A_233 = arith.addf %add3A_226, %get3A_232 : vector<16xf32>
      %get3A_234 = arith.constant 6 : i32
      %get3A_235 = arith.constant 1 : i32
      %get3A_236 = arith.index_cast %get3A_234 : i32 to index
      %get3A_237 = arith.index_cast %get3A_235 : i32 to index
      %get3A_238 = arith.index_cast %mul3A_78 : i32 to index
      %get3A_239 = tpu.vector_load %arg13[%get3A_236, %get3A_237, %get3A_238] {strides = array<i32>} : memref<16x2x640xf32, #tpu.memory_space<vmem>>, vector<16xf32>,
      %add3A_240 = arith.addf %add3A_233, %get3A_239 : vector<16xf32>
      %get3A_241 = arith.constant 7 : i32
      %get3A_242 = arith.constant 1 : i32
      %get3A_243 = arith.index_cast %get3A_241 : i32 to index
      %get3A_244 = arith.index_cast %get3A_242 : i32 to index
      %get3A_245 = arith.index_cast %mul3A_78 : i32 to index
      %get3A_246 = tpu.vector_load %arg13[%get3A_243, %get3A_244, %get3A_245] {strides = array<i32>} : memref<16x2x640xf32, #tpu.memory_space<vmem>>, vector<16xf32>,
      %add3A_247 = arith.addf %add3A_240, %get3A_246 : vector<16xf32>
      %get3A_248 = arith.constant 8 : i32
      %get3A_249 = arith.constant 1 : i32
      %get3A_250 = arith.index_cast %get3A_248 : i32 to index
      %get3A_251 = arith.index_cast %get3A_249 : i32 to index
      %get3A_252 = arith.index_cast %mul3A_78 : i32 to index
      %get3A_253 = tpu.vector_load %arg13[%get3A_250, %get3A_251, %get3A_252] {strides = array<i32>} : memref<16x2x640xf32, #tpu.memory_space<vmem>>, vector<16xf32>,
      %add3A_254 = arith.addf %add3A_247, %get3A_253 : vector<16xf32>
      %get3A_255 = arith.constant 9 : i32
      %get3A_256 = arith.constant 1 : i32
      %get3A_257 = arith.index_cast %get3A_255 : i32 to index
      %get3A_258 = arith.index_cast %get3A_256 : i32 to index
      %get3A_259 = arith.index_cast %mul3A_78 : i32 to index
      %get3A_260 = tpu.vector_load %arg13[%get3A_257, %get3A_258, %get3A_259] {strides = array<i32>} : memref<16x2x640xf32, #tpu.memory_space<vmem>>, vector<16xf32>,
      %add3A_261 = arith.addf %add3A_254, %get3A_260 : vector<16xf32>
      %get3A_262 = arith.constant 10 : i32
      %get3A_263 = arith.constant 1 : i32
      %get3A_264 = arith.index_cast %get3A_262 : i32 to index
      %get3A_265 = arith.index_cast %get3A_263 : i32 to index
      %get3A_266 = arith.index_cast %mul3A_78 : i32 to index
      %get3A_267 = tpu.vector_load %arg13[%get3A_264, %get3A_265, %get3A_266] {strides = array<i32>} : memref<16x2x640xf32, #tpu.memory_space<vmem>>, vector<16xf32>,
      %add3A_268 = arith.addf %add3A_261, %get3A_267 : vector<16xf32>
      %get3A_269 = arith.constant 11 : i32
      %get3A_270 = arith.constant 1 : i32
      %get3A_271 = arith.index_cast %get3A_269 : i32 to index
      %get3A_272 = arith.index_cast %get3A_270 : i32 to index
      %get3A_273 = arith.index_cast %mul3A_78 : i32 to index
      %get3A_274 = tpu.vector_load %arg13[%get3A_271, %get3A_272, %get3A_273] {strides = array<i32>} : memref<16x2x640xf32, #tpu.memory_space<vmem>>, vector<16xf32>,
      %add3A_275 = arith.addf %add3A_268, %get3A_274 : vector<16xf32>
      %get3A_276 = arith.constant 12 : i32
      %get3A_277 = arith.constant 1 : i32
      %get3A_278 = arith.index_cast %get3A_276 : i32 to index
      %get3A_279 = arith.index_cast %get3A_277 : i32 to index
      %get3A_280 = arith.index_cast %mul3A_78 : i32 to index
      %get3A_281 = tpu.vector_load %arg13[%get3A_278, %get3A_279, %get3A_280] {strides = array<i32>} : memref<16x2x640xf32, #tpu.memory_space<vmem>>, vector<16xf32>,
      %add3A_282 = arith.addf %add3A_275, %get3A_281 : vector<16xf32>
      %get3A_283 = arith.constant 13 : i32
      %get3A_284 = arith.constant 1 : i32
      %get3A_285 = arith.index_cast %get3A_283 : i32 to index
      %get3A_286 = arith.index_cast %get3A_284 : i32 to index
      %get3A_287 = arith.index_cast %mul3A_78 : i32 to index
      %get3A_288 = tpu.vector_load %arg13[%get3A_285, %get3A_286, %get3A_287] {strides = array<i32>} : memref<16x2x640xf32, #tpu.memory_space<vmem>>, vector<16xf32>,
      %add3A_289 = arith.addf %add3A_282, %get3A_288 : vector<16xf32>
      %get3A_290 = arith.constant 14 : i32
      %get3A_291 = arith.constant 1 : i32
      %get3A_292 = arith.index_cast %get3A_290 : i32 to index
      %get3A_293 = arith.index_cast %get3A_291 : i32 to index
      %get3A_294 = arith.index_cast %mul3A_78 : i32 to index
      %get3A_295 = tpu.vector_load %arg13[%get3A_292, %get3A_293, %get3A_294] {strides = array<i32>} : memref<16x2x640xf32, #tpu.memory_space<vmem>>, vector<16xf32>,
      %add3A_296 = arith.addf %add3A_289, %get3A_295 : vector<16xf32>
      %get3A_297 = arith.constant 15 : i32
      %get3A_298 = arith.constant 1 : i32
      %get3A_299 = arith.index_cast %get3A_297 : i32 to index
      %get3A_300 = arith.index_cast %get3A_298 : i32 to index
      %get3A_301 = arith.index_cast %mul3A_78 : i32 to index
      %get3A_302 = tpu.vector_load %arg13[%get3A_299, %get3A_300, %get3A_301] {strides = array<i32>} : memref<16x2x640xf32, #tpu.memory_space<vmem>>, vector<16xf32>,
      %add3A_303 = arith.addf %add3A_296, %get3A_302 : vector<16xf32>
      %swap3A_304 = arith.constant 1 : i32
      %swap3A_305 = arith.index_cast %swap3A_304 : i32 to index
      %swap3A_306 = arith.index_cast %mul3A_78 : i32 to index
      %swap3A_307 = tpu.vector_load %arg14[%swap3A_305, %swap3A_306] {strides = array<i32>} : memref<2x640xf32, #tpu.memory_space<vmem>>, vector<16xf32>,
      tpu.vector_store %arg14[%swap3A_305, %swap3A_306], %add3A_303 {strides = array<i32>} : memref<2x640xf32, #tpu.memory_space<vmem>>, vector<16xf32>,
      %scan3A_308 = arith.constant 0 : i32
      scf.yield %scan3A_308 : i32
    }
    %scan3A_67 = arith.constant 40 : i32
    %eq3A = arith.constant 0 : i32
    %eq3A_68 = arith.cmpi eq, %arg0, %eq3A : i32
    %convert_element_type3A = arith.extui %eq3A_68 : i1 to i32
    %cond3A = arith.constant 0 : i32
    %cond3A_69 = arith.cmpi ne, %convert_element_type3A, %cond3A : i32
    scf.if %cond3A_69 {
      %run_scoped3A_75 = arith.constant 0 : i32
      "tpu.region"() ({
        %run_scoped3A_77 = tpu.sem_alloc : memref<!tpu.dma_semaphore, #tpu.memory_space<semaphore_mem>>
        %dma_start3A = arith.constant 0 : i32
        %dma_start3A_78 = tpu.memref_slice %arg14[%run_scoped3A_75, %dma_start3A] : memref<2x640xf32, #tpu.memory_space<vmem>> -> memref<1x640xf32, #tpu.memory_space<vmem>>
        %dma_start3A_79 = tpu.memref_squeeze %dma_start3A_78 : memref<1x640xf32, #tpu.memory_space<vmem>> -> memref<640xf32, #tpu.memory_space<vmem>>
        %dma_start3A_80 = tpu.memref_slice %arg3[%mul3A_60] : memref<10240xf32, #tpu.memory_space<hbm>> -> memref<640xf32, #tpu.memory_space<hbm>>
        %dma_start3A_81 = tpu.memref_slice %arg3[%mul3A_60] : memref<10240xf32, #tpu.memory_space<hbm>> -> memref<640xf32, #tpu.memory_space<hbm>>
        %dma_start3A_82 = arith.constant 0 : i32
        %dma_start3A_83 = tpu.memref_slice %arg14[%run_scoped3A_75, %dma_start3A_82] : memref<2x640xf32, #tpu.memory_space<vmem>> -> memref<1x640xf32, #tpu.memory_space<vmem>>
        %dma_start3A_84 = tpu.memref_squeeze %dma_start3A_83 : memref<1x640xf32, #tpu.memory_space<vmem>> -> memref<640xf32, #tpu.memory_space<vmem>>
        tpu.enqueue_dma source(%dma_start3A_84 : memref<640xf32, #tpu.memory_space<vmem>>) target(%dma_start3A_81 : memref<640xf32, #tpu.memory_space<hbm>>) target_semaphore(%run_scoped3A_77 : memref<!tpu.dma_semaphore, #tpu.memory_space<semaphore_mem>>)
        %dma_wait3A = arith.constant 0 : i32
        %dma_wait3A_85 = tpu.memref_slice %arg14[%run_scoped3A_75, %dma_wait3A] : memref<2x640xf32, #tpu.memory_space<vmem>> -> memref<1x640xf32, #tpu.memory_space<vmem>>
        %dma_wait3A_86 = tpu.memref_squeeze %dma_wait3A_85 : memref<1x640xf32, #tpu.memory_space<vmem>> -> memref<640xf32, #tpu.memory_space<vmem>>
        %dma_wait3A_87 = tpu.memref_slice %arg3[%mul3A_60] : memref<10240xf32, #tpu.memory_space<hbm>> -> memref<640xf32, #tpu.memory_space<hbm>>
        %dma_wait3A_88 = tpu.memref_slice %arg3[%mul3A_60] : memref<10240xf32, #tpu.memory_space<hbm>> -> memref<640xf32, #tpu.memory_space<hbm>>
        %dma_wait3A_89 = arith.constant 0 : i32
        %dma_wait3A_90 = tpu.memref_slice %arg14[%run_scoped3A_75, %dma_wait3A_89] : memref<2x640xf32, #tpu.memory_space<vmem>> -> memref<1x640xf32, #tpu.memory_space<vmem>>
        %dma_wait3A_91 = tpu.memref_squeeze %dma_wait3A_90 : memref<1x640xf32, #tpu.memory_space<vmem>> -> memref<640xf32, #tpu.memory_space<vmem>>
        tpu.wait_dma2 semaphore(%run_scoped3A_77 : memref<!tpu.dma_semaphore, #tpu.memory_space<semaphore_mem>>) src(%dma_wait3A_91 : memref<640xf32, #tpu.memory_space<vmem>>) dst(%dma_wait3A_88 : memref<640xf32, #tpu.memory_space<hbm>>)
        tpu.yield
      }) : () -> ()
      %run_scoped3A_76 = arith.constant 1 : i32
      "tpu.region"() ({
        %run_scoped3A_77 = tpu.sem_alloc : memref<!tpu.dma_semaphore, #tpu.memory_space<semaphore_mem>>
        %dma_start3A = arith.constant 0 : i32
        %dma_start3A_78 = tpu.memref_slice %arg14[%run_scoped3A_76, %dma_start3A] : memref<2x640xf32, #tpu.memory_space<vmem>> -> memref<1x640xf32, #tpu.memory_space<vmem>>
        %dma_start3A_79 = tpu.memref_squeeze %dma_start3A_78 : memref<1x640xf32, #tpu.memory_space<vmem>> -> memref<640xf32, #tpu.memory_space<vmem>>
        %dma_start3A_80 = tpu.memref_slice %arg5[%mul3A_60] : memref<10240xf32, #tpu.memory_space<hbm>> -> memref<640xf32, #tpu.memory_space<hbm>>
        %dma_start3A_81 = tpu.memref_slice %arg5[%mul3A_60] : memref<10240xf32, #tpu.memory_space<hbm>> -> memref<640xf32, #tpu.memory_space<hbm>>
        %dma_start3A_82 = arith.constant 0 : i32
        %dma_start3A_83 = tpu.memref_slice %arg14[%run_scoped3A_76, %dma_start3A_82] : memref<2x640xf32, #tpu.memory_space<vmem>> -> memref<1x640xf32, #tpu.memory_space<vmem>>
        %dma_start3A_84 = tpu.memref_squeeze %dma_start3A_83 : memref<1x640xf32, #tpu.memory_space<vmem>> -> memref<640xf32, #tpu.memory_space<vmem>>
        tpu.enqueue_dma source(%dma_start3A_84 : memref<640xf32, #tpu.memory_space<vmem>>) target(%dma_start3A_81 : memref<640xf32, #tpu.memory_space<hbm>>) target_semaphore(%run_scoped3A_77 : memref<!tpu.dma_semaphore, #tpu.memory_space<semaphore_mem>>)
        %dma_wait3A = arith.constant 0 : i32
        %dma_wait3A_85 = tpu.memref_slice %arg14[%run_scoped3A_76, %dma_wait3A] : memref<2x640xf32, #tpu.memory_space<vmem>> -> memref<1x640xf32, #tpu.memory_space<vmem>>
        %dma_wait3A_86 = tpu.memref_squeeze %dma_wait3A_85 : memref<1x640xf32, #tpu.memory_space<vmem>> -> memref<640xf32, #tpu.memory_space<vmem>>
        %dma_wait3A_87 = tpu.memref_slice %arg5[%mul3A_60] : memref<10240xf32, #tpu.memory_space<hbm>> -> memref<640xf32, #tpu.memory_space<hbm>>
        %dma_wait3A_88 = tpu.memref_slice %arg5[%mul3A_60] : memref<10240xf32, #tpu.memory_space<hbm>> -> memref<640xf32, #tpu.memory_space<hbm>>
        %dma_wait3A_89 = arith.constant 0 : i32
        %dma_wait3A_90 = tpu.memref_slice %arg14[%run_scoped3A_76, %dma_wait3A_89] : memref<2x640xf32, #tpu.memory_space<vmem>> -> memref<1x640xf32, #tpu.memory_space<vmem>>
        %dma_wait3A_91 = tpu.memref_squeeze %dma_wait3A_90 : memref<1x640xf32, #tpu.memory_space<vmem>> -> memref<640xf32, #tpu.memory_space<vmem>>
        tpu.wait_dma2 semaphore(%run_scoped3A_77 : memref<!tpu.dma_semaphore, #tpu.memory_space<semaphore_mem>>) src(%dma_wait3A_91 : memref<640xf32, #tpu.memory_space<vmem>>) dst(%dma_wait3A_88 : memref<640xf32, #tpu.memory_space<hbm>>)
        tpu.yield
      }) : () -> ()
    } else {
    }
    %eq3A_70 = arith.constant 1 : i32
    %eq3A_71 = arith.cmpi eq, %arg0, %eq3A_70 : i32
    %convert_element_type3A_72 = arith.extui %eq3A_71 : i1 to i32
    %cond3A_73 = arith.constant 0 : i32
    %cond3A_74 = arith.cmpi ne, %convert_element_type3A_72, %cond3A_73 : i32
    scf.if %cond3A_74 {
      %run_scoped3A_75 = arith.constant 0 : i32
      "tpu.region"() ({
        %run_scoped3A_77 = tpu.sem_alloc : memref<!tpu.dma_semaphore, #tpu.memory_space<semaphore_mem>>
        %dma_start3A = arith.constant 0 : i32
        %dma_start3A_78 = tpu.memref_slice %arg14[%run_scoped3A_75, %dma_start3A] : memref<2x640xf32, #tpu.memory_space<vmem>> -> memref<1x640xf32, #tpu.memory_space<vmem>>
        %dma_start3A_79 = tpu.memref_squeeze %dma_start3A_78 : memref<1x640xf32, #tpu.memory_space<vmem>> -> memref<640xf32, #tpu.memory_space<vmem>>
        %dma_start3A_80 = tpu.memref_slice %arg4[%mul3A_60] : memref<10240xf32, #tpu.memory_space<hbm>> -> memref<640xf32, #tpu.memory_space<hbm>>
        %dma_start3A_81 = tpu.memref_slice %arg4[%mul3A_60] : memref<10240xf32, #tpu.memory_space<hbm>> -> memref<640xf32, #tpu.memory_space<hbm>>
        %dma_start3A_82 = arith.constant 0 : i32
        %dma_start3A_83 = tpu.memref_slice %arg14[%run_scoped3A_75, %dma_start3A_82] : memref<2x640xf32, #tpu.memory_space<vmem>> -> memref<1x640xf32, #tpu.memory_space<vmem>>
        %dma_start3A_84 = tpu.memref_squeeze %dma_start3A_83 : memref<1x640xf32, #tpu.memory_space<vmem>> -> memref<640xf32, #tpu.memory_space<vmem>>
        tpu.enqueue_dma source(%dma_start3A_84 : memref<640xf32, #tpu.memory_space<vmem>>) target(%dma_start3A_81 : memref<640xf32, #tpu.memory_space<hbm>>) target_semaphore(%run_scoped3A_77 : memref<!tpu.dma_semaphore, #tpu.memory_space<semaphore_mem>>)
        %dma_wait3A = arith.constant 0 : i32
        %dma_wait3A_85 = tpu.memref_slice %arg14[%run_scoped3A_75, %dma_wait3A] : memref<2x640xf32, #tpu.memory_space<vmem>> -> memref<1x640xf32, #tpu.memory_space<vmem>>
        %dma_wait3A_86 = tpu.memref_squeeze %dma_wait3A_85 : memref<1x640xf32, #tpu.memory_space<vmem>> -> memref<640xf32, #tpu.memory_space<vmem>>
        %dma_wait3A_87 = tpu.memref_slice %arg4[%mul3A_60] : memref<10240xf32, #tpu.memory_space<hbm>> -> memref<640xf32, #tpu.memory_space<hbm>>
        %dma_wait3A_88 = tpu.memref_slice %arg4[%mul3A_60] : memref<10240xf32, #tpu.memory_space<hbm>> -> memref<640xf32, #tpu.memory_space<hbm>>
        %dma_wait3A_89 = arith.constant 0 : i32
        %dma_wait3A_90 = tpu.memref_slice %arg14[%run_scoped3A_75, %dma_wait3A_89] : memref<2x640xf32, #tpu.memory_space<vmem>> -> memref<1x640xf32, #tpu.memory_space<vmem>>
        %dma_wait3A_91 = tpu.memref_squeeze %dma_wait3A_90 : memref<1x640xf32, #tpu.memory_space<vmem>> -> memref<640xf32, #tpu.memory_space<vmem>>
        tpu.wait_dma2 semaphore(%run_scoped3A_77 : memref<!tpu.dma_semaphore, #tpu.memory_space<semaphore_mem>>) src(%dma_wait3A_91 : memref<640xf32, #tpu.memory_space<vmem>>) dst(%dma_wait3A_88 : memref<640xf32, #tpu.memory_space<hbm>>)
        tpu.yield
      }) : () -> ()
      %run_scoped3A_76 = arith.constant 1 : i32
      "tpu.region"() ({
        %run_scoped3A_77 = tpu.sem_alloc : memref<!tpu.dma_semaphore, #tpu.memory_space<semaphore_mem>>
        %dma_start3A = arith.constant 0 : i32
        %dma_start3A_78 = tpu.memref_slice %arg14[%run_scoped3A_76, %dma_start3A] : memref<2x640xf32, #tpu.memory_space<vmem>> -> memref<1x640xf32, #tpu.memory_space<vmem>>
        %dma_start3A_79 = tpu.memref_squeeze %dma_start3A_78 : memref<1x640xf32, #tpu.memory_space<vmem>> -> memref<640xf32, #tpu.memory_space<vmem>>
        %dma_start3A_80 = tpu.memref_slice %arg6[%mul3A_60] : memref<10240xf32, #tpu.memory_space<hbm>> -> memref<640xf32, #tpu.memory_space<hbm>>
        %dma_start3A_81 = tpu.memref_slice %arg6[%mul3A_60] : memref<10240xf32, #tpu.memory_space<hbm>> -> memref<640xf32, #tpu.memory_space<hbm>>
        %dma_start3A_82 = arith.constant 0 : i32
        %dma_start3A_83 = tpu.memref_slice %arg14[%run_scoped3A_76, %dma_start3A_82] : memref<2x640xf32, #tpu.memory_space<vmem>> -> memref<1x640xf32, #tpu.memory_space<vmem>>
        %dma_start3A_84 = tpu.memref_squeeze %dma_start3A_83 : memref<1x640xf32, #tpu.memory_space<vmem>> -> memref<640xf32, #tpu.memory_space<vmem>>
        tpu.enqueue_dma source(%dma_start3A_84 : memref<640xf32, #tpu.memory_space<vmem>>) target(%dma_start3A_81 : memref<640xf32, #tpu.memory_space<hbm>>) target_semaphore(%run_scoped3A_77 : memref<!tpu.dma_semaphore, #tpu.memory_space<semaphore_mem>>)
        %dma_wait3A = arith.constant 0 : i32
        %dma_wait3A_85 = tpu.memref_slice %arg14[%run_scoped3A_76, %dma_wait3A] : memref<2x640xf32, #tpu.memory_space<vmem>> -> memref<1x640xf32, #tpu.memory_space<vmem>>
        %dma_wait3A_86 = tpu.memref_squeeze %dma_wait3A_85 : memref<1x640xf32, #tpu.memory_space<vmem>> -> memref<640xf32, #tpu.memory_space<vmem>>
        %dma_wait3A_87 = tpu.memref_slice %arg6[%mul3A_60] : memref<10240xf32, #tpu.memory_space<hbm>> -> memref<640xf32, #tpu.memory_space<hbm>>
        %dma_wait3A_88 = tpu.memref_slice %arg6[%mul3A_60] : memref<10240xf32, #tpu.memory_space<hbm>> -> memref<640xf32, #tpu.memory_space<hbm>>
        %dma_wait3A_89 = arith.constant 0 : i32
        %dma_wait3A_90 = tpu.memref_slice %arg14[%run_scoped3A_76, %dma_wait3A_89] : memref<2x640xf32, #tpu.memory_space<vmem>> -> memref<1x640xf32, #tpu.memory_space<vmem>>
        %dma_wait3A_91 = tpu.memref_squeeze %dma_wait3A_90 : memref<1x640xf32, #tpu.memory_space<vmem>> -> memref<640xf32, #tpu.memory_space<vmem>>
        tpu.wait_dma2 semaphore(%run_scoped3A_77 : memref<!tpu.dma_semaphore, #tpu.memory_space<semaphore_mem>>) src(%dma_wait3A_91 : memref<640xf32, #tpu.memory_space<vmem>>) dst(%dma_wait3A_88 : memref<640xf32, #tpu.memory_space<hbm>>)
        tpu.yield
      }) : () -> ()
    } else {
    }
    return
  }
}

#map = affine_map<(d0, d1) -> (0, 0)>
#map1 = affine_map<(d0, d1) -> (0, 0, 0)>
module attributes {stable_mosaic.version = 14 : i64} {
  func.func @agg(%arg0: i32, %arg1: i32, %arg2: memref<10112x128xf32, #tpu.memory_space<hbm>>, %arg3: memref<16x160x128xi32, #tpu.memory_space<hbm>>, %arg4: memref<16x160x128xi32, #tpu.memory_space<hbm>>, %arg5: memref<10112x128xf32, #tpu.memory_space<hbm>>, %arg6: memref<10112x64xf32, #tpu.memory_space<vmem_shared>>, %arg7: memref<3x4x128xi32, #tpu.memory_space<vmem>>, %arg8: memref<3x4x128xi32, #tpu.memory_space<vmem>>, %arg9: memref<4x128x64xf32, #tpu.memory_space<vmem>>, %arg10: memref<4x!tpu.dma_semaphore, #tpu.memory_space<semaphore_mem>>, %arg11: memref<3x!tpu.dma_semaphore, #tpu.memory_space<semaphore_mem>>, %arg12: memref<4x!tpu.dma_semaphore, #tpu.memory_space<semaphore_mem>>, %arg13: memref<10112x64xf32, #tpu.memory_space<vmem_shared>>, %arg14: memref<79x64xf32, #tpu.memory_space<vmem>>) attributes {dimension_semantics = [#tpu.dimension_semantics<core_parallel>, #tpu.dimension_semantics<subcore_parallel>], iteration_bounds = array<i64: 2, 16>, scalar_prefetch = 0 : i64, scratch_operands = 9 : i64, tpu.core_type = #tpu.core_type<sc_vector_subcore>, window_params = [{transform_indices = #map}, {transform_indices = #map1}, {transform_indices = #map1}, {transform_indices = #map}]} {
    %mul3A = arith.constant 632 : i32
    %mul3A_0 = arith.muli %arg1, %mul3A : i32
    %mul3A_1 = arith.constant 64 : i32
    %mul3A_2 = arith.muli %arg0, %mul3A_1 : i32
    "tpu.region"() ({
      %run_scoped3A = tpu.sem_alloc : memref<!tpu.dma_semaphore, #tpu.memory_space<semaphore_mem>>
      %dma_start3A_267 = arith.constant 0 : i32
      %dma_start3A_268 = tpu.memref_slice %arg13[%mul3A_0, %dma_start3A_267] : memref<10112x64xf32, #tpu.memory_space<vmem_shared>> -> memref<632x64xf32, #tpu.memory_space<vmem_shared>>
      %dma_start3A_269 = tpu.memref_slice %arg2[%mul3A_0, %mul3A_2] : memref<10112x128xf32, #tpu.memory_space<hbm>> -> memref<632x64xf32, #tpu.memory_space<hbm>>
      tpu.enqueue_dma source(%dma_start3A_269 : memref<632x64xf32, #tpu.memory_space<hbm>>) target(%dma_start3A_268 : memref<632x64xf32, #tpu.memory_space<vmem_shared>>) target_semaphore(%run_scoped3A : memref<!tpu.dma_semaphore, #tpu.memory_space<semaphore_mem>>)
      %dma_wait3A_270 = arith.constant 0 : i32
      %dma_wait3A_271 = tpu.memref_slice %arg13[%mul3A_0, %dma_wait3A_270] : memref<10112x64xf32, #tpu.memory_space<vmem_shared>> -> memref<632x64xf32, #tpu.memory_space<vmem_shared>>
      %dma_wait3A_272 = tpu.memref_slice %arg2[%mul3A_0, %mul3A_2] : memref<10112x128xf32, #tpu.memory_space<hbm>> -> memref<632x64xf32, #tpu.memory_space<hbm>>
      tpu.wait_dma2 semaphore(%run_scoped3A : memref<!tpu.dma_semaphore, #tpu.memory_space<semaphore_mem>>) src(%dma_wait3A_272 : memref<632x64xf32, #tpu.memory_space<hbm>>) dst(%dma_wait3A_271 : memref<632x64xf32, #tpu.memory_space<vmem_shared>>)
      tpu.yield
    }) : () -> ()
    %broadcast_in_dim3A = arith.constant 0.000000e+00 : f32
    %broadcast_in_dim3A_3 = vector.broadcast %broadcast_in_dim3A : f32 to vector<16xf32>
    %scan3A = arith.constant 0 : i32
    %scan3A_4 = arith.constant 0 : i32
    %scan3A_5 = arith.constant 79 : i32
    %scan3A_6 = arith.addi %scan3A_4, %scan3A_5 : i32
    %scan3A_7 = arith.constant 1 : i32
    %scan3A_8 = scf.for %scan3A_267 = %scan3A_4 to %scan3A_6 step %scan3A_7 iter_args(%scan3A_268 = %scan3A) -> (i32)  : i32 {
      %swap3A = arith.index_cast %scan3A_267 : i32 to index
      %swap3A_269 = arith.constant 0 : index
      %swap3A_270 = tpu.vector_load %arg14[%swap3A, %swap3A_269] {strides = array<i32>} : memref<79x64xf32, #tpu.memory_space<vmem>>, vector<1x16xf32>,
      %swap3A_271 = vector.shape_cast %swap3A_270 : vector<1x16xf32> to vector<16xf32>
      %swap3A_272 = vector.shape_cast %broadcast_in_dim3A_3 : vector<16xf32> to vector<1x16xf32>
      tpu.vector_store %arg14[%swap3A, %swap3A_269], %swap3A_272 {strides = array<i32>} : memref<79x64xf32, #tpu.memory_space<vmem>>, vector<1x16xf32>,
      %swap3A_273 = arith.index_cast %scan3A_267 : i32 to index
      %swap3A_274 = arith.constant 16 : index
      %swap3A_275 = tpu.vector_load %arg14[%swap3A_273, %swap3A_274] {strides = array<i32>} : memref<79x64xf32, #tpu.memory_space<vmem>>, vector<1x16xf32>,
      %swap3A_276 = vector.shape_cast %swap3A_275 : vector<1x16xf32> to vector<16xf32>
      %swap3A_277 = vector.shape_cast %broadcast_in_dim3A_3 : vector<16xf32> to vector<1x16xf32>
      tpu.vector_store %arg14[%swap3A_273, %swap3A_274], %swap3A_277 {strides = array<i32>} : memref<79x64xf32, #tpu.memory_space<vmem>>, vector<1x16xf32>,
      %swap3A_278 = arith.index_cast %scan3A_267 : i32 to index
      %swap3A_279 = arith.constant 32 : index
      %swap3A_280 = tpu.vector_load %arg14[%swap3A_278, %swap3A_279] {strides = array<i32>} : memref<79x64xf32, #tpu.memory_space<vmem>>, vector<1x16xf32>,
      %swap3A_281 = vector.shape_cast %swap3A_280 : vector<1x16xf32> to vector<16xf32>
      %swap3A_282 = vector.shape_cast %broadcast_in_dim3A_3 : vector<16xf32> to vector<1x16xf32>
      tpu.vector_store %arg14[%swap3A_278, %swap3A_279], %swap3A_282 {strides = array<i32>} : memref<79x64xf32, #tpu.memory_space<vmem>>, vector<1x16xf32>,
      %swap3A_283 = arith.index_cast %scan3A_267 : i32 to index
      %swap3A_284 = arith.constant 48 : index
      %swap3A_285 = tpu.vector_load %arg14[%swap3A_283, %swap3A_284] {strides = array<i32>} : memref<79x64xf32, #tpu.memory_space<vmem>>, vector<1x16xf32>,
      %swap3A_286 = vector.shape_cast %swap3A_285 : vector<1x16xf32> to vector<16xf32>
      %swap3A_287 = vector.shape_cast %broadcast_in_dim3A_3 : vector<16xf32> to vector<1x16xf32>
      tpu.vector_store %arg14[%swap3A_283, %swap3A_284], %swap3A_287 {strides = array<i32>} : memref<79x64xf32, #tpu.memory_space<vmem>>, vector<1x16xf32>,
      %scan3A_288 = arith.constant 0 : i32
      scf.yield %scan3A_288 : i32
    }
    %scan3A_9 = arith.constant 79 : i32
    %mul3A_10 = arith.constant 632 : i32
    %mul3A_11 = arith.muli %arg1, %mul3A_10 : i32
    %add3A = arith.constant 0 : i32
    %add3A_12 = arith.addi %mul3A_11, %add3A : i32
    "tpu.region"() ({
      %run_scoped3A = tpu.sem_alloc : memref<!tpu.dma_semaphore, #tpu.memory_space<semaphore_mem>>
      %dma_start3A_267 = arith.constant 0 : i32
      %dma_start3A_268 = tpu.memref_slice %arg6[%add3A_12, %dma_start3A_267] : memref<10112x64xf32, #tpu.memory_space<vmem_shared>> -> memref<79x64xf32, #tpu.memory_space<vmem_shared>>
      %dma_start3A_269 = arith.constant 0 : i32
      %dma_start3A_270 = tpu.memref_slice %arg6[%add3A_12, %dma_start3A_269] : memref<10112x64xf32, #tpu.memory_space<vmem_shared>> -> memref<79x64xf32, #tpu.memory_space<vmem_shared>>
      tpu.enqueue_dma source(%arg14 : memref<79x64xf32, #tpu.memory_space<vmem>>) target(%dma_start3A_270 : memref<79x64xf32, #tpu.memory_space<vmem_shared>>) target_semaphore(%run_scoped3A : memref<!tpu.dma_semaphore, #tpu.memory_space<semaphore_mem>>)
      %dma_wait3A_271 = arith.constant 0 : i32
      %dma_wait3A_272 = tpu.memref_slice %arg6[%add3A_12, %dma_wait3A_271] : memref<10112x64xf32, #tpu.memory_space<vmem_shared>> -> memref<79x64xf32, #tpu.memory_space<vmem_shared>>
      %dma_wait3A_273 = arith.constant 0 : i32
      %dma_wait3A_274 = tpu.memref_slice %arg6[%add3A_12, %dma_wait3A_273] : memref<10112x64xf32, #tpu.memory_space<vmem_shared>> -> memref<79x64xf32, #tpu.memory_space<vmem_shared>>
      tpu.wait_dma2 semaphore(%run_scoped3A : memref<!tpu.dma_semaphore, #tpu.memory_space<semaphore_mem>>) src(%arg14 : memref<79x64xf32, #tpu.memory_space<vmem>>) dst(%dma_wait3A_274 : memref<79x64xf32, #tpu.memory_space<vmem_shared>>)
      tpu.yield
    }) : () -> ()
    %mul3A_13 = arith.constant 632 : i32
    %mul3A_14 = arith.muli %arg1, %mul3A_13 : i32
    %add3A_15 = arith.constant 79 : i32
    %add3A_16 = arith.addi %mul3A_14, %add3A_15 : i32
    "tpu.region"() ({
      %run_scoped3A = tpu.sem_alloc : memref<!tpu.dma_semaphore, #tpu.memory_space<semaphore_mem>>
      %dma_start3A_267 = arith.constant 0 : i32
      %dma_start3A_268 = tpu.memref_slice %arg6[%add3A_16, %dma_start3A_267] : memref<10112x64xf32, #tpu.memory_space<vmem_shared>> -> memref<79x64xf32, #tpu.memory_space<vmem_shared>>
      %dma_start3A_269 = arith.constant 0 : i32
      %dma_start3A_270 = tpu.memref_slice %arg6[%add3A_16, %dma_start3A_269] : memref<10112x64xf32, #tpu.memory_space<vmem_shared>> -> memref<79x64xf32, #tpu.memory_space<vmem_shared>>
      tpu.enqueue_dma source(%arg14 : memref<79x64xf32, #tpu.memory_space<vmem>>) target(%dma_start3A_270 : memref<79x64xf32, #tpu.memory_space<vmem_shared>>) target_semaphore(%run_scoped3A : memref<!tpu.dma_semaphore, #tpu.memory_space<semaphore_mem>>)
      %dma_wait3A_271 = arith.constant 0 : i32
      %dma_wait3A_272 = tpu.memref_slice %arg6[%add3A_16, %dma_wait3A_271] : memref<10112x64xf32, #tpu.memory_space<vmem_shared>> -> memref<79x64xf32, #tpu.memory_space<vmem_shared>>
      %dma_wait3A_273 = arith.constant 0 : i32
      %dma_wait3A_274 = tpu.memref_slice %arg6[%add3A_16, %dma_wait3A_273] : memref<10112x64xf32, #tpu.memory_space<vmem_shared>> -> memref<79x64xf32, #tpu.memory_space<vmem_shared>>
      tpu.wait_dma2 semaphore(%run_scoped3A : memref<!tpu.dma_semaphore, #tpu.memory_space<semaphore_mem>>) src(%arg14 : memref<79x64xf32, #tpu.memory_space<vmem>>) dst(%dma_wait3A_274 : memref<79x64xf32, #tpu.memory_space<vmem_shared>>)
      tpu.yield
    }) : () -> ()
    %mul3A_17 = arith.constant 632 : i32
    %mul3A_18 = arith.muli %arg1, %mul3A_17 : i32
    %add3A_19 = arith.constant 158 : i32
    %add3A_20 = arith.addi %mul3A_18, %add3A_19 : i32
    "tpu.region"() ({
      %run_scoped3A = tpu.sem_alloc : memref<!tpu.dma_semaphore, #tpu.memory_space<semaphore_mem>>
      %dma_start3A_267 = arith.constant 0 : i32
      %dma_start3A_268 = tpu.memref_slice %arg6[%add3A_20, %dma_start3A_267] : memref<10112x64xf32, #tpu.memory_space<vmem_shared>> -> memref<79x64xf32, #tpu.memory_space<vmem_shared>>
      %dma_start3A_269 = arith.constant 0 : i32
      %dma_start3A_270 = tpu.memref_slice %arg6[%add3A_20, %dma_start3A_269] : memref<10112x64xf32, #tpu.memory_space<vmem_shared>> -> memref<79x64xf32, #tpu.memory_space<vmem_shared>>
      tpu.enqueue_dma source(%arg14 : memref<79x64xf32, #tpu.memory_space<vmem>>) target(%dma_start3A_270 : memref<79x64xf32, #tpu.memory_space<vmem_shared>>) target_semaphore(%run_scoped3A : memref<!tpu.dma_semaphore, #tpu.memory_space<semaphore_mem>>)
      %dma_wait3A_271 = arith.constant 0 : i32
      %dma_wait3A_272 = tpu.memref_slice %arg6[%add3A_20, %dma_wait3A_271] : memref<10112x64xf32, #tpu.memory_space<vmem_shared>> -> memref<79x64xf32, #tpu.memory_space<vmem_shared>>
      %dma_wait3A_273 = arith.constant 0 : i32
      %dma_wait3A_274 = tpu.memref_slice %arg6[%add3A_20, %dma_wait3A_273] : memref<10112x64xf32, #tpu.memory_space<vmem_shared>> -> memref<79x64xf32, #tpu.memory_space<vmem_shared>>
      tpu.wait_dma2 semaphore(%run_scoped3A : memref<!tpu.dma_semaphore, #tpu.memory_space<semaphore_mem>>) src(%arg14 : memref<79x64xf32, #tpu.memory_space<vmem>>) dst(%dma_wait3A_274 : memref<79x64xf32, #tpu.memory_space<vmem_shared>>)
      tpu.yield
    }) : () -> ()
    %mul3A_21 = arith.constant 632 : i32
    %mul3A_22 = arith.muli %arg1, %mul3A_21 : i32
    %add3A_23 = arith.constant 237 : i32
    %add3A_24 = arith.addi %mul3A_22, %add3A_23 : i32
    "tpu.region"() ({
      %run_scoped3A = tpu.sem_alloc : memref<!tpu.dma_semaphore, #tpu.memory_space<semaphore_mem>>
      %dma_start3A_267 = arith.constant 0 : i32
      %dma_start3A_268 = tpu.memref_slice %arg6[%add3A_24, %dma_start3A_267] : memref<10112x64xf32, #tpu.memory_space<vmem_shared>> -> memref<79x64xf32, #tpu.memory_space<vmem_shared>>
      %dma_start3A_269 = arith.constant 0 : i32
      %dma_start3A_270 = tpu.memref_slice %arg6[%add3A_24, %dma_start3A_269] : memref<10112x64xf32, #tpu.memory_space<vmem_shared>> -> memref<79x64xf32, #tpu.memory_space<vmem_shared>>
      tpu.enqueue_dma source(%arg14 : memref<79x64xf32, #tpu.memory_space<vmem>>) target(%dma_start3A_270 : memref<79x64xf32, #tpu.memory_space<vmem_shared>>) target_semaphore(%run_scoped3A : memref<!tpu.dma_semaphore, #tpu.memory_space<semaphore_mem>>)
      %dma_wait3A_271 = arith.constant 0 : i32
      %dma_wait3A_272 = tpu.memref_slice %arg6[%add3A_24, %dma_wait3A_271] : memref<10112x64xf32, #tpu.memory_space<vmem_shared>> -> memref<79x64xf32, #tpu.memory_space<vmem_shared>>
      %dma_wait3A_273 = arith.constant 0 : i32
      %dma_wait3A_274 = tpu.memref_slice %arg6[%add3A_24, %dma_wait3A_273] : memref<10112x64xf32, #tpu.memory_space<vmem_shared>> -> memref<79x64xf32, #tpu.memory_space<vmem_shared>>
      tpu.wait_dma2 semaphore(%run_scoped3A : memref<!tpu.dma_semaphore, #tpu.memory_space<semaphore_mem>>) src(%arg14 : memref<79x64xf32, #tpu.memory_space<vmem>>) dst(%dma_wait3A_274 : memref<79x64xf32, #tpu.memory_space<vmem_shared>>)
      tpu.yield
    }) : () -> ()
    %mul3A_25 = arith.constant 632 : i32
    %mul3A_26 = arith.muli %arg1, %mul3A_25 : i32
    %add3A_27 = arith.constant 316 : i32
    %add3A_28 = arith.addi %mul3A_26, %add3A_27 : i32
    "tpu.region"() ({
      %run_scoped3A = tpu.sem_alloc : memref<!tpu.dma_semaphore, #tpu.memory_space<semaphore_mem>>
      %dma_start3A_267 = arith.constant 0 : i32
      %dma_start3A_268 = tpu.memref_slice %arg6[%add3A_28, %dma_start3A_267] : memref<10112x64xf32, #tpu.memory_space<vmem_shared>> -> memref<79x64xf32, #tpu.memory_space<vmem_shared>>
      %dma_start3A_269 = arith.constant 0 : i32
      %dma_start3A_270 = tpu.memref_slice %arg6[%add3A_28, %dma_start3A_269] : memref<10112x64xf32, #tpu.memory_space<vmem_shared>> -> memref<79x64xf32, #tpu.memory_space<vmem_shared>>
      tpu.enqueue_dma source(%arg14 : memref<79x64xf32, #tpu.memory_space<vmem>>) target(%dma_start3A_270 : memref<79x64xf32, #tpu.memory_space<vmem_shared>>) target_semaphore(%run_scoped3A : memref<!tpu.dma_semaphore, #tpu.memory_space<semaphore_mem>>)
      %dma_wait3A_271 = arith.constant 0 : i32
      %dma_wait3A_272 = tpu.memref_slice %arg6[%add3A_28, %dma_wait3A_271] : memref<10112x64xf32, #tpu.memory_space<vmem_shared>> -> memref<79x64xf32, #tpu.memory_space<vmem_shared>>
      %dma_wait3A_273 = arith.constant 0 : i32
      %dma_wait3A_274 = tpu.memref_slice %arg6[%add3A_28, %dma_wait3A_273] : memref<10112x64xf32, #tpu.memory_space<vmem_shared>> -> memref<79x64xf32, #tpu.memory_space<vmem_shared>>
      tpu.wait_dma2 semaphore(%run_scoped3A : memref<!tpu.dma_semaphore, #tpu.memory_space<semaphore_mem>>) src(%arg14 : memref<79x64xf32, #tpu.memory_space<vmem>>) dst(%dma_wait3A_274 : memref<79x64xf32, #tpu.memory_space<vmem_shared>>)
      tpu.yield
    }) : () -> ()
    %mul3A_29 = arith.constant 632 : i32
    %mul3A_30 = arith.muli %arg1, %mul3A_29 : i32
    %add3A_31 = arith.constant 395 : i32
    %add3A_32 = arith.addi %mul3A_30, %add3A_31 : i32
    "tpu.region"() ({
      %run_scoped3A = tpu.sem_alloc : memref<!tpu.dma_semaphore, #tpu.memory_space<semaphore_mem>>
      %dma_start3A_267 = arith.constant 0 : i32
      %dma_start3A_268 = tpu.memref_slice %arg6[%add3A_32, %dma_start3A_267] : memref<10112x64xf32, #tpu.memory_space<vmem_shared>> -> memref<79x64xf32, #tpu.memory_space<vmem_shared>>
      %dma_start3A_269 = arith.constant 0 : i32
      %dma_start3A_270 = tpu.memref_slice %arg6[%add3A_32, %dma_start3A_269] : memref<10112x64xf32, #tpu.memory_space<vmem_shared>> -> memref<79x64xf32, #tpu.memory_space<vmem_shared>>
      tpu.enqueue_dma source(%arg14 : memref<79x64xf32, #tpu.memory_space<vmem>>) target(%dma_start3A_270 : memref<79x64xf32, #tpu.memory_space<vmem_shared>>) target_semaphore(%run_scoped3A : memref<!tpu.dma_semaphore, #tpu.memory_space<semaphore_mem>>)
      %dma_wait3A_271 = arith.constant 0 : i32
      %dma_wait3A_272 = tpu.memref_slice %arg6[%add3A_32, %dma_wait3A_271] : memref<10112x64xf32, #tpu.memory_space<vmem_shared>> -> memref<79x64xf32, #tpu.memory_space<vmem_shared>>
      %dma_wait3A_273 = arith.constant 0 : i32
      %dma_wait3A_274 = tpu.memref_slice %arg6[%add3A_32, %dma_wait3A_273] : memref<10112x64xf32, #tpu.memory_space<vmem_shared>> -> memref<79x64xf32, #tpu.memory_space<vmem_shared>>
      tpu.wait_dma2 semaphore(%run_scoped3A : memref<!tpu.dma_semaphore, #tpu.memory_space<semaphore_mem>>) src(%arg14 : memref<79x64xf32, #tpu.memory_space<vmem>>) dst(%dma_wait3A_274 : memref<79x64xf32, #tpu.memory_space<vmem_shared>>)
      tpu.yield
    }) : () -> ()
    %mul3A_33 = arith.constant 632 : i32
    %mul3A_34 = arith.muli %arg1, %mul3A_33 : i32
    %add3A_35 = arith.constant 474 : i32
    %add3A_36 = arith.addi %mul3A_34, %add3A_35 : i32
    "tpu.region"() ({
      %run_scoped3A = tpu.sem_alloc : memref<!tpu.dma_semaphore, #tpu.memory_space<semaphore_mem>>
      %dma_start3A_267 = arith.constant 0 : i32
      %dma_start3A_268 = tpu.memref_slice %arg6[%add3A_36, %dma_start3A_267] : memref<10112x64xf32, #tpu.memory_space<vmem_shared>> -> memref<79x64xf32, #tpu.memory_space<vmem_shared>>
      %dma_start3A_269 = arith.constant 0 : i32
      %dma_start3A_270 = tpu.memref_slice %arg6[%add3A_36, %dma_start3A_269] : memref<10112x64xf32, #tpu.memory_space<vmem_shared>> -> memref<79x64xf32, #tpu.memory_space<vmem_shared>>
      tpu.enqueue_dma source(%arg14 : memref<79x64xf32, #tpu.memory_space<vmem>>) target(%dma_start3A_270 : memref<79x64xf32, #tpu.memory_space<vmem_shared>>) target_semaphore(%run_scoped3A : memref<!tpu.dma_semaphore, #tpu.memory_space<semaphore_mem>>)
      %dma_wait3A_271 = arith.constant 0 : i32
      %dma_wait3A_272 = tpu.memref_slice %arg6[%add3A_36, %dma_wait3A_271] : memref<10112x64xf32, #tpu.memory_space<vmem_shared>> -> memref<79x64xf32, #tpu.memory_space<vmem_shared>>
      %dma_wait3A_273 = arith.constant 0 : i32
      %dma_wait3A_274 = tpu.memref_slice %arg6[%add3A_36, %dma_wait3A_273] : memref<10112x64xf32, #tpu.memory_space<vmem_shared>> -> memref<79x64xf32, #tpu.memory_space<vmem_shared>>
      tpu.wait_dma2 semaphore(%run_scoped3A : memref<!tpu.dma_semaphore, #tpu.memory_space<semaphore_mem>>) src(%arg14 : memref<79x64xf32, #tpu.memory_space<vmem>>) dst(%dma_wait3A_274 : memref<79x64xf32, #tpu.memory_space<vmem_shared>>)
      tpu.yield
    }) : () -> ()
    %mul3A_37 = arith.constant 632 : i32
    %mul3A_38 = arith.muli %arg1, %mul3A_37 : i32
    %add3A_39 = arith.constant 553 : i32
    %add3A_40 = arith.addi %mul3A_38, %add3A_39 : i32
    "tpu.region"() ({
      %run_scoped3A = tpu.sem_alloc : memref<!tpu.dma_semaphore, #tpu.memory_space<semaphore_mem>>
      %dma_start3A_267 = arith.constant 0 : i32
      %dma_start3A_268 = tpu.memref_slice %arg6[%add3A_40, %dma_start3A_267] : memref<10112x64xf32, #tpu.memory_space<vmem_shared>> -> memref<79x64xf32, #tpu.memory_space<vmem_shared>>
      %dma_start3A_269 = arith.constant 0 : i32
      %dma_start3A_270 = tpu.memref_slice %arg6[%add3A_40, %dma_start3A_269] : memref<10112x64xf32, #tpu.memory_space<vmem_shared>> -> memref<79x64xf32, #tpu.memory_space<vmem_shared>>
      tpu.enqueue_dma source(%arg14 : memref<79x64xf32, #tpu.memory_space<vmem>>) target(%dma_start3A_270 : memref<79x64xf32, #tpu.memory_space<vmem_shared>>) target_semaphore(%run_scoped3A : memref<!tpu.dma_semaphore, #tpu.memory_space<semaphore_mem>>)
      %dma_wait3A_271 = arith.constant 0 : i32
      %dma_wait3A_272 = tpu.memref_slice %arg6[%add3A_40, %dma_wait3A_271] : memref<10112x64xf32, #tpu.memory_space<vmem_shared>> -> memref<79x64xf32, #tpu.memory_space<vmem_shared>>
      %dma_wait3A_273 = arith.constant 0 : i32
      %dma_wait3A_274 = tpu.memref_slice %arg6[%add3A_40, %dma_wait3A_273] : memref<10112x64xf32, #tpu.memory_space<vmem_shared>> -> memref<79x64xf32, #tpu.memory_space<vmem_shared>>
      tpu.wait_dma2 semaphore(%run_scoped3A : memref<!tpu.dma_semaphore, #tpu.memory_space<semaphore_mem>>) src(%arg14 : memref<79x64xf32, #tpu.memory_space<vmem>>) dst(%dma_wait3A_274 : memref<79x64xf32, #tpu.memory_space<vmem_shared>>)
      tpu.yield
    }) : () -> ()
    %dma_start3A = arith.constant 0 : i32
    %dma_start3A_41 = arith.constant 0 : i32
    %dma_start3A_42 = arith.constant 0 : i32
    %dma_start3A_43 = arith.constant 0 : i32
    %dma_start3A_44 = tpu.memref_slice %arg8[%dma_start3A, %dma_start3A_42, %dma_start3A_43] : memref<3x4x128xi32, #tpu.memory_space<vmem>> -> memref<1x4x128xi32, #tpu.memory_space<vmem>>
    %dma_start3A_45 = tpu.memref_squeeze %dma_start3A_44 : memref<1x4x128xi32, #tpu.memory_space<vmem>> -> memref<4x128xi32, #tpu.memory_space<vmem>>
    %dma_start3A_46 = arith.constant 0 : i32
    %dma_start3A_47 = arith.constant 0 : i32
    %dma_start3A_48 = tpu.memref_slice %arg3[%arg1, %dma_start3A_46, %dma_start3A_47] : memref<16x160x128xi32, #tpu.memory_space<hbm>> -> memref<1x4x128xi32, #tpu.memory_space<hbm>>
    %dma_start3A_49 = tpu.memref_squeeze %dma_start3A_48 : memref<1x4x128xi32, #tpu.memory_space<hbm>> -> memref<4x128xi32, #tpu.memory_space<hbm>>
    %dma_start3A_50 = tpu.memref_slice %arg11[%dma_start3A_41] : memref<3x!tpu.dma_semaphore, #tpu.memory_space<semaphore_mem>> -> memref<1x!tpu.dma_semaphore, #tpu.memory_space<semaphore_mem>>
    %dma_start3A_51 = tpu.memref_squeeze %dma_start3A_50 : memref<1x!tpu.dma_semaphore, #tpu.memory_space<semaphore_mem>> -> memref<!tpu.dma_semaphore, #tpu.memory_space<semaphore_mem>>
    %dma_start3A_52 = arith.constant 0 : i32
    %dma_start3A_53 = arith.constant 0 : i32
    %dma_start3A_54 = tpu.memref_slice %arg8[%dma_start3A, %dma_start3A_52, %dma_start3A_53] : memref<3x4x128xi32, #tpu.memory_space<vmem>> -> memref<1x4x128xi32, #tpu.memory_space<vmem>>
    %dma_start3A_55 = tpu.memref_squeeze %dma_start3A_54 : memref<1x4x128xi32, #tpu.memory_space<vmem>> -> memref<4x128xi32, #tpu.memory_space<vmem>>
    %dma_start3A_56 = arith.constant 0 : i32
    %dma_start3A_57 = arith.constant 0 : i32
    %dma_start3A_58 = tpu.memref_slice %arg3[%arg1, %dma_start3A_56, %dma_start3A_57] : memref<16x160x128xi32, #tpu.memory_space<hbm>> -> memref<1x4x128xi32, #tpu.memory_space<hbm>>
    %dma_start3A_59 = tpu.memref_squeeze %dma_start3A_58 : memref<1x4x128xi32, #tpu.memory_space<hbm>> -> memref<4x128xi32, #tpu.memory_space<hbm>>
    tpu.enqueue_dma source(%dma_start3A_59 : memref<4x128xi32, #tpu.memory_space<hbm>>) target(%dma_start3A_55 : memref<4x128xi32, #tpu.memory_space<vmem>>) target_semaphore(%dma_start3A_51 : memref<!tpu.dma_semaphore, #tpu.memory_space<semaphore_mem>>)
    %dma_start3A_60 = arith.constant 0 : i32
    %dma_start3A_61 = arith.constant 0 : i32
    %dma_start3A_62 = arith.constant 0 : i32
    %dma_start3A_63 = arith.constant 0 : i32
    %dma_start3A_64 = tpu.memref_slice %arg7[%dma_start3A_60, %dma_start3A_62, %dma_start3A_63] : memref<3x4x128xi32, #tpu.memory_space<vmem>> -> memref<1x4x128xi32, #tpu.memory_space<vmem>>
    %dma_start3A_65 = tpu.memref_squeeze %dma_start3A_64 : memref<1x4x128xi32, #tpu.memory_space<vmem>> -> memref<4x128xi32, #tpu.memory_space<vmem>>
    %dma_start3A_66 = arith.constant 0 : i32
    %dma_start3A_67 = arith.constant 0 : i32
    %dma_start3A_68 = tpu.memref_slice %arg4[%arg1, %dma_start3A_66, %dma_start3A_67] : memref<16x160x128xi32, #tpu.memory_space<hbm>> -> memref<1x4x128xi32, #tpu.memory_space<hbm>>
    %dma_start3A_69 = tpu.memref_squeeze %dma_start3A_68 : memref<1x4x128xi32, #tpu.memory_space<hbm>> -> memref<4x128xi32, #tpu.memory_space<hbm>>
    %dma_start3A_70 = tpu.memref_slice %arg11[%dma_start3A_61] : memref<3x!tpu.dma_semaphore, #tpu.memory_space<semaphore_mem>> -> memref<1x!tpu.dma_semaphore, #tpu.memory_space<semaphore_mem>>
    %dma_start3A_71 = tpu.memref_squeeze %dma_start3A_70 : memref<1x!tpu.dma_semaphore, #tpu.memory_space<semaphore_mem>> -> memref<!tpu.dma_semaphore, #tpu.memory_space<semaphore_mem>>
    %dma_start3A_72 = arith.constant 0 : i32
    %dma_start3A_73 = arith.constant 0 : i32
    %dma_start3A_74 = tpu.memref_slice %arg7[%dma_start3A_60, %dma_start3A_72, %dma_start3A_73] : memref<3x4x128xi32, #tpu.memory_space<vmem>> -> memref<1x4x128xi32, #tpu.memory_space<vmem>>
    %dma_start3A_75 = tpu.memref_squeeze %dma_start3A_74 : memref<1x4x128xi32, #tpu.memory_space<vmem>> -> memref<4x128xi32, #tpu.memory_space<vmem>>
    %dma_start3A_76 = arith.constant 0 : i32
    %dma_start3A_77 = arith.constant 0 : i32
    %dma_start3A_78 = tpu.memref_slice %arg4[%arg1, %dma_start3A_76, %dma_start3A_77] : memref<16x160x128xi32, #tpu.memory_space<hbm>> -> memref<1x4x128xi32, #tpu.memory_space<hbm>>
    %dma_start3A_79 = tpu.memref_squeeze %dma_start3A_78 : memref<1x4x128xi32, #tpu.memory_space<hbm>> -> memref<4x128xi32, #tpu.memory_space<hbm>>
    tpu.enqueue_dma source(%dma_start3A_79 : memref<4x128xi32, #tpu.memory_space<hbm>>) target(%dma_start3A_75 : memref<4x128xi32, #tpu.memory_space<vmem>>) target_semaphore(%dma_start3A_71 : memref<!tpu.dma_semaphore, #tpu.memory_space<semaphore_mem>>)
    %dma_wait3A = arith.constant 0 : i32
    %dma_wait3A_80 = arith.constant 0 : i32
    %dma_wait3A_81 = arith.constant 0 : i32
    %dma_wait3A_82 = arith.constant 0 : i32
    %dma_wait3A_83 = tpu.memref_slice %arg8[%dma_wait3A, %dma_wait3A_81, %dma_wait3A_82] : memref<3x4x128xi32, #tpu.memory_space<vmem>> -> memref<1x4x128xi32, #tpu.memory_space<vmem>>
    %dma_wait3A_84 = tpu.memref_squeeze %dma_wait3A_83 : memref<1x4x128xi32, #tpu.memory_space<vmem>> -> memref<4x128xi32, #tpu.memory_space<vmem>>
    %dma_wait3A_85 = arith.constant 0 : i32
    %dma_wait3A_86 = arith.constant 0 : i32
    %dma_wait3A_87 = tpu.memref_slice %arg3[%arg1, %dma_wait3A_85, %dma_wait3A_86] : memref<16x160x128xi32, #tpu.memory_space<hbm>> -> memref<1x4x128xi32, #tpu.memory_space<hbm>>
    %dma_wait3A_88 = tpu.memref_squeeze %dma_wait3A_87 : memref<1x4x128xi32, #tpu.memory_space<hbm>> -> memref<4x128xi32, #tpu.memory_space<hbm>>
    %dma_wait3A_89 = tpu.memref_slice %arg11[%dma_wait3A_80] : memref<3x!tpu.dma_semaphore, #tpu.memory_space<semaphore_mem>> -> memref<1x!tpu.dma_semaphore, #tpu.memory_space<semaphore_mem>>
    %dma_wait3A_90 = tpu.memref_squeeze %dma_wait3A_89 : memref<1x!tpu.dma_semaphore, #tpu.memory_space<semaphore_mem>> -> memref<!tpu.dma_semaphore, #tpu.memory_space<semaphore_mem>>
    %dma_wait3A_91 = arith.constant 0 : i32
    %dma_wait3A_92 = arith.constant 0 : i32
    %dma_wait3A_93 = tpu.memref_slice %arg8[%dma_wait3A, %dma_wait3A_91, %dma_wait3A_92] : memref<3x4x128xi32, #tpu.memory_space<vmem>> -> memref<1x4x128xi32, #tpu.memory_space<vmem>>
    %dma_wait3A_94 = tpu.memref_squeeze %dma_wait3A_93 : memref<1x4x128xi32, #tpu.memory_space<vmem>> -> memref<4x128xi32, #tpu.memory_space<vmem>>
    %dma_wait3A_95 = arith.constant 0 : i32
    %dma_wait3A_96 = arith.constant 0 : i32
    %dma_wait3A_97 = tpu.memref_slice %arg3[%arg1, %dma_wait3A_95, %dma_wait3A_96] : memref<16x160x128xi32, #tpu.memory_space<hbm>> -> memref<1x4x128xi32, #tpu.memory_space<hbm>>
    %dma_wait3A_98 = tpu.memref_squeeze %dma_wait3A_97 : memref<1x4x128xi32, #tpu.memory_space<hbm>> -> memref<4x128xi32, #tpu.memory_space<hbm>>
    tpu.wait_dma2 semaphore(%dma_wait3A_90 : memref<!tpu.dma_semaphore, #tpu.memory_space<semaphore_mem>>) src(%dma_wait3A_98 : memref<4x128xi32, #tpu.memory_space<hbm>>) dst(%dma_wait3A_94 : memref<4x128xi32, #tpu.memory_space<vmem>>)
    %dma_wait3A_99 = arith.constant 0 : i32
    %dma_wait3A_100 = arith.constant 0 : i32
    %dma_wait3A_101 = arith.constant 0 : i32
    %dma_wait3A_102 = arith.constant 0 : i32
    %dma_wait3A_103 = tpu.memref_slice %arg7[%dma_wait3A_99, %dma_wait3A_101, %dma_wait3A_102] : memref<3x4x128xi32, #tpu.memory_space<vmem>> -> memref<1x4x128xi32, #tpu.memory_space<vmem>>
    %dma_wait3A_104 = tpu.memref_squeeze %dma_wait3A_103 : memref<1x4x128xi32, #tpu.memory_space<vmem>> -> memref<4x128xi32, #tpu.memory_space<vmem>>
    %dma_wait3A_105 = arith.constant 0 : i32
    %dma_wait3A_106 = arith.constant 0 : i32
    %dma_wait3A_107 = tpu.memref_slice %arg4[%arg1, %dma_wait3A_105, %dma_wait3A_106] : memref<16x160x128xi32, #tpu.memory_space<hbm>> -> memref<1x4x128xi32, #tpu.memory_space<hbm>>
    %dma_wait3A_108 = tpu.memref_squeeze %dma_wait3A_107 : memref<1x4x128xi32, #tpu.memory_space<hbm>> -> memref<4x128xi32, #tpu.memory_space<hbm>>
    %dma_wait3A_109 = tpu.memref_slice %arg11[%dma_wait3A_100] : memref<3x!tpu.dma_semaphore, #tpu.memory_space<semaphore_mem>> -> memref<1x!tpu.dma_semaphore, #tpu.memory_space<semaphore_mem>>
    %dma_wait3A_110 = tpu.memref_squeeze %dma_wait3A_109 : memref<1x!tpu.dma_semaphore, #tpu.memory_space<semaphore_mem>> -> memref<!tpu.dma_semaphore, #tpu.memory_space<semaphore_mem>>
    %dma_wait3A_111 = arith.constant 0 : i32
    %dma_wait3A_112 = arith.constant 0 : i32
    %dma_wait3A_113 = tpu.memref_slice %arg7[%dma_wait3A_99, %dma_wait3A_111, %dma_wait3A_112] : memref<3x4x128xi32, #tpu.memory_space<vmem>> -> memref<1x4x128xi32, #tpu.memory_space<vmem>>
    %dma_wait3A_114 = tpu.memref_squeeze %dma_wait3A_113 : memref<1x4x128xi32, #tpu.memory_space<vmem>> -> memref<4x128xi32, #tpu.memory_space<vmem>>
    %dma_wait3A_115 = arith.constant 0 : i32
    %dma_wait3A_116 = arith.constant 0 : i32
    %dma_wait3A_117 = tpu.memref_slice %arg4[%arg1, %dma_wait3A_115, %dma_wait3A_116] : memref<16x160x128xi32, #tpu.memory_space<hbm>> -> memref<1x4x128xi32, #tpu.memory_space<hbm>>
    %dma_wait3A_118 = tpu.memref_squeeze %dma_wait3A_117 : memref<1x4x128xi32, #tpu.memory_space<hbm>> -> memref<4x128xi32, #tpu.memory_space<hbm>>
    tpu.wait_dma2 semaphore(%dma_wait3A_110 : memref<!tpu.dma_semaphore, #tpu.memory_space<semaphore_mem>>) src(%dma_wait3A_118 : memref<4x128xi32, #tpu.memory_space<hbm>>) dst(%dma_wait3A_114 : memref<4x128xi32, #tpu.memory_space<vmem>>)
    %dma_start3A_119 = arith.constant 1 : i32
    %dma_start3A_120 = arith.constant 1 : i32
    %dma_start3A_121 = arith.constant 0 : i32
    %dma_start3A_122 = arith.constant 0 : i32
    %dma_start3A_123 = tpu.memref_slice %arg8[%dma_start3A_119, %dma_start3A_121, %dma_start3A_122] : memref<3x4x128xi32, #tpu.memory_space<vmem>> -> memref<1x4x128xi32, #tpu.memory_space<vmem>>
    %dma_start3A_124 = tpu.memref_squeeze %dma_start3A_123 : memref<1x4x128xi32, #tpu.memory_space<vmem>> -> memref<4x128xi32, #tpu.memory_space<vmem>>
    %dma_start3A_125 = arith.constant 4 : i32
    %dma_start3A_126 = arith.constant 0 : i32
    %dma_start3A_127 = tpu.memref_slice %arg3[%arg1, %dma_start3A_125, %dma_start3A_126] : memref<16x160x128xi32, #tpu.memory_space<hbm>> -> memref<1x4x128xi32, #tpu.memory_space<hbm>>
    %dma_start3A_128 = tpu.memref_squeeze %dma_start3A_127 : memref<1x4x128xi32, #tpu.memory_space<hbm>> -> memref<4x128xi32, #tpu.memory_space<hbm>>
    %dma_start3A_129 = tpu.memref_slice %arg11[%dma_start3A_120] : memref<3x!tpu.dma_semaphore, #tpu.memory_space<semaphore_mem>> -> memref<1x!tpu.dma_semaphore, #tpu.memory_space<semaphore_mem>>
    %dma_start3A_130 = tpu.memref_squeeze %dma_start3A_129 : memref<1x!tpu.dma_semaphore, #tpu.memory_space<semaphore_mem>> -> memref<!tpu.dma_semaphore, #tpu.memory_space<semaphore_mem>>
    %dma_start3A_131 = arith.constant 0 : i32
    %dma_start3A_132 = arith.constant 0 : i32
    %dma_start3A_133 = tpu.memref_slice %arg8[%dma_start3A_119, %dma_start3A_131, %dma_start3A_132] : memref<3x4x128xi32, #tpu.memory_space<vmem>> -> memref<1x4x128xi32, #tpu.memory_space<vmem>>
    %dma_start3A_134 = tpu.memref_squeeze %dma_start3A_133 : memref<1x4x128xi32, #tpu.memory_space<vmem>> -> memref<4x128xi32, #tpu.memory_space<vmem>>
    %dma_start3A_135 = arith.constant 4 : i32
    %dma_start3A_136 = arith.constant 0 : i32
    %dma_start3A_137 = tpu.memref_slice %arg3[%arg1, %dma_start3A_135, %dma_start3A_136] : memref<16x160x128xi32, #tpu.memory_space<hbm>> -> memref<1x4x128xi32, #tpu.memory_space<hbm>>
    %dma_start3A_138 = tpu.memref_squeeze %dma_start3A_137 : memref<1x4x128xi32, #tpu.memory_space<hbm>> -> memref<4x128xi32, #tpu.memory_space<hbm>>
    tpu.enqueue_dma source(%dma_start3A_138 : memref<4x128xi32, #tpu.memory_space<hbm>>) target(%dma_start3A_134 : memref<4x128xi32, #tpu.memory_space<vmem>>) target_semaphore(%dma_start3A_130 : memref<!tpu.dma_semaphore, #tpu.memory_space<semaphore_mem>>)
    %dma_start3A_139 = arith.constant 1 : i32
    %dma_start3A_140 = arith.constant 1 : i32
    %dma_start3A_141 = arith.constant 0 : i32
    %dma_start3A_142 = arith.constant 0 : i32
    %dma_start3A_143 = tpu.memref_slice %arg7[%dma_start3A_139, %dma_start3A_141, %dma_start3A_142] : memref<3x4x128xi32, #tpu.memory_space<vmem>> -> memref<1x4x128xi32, #tpu.memory_space<vmem>>
    %dma_start3A_144 = tpu.memref_squeeze %dma_start3A_143 : memref<1x4x128xi32, #tpu.memory_space<vmem>> -> memref<4x128xi32, #tpu.memory_space<vmem>>
    %dma_start3A_145 = arith.constant 4 : i32
    %dma_start3A_146 = arith.constant 0 : i32
    %dma_start3A_147 = tpu.memref_slice %arg4[%arg1, %dma_start3A_145, %dma_start3A_146] : memref<16x160x128xi32, #tpu.memory_space<hbm>> -> memref<1x4x128xi32, #tpu.memory_space<hbm>>
    %dma_start3A_148 = tpu.memref_squeeze %dma_start3A_147 : memref<1x4x128xi32, #tpu.memory_space<hbm>> -> memref<4x128xi32, #tpu.memory_space<hbm>>
    %dma_start3A_149 = tpu.memref_slice %arg11[%dma_start3A_140] : memref<3x!tpu.dma_semaphore, #tpu.memory_space<semaphore_mem>> -> memref<1x!tpu.dma_semaphore, #tpu.memory_space<semaphore_mem>>
    %dma_start3A_150 = tpu.memref_squeeze %dma_start3A_149 : memref<1x!tpu.dma_semaphore, #tpu.memory_space<semaphore_mem>> -> memref<!tpu.dma_semaphore, #tpu.memory_space<semaphore_mem>>
    %dma_start3A_151 = arith.constant 0 : i32
    %dma_start3A_152 = arith.constant 0 : i32
    %dma_start3A_153 = tpu.memref_slice %arg7[%dma_start3A_139, %dma_start3A_151, %dma_start3A_152] : memref<3x4x128xi32, #tpu.memory_space<vmem>> -> memref<1x4x128xi32, #tpu.memory_space<vmem>>
    %dma_start3A_154 = tpu.memref_squeeze %dma_start3A_153 : memref<1x4x128xi32, #tpu.memory_space<vmem>> -> memref<4x128xi32, #tpu.memory_space<vmem>>
    %dma_start3A_155 = arith.constant 4 : i32
    %dma_start3A_156 = arith.constant 0 : i32
    %dma_start3A_157 = tpu.memref_slice %arg4[%arg1, %dma_start3A_155, %dma_start3A_156] : memref<16x160x128xi32, #tpu.memory_space<hbm>> -> memref<1x4x128xi32, #tpu.memory_space<hbm>>
    %dma_start3A_158 = tpu.memref_squeeze %dma_start3A_157 : memref<1x4x128xi32, #tpu.memory_space<hbm>> -> memref<4x128xi32, #tpu.memory_space<hbm>>
    tpu.enqueue_dma source(%dma_start3A_158 : memref<4x128xi32, #tpu.memory_space<hbm>>) target(%dma_start3A_154 : memref<4x128xi32, #tpu.memory_space<vmem>>) target_semaphore(%dma_start3A_150 : memref<!tpu.dma_semaphore, #tpu.memory_space<semaphore_mem>>)
    %barrier3A = arith.constant 0 : index
    tpu.barrier barrier_id(%barrier3A)
    %dma_start3A_159 = arith.constant 0 : i32
    %dma_start3A_160 = arith.constant 0 : i32
    %dma_start3A_161 = arith.constant 0 : i32
    %dma_start3A_162 = arith.constant 0 : i32
    %dma_start3A_163 = arith.constant 0 : i32
    %dma_start3A_164 = arith.constant 0 : i32
    %dma_start3A_165 = tpu.memref_slice %arg9[%dma_start3A_161, %dma_start3A_163, %dma_start3A_164] : memref<4x128x64xf32, #tpu.memory_space<vmem>> -> memref<1x128x64xf32, #tpu.memory_space<vmem>>
    %dma_start3A_166 = tpu.memref_squeeze %dma_start3A_165 : memref<1x128x64xf32, #tpu.memory_space<vmem>> -> memref<128x64xf32, #tpu.memory_space<vmem>>
    %dma_start3A_167 = arith.constant 0 : i32
    %dma_start3A_168 = tpu.memref_slice %arg8[%dma_start3A_159, %dma_start3A_160, %dma_start3A_167] : memref<3x4x128xi32, #tpu.memory_space<vmem>> -> memref<1x1x128xi32, #tpu.memory_space<vmem>>
    %dma_start3A_169 = tpu.memref_squeeze %dma_start3A_168 : memref<1x1x128xi32, #tpu.memory_space<vmem>> -> memref<128xi32, #tpu.memory_space<vmem>>
    %dma_start3A_170 = arith.constant 0 : i32
    %dma_start3A_171 = arith.constant 0 : i32
    %dma_start3A_172 = tpu.memref_slice %arg13[%dma_start3A_170, %dma_start3A_171] : memref<10112x64xf32, #tpu.memory_space<vmem_shared>> -> memref<10112x64xf32, #tpu.memory_space<vmem_shared>>
    %dma_start3A_173 = tpu.memref_slice %arg10[%dma_start3A_162] : memref<4x!tpu.dma_semaphore, #tpu.memory_space<semaphore_mem>> -> memref<1x!tpu.dma_semaphore, #tpu.memory_space<semaphore_mem>>
    %dma_start3A_174 = tpu.memref_squeeze %dma_start3A_173 : memref<1x!tpu.dma_semaphore, #tpu.memory_space<semaphore_mem>> -> memref<!tpu.dma_semaphore, #tpu.memory_space<semaphore_mem>>
    tpu.enqueue_indirect_dma source(%dma_start3A_172 : memref<10112x64xf32, #tpu.memory_space<vmem_shared>>) target(%dma_start3A_166 : memref<128x64xf32, #tpu.memory_space<vmem>>) offsets(%dma_start3A_169 : memref<128xi32, #tpu.memory_space<vmem>>) semaphore(%dma_start3A_174 : memref<!tpu.dma_semaphore, #tpu.memory_space<semaphore_mem>>)
    %dma_start3A_175 = arith.constant 0 : i32
    %dma_start3A_176 = arith.constant 1 : i32
    %dma_start3A_177 = arith.constant 1 : i32
    %dma_start3A_178 = arith.constant 1 : i32
    %dma_start3A_179 = arith.constant 0 : i32
    %dma_start3A_180 = arith.constant 0 : i32
    %dma_start3A_181 = tpu.memref_slice %arg9[%dma_start3A_177, %dma_start3A_179, %dma_start3A_180] : memref<4x128x64xf32, #tpu.memory_space<vmem>> -> memref<1x128x64xf32, #tpu.memory_space<vmem>>
    %dma_start3A_182 = tpu.memref_squeeze %dma_start3A_181 : memref<1x128x64xf32, #tpu.memory_space<vmem>> -> memref<128x64xf32, #tpu.memory_space<vmem>>
    %dma_start3A_183 = arith.constant 0 : i32
    %dma_start3A_184 = tpu.memref_slice %arg8[%dma_start3A_175, %dma_start3A_176, %dma_start3A_183] : memref<3x4x128xi32, #tpu.memory_space<vmem>> -> memref<1x1x128xi32, #tpu.memory_space<vmem>>
    %dma_start3A_185 = tpu.memref_squeeze %dma_start3A_184 : memref<1x1x128xi32, #tpu.memory_space<vmem>> -> memref<128xi32, #tpu.memory_space<vmem>>
    %dma_start3A_186 = arith.constant 0 : i32
    %dma_start3A_187 = arith.constant 0 : i32
    %dma_start3A_188 = tpu.memref_slice %arg13[%dma_start3A_186, %dma_start3A_187] : memref<10112x64xf32, #tpu.memory_space<vmem_shared>> -> memref<10112x64xf32, #tpu.memory_space<vmem_shared>>
    %dma_start3A_189 = tpu.memref_slice %arg10[%dma_start3A_178] : memref<4x!tpu.dma_semaphore, #tpu.memory_space<semaphore_mem>> -> memref<1x!tpu.dma_semaphore, #tpu.memory_space<semaphore_mem>>
    %dma_start3A_190 = tpu.memref_squeeze %dma_start3A_189 : memref<1x!tpu.dma_semaphore, #tpu.memory_space<semaphore_mem>> -> memref<!tpu.dma_semaphore, #tpu.memory_space<semaphore_mem>>
    tpu.enqueue_indirect_dma source(%dma_start3A_188 : memref<10112x64xf32, #tpu.memory_space<vmem_shared>>) target(%dma_start3A_182 : memref<128x64xf32, #tpu.memory_space<vmem>>) offsets(%dma_start3A_185 : memref<128xi32, #tpu.memory_space<vmem>>) semaphore(%dma_start3A_190 : memref<!tpu.dma_semaphore, #tpu.memory_space<semaphore_mem>>)
    %scan3A_191 = arith.constant 0 : i32
    %scan3A_192 = arith.constant 0 : i32
    %scan3A_193 = arith.constant 40 : i32
    %scan3A_194 = arith.addi %scan3A_192, %scan3A_193 : i32
    %scan3A_195 = arith.constant 1 : i32
    %scan3A_196 = scf.for %scan3A_267 = %scan3A_192 to %scan3A_194 step %scan3A_195 iter_args(%scan3A_268 = %scan3A_191) -> (i32)  : i32 {
      %rem3A = arith.constant 3 : i32
      %rem3A_269 = arith.remsi %scan3A_267, %rem3A : i32
      %add3A_270 = arith.constant 1 : i32
      %add3A_271 = arith.addi %scan3A_267, %add3A_270 : i32
      %rem3A_272 = arith.constant 3 : i32
      %rem3A_273 = arith.remsi %add3A_271, %rem3A_272 : i32
      %add3A_274 = arith.constant 1 : i32
      %add3A_275 = arith.addi %scan3A_267, %add3A_274 : i32
      %lt3A = arith.constant 40 : i32
      %lt3A_276 = arith.cmpi slt, %add3A_275, %lt3A : i32
      %convert_element_type3A = arith.extui %lt3A_276 : i1 to i32
      %cond3A = arith.constant 0 : i32
      %cond3A_277 = arith.cmpi ne, %convert_element_type3A, %cond3A : i32
      scf.if %cond3A_277 {
        %dma_wait3A_454 = arith.constant 0 : i32
        %dma_wait3A_455 = arith.constant 0 : i32
        %dma_wait3A_456 = tpu.memref_slice %arg8[%rem3A_273, %dma_wait3A_454, %dma_wait3A_455] : memref<3x4x128xi32, #tpu.memory_space<vmem>> -> memref<1x4x128xi32, #tpu.memory_space<vmem>>
        %dma_wait3A_457 = tpu.memref_squeeze %dma_wait3A_456 : memref<1x4x128xi32, #tpu.memory_space<vmem>> -> memref<4x128xi32, #tpu.memory_space<vmem>>
        %dma_wait3A_458 = arith.constant 0 : i32
        %dma_wait3A_459 = arith.constant 0 : i32
        %dma_wait3A_460 = tpu.memref_slice %arg3[%arg1, %dma_wait3A_458, %dma_wait3A_459] : memref<16x160x128xi32, #tpu.memory_space<hbm>> -> memref<1x4x128xi32, #tpu.memory_space<hbm>>
        %dma_wait3A_461 = tpu.memref_squeeze %dma_wait3A_460 : memref<1x4x128xi32, #tpu.memory_space<hbm>> -> memref<4x128xi32, #tpu.memory_space<hbm>>
        %dma_wait3A_462 = tpu.memref_slice %arg11[%rem3A_273] : memref<3x!tpu.dma_semaphore, #tpu.memory_space<semaphore_mem>> -> memref<1x!tpu.dma_semaphore, #tpu.memory_space<semaphore_mem>>
        %dma_wait3A_463 = tpu.memref_squeeze %dma_wait3A_462 : memref<1x!tpu.dma_semaphore, #tpu.memory_space<semaphore_mem>> -> memref<!tpu.dma_semaphore, #tpu.memory_space<semaphore_mem>>
        %dma_wait3A_464 = arith.constant 0 : i32
        %dma_wait3A_465 = arith.constant 0 : i32
        %dma_wait3A_466 = tpu.memref_slice %arg8[%rem3A_273, %dma_wait3A_464, %dma_wait3A_465] : memref<3x4x128xi32, #tpu.memory_space<vmem>> -> memref<1x4x128xi32, #tpu.memory_space<vmem>>
        %dma_wait3A_467 = tpu.memref_squeeze %dma_wait3A_466 : memref<1x4x128xi32, #tpu.memory_space<vmem>> -> memref<4x128xi32, #tpu.memory_space<vmem>>
        %dma_wait3A_468 = arith.constant 0 : i32
        %dma_wait3A_469 = arith.constant 0 : i32
        %dma_wait3A_470 = tpu.memref_slice %arg3[%arg1, %dma_wait3A_468, %dma_wait3A_469] : memref<16x160x128xi32, #tpu.memory_space<hbm>> -> memref<1x4x128xi32, #tpu.memory_space<hbm>>
        %dma_wait3A_471 = tpu.memref_squeeze %dma_wait3A_470 : memref<1x4x128xi32, #tpu.memory_space<hbm>> -> memref<4x128xi32, #tpu.memory_space<hbm>>
        tpu.wait_dma2 semaphore(%dma_wait3A_463 : memref<!tpu.dma_semaphore, #tpu.memory_space<semaphore_mem>>) src(%dma_wait3A_471 : memref<4x128xi32, #tpu.memory_space<hbm>>) dst(%dma_wait3A_467 : memref<4x128xi32, #tpu.memory_space<vmem>>)
        %dma_wait3A_472 = arith.constant 0 : i32
        %dma_wait3A_473 = arith.constant 0 : i32
        %dma_wait3A_474 = tpu.memref_slice %arg7[%rem3A_273, %dma_wait3A_472, %dma_wait3A_473] : memref<3x4x128xi32, #tpu.memory_space<vmem>> -> memref<1x4x128xi32, #tpu.memory_space<vmem>>
        %dma_wait3A_475 = tpu.memref_squeeze %dma_wait3A_474 : memref<1x4x128xi32, #tpu.memory_space<vmem>> -> memref<4x128xi32, #tpu.memory_space<vmem>>
        %dma_wait3A_476 = arith.constant 0 : i32
        %dma_wait3A_477 = arith.constant 0 : i32
        %dma_wait3A_478 = tpu.memref_slice %arg4[%arg1, %dma_wait3A_476, %dma_wait3A_477] : memref<16x160x128xi32, #tpu.memory_space<hbm>> -> memref<1x4x128xi32, #tpu.memory_space<hbm>>
        %dma_wait3A_479 = tpu.memref_squeeze %dma_wait3A_478 : memref<1x4x128xi32, #tpu.memory_space<hbm>> -> memref<4x128xi32, #tpu.memory_space<hbm>>
        %dma_wait3A_480 = tpu.memref_slice %arg11[%rem3A_273] : memref<3x!tpu.dma_semaphore, #tpu.memory_space<semaphore_mem>> -> memref<1x!tpu.dma_semaphore, #tpu.memory_space<semaphore_mem>>
        %dma_wait3A_481 = tpu.memref_squeeze %dma_wait3A_480 : memref<1x!tpu.dma_semaphore, #tpu.memory_space<semaphore_mem>> -> memref<!tpu.dma_semaphore, #tpu.memory_space<semaphore_mem>>
        %dma_wait3A_482 = arith.constant 0 : i32
        %dma_wait3A_483 = arith.constant 0 : i32
        %dma_wait3A_484 = tpu.memref_slice %arg7[%rem3A_273, %dma_wait3A_482, %dma_wait3A_483] : memref<3x4x128xi32, #tpu.memory_space<vmem>> -> memref<1x4x128xi32, #tpu.memory_space<vmem>>
        %dma_wait3A_485 = tpu.memref_squeeze %dma_wait3A_484 : memref<1x4x128xi32, #tpu.memory_space<vmem>> -> memref<4x128xi32, #tpu.memory_space<vmem>>
        %dma_wait3A_486 = arith.constant 0 : i32
        %dma_wait3A_487 = arith.constant 0 : i32
        %dma_wait3A_488 = tpu.memref_slice %arg4[%arg1, %dma_wait3A_486, %dma_wait3A_487] : memref<16x160x128xi32, #tpu.memory_space<hbm>> -> memref<1x4x128xi32, #tpu.memory_space<hbm>>
        %dma_wait3A_489 = tpu.memref_squeeze %dma_wait3A_488 : memref<1x4x128xi32, #tpu.memory_space<hbm>> -> memref<4x128xi32, #tpu.memory_space<hbm>>
        tpu.wait_dma2 semaphore(%dma_wait3A_481 : memref<!tpu.dma_semaphore, #tpu.memory_space<semaphore_mem>>) src(%dma_wait3A_489 : memref<4x128xi32, #tpu.memory_space<hbm>>) dst(%dma_wait3A_485 : memref<4x128xi32, #tpu.memory_space<vmem>>)
      } else {
      }
      %mul3A_278 = arith.constant 4 : i32
      %mul3A_279 = arith.muli %scan3A_267, %mul3A_278 : i32
      %add3A_280 = arith.constant 0 : i32
      %add3A_281 = arith.addi %mul3A_279, %add3A_280 : i32
      %add3A_282 = arith.constant 2 : i32
      %add3A_283 = arith.addi %add3A_281, %add3A_282 : i32
      %lt3A_284 = arith.constant 160 : i32
      %lt3A_285 = arith.cmpi slt, %add3A_283, %lt3A_284 : i32
      %convert_element_type3A_286 = arith.extui %lt3A_285 : i1 to i32
      %cond3A_287 = arith.constant 0 : i32
      %cond3A_288 = arith.cmpi ne, %convert_element_type3A_286, %cond3A_287 : i32
      scf.if %cond3A_288 {
        %ge3A = arith.constant 2 : i32
        %ge3A_454 = arith.cmpi sge, %add3A_281, %ge3A : i32
        %convert_element_type3A_455 = arith.extui %ge3A_454 : i1 to i32
        %cond3A_456 = arith.constant 0 : i32
        %cond3A_457 = arith.cmpi ne, %convert_element_type3A_455, %cond3A_456 : i32
        scf.if %cond3A_457 {
          %dma_wait3A_473 = arith.constant 2 : i32
          %dma_wait3A_474 = arith.constant 0 : i32
          %dma_wait3A_475 = arith.constant 0 : i32
          %dma_wait3A_476 = arith.constant 2 : i32
          %dma_wait3A_477 = arith.constant 0 : i32
          %dma_wait3A_478 = arith.constant 0 : i32
          %dma_wait3A_479 = tpu.memref_slice %arg9[%dma_wait3A_473, %dma_wait3A_477, %dma_wait3A_478] : memref<4x128x64xf32, #tpu.memory_space<vmem>> -> memref<1x128x64xf32, #tpu.memory_space<vmem>>
          %dma_wait3A_480 = tpu.memref_squeeze %dma_wait3A_479 : memref<1x128x64xf32, #tpu.memory_space<vmem>> -> memref<128x64xf32, #tpu.memory_space<vmem>>
          %dma_wait3A_481 = arith.constant 0 : i32
          %dma_wait3A_482 = tpu.memref_slice %arg7[%dma_wait3A_474, %dma_wait3A_475, %dma_wait3A_481] : memref<3x4x128xi32, #tpu.memory_space<vmem>> -> memref<1x1x128xi32, #tpu.memory_space<vmem>>
          %dma_wait3A_483 = tpu.memref_squeeze %dma_wait3A_482 : memref<1x1x128xi32, #tpu.memory_space<vmem>> -> memref<128xi32, #tpu.memory_space<vmem>>
          %dma_wait3A_484 = arith.constant 0 : i32
          %dma_wait3A_485 = arith.constant 0 : i32
          %dma_wait3A_486 = tpu.memref_slice %arg6[%dma_wait3A_484, %dma_wait3A_485] : memref<10112x64xf32, #tpu.memory_space<vmem_shared>> -> memref<10112x64xf32, #tpu.memory_space<vmem_shared>>
          %dma_wait3A_487 = tpu.memref_slice %arg12[%dma_wait3A_476] : memref<4x!tpu.dma_semaphore, #tpu.memory_space<semaphore_mem>> -> memref<1x!tpu.dma_semaphore, #tpu.memory_space<semaphore_mem>>
          %dma_wait3A_488 = tpu.memref_squeeze %dma_wait3A_487 : memref<1x!tpu.dma_semaphore, #tpu.memory_space<semaphore_mem>> -> memref<!tpu.dma_semaphore, #tpu.memory_space<semaphore_mem>>
          tpu.wait_indirect_dma semaphore(%dma_wait3A_488 : memref<!tpu.dma_semaphore, #tpu.memory_space<semaphore_mem>>) src(%dma_wait3A_480 : memref<128x64xf32, #tpu.memory_space<vmem>>) dst(%dma_wait3A_486 : memref<10112x64xf32, #tpu.memory_space<vmem_shared>>)
        } else {
        }
        %dma_start3A_458 = arith.constant 2 : i32
        %dma_start3A_459 = arith.constant 2 : i32
        %dma_start3A_460 = arith.constant 2 : i32
        %dma_start3A_461 = arith.constant 0 : i32
        %dma_start3A_462 = arith.constant 0 : i32
        %dma_start3A_463 = tpu.memref_slice %arg9[%dma_start3A_459, %dma_start3A_461, %dma_start3A_462] : memref<4x128x64xf32, #tpu.memory_space<vmem>> -> memref<1x128x64xf32, #tpu.memory_space<vmem>>
        %dma_start3A_464 = tpu.memref_squeeze %dma_start3A_463 : memref<1x128x64xf32, #tpu.memory_space<vmem>> -> memref<128x64xf32, #tpu.memory_space<vmem>>
        %dma_start3A_465 = arith.constant 0 : i32
        %dma_start3A_466 = tpu.memref_slice %arg8[%rem3A_269, %dma_start3A_458, %dma_start3A_465] : memref<3x4x128xi32, #tpu.memory_space<vmem>> -> memref<1x1x128xi32, #tpu.memory_space<vmem>>
        %dma_start3A_467 = tpu.memref_squeeze %dma_start3A_466 : memref<1x1x128xi32, #tpu.memory_space<vmem>> -> memref<128xi32, #tpu.memory_space<vmem>>
        %dma_start3A_468 = arith.constant 0 : i32
        %dma_start3A_469 = arith.constant 0 : i32
        %dma_start3A_470 = tpu.memref_slice %arg13[%dma_start3A_468, %dma_start3A_469] : memref<10112x64xf32, #tpu.memory_space<vmem_shared>> -> memref<10112x64xf32, #tpu.memory_space<vmem_shared>>
        %dma_start3A_471 = tpu.memref_slice %arg10[%dma_start3A_460] : memref<4x!tpu.dma_semaphore, #tpu.memory_space<semaphore_mem>> -> memref<1x!tpu.dma_semaphore, #tpu.memory_space<semaphore_mem>>
        %dma_start3A_472 = tpu.memref_squeeze %dma_start3A_471 : memref<1x!tpu.dma_semaphore, #tpu.memory_space<semaphore_mem>> -> memref<!tpu.dma_semaphore, #tpu.memory_space<semaphore_mem>>
        tpu.enqueue_indirect_dma source(%dma_start3A_470 : memref<10112x64xf32, #tpu.memory_space<vmem_shared>>) target(%dma_start3A_464 : memref<128x64xf32, #tpu.memory_space<vmem>>) offsets(%dma_start3A_467 : memref<128xi32, #tpu.memory_space<vmem>>) semaphore(%dma_start3A_472 : memref<!tpu.dma_semaphore, #tpu.memory_space<semaphore_mem>>)
      } else {
      }
      %dma_wait3A_289 = arith.constant 0 : i32
      %dma_wait3A_290 = arith.constant 0 : i32
      %dma_wait3A_291 = arith.constant 0 : i32
      %dma_wait3A_292 = arith.constant 0 : i32
      %dma_wait3A_293 = arith.constant 0 : i32
      %dma_wait3A_294 = arith.constant 0 : i32
      %dma_wait3A_295 = tpu.memref_slice %arg9[%dma_wait3A_291, %dma_wait3A_293, %dma_wait3A_294] : memref<4x128x64xf32, #tpu.memory_space<vmem>> -> memref<1x128x64xf32, #tpu.memory_space<vmem>>
      %dma_wait3A_296 = tpu.memref_squeeze %dma_wait3A_295 : memref<1x128x64xf32, #tpu.memory_space<vmem>> -> memref<128x64xf32, #tpu.memory_space<vmem>>
      %dma_wait3A_297 = arith.constant 0 : i32
      %dma_wait3A_298 = tpu.memref_slice %arg8[%dma_wait3A_289, %dma_wait3A_290, %dma_wait3A_297] : memref<3x4x128xi32, #tpu.memory_space<vmem>> -> memref<1x1x128xi32, #tpu.memory_space<vmem>>
      %dma_wait3A_299 = tpu.memref_squeeze %dma_wait3A_298 : memref<1x1x128xi32, #tpu.memory_space<vmem>> -> memref<128xi32, #tpu.memory_space<vmem>>
      %dma_wait3A_300 = arith.constant 0 : i32
      %dma_wait3A_301 = arith.constant 0 : i32
      %dma_wait3A_302 = tpu.memref_slice %arg13[%dma_wait3A_300, %dma_wait3A_301] : memref<10112x64xf32, #tpu.memory_space<vmem_shared>> -> memref<10112x64xf32, #tpu.memory_space<vmem_shared>>
      %dma_wait3A_303 = tpu.memref_slice %arg10[%dma_wait3A_292] : memref<4x!tpu.dma_semaphore, #tpu.memory_space<semaphore_mem>> -> memref<1x!tpu.dma_semaphore, #tpu.memory_space<semaphore_mem>>
      %dma_wait3A_304 = tpu.memref_squeeze %dma_wait3A_303 : memref<1x!tpu.dma_semaphore, #tpu.memory_space<semaphore_mem>> -> memref<!tpu.dma_semaphore, #tpu.memory_space<semaphore_mem>>
      tpu.wait_indirect_dma semaphore(%dma_wait3A_304 : memref<!tpu.dma_semaphore, #tpu.memory_space<semaphore_mem>>) src(%dma_wait3A_302 : memref<10112x64xf32, #tpu.memory_space<vmem_shared>>) dst(%dma_wait3A_296 : memref<128x64xf32, #tpu.memory_space<vmem>>)
      %dma_start3A_305 = arith.constant 0 : i32
      %dma_start3A_306 = arith.constant 0 : i32
      %dma_start3A_307 = arith.constant 0 : i32
      %dma_start3A_308 = arith.constant 0 : i32
      %dma_start3A_309 = arith.constant 0 : i32
      %dma_start3A_310 = tpu.memref_slice %arg9[%dma_start3A_305, %dma_start3A_308, %dma_start3A_309] : memref<4x128x64xf32, #tpu.memory_space<vmem>> -> memref<1x128x64xf32, #tpu.memory_space<vmem>>
      %dma_start3A_311 = tpu.memref_squeeze %dma_start3A_310 : memref<1x128x64xf32, #tpu.memory_space<vmem>> -> memref<128x64xf32, #tpu.memory_space<vmem>>
      %dma_start3A_312 = arith.constant 0 : i32
      %dma_start3A_313 = tpu.memref_slice %arg7[%rem3A_269, %dma_start3A_306, %dma_start3A_312] : memref<3x4x128xi32, #tpu.memory_space<vmem>> -> memref<1x1x128xi32, #tpu.memory_space<vmem>>
      %dma_start3A_314 = tpu.memref_squeeze %dma_start3A_313 : memref<1x1x128xi32, #tpu.memory_space<vmem>> -> memref<128xi32, #tpu.memory_space<vmem>>
      %dma_start3A_315 = arith.constant 0 : i32
      %dma_start3A_316 = arith.constant 0 : i32
      %dma_start3A_317 = tpu.memref_slice %arg6[%dma_start3A_315, %dma_start3A_316] : memref<10112x64xf32, #tpu.memory_space<vmem_shared>> -> memref<10112x64xf32, #tpu.memory_space<vmem_shared>>
      %dma_start3A_318 = tpu.memref_slice %arg12[%dma_start3A_307] : memref<4x!tpu.dma_semaphore, #tpu.memory_space<semaphore_mem>> -> memref<1x!tpu.dma_semaphore, #tpu.memory_space<semaphore_mem>>
      %dma_start3A_319 = tpu.memref_squeeze %dma_start3A_318 : memref<1x!tpu.dma_semaphore, #tpu.memory_space<semaphore_mem>> -> memref<!tpu.dma_semaphore, #tpu.memory_space<semaphore_mem>>
      tpu.enqueue_indirect_dma source(%dma_start3A_311 : memref<128x64xf32, #tpu.memory_space<vmem>>) target(%dma_start3A_317 : memref<10112x64xf32, #tpu.memory_space<vmem_shared>>) offsets(%dma_start3A_314 : memref<128xi32, #tpu.memory_space<vmem>>) semaphore(%dma_start3A_319 : memref<!tpu.dma_semaphore, #tpu.memory_space<semaphore_mem>>) {add = true}
      %mul3A_320 = arith.constant 4 : i32
      %mul3A_321 = arith.muli %scan3A_267, %mul3A_320 : i32
      %add3A_322 = arith.constant 1 : i32
      %add3A_323 = arith.addi %mul3A_321, %add3A_322 : i32
      %add3A_324 = arith.constant 2 : i32
      %add3A_325 = arith.addi %add3A_323, %add3A_324 : i32
      %lt3A_326 = arith.constant 160 : i32
      %lt3A_327 = arith.cmpi slt, %add3A_325, %lt3A_326 : i32
      %convert_element_type3A_328 = arith.extui %lt3A_327 : i1 to i32
      %cond3A_329 = arith.constant 0 : i32
      %cond3A_330 = arith.cmpi ne, %convert_element_type3A_328, %cond3A_329 : i32
      scf.if %cond3A_330 {
        %ge3A = arith.constant 2 : i32
        %ge3A_454 = arith.cmpi sge, %add3A_323, %ge3A : i32
        %convert_element_type3A_455 = arith.extui %ge3A_454 : i1 to i32
        %cond3A_456 = arith.constant 0 : i32
        %cond3A_457 = arith.cmpi ne, %convert_element_type3A_455, %cond3A_456 : i32
        scf.if %cond3A_457 {
          %dma_wait3A_473 = arith.constant 3 : i32
          %dma_wait3A_474 = arith.constant 0 : i32
          %dma_wait3A_475 = arith.constant 0 : i32
          %dma_wait3A_476 = arith.constant 3 : i32
          %dma_wait3A_477 = arith.constant 0 : i32
          %dma_wait3A_478 = arith.constant 0 : i32
          %dma_wait3A_479 = tpu.memref_slice %arg9[%dma_wait3A_473, %dma_wait3A_477, %dma_wait3A_478] : memref<4x128x64xf32, #tpu.memory_space<vmem>> -> memref<1x128x64xf32, #tpu.memory_space<vmem>>
          %dma_wait3A_480 = tpu.memref_squeeze %dma_wait3A_479 : memref<1x128x64xf32, #tpu.memory_space<vmem>> -> memref<128x64xf32, #tpu.memory_space<vmem>>
          %dma_wait3A_481 = arith.constant 0 : i32
          %dma_wait3A_482 = tpu.memref_slice %arg7[%dma_wait3A_474, %dma_wait3A_475, %dma_wait3A_481] : memref<3x4x128xi32, #tpu.memory_space<vmem>> -> memref<1x1x128xi32, #tpu.memory_space<vmem>>
          %dma_wait3A_483 = tpu.memref_squeeze %dma_wait3A_482 : memref<1x1x128xi32, #tpu.memory_space<vmem>> -> memref<128xi32, #tpu.memory_space<vmem>>
          %dma_wait3A_484 = arith.constant 0 : i32
          %dma_wait3A_485 = arith.constant 0 : i32
          %dma_wait3A_486 = tpu.memref_slice %arg6[%dma_wait3A_484, %dma_wait3A_485] : memref<10112x64xf32, #tpu.memory_space<vmem_shared>> -> memref<10112x64xf32, #tpu.memory_space<vmem_shared>>
          %dma_wait3A_487 = tpu.memref_slice %arg12[%dma_wait3A_476] : memref<4x!tpu.dma_semaphore, #tpu.memory_space<semaphore_mem>> -> memref<1x!tpu.dma_semaphore, #tpu.memory_space<semaphore_mem>>
          %dma_wait3A_488 = tpu.memref_squeeze %dma_wait3A_487 : memref<1x!tpu.dma_semaphore, #tpu.memory_space<semaphore_mem>> -> memref<!tpu.dma_semaphore, #tpu.memory_space<semaphore_mem>>
          tpu.wait_indirect_dma semaphore(%dma_wait3A_488 : memref<!tpu.dma_semaphore, #tpu.memory_space<semaphore_mem>>) src(%dma_wait3A_480 : memref<128x64xf32, #tpu.memory_space<vmem>>) dst(%dma_wait3A_486 : memref<10112x64xf32, #tpu.memory_space<vmem_shared>>)
        } else {
        }
        %dma_start3A_458 = arith.constant 3 : i32
        %dma_start3A_459 = arith.constant 3 : i32
        %dma_start3A_460 = arith.constant 3 : i32
        %dma_start3A_461 = arith.constant 0 : i32
        %dma_start3A_462 = arith.constant 0 : i32
        %dma_start3A_463 = tpu.memref_slice %arg9[%dma_start3A_459, %dma_start3A_461, %dma_start3A_462] : memref<4x128x64xf32, #tpu.memory_space<vmem>> -> memref<1x128x64xf32, #tpu.memory_space<vmem>>
        %dma_start3A_464 = tpu.memref_squeeze %dma_start3A_463 : memref<1x128x64xf32, #tpu.memory_space<vmem>> -> memref<128x64xf32, #tpu.memory_space<vmem>>
        %dma_start3A_465 = arith.constant 0 : i32
        %dma_start3A_466 = tpu.memref_slice %arg8[%rem3A_269, %dma_start3A_458, %dma_start3A_465] : memref<3x4x128xi32, #tpu.memory_space<vmem>> -> memref<1x1x128xi32, #tpu.memory_space<vmem>>
        %dma_start3A_467 = tpu.memref_squeeze %dma_start3A_466 : memref<1x1x128xi32, #tpu.memory_space<vmem>> -> memref<128xi32, #tpu.memory_space<vmem>>
        %dma_start3A_468 = arith.constant 0 : i32
        %dma_start3A_469 = arith.constant 0 : i32
        %dma_start3A_470 = tpu.memref_slice %arg13[%dma_start3A_468, %dma_start3A_469] : memref<10112x64xf32, #tpu.memory_space<vmem_shared>> -> memref<10112x64xf32, #tpu.memory_space<vmem_shared>>
        %dma_start3A_471 = tpu.memref_slice %arg10[%dma_start3A_460] : memref<4x!tpu.dma_semaphore, #tpu.memory_space<semaphore_mem>> -> memref<1x!tpu.dma_semaphore, #tpu.memory_space<semaphore_mem>>
        %dma_start3A_472 = tpu.memref_squeeze %dma_start3A_471 : memref<1x!tpu.dma_semaphore, #tpu.memory_space<semaphore_mem>> -> memref<!tpu.dma_semaphore, #tpu.memory_space<semaphore_mem>>
        tpu.enqueue_indirect_dma source(%dma_start3A_470 : memref<10112x64xf32, #tpu.memory_space<vmem_shared>>) target(%dma_start3A_464 : memref<128x64xf32, #tpu.memory_space<vmem>>) offsets(%dma_start3A_467 : memref<128xi32, #tpu.memory_space<vmem>>) semaphore(%dma_start3A_472 : memref<!tpu.dma_semaphore, #tpu.memory_space<semaphore_mem>>)
      } else {
      }
      %dma_wait3A_331 = arith.constant 0 : i32
      %dma_wait3A_332 = arith.constant 0 : i32
      %dma_wait3A_333 = arith.constant 1 : i32
      %dma_wait3A_334 = arith.constant 1 : i32
      %dma_wait3A_335 = arith.constant 0 : i32
      %dma_wait3A_336 = arith.constant 0 : i32
      %dma_wait3A_337 = tpu.memref_slice %arg9[%dma_wait3A_333, %dma_wait3A_335, %dma_wait3A_336] : memref<4x128x64xf32, #tpu.memory_space<vmem>> -> memref<1x128x64xf32, #tpu.memory_space<vmem>>
      %dma_wait3A_338 = tpu.memref_squeeze %dma_wait3A_337 : memref<1x128x64xf32, #tpu.memory_space<vmem>> -> memref<128x64xf32, #tpu.memory_space<vmem>>
      %dma_wait3A_339 = arith.constant 0 : i32
      %dma_wait3A_340 = tpu.memref_slice %arg8[%dma_wait3A_331, %dma_wait3A_332, %dma_wait3A_339] : memref<3x4x128xi32, #tpu.memory_space<vmem>> -> memref<1x1x128xi32, #tpu.memory_space<vmem>>
      %dma_wait3A_341 = tpu.memref_squeeze %dma_wait3A_340 : memref<1x1x128xi32, #tpu.memory_space<vmem>> -> memref<128xi32, #tpu.memory_space<vmem>>
      %dma_wait3A_342 = arith.constant 0 : i32
      %dma_wait3A_343 = arith.constant 0 : i32
      %dma_wait3A_344 = tpu.memref_slice %arg13[%dma_wait3A_342, %dma_wait3A_343] : memref<10112x64xf32, #tpu.memory_space<vmem_shared>> -> memref<10112x64xf32, #tpu.memory_space<vmem_shared>>
      %dma_wait3A_345 = tpu.memref_slice %arg10[%dma_wait3A_334] : memref<4x!tpu.dma_semaphore, #tpu.memory_space<semaphore_mem>> -> memref<1x!tpu.dma_semaphore, #tpu.memory_space<semaphore_mem>>
      %dma_wait3A_346 = tpu.memref_squeeze %dma_wait3A_345 : memref<1x!tpu.dma_semaphore, #tpu.memory_space<semaphore_mem>> -> memref<!tpu.dma_semaphore, #tpu.memory_space<semaphore_mem>>
      tpu.wait_indirect_dma semaphore(%dma_wait3A_346 : memref<!tpu.dma_semaphore, #tpu.memory_space<semaphore_mem>>) src(%dma_wait3A_344 : memref<10112x64xf32, #tpu.memory_space<vmem_shared>>) dst(%dma_wait3A_338 : memref<128x64xf32, #tpu.memory_space<vmem>>)
      %dma_start3A_347 = arith.constant 1 : i32
      %dma_start3A_348 = arith.constant 1 : i32
      %dma_start3A_349 = arith.constant 1 : i32
      %dma_start3A_350 = arith.constant 0 : i32
      %dma_start3A_351 = arith.constant 0 : i32
      %dma_start3A_352 = tpu.memref_slice %arg9[%dma_start3A_347, %dma_start3A_350, %dma_start3A_351] : memref<4x128x64xf32, #tpu.memory_space<vmem>> -> memref<1x128x64xf32, #tpu.memory_space<vmem>>
      %dma_start3A_353 = tpu.memref_squeeze %dma_start3A_352 : memref<1x128x64xf32, #tpu.memory_space<vmem>> -> memref<128x64xf32, #tpu.memory_space<vmem>>
      %dma_start3A_354 = arith.constant 0 : i32
      %dma_start3A_355 = tpu.memref_slice %arg7[%rem3A_269, %dma_start3A_348, %dma_start3A_354] : memref<3x4x128xi32, #tpu.memory_space<vmem>> -> memref<1x1x128xi32, #tpu.memory_space<vmem>>
      %dma_start3A_356 = tpu.memref_squeeze %dma_start3A_355 : memref<1x1x128xi32, #tpu.memory_space<vmem>> -> memref<128xi32, #tpu.memory_space<vmem>>
      %dma_start3A_357 = arith.constant 0 : i32
      %dma_start3A_358 = arith.constant 0 : i32
      %dma_start3A_359 = tpu.memref_slice %arg6[%dma_start3A_357, %dma_start3A_358] : memref<10112x64xf32, #tpu.memory_space<vmem_shared>> -> memref<10112x64xf32, #tpu.memory_space<vmem_shared>>
      %dma_start3A_360 = tpu.memref_slice %arg12[%dma_start3A_349] : memref<4x!tpu.dma_semaphore, #tpu.memory_space<semaphore_mem>> -> memref<1x!tpu.dma_semaphore, #tpu.memory_space<semaphore_mem>>
      %dma_start3A_361 = tpu.memref_squeeze %dma_start3A_360 : memref<1x!tpu.dma_semaphore, #tpu.memory_space<semaphore_mem>> -> memref<!tpu.dma_semaphore, #tpu.memory_space<semaphore_mem>>
      tpu.enqueue_indirect_dma source(%dma_start3A_353 : memref<128x64xf32, #tpu.memory_space<vmem>>) target(%dma_start3A_359 : memref<10112x64xf32, #tpu.memory_space<vmem_shared>>) offsets(%dma_start3A_356 : memref<128xi32, #tpu.memory_space<vmem>>) semaphore(%dma_start3A_361 : memref<!tpu.dma_semaphore, #tpu.memory_space<semaphore_mem>>) {add = true}
      %mul3A_362 = arith.constant 4 : i32
      %mul3A_363 = arith.muli %scan3A_267, %mul3A_362 : i32
      %add3A_364 = arith.constant 2 : i32
      %add3A_365 = arith.addi %mul3A_363, %add3A_364 : i32
      %add3A_366 = arith.constant 2 : i32
      %add3A_367 = arith.addi %add3A_365, %add3A_366 : i32
      %lt3A_368 = arith.constant 160 : i32
      %lt3A_369 = arith.cmpi slt, %add3A_367, %lt3A_368 : i32
      %convert_element_type3A_370 = arith.extui %lt3A_369 : i1 to i32
      %cond3A_371 = arith.constant 0 : i32
      %cond3A_372 = arith.cmpi ne, %convert_element_type3A_370, %cond3A_371 : i32
      scf.if %cond3A_372 {
        %ge3A = arith.constant 2 : i32
        %ge3A_454 = arith.cmpi sge, %add3A_365, %ge3A : i32
        %convert_element_type3A_455 = arith.extui %ge3A_454 : i1 to i32
        %cond3A_456 = arith.constant 0 : i32
        %cond3A_457 = arith.cmpi ne, %convert_element_type3A_455, %cond3A_456 : i32
        scf.if %cond3A_457 {
          %dma_wait3A_473 = arith.constant 0 : i32
          %dma_wait3A_474 = arith.constant 0 : i32
          %dma_wait3A_475 = arith.constant 0 : i32
          %dma_wait3A_476 = arith.constant 0 : i32
          %dma_wait3A_477 = arith.constant 0 : i32
          %dma_wait3A_478 = arith.constant 0 : i32
          %dma_wait3A_479 = tpu.memref_slice %arg9[%dma_wait3A_473, %dma_wait3A_477, %dma_wait3A_478] : memref<4x128x64xf32, #tpu.memory_space<vmem>> -> memref<1x128x64xf32, #tpu.memory_space<vmem>>
          %dma_wait3A_480 = tpu.memref_squeeze %dma_wait3A_479 : memref<1x128x64xf32, #tpu.memory_space<vmem>> -> memref<128x64xf32, #tpu.memory_space<vmem>>
          %dma_wait3A_481 = arith.constant 0 : i32
          %dma_wait3A_482 = tpu.memref_slice %arg7[%dma_wait3A_474, %dma_wait3A_475, %dma_wait3A_481] : memref<3x4x128xi32, #tpu.memory_space<vmem>> -> memref<1x1x128xi32, #tpu.memory_space<vmem>>
          %dma_wait3A_483 = tpu.memref_squeeze %dma_wait3A_482 : memref<1x1x128xi32, #tpu.memory_space<vmem>> -> memref<128xi32, #tpu.memory_space<vmem>>
          %dma_wait3A_484 = arith.constant 0 : i32
          %dma_wait3A_485 = arith.constant 0 : i32
          %dma_wait3A_486 = tpu.memref_slice %arg6[%dma_wait3A_484, %dma_wait3A_485] : memref<10112x64xf32, #tpu.memory_space<vmem_shared>> -> memref<10112x64xf32, #tpu.memory_space<vmem_shared>>
          %dma_wait3A_487 = tpu.memref_slice %arg12[%dma_wait3A_476] : memref<4x!tpu.dma_semaphore, #tpu.memory_space<semaphore_mem>> -> memref<1x!tpu.dma_semaphore, #tpu.memory_space<semaphore_mem>>
          %dma_wait3A_488 = tpu.memref_squeeze %dma_wait3A_487 : memref<1x!tpu.dma_semaphore, #tpu.memory_space<semaphore_mem>> -> memref<!tpu.dma_semaphore, #tpu.memory_space<semaphore_mem>>
          tpu.wait_indirect_dma semaphore(%dma_wait3A_488 : memref<!tpu.dma_semaphore, #tpu.memory_space<semaphore_mem>>) src(%dma_wait3A_480 : memref<128x64xf32, #tpu.memory_space<vmem>>) dst(%dma_wait3A_486 : memref<10112x64xf32, #tpu.memory_space<vmem_shared>>)
        } else {
        }
        %dma_start3A_458 = arith.constant 0 : i32
        %dma_start3A_459 = arith.constant 0 : i32
        %dma_start3A_460 = arith.constant 0 : i32
        %dma_start3A_461 = arith.constant 0 : i32
        %dma_start3A_462 = arith.constant 0 : i32
        %dma_start3A_463 = tpu.memref_slice %arg9[%dma_start3A_459, %dma_start3A_461, %dma_start3A_462] : memref<4x128x64xf32, #tpu.memory_space<vmem>> -> memref<1x128x64xf32, #tpu.memory_space<vmem>>
        %dma_start3A_464 = tpu.memref_squeeze %dma_start3A_463 : memref<1x128x64xf32, #tpu.memory_space<vmem>> -> memref<128x64xf32, #tpu.memory_space<vmem>>
        %dma_start3A_465 = arith.constant 0 : i32
        %dma_start3A_466 = tpu.memref_slice %arg8[%rem3A_273, %dma_start3A_458, %dma_start3A_465] : memref<3x4x128xi32, #tpu.memory_space<vmem>> -> memref<1x1x128xi32, #tpu.memory_space<vmem>>
        %dma_start3A_467 = tpu.memref_squeeze %dma_start3A_466 : memref<1x1x128xi32, #tpu.memory_space<vmem>> -> memref<128xi32, #tpu.memory_space<vmem>>
        %dma_start3A_468 = arith.constant 0 : i32
        %dma_start3A_469 = arith.constant 0 : i32
        %dma_start3A_470 = tpu.memref_slice %arg13[%dma_start3A_468, %dma_start3A_469] : memref<10112x64xf32, #tpu.memory_space<vmem_shared>> -> memref<10112x64xf32, #tpu.memory_space<vmem_shared>>
        %dma_start3A_471 = tpu.memref_slice %arg10[%dma_start3A_460] : memref<4x!tpu.dma_semaphore, #tpu.memory_space<semaphore_mem>> -> memref<1x!tpu.dma_semaphore, #tpu.memory_space<semaphore_mem>>
        %dma_start3A_472 = tpu.memref_squeeze %dma_start3A_471 : memref<1x!tpu.dma_semaphore, #tpu.memory_space<semaphore_mem>> -> memref<!tpu.dma_semaphore, #tpu.memory_space<semaphore_mem>>
        tpu.enqueue_indirect_dma source(%dma_start3A_470 : memref<10112x64xf32, #tpu.memory_space<vmem_shared>>) target(%dma_start3A_464 : memref<128x64xf32, #tpu.memory_space<vmem>>) offsets(%dma_start3A_467 : memref<128xi32, #tpu.memory_space<vmem>>) semaphore(%dma_start3A_472 : memref<!tpu.dma_semaphore, #tpu.memory_space<semaphore_mem>>)
      } else {
      }
      %dma_wait3A_373 = arith.constant 0 : i32
      %dma_wait3A_374 = arith.constant 0 : i32
      %dma_wait3A_375 = arith.constant 2 : i32
      %dma_wait3A_376 = arith.constant 2 : i32
      %dma_wait3A_377 = arith.constant 0 : i32
      %dma_wait3A_378 = arith.constant 0 : i32
      %dma_wait3A_379 = tpu.memref_slice %arg9[%dma_wait3A_375, %dma_wait3A_377, %dma_wait3A_378] : memref<4x128x64xf32, #tpu.memory_space<vmem>> -> memref<1x128x64xf32, #tpu.memory_space<vmem>>
      %dma_wait3A_380 = tpu.memref_squeeze %dma_wait3A_379 : memref<1x128x64xf32, #tpu.memory_space<vmem>> -> memref<128x64xf32, #tpu.memory_space<vmem>>
      %dma_wait3A_381 = arith.constant 0 : i32
      %dma_wait3A_382 = tpu.memref_slice %arg8[%dma_wait3A_373, %dma_wait3A_374, %dma_wait3A_381] : memref<3x4x128xi32, #tpu.memory_space<vmem>> -> memref<1x1x128xi32, #tpu.memory_space<vmem>>
      %dma_wait3A_383 = tpu.memref_squeeze %dma_wait3A_382 : memref<1x1x128xi32, #tpu.memory_space<vmem>> -> memref<128xi32, #tpu.memory_space<vmem>>
      %dma_wait3A_384 = arith.constant 0 : i32
      %dma_wait3A_385 = arith.constant 0 : i32
      %dma_wait3A_386 = tpu.memref_slice %arg13[%dma_wait3A_384, %dma_wait3A_385] : memref<10112x64xf32, #tpu.memory_space<vmem_shared>> -> memref<10112x64xf32, #tpu.memory_space<vmem_shared>>
      %dma_wait3A_387 = tpu.memref_slice %arg10[%dma_wait3A_376] : memref<4x!tpu.dma_semaphore, #tpu.memory_space<semaphore_mem>> -> memref<1x!tpu.dma_semaphore, #tpu.memory_space<semaphore_mem>>
      %dma_wait3A_388 = tpu.memref_squeeze %dma_wait3A_387 : memref<1x!tpu.dma_semaphore, #tpu.memory_space<semaphore_mem>> -> memref<!tpu.dma_semaphore, #tpu.memory_space<semaphore_mem>>
      tpu.wait_indirect_dma semaphore(%dma_wait3A_388 : memref<!tpu.dma_semaphore, #tpu.memory_space<semaphore_mem>>) src(%dma_wait3A_386 : memref<10112x64xf32, #tpu.memory_space<vmem_shared>>) dst(%dma_wait3A_380 : memref<128x64xf32, #tpu.memory_space<vmem>>)
      %dma_start3A_389 = arith.constant 2 : i32
      %dma_start3A_390 = arith.constant 2 : i32
      %dma_start3A_391 = arith.constant 2 : i32
      %dma_start3A_392 = arith.constant 0 : i32
      %dma_start3A_393 = arith.constant 0 : i32
      %dma_start3A_394 = tpu.memref_slice %arg9[%dma_start3A_389, %dma_start3A_392, %dma_start3A_393] : memref<4x128x64xf32, #tpu.memory_space<vmem>> -> memref<1x128x64xf32, #tpu.memory_space<vmem>>
      %dma_start3A_395 = tpu.memref_squeeze %dma_start3A_394 : memref<1x128x64xf32, #tpu.memory_space<vmem>> -> memref<128x64xf32, #tpu.memory_space<vmem>>
      %dma_start3A_396 = arith.constant 0 : i32
      %dma_start3A_397 = tpu.memref_slice %arg7[%rem3A_269, %dma_start3A_390, %dma_start3A_396] : memref<3x4x128xi32, #tpu.memory_space<vmem>> -> memref<1x1x128xi32, #tpu.memory_space<vmem>>
      %dma_start3A_398 = tpu.memref_squeeze %dma_start3A_397 : memref<1x1x128xi32, #tpu.memory_space<vmem>> -> memref<128xi32, #tpu.memory_space<vmem>>
      %dma_start3A_399 = arith.constant 0 : i32
      %dma_start3A_400 = arith.constant 0 : i32
      %dma_start3A_401 = tpu.memref_slice %arg6[%dma_start3A_399, %dma_start3A_400] : memref<10112x64xf32, #tpu.memory_space<vmem_shared>> -> memref<10112x64xf32, #tpu.memory_space<vmem_shared>>
      %dma_start3A_402 = tpu.memref_slice %arg12[%dma_start3A_391] : memref<4x!tpu.dma_semaphore, #tpu.memory_space<semaphore_mem>> -> memref<1x!tpu.dma_semaphore, #tpu.memory_space<semaphore_mem>>
      %dma_start3A_403 = tpu.memref_squeeze %dma_start3A_402 : memref<1x!tpu.dma_semaphore, #tpu.memory_space<semaphore_mem>> -> memref<!tpu.dma_semaphore, #tpu.memory_space<semaphore_mem>>
      tpu.enqueue_indirect_dma source(%dma_start3A_395 : memref<128x64xf32, #tpu.memory_space<vmem>>) target(%dma_start3A_401 : memref<10112x64xf32, #tpu.memory_space<vmem_shared>>) offsets(%dma_start3A_398 : memref<128xi32, #tpu.memory_space<vmem>>) semaphore(%dma_start3A_403 : memref<!tpu.dma_semaphore, #tpu.memory_space<semaphore_mem>>) {add = true}
      %mul3A_404 = arith.constant 4 : i32
      %mul3A_405 = arith.muli %scan3A_267, %mul3A_404 : i32
      %add3A_406 = arith.constant 3 : i32
      %add3A_407 = arith.addi %mul3A_405, %add3A_406 : i32
      %add3A_408 = arith.constant 2 : i32
      %add3A_409 = arith.addi %add3A_407, %add3A_408 : i32
      %lt3A_410 = arith.constant 160 : i32
      %lt3A_411 = arith.cmpi slt, %add3A_409, %lt3A_410 : i32
      %convert_element_type3A_412 = arith.extui %lt3A_411 : i1 to i32
      %cond3A_413 = arith.constant 0 : i32
      %cond3A_414 = arith.cmpi ne, %convert_element_type3A_412, %cond3A_413 : i32
      scf.if %cond3A_414 {
        %ge3A = arith.constant 2 : i32
        %ge3A_454 = arith.cmpi sge, %add3A_407, %ge3A : i32
        %convert_element_type3A_455 = arith.extui %ge3A_454 : i1 to i32
        %cond3A_456 = arith.constant 0 : i32
        %cond3A_457 = arith.cmpi ne, %convert_element_type3A_455, %cond3A_456 : i32
        scf.if %cond3A_457 {
          %dma_wait3A_473 = arith.constant 1 : i32
          %dma_wait3A_474 = arith.constant 0 : i32
          %dma_wait3A_475 = arith.constant 0 : i32
          %dma_wait3A_476 = arith.constant 1 : i32
          %dma_wait3A_477 = arith.constant 0 : i32
          %dma_wait3A_478 = arith.constant 0 : i32
          %dma_wait3A_479 = tpu.memref_slice %arg9[%dma_wait3A_473, %dma_wait3A_477, %dma_wait3A_478] : memref<4x128x64xf32, #tpu.memory_space<vmem>> -> memref<1x128x64xf32, #tpu.memory_space<vmem>>
          %dma_wait3A_480 = tpu.memref_squeeze %dma_wait3A_479 : memref<1x128x64xf32, #tpu.memory_space<vmem>> -> memref<128x64xf32, #tpu.memory_space<vmem>>
          %dma_wait3A_481 = arith.constant 0 : i32
          %dma_wait3A_482 = tpu.memref_slice %arg7[%dma_wait3A_474, %dma_wait3A_475, %dma_wait3A_481] : memref<3x4x128xi32, #tpu.memory_space<vmem>> -> memref<1x1x128xi32, #tpu.memory_space<vmem>>
          %dma_wait3A_483 = tpu.memref_squeeze %dma_wait3A_482 : memref<1x1x128xi32, #tpu.memory_space<vmem>> -> memref<128xi32, #tpu.memory_space<vmem>>
          %dma_wait3A_484 = arith.constant 0 : i32
          %dma_wait3A_485 = arith.constant 0 : i32
          %dma_wait3A_486 = tpu.memref_slice %arg6[%dma_wait3A_484, %dma_wait3A_485] : memref<10112x64xf32, #tpu.memory_space<vmem_shared>> -> memref<10112x64xf32, #tpu.memory_space<vmem_shared>>
          %dma_wait3A_487 = tpu.memref_slice %arg12[%dma_wait3A_476] : memref<4x!tpu.dma_semaphore, #tpu.memory_space<semaphore_mem>> -> memref<1x!tpu.dma_semaphore, #tpu.memory_space<semaphore_mem>>
          %dma_wait3A_488 = tpu.memref_squeeze %dma_wait3A_487 : memref<1x!tpu.dma_semaphore, #tpu.memory_space<semaphore_mem>> -> memref<!tpu.dma_semaphore, #tpu.memory_space<semaphore_mem>>
          tpu.wait_indirect_dma semaphore(%dma_wait3A_488 : memref<!tpu.dma_semaphore, #tpu.memory_space<semaphore_mem>>) src(%dma_wait3A_480 : memref<128x64xf32, #tpu.memory_space<vmem>>) dst(%dma_wait3A_486 : memref<10112x64xf32, #tpu.memory_space<vmem_shared>>)
        } else {
        }
        %dma_start3A_458 = arith.constant 1 : i32
        %dma_start3A_459 = arith.constant 1 : i32
        %dma_start3A_460 = arith.constant 1 : i32
        %dma_start3A_461 = arith.constant 0 : i32
        %dma_start3A_462 = arith.constant 0 : i32
        %dma_start3A_463 = tpu.memref_slice %arg9[%dma_start3A_459, %dma_start3A_461, %dma_start3A_462] : memref<4x128x64xf32, #tpu.memory_space<vmem>> -> memref<1x128x64xf32, #tpu.memory_space<vmem>>
        %dma_start3A_464 = tpu.memref_squeeze %dma_start3A_463 : memref<1x128x64xf32, #tpu.memory_space<vmem>> -> memref<128x64xf32, #tpu.memory_space<vmem>>
        %dma_start3A_465 = arith.constant 0 : i32
        %dma_start3A_466 = tpu.memref_slice %arg8[%rem3A_273, %dma_start3A_458, %dma_start3A_465] : memref<3x4x128xi32, #tpu.memory_space<vmem>> -> memref<1x1x128xi32, #tpu.memory_space<vmem>>
        %dma_start3A_467 = tpu.memref_squeeze %dma_start3A_466 : memref<1x1x128xi32, #tpu.memory_space<vmem>> -> memref<128xi32, #tpu.memory_space<vmem>>
        %dma_start3A_468 = arith.constant 0 : i32
        %dma_start3A_469 = arith.constant 0 : i32
        %dma_start3A_470 = tpu.memref_slice %arg13[%dma_start3A_468, %dma_start3A_469] : memref<10112x64xf32, #tpu.memory_space<vmem_shared>> -> memref<10112x64xf32, #tpu.memory_space<vmem_shared>>
        %dma_start3A_471 = tpu.memref_slice %arg10[%dma_start3A_460] : memref<4x!tpu.dma_semaphore, #tpu.memory_space<semaphore_mem>> -> memref<1x!tpu.dma_semaphore, #tpu.memory_space<semaphore_mem>>
        %dma_start3A_472 = tpu.memref_squeeze %dma_start3A_471 : memref<1x!tpu.dma_semaphore, #tpu.memory_space<semaphore_mem>> -> memref<!tpu.dma_semaphore, #tpu.memory_space<semaphore_mem>>
        tpu.enqueue_indirect_dma source(%dma_start3A_470 : memref<10112x64xf32, #tpu.memory_space<vmem_shared>>) target(%dma_start3A_464 : memref<128x64xf32, #tpu.memory_space<vmem>>) offsets(%dma_start3A_467 : memref<128xi32, #tpu.memory_space<vmem>>) semaphore(%dma_start3A_472 : memref<!tpu.dma_semaphore, #tpu.memory_space<semaphore_mem>>)
      } else {
      }
      %dma_wait3A_415 = arith.constant 0 : i32
      %dma_wait3A_416 = arith.constant 0 : i32
      %dma_wait3A_417 = arith.constant 3 : i32
      %dma_wait3A_418 = arith.constant 3 : i32
      %dma_wait3A_419 = arith.constant 0 : i32
      %dma_wait3A_420 = arith.constant 0 : i32
      %dma_wait3A_421 = tpu.memref_slice %arg9[%dma_wait3A_417, %dma_wait3A_419, %dma_wait3A_420] : memref<4x128x64xf32, #tpu.memory_space<vmem>> -> memref<1x128x64xf32, #tpu.memory_space<vmem>>
      %dma_wait3A_422 = tpu.memref_squeeze %dma_wait3A_421 : memref<1x128x64xf32, #tpu.memory_space<vmem>> -> memref<128x64xf32, #tpu.memory_space<vmem>>
      %dma_wait3A_423 = arith.constant 0 : i32
      %dma_wait3A_424 = tpu.memref_slice %arg8[%dma_wait3A_415, %dma_wait3A_416, %dma_wait3A_423] : memref<3x4x128xi32, #tpu.memory_space<vmem>> -> memref<1x1x128xi32, #tpu.memory_space<vmem>>
      %dma_wait3A_425 = tpu.memref_squeeze %dma_wait3A_424 : memref<1x1x128xi32, #tpu.memory_space<vmem>> -> memref<128xi32, #tpu.memory_space<vmem>>
      %dma_wait3A_426 = arith.constant 0 : i32
      %dma_wait3A_427 = arith.constant 0 : i32
      %dma_wait3A_428 = tpu.memref_slice %arg13[%dma_wait3A_426, %dma_wait3A_427] : memref<10112x64xf32, #tpu.memory_space<vmem_shared>> -> memref<10112x64xf32, #tpu.memory_space<vmem_shared>>
      %dma_wait3A_429 = tpu.memref_slice %arg10[%dma_wait3A_418] : memref<4x!tpu.dma_semaphore, #tpu.memory_space<semaphore_mem>> -> memref<1x!tpu.dma_semaphore, #tpu.memory_space<semaphore_mem>>
      %dma_wait3A_430 = tpu.memref_squeeze %dma_wait3A_429 : memref<1x!tpu.dma_semaphore, #tpu.memory_space<semaphore_mem>> -> memref<!tpu.dma_semaphore, #tpu.memory_space<semaphore_mem>>
      tpu.wait_indirect_dma semaphore(%dma_wait3A_430 : memref<!tpu.dma_semaphore, #tpu.memory_space<semaphore_mem>>) src(%dma_wait3A_428 : memref<10112x64xf32, #tpu.memory_space<vmem_shared>>) dst(%dma_wait3A_422 : memref<128x64xf32, #tpu.memory_space<vmem>>)
      %dma_start3A_431 = arith.constant 3 : i32
      %dma_start3A_432 = arith.constant 3 : i32
      %dma_start3A_433 = arith.constant 3 : i32
      %dma_start3A_434 = arith.constant 0 : i32
      %dma_start3A_435 = arith.constant 0 : i32
      %dma_start3A_436 = tpu.memref_slice %arg9[%dma_start3A_431, %dma_start3A_434, %dma_start3A_435] : memref<4x128x64xf32, #tpu.memory_space<vmem>> -> memref<1x128x64xf32, #tpu.memory_space<vmem>>
      %dma_start3A_437 = tpu.memref_squeeze %dma_start3A_436 : memref<1x128x64xf32, #tpu.memory_space<vmem>> -> memref<128x64xf32, #tpu.memory_space<vmem>>
      %dma_start3A_438 = arith.constant 0 : i32
      %dma_start3A_439 = tpu.memref_slice %arg7[%rem3A_269, %dma_start3A_432, %dma_start3A_438] : memref<3x4x128xi32, #tpu.memory_space<vmem>> -> memref<1x1x128xi32, #tpu.memory_space<vmem>>
      %dma_start3A_440 = tpu.memref_squeeze %dma_start3A_439 : memref<1x1x128xi32, #tpu.memory_space<vmem>> -> memref<128xi32, #tpu.memory_space<vmem>>
      %dma_start3A_441 = arith.constant 0 : i32
      %dma_start3A_442 = arith.constant 0 : i32
      %dma_start3A_443 = tpu.memref_slice %arg6[%dma_start3A_441, %dma_start3A_442] : memref<10112x64xf32, #tpu.memory_space<vmem_shared>> -> memref<10112x64xf32, #tpu.memory_space<vmem_shared>>
      %dma_start3A_444 = tpu.memref_slice %arg12[%dma_start3A_433] : memref<4x!tpu.dma_semaphore, #tpu.memory_space<semaphore_mem>> -> memref<1x!tpu.dma_semaphore, #tpu.memory_space<semaphore_mem>>
      %dma_start3A_445 = tpu.memref_squeeze %dma_start3A_444 : memref<1x!tpu.dma_semaphore, #tpu.memory_space<semaphore_mem>> -> memref<!tpu.dma_semaphore, #tpu.memory_space<semaphore_mem>>
      tpu.enqueue_indirect_dma source(%dma_start3A_437 : memref<128x64xf32, #tpu.memory_space<vmem>>) target(%dma_start3A_443 : memref<10112x64xf32, #tpu.memory_space<vmem_shared>>) offsets(%dma_start3A_440 : memref<128xi32, #tpu.memory_space<vmem>>) semaphore(%dma_start3A_445 : memref<!tpu.dma_semaphore, #tpu.memory_space<semaphore_mem>>) {add = true}
      %add3A_446 = arith.constant 2 : i32
      %add3A_447 = arith.addi %scan3A_267, %add3A_446 : i32
      %lt3A_448 = arith.constant 40 : i32
      %lt3A_449 = arith.cmpi slt, %add3A_447, %lt3A_448 : i32
      %convert_element_type3A_450 = arith.extui %lt3A_449 : i1 to i32
      %cond3A_451 = arith.constant 0 : i32
      %cond3A_452 = arith.cmpi ne, %convert_element_type3A_450, %cond3A_451 : i32
      scf.if %cond3A_452 {
        %add3A_454 = arith.constant 2 : i32
        %add3A_455 = arith.addi %scan3A_267, %add3A_454 : i32
        %add3A_456 = arith.constant 2 : i32
        %add3A_457 = arith.addi %scan3A_267, %add3A_456 : i32
        %rem3A_458 = arith.constant 3 : i32
        %rem3A_459 = arith.remsi %add3A_457, %rem3A_458 : i32
        %mul3A_460 = arith.constant 4 : i32
        %mul3A_461 = arith.muli %add3A_455, %mul3A_460 : i32
        %dma_start3A_462 = arith.constant 0 : i32
        %dma_start3A_463 = arith.constant 0 : i32
        %dma_start3A_464 = tpu.memref_slice %arg8[%rem3A_459, %dma_start3A_462, %dma_start3A_463] : memref<3x4x128xi32, #tpu.memory_space<vmem>> -> memref<1x4x128xi32, #tpu.memory_space<vmem>>
        %dma_start3A_465 = tpu.memref_squeeze %dma_start3A_464 : memref<1x4x128xi32, #tpu.memory_space<vmem>> -> memref<4x128xi32, #tpu.memory_space<vmem>>
        %dma_start3A_466 = arith.constant 0 : i32
        %dma_start3A_467 = tpu.memref_slice %arg3[%arg1, %mul3A_461, %dma_start3A_466] : memref<16x160x128xi32, #tpu.memory_space<hbm>> -> memref<1x4x128xi32, #tpu.memory_space<hbm>>
        %dma_start3A_468 = tpu.memref_squeeze %dma_start3A_467 : memref<1x4x128xi32, #tpu.memory_space<hbm>> -> memref<4x128xi32, #tpu.memory_space<hbm>>
        %dma_start3A_469 = tpu.memref_slice %arg11[%rem3A_459] : memref<3x!tpu.dma_semaphore, #tpu.memory_space<semaphore_mem>> -> memref<1x!tpu.dma_semaphore, #tpu.memory_space<semaphore_mem>>
        %dma_start3A_470 = tpu.memref_squeeze %dma_start3A_469 : memref<1x!tpu.dma_semaphore, #tpu.memory_space<semaphore_mem>> -> memref<!tpu.dma_semaphore, #tpu.memory_space<semaphore_mem>>
        %dma_start3A_471 = arith.constant 0 : i32
        %dma_start3A_472 = arith.constant 0 : i32
        %dma_start3A_473 = tpu.memref_slice %arg8[%rem3A_459, %dma_start3A_471, %dma_start3A_472] : memref<3x4x128xi32, #tpu.memory_space<vmem>> -> memref<1x4x128xi32, #tpu.memory_space<vmem>>
        %dma_start3A_474 = tpu.memref_squeeze %dma_start3A_473 : memref<1x4x128xi32, #tpu.memory_space<vmem>> -> memref<4x128xi32, #tpu.memory_space<vmem>>
        %dma_start3A_475 = arith.constant 0 : i32
        %dma_start3A_476 = tpu.memref_slice %arg3[%arg1, %mul3A_461, %dma_start3A_475] : memref<16x160x128xi32, #tpu.memory_space<hbm>> -> memref<1x4x128xi32, #tpu.memory_space<hbm>>
        %dma_start3A_477 = tpu.memref_squeeze %dma_start3A_476 : memref<1x4x128xi32, #tpu.memory_space<hbm>> -> memref<4x128xi32, #tpu.memory_space<hbm>>
        tpu.enqueue_dma source(%dma_start3A_477 : memref<4x128xi32, #tpu.memory_space<hbm>>) target(%dma_start3A_474 : memref<4x128xi32, #tpu.memory_space<vmem>>) target_semaphore(%dma_start3A_470 : memref<!tpu.dma_semaphore, #tpu.memory_space<semaphore_mem>>)
        %dma_start3A_478 = arith.constant 0 : i32
        %dma_start3A_479 = arith.constant 0 : i32
        %dma_start3A_480 = tpu.memref_slice %arg7[%rem3A_459, %dma_start3A_478, %dma_start3A_479] : memref<3x4x128xi32, #tpu.memory_space<vmem>> -> memref<1x4x128xi32, #tpu.memory_space<vmem>>
        %dma_start3A_481 = tpu.memref_squeeze %dma_start3A_480 : memref<1x4x128xi32, #tpu.memory_space<vmem>> -> memref<4x128xi32, #tpu.memory_space<vmem>>
        %dma_start3A_482 = arith.constant 0 : i32
        %dma_start3A_483 = tpu.memref_slice %arg4[%arg1, %mul3A_461, %dma_start3A_482] : memref<16x160x128xi32, #tpu.memory_space<hbm>> -> memref<1x4x128xi32, #tpu.memory_space<hbm>>
        %dma_start3A_484 = tpu.memref_squeeze %dma_start3A_483 : memref<1x4x128xi32, #tpu.memory_space<hbm>> -> memref<4x128xi32, #tpu.memory_space<hbm>>
        %dma_start3A_485 = tpu.memref_slice %arg11[%rem3A_459] : memref<3x!tpu.dma_semaphore, #tpu.memory_space<semaphore_mem>> -> memref<1x!tpu.dma_semaphore, #tpu.memory_space<semaphore_mem>>
        %dma_start3A_486 = tpu.memref_squeeze %dma_start3A_485 : memref<1x!tpu.dma_semaphore, #tpu.memory_space<semaphore_mem>> -> memref<!tpu.dma_semaphore, #tpu.memory_space<semaphore_mem>>
        %dma_start3A_487 = arith.constant 0 : i32
        %dma_start3A_488 = arith.constant 0 : i32
        %dma_start3A_489 = tpu.memref_slice %arg7[%rem3A_459, %dma_start3A_487, %dma_start3A_488] : memref<3x4x128xi32, #tpu.memory_space<vmem>> -> memref<1x4x128xi32, #tpu.memory_space<vmem>>
        %dma_start3A_490 = tpu.memref_squeeze %dma_start3A_489 : memref<1x4x128xi32, #tpu.memory_space<vmem>> -> memref<4x128xi32, #tpu.memory_space<vmem>>
        %dma_start3A_491 = arith.constant 0 : i32
        %dma_start3A_492 = tpu.memref_slice %arg4[%arg1, %mul3A_461, %dma_start3A_491] : memref<16x160x128xi32, #tpu.memory_space<hbm>> -> memref<1x4x128xi32, #tpu.memory_space<hbm>>
        %dma_start3A_493 = tpu.memref_squeeze %dma_start3A_492 : memref<1x4x128xi32, #tpu.memory_space<hbm>> -> memref<4x128xi32, #tpu.memory_space<hbm>>
        tpu.enqueue_dma source(%dma_start3A_493 : memref<4x128xi32, #tpu.memory_space<hbm>>) target(%dma_start3A_490 : memref<4x128xi32, #tpu.memory_space<vmem>>) target_semaphore(%dma_start3A_486 : memref<!tpu.dma_semaphore, #tpu.memory_space<semaphore_mem>>)
      } else {
      }
      %scan3A_453 = arith.constant 0 : i32
      scf.yield %scan3A_453 : i32
    }
    %scan3A_197 = arith.constant 40 : i32
    %dma_wait3A_198 = arith.constant 0 : i32
    %dma_wait3A_199 = arith.constant 0 : i32
    %dma_wait3A_200 = arith.constant 0 : i32
    %dma_wait3A_201 = arith.constant 0 : i32
    %dma_wait3A_202 = arith.constant 0 : i32
    %dma_wait3A_203 = arith.constant 0 : i32
    %dma_wait3A_204 = tpu.memref_slice %arg9[%dma_wait3A_198, %dma_wait3A_202, %dma_wait3A_203] : memref<4x128x64xf32, #tpu.memory_space<vmem>> -> memref<1x128x64xf32, #tpu.memory_space<vmem>>
    %dma_wait3A_205 = tpu.memref_squeeze %dma_wait3A_204 : memref<1x128x64xf32, #tpu.memory_space<vmem>> -> memref<128x64xf32, #tpu.memory_space<vmem>>
    %dma_wait3A_206 = arith.constant 0 : i32
    %dma_wait3A_207 = tpu.memref_slice %arg7[%dma_wait3A_199, %dma_wait3A_200, %dma_wait3A_206] : memref<3x4x128xi32, #tpu.memory_space<vmem>> -> memref<1x1x128xi32, #tpu.memory_space<vmem>>
    %dma_wait3A_208 = tpu.memref_squeeze %dma_wait3A_207 : memref<1x1x128xi32, #tpu.memory_space<vmem>> -> memref<128xi32, #tpu.memory_space<vmem>>
    %dma_wait3A_209 = arith.constant 0 : i32
    %dma_wait3A_210 = arith.constant 0 : i32
    %dma_wait3A_211 = tpu.memref_slice %arg6[%dma_wait3A_209, %dma_wait3A_210] : memref<10112x64xf32, #tpu.memory_space<vmem_shared>> -> memref<10112x64xf32, #tpu.memory_space<vmem_shared>>
    %dma_wait3A_212 = tpu.memref_slice %arg12[%dma_wait3A_201] : memref<4x!tpu.dma_semaphore, #tpu.memory_space<semaphore_mem>> -> memref<1x!tpu.dma_semaphore, #tpu.memory_space<semaphore_mem>>
    %dma_wait3A_213 = tpu.memref_squeeze %dma_wait3A_212 : memref<1x!tpu.dma_semaphore, #tpu.memory_space<semaphore_mem>> -> memref<!tpu.dma_semaphore, #tpu.memory_space<semaphore_mem>>
    tpu.wait_indirect_dma semaphore(%dma_wait3A_213 : memref<!tpu.dma_semaphore, #tpu.memory_space<semaphore_mem>>) src(%dma_wait3A_205 : memref<128x64xf32, #tpu.memory_space<vmem>>) dst(%dma_wait3A_211 : memref<10112x64xf32, #tpu.memory_space<vmem_shared>>)
    %dma_wait3A_214 = arith.constant 1 : i32
    %dma_wait3A_215 = arith.constant 0 : i32
    %dma_wait3A_216 = arith.constant 0 : i32
    %dma_wait3A_217 = arith.constant 1 : i32
    %dma_wait3A_218 = arith.constant 0 : i32
    %dma_wait3A_219 = arith.constant 0 : i32
    %dma_wait3A_220 = tpu.memref_slice %arg9[%dma_wait3A_214, %dma_wait3A_218, %dma_wait3A_219] : memref<4x128x64xf32, #tpu.memory_space<vmem>> -> memref<1x128x64xf32, #tpu.memory_space<vmem>>
    %dma_wait3A_221 = tpu.memref_squeeze %dma_wait3A_220 : memref<1x128x64xf32, #tpu.memory_space<vmem>> -> memref<128x64xf32, #tpu.memory_space<vmem>>
    %dma_wait3A_222 = arith.constant 0 : i32
    %dma_wait3A_223 = tpu.memref_slice %arg7[%dma_wait3A_215, %dma_wait3A_216, %dma_wait3A_222] : memref<3x4x128xi32, #tpu.memory_space<vmem>> -> memref<1x1x128xi32, #tpu.memory_space<vmem>>
    %dma_wait3A_224 = tpu.memref_squeeze %dma_wait3A_223 : memref<1x1x128xi32, #tpu.memory_space<vmem>> -> memref<128xi32, #tpu.memory_space<vmem>>
    %dma_wait3A_225 = arith.constant 0 : i32
    %dma_wait3A_226 = arith.constant 0 : i32
    %dma_wait3A_227 = tpu.memref_slice %arg6[%dma_wait3A_225, %dma_wait3A_226] : memref<10112x64xf32, #tpu.memory_space<vmem_shared>> -> memref<10112x64xf32, #tpu.memory_space<vmem_shared>>
    %dma_wait3A_228 = tpu.memref_slice %arg12[%dma_wait3A_217] : memref<4x!tpu.dma_semaphore, #tpu.memory_space<semaphore_mem>> -> memref<1x!tpu.dma_semaphore, #tpu.memory_space<semaphore_mem>>
    %dma_wait3A_229 = tpu.memref_squeeze %dma_wait3A_228 : memref<1x!tpu.dma_semaphore, #tpu.memory_space<semaphore_mem>> -> memref<!tpu.dma_semaphore, #tpu.memory_space<semaphore_mem>>
    tpu.wait_indirect_dma semaphore(%dma_wait3A_229 : memref<!tpu.dma_semaphore, #tpu.memory_space<semaphore_mem>>) src(%dma_wait3A_221 : memref<128x64xf32, #tpu.memory_space<vmem>>) dst(%dma_wait3A_227 : memref<10112x64xf32, #tpu.memory_space<vmem_shared>>)
    %dma_wait3A_230 = arith.constant 2 : i32
    %dma_wait3A_231 = arith.constant 0 : i32
    %dma_wait3A_232 = arith.constant 0 : i32
    %dma_wait3A_233 = arith.constant 2 : i32
    %dma_wait3A_234 = arith.constant 0 : i32
    %dma_wait3A_235 = arith.constant 0 : i32
    %dma_wait3A_236 = tpu.memref_slice %arg9[%dma_wait3A_230, %dma_wait3A_234, %dma_wait3A_235] : memref<4x128x64xf32, #tpu.memory_space<vmem>> -> memref<1x128x64xf32, #tpu.memory_space<vmem>>
    %dma_wait3A_237 = tpu.memref_squeeze %dma_wait3A_236 : memref<1x128x64xf32, #tpu.memory_space<vmem>> -> memref<128x64xf32, #tpu.memory_space<vmem>>
    %dma_wait3A_238 = arith.constant 0 : i32
    %dma_wait3A_239 = tpu.memref_slice %arg7[%dma_wait3A_231, %dma_wait3A_232, %dma_wait3A_238] : memref<3x4x128xi32, #tpu.memory_space<vmem>> -> memref<1x1x128xi32, #tpu.memory_space<vmem>>
    %dma_wait3A_240 = tpu.memref_squeeze %dma_wait3A_239 : memref<1x1x128xi32, #tpu.memory_space<vmem>> -> memref<128xi32, #tpu.memory_space<vmem>>
    %dma_wait3A_241 = arith.constant 0 : i32
    %dma_wait3A_242 = arith.constant 0 : i32
    %dma_wait3A_243 = tpu.memref_slice %arg6[%dma_wait3A_241, %dma_wait3A_242] : memref<10112x64xf32, #tpu.memory_space<vmem_shared>> -> memref<10112x64xf32, #tpu.memory_space<vmem_shared>>
    %dma_wait3A_244 = tpu.memref_slice %arg12[%dma_wait3A_233] : memref<4x!tpu.dma_semaphore, #tpu.memory_space<semaphore_mem>> -> memref<1x!tpu.dma_semaphore, #tpu.memory_space<semaphore_mem>>
    %dma_wait3A_245 = tpu.memref_squeeze %dma_wait3A_244 : memref<1x!tpu.dma_semaphore, #tpu.memory_space<semaphore_mem>> -> memref<!tpu.dma_semaphore, #tpu.memory_space<semaphore_mem>>
    tpu.wait_indirect_dma semaphore(%dma_wait3A_245 : memref<!tpu.dma_semaphore, #tpu.memory_space<semaphore_mem>>) src(%dma_wait3A_237 : memref<128x64xf32, #tpu.memory_space<vmem>>) dst(%dma_wait3A_243 : memref<10112x64xf32, #tpu.memory_space<vmem_shared>>)
    %dma_wait3A_246 = arith.constant 3 : i32
    %dma_wait3A_247 = arith.constant 0 : i32
    %dma_wait3A_248 = arith.constant 0 : i32
    %dma_wait3A_249 = arith.constant 3 : i32
    %dma_wait3A_250 = arith.constant 0 : i32
    %dma_wait3A_251 = arith.constant 0 : i32
    %dma_wait3A_252 = tpu.memref_slice %arg9[%dma_wait3A_246, %dma_wait3A_250, %dma_wait3A_251] : memref<4x128x64xf32, #tpu.memory_space<vmem>> -> memref<1x128x64xf32, #tpu.memory_space<vmem>>
    %dma_wait3A_253 = tpu.memref_squeeze %dma_wait3A_252 : memref<1x128x64xf32, #tpu.memory_space<vmem>> -> memref<128x64xf32, #tpu.memory_space<vmem>>
    %dma_wait3A_254 = arith.constant 0 : i32
    %dma_wait3A_255 = tpu.memref_slice %arg7[%dma_wait3A_247, %dma_wait3A_248, %dma_wait3A_254] : memref<3x4x128xi32, #tpu.memory_space<vmem>> -> memref<1x1x128xi32, #tpu.memory_space<vmem>>
    %dma_wait3A_256 = tpu.memref_squeeze %dma_wait3A_255 : memref<1x1x128xi32, #tpu.memory_space<vmem>> -> memref<128xi32, #tpu.memory_space<vmem>>
    %dma_wait3A_257 = arith.constant 0 : i32
    %dma_wait3A_258 = arith.constant 0 : i32
    %dma_wait3A_259 = tpu.memref_slice %arg6[%dma_wait3A_257, %dma_wait3A_258] : memref<10112x64xf32, #tpu.memory_space<vmem_shared>> -> memref<10112x64xf32, #tpu.memory_space<vmem_shared>>
    %dma_wait3A_260 = tpu.memref_slice %arg12[%dma_wait3A_249] : memref<4x!tpu.dma_semaphore, #tpu.memory_space<semaphore_mem>> -> memref<1x!tpu.dma_semaphore, #tpu.memory_space<semaphore_mem>>
    %dma_wait3A_261 = tpu.memref_squeeze %dma_wait3A_260 : memref<1x!tpu.dma_semaphore, #tpu.memory_space<semaphore_mem>> -> memref<!tpu.dma_semaphore, #tpu.memory_space<semaphore_mem>>
    tpu.wait_indirect_dma semaphore(%dma_wait3A_261 : memref<!tpu.dma_semaphore, #tpu.memory_space<semaphore_mem>>) src(%dma_wait3A_253 : memref<128x64xf32, #tpu.memory_space<vmem>>) dst(%dma_wait3A_259 : memref<10112x64xf32, #tpu.memory_space<vmem_shared>>)
    %barrier3A_262 = arith.constant 0 : index
    tpu.barrier barrier_id(%barrier3A_262)
    %mul3A_263 = arith.constant 632 : i32
    %mul3A_264 = arith.muli %arg1, %mul3A_263 : i32
    %mul3A_265 = arith.constant 64 : i32
    %mul3A_266 = arith.muli %arg0, %mul3A_265 : i32
    "tpu.region"() ({
      %run_scoped3A = tpu.sem_alloc : memref<!tpu.dma_semaphore, #tpu.memory_space<semaphore_mem>>
      %dma_start3A_267 = tpu.memref_slice %arg5[%mul3A_264, %mul3A_266] : memref<10112x128xf32, #tpu.memory_space<hbm>> -> memref<632x64xf32, #tpu.memory_space<hbm>>
      %dma_start3A_268 = arith.constant 0 : i32
      %dma_start3A_269 = tpu.memref_slice %arg6[%mul3A_264, %dma_start3A_268] : memref<10112x64xf32, #tpu.memory_space<vmem_shared>> -> memref<632x64xf32, #tpu.memory_space<vmem_shared>>
      tpu.enqueue_dma source(%dma_start3A_269 : memref<632x64xf32, #tpu.memory_space<vmem_shared>>) target(%dma_start3A_267 : memref<632x64xf32, #tpu.memory_space<hbm>>) target_semaphore(%run_scoped3A : memref<!tpu.dma_semaphore, #tpu.memory_space<semaphore_mem>>)
      %dma_wait3A_270 = tpu.memref_slice %arg5[%mul3A_264, %mul3A_266] : memref<10112x128xf32, #tpu.memory_space<hbm>> -> memref<632x64xf32, #tpu.memory_space<hbm>>
      %dma_wait3A_271 = arith.constant 0 : i32
      %dma_wait3A_272 = tpu.memref_slice %arg6[%mul3A_264, %dma_wait3A_271] : memref<10112x64xf32, #tpu.memory_space<vmem_shared>> -> memref<632x64xf32, #tpu.memory_space<vmem_shared>>
      tpu.wait_dma2 semaphore(%run_scoped3A : memref<!tpu.dma_semaphore, #tpu.memory_space<semaphore_mem>>) src(%dma_wait3A_272 : memref<632x64xf32, #tpu.memory_space<vmem_shared>>) dst(%dma_wait3A_270 : memref<632x64xf32, #tpu.memory_space<hbm>>)
      tpu.yield
    }) : () -> ()
    return
  }
}

module attributes {stable_mosaic.version = 14 : i64} {
  func.func @_prescale_body(%arg0: i32, %arg1: memref<2528x128xf32, #tpu.memory_space<vmem>>, %arg2: memref<2528x1xf32, #tpu.memory_space<vmem>>, %arg3: memref<2528x1xf32, #tpu.memory_space<vmem>>, %arg4: memref<2528x128xf32, #tpu.memory_space<vmem>>, %arg5: memref<2528x128xbf16, #tpu.memory_space<vmem>>, %arg6: memref<2528x128xbf16, #tpu.memory_space<vmem>>) attributes {dimension_semantics = [#tpu.dimension_semantics<arbitrary>], iteration_bounds = array<i64: 4>, scalar_prefetch = 0 : i64, scratch_operands = 0 : i64, tpu.core_type = #tpu.core_type<tc>, window_params = [{transform_indices = @transform_0, window_bounds = array<i64: 2528, 128>}, {transform_indices = @transform_1, window_bounds = array<i64: 2528, 1>}, {transform_indices = @transform_2, window_bounds = array<i64: 2528, 1>}, {transform_indices = @transform_3, window_bounds = array<i64: 2528, 128>}, {transform_indices = @transform_4, window_bounds = array<i64: 2528, 128>}, {transform_indices = @transform_5, window_bounds = array<i64: 2528, 128>}]} {
    %get3A = arith.constant 0 : index
    %get3A_0 = arith.constant 0 : index
    %get3A_1 = vector.load %arg2[%get3A, %get3A_0] : memref<2528x1xf32, #tpu.memory_space<vmem>>, vector<2528x1xf32>
    %gt3A = arith.constant 0.000000e+00 : f32
    %gt3A_2 = vector.broadcast %gt3A : f32 to vector<2528x1xf32>
    %gt3A_3 = arith.cmpf ogt, %get3A_1, %gt3A_2 : vector<2528x1xf32>
    %jit3A = arith.constant 1.000000e+00 : f32
    %broadcast_in_dim3A = vector.broadcast %jit3A : f32 to vector<2528x1xf32>
    %select_n3A = arith.select %gt3A_3, %get3A_1, %broadcast_in_dim3A : vector<2528x1xi1>, vector<2528x1xf32>
    %rsqrt3A = math.rsqrt %select_n3A : vector<2528x1xf32>
    %get3A_4 = arith.constant 0 : index
    %get3A_5 = arith.constant 0 : index
    %get3A_6 = vector.load %arg3[%get3A_4, %get3A_5] : memref<2528x1xf32, #tpu.memory_space<vmem>>, vector<2528x1xf32>
    %gt3A_7 = arith.constant 0.000000e+00 : f32
    %gt3A_8 = vector.broadcast %gt3A_7 : f32 to vector<2528x1xf32>
    %gt3A_9 = arith.cmpf ogt, %get3A_6, %gt3A_8 : vector<2528x1xf32>
    %jit3A_10 = arith.constant 1.000000e+00 : f32
    %broadcast_in_dim3A_11 = vector.broadcast %jit3A_10 : f32 to vector<2528x1xf32>
    %select_n3A_12 = arith.select %gt3A_9, %get3A_6, %broadcast_in_dim3A_11 : vector<2528x1xi1>, vector<2528x1xf32>
    %rsqrt3A_13 = math.rsqrt %select_n3A_12 : vector<2528x1xf32>
    %get3A_14 = arith.constant 0 : index
    %get3A_15 = arith.constant 0 : index
    %get3A_16 = vector.load %arg1[%get3A_14, %get3A_15] : memref<2528x128xf32, #tpu.memory_space<vmem>>, vector<2528x128xf32>
    %mul3A = vector.broadcast %rsqrt3A : vector<2528x1xf32> to vector<2528x128xf32>
    %mul3A_17 = arith.mulf %get3A_16, %mul3A : vector<2528x128xf32>
    %swap3A = arith.constant 0 : index
    %swap3A_18 = arith.constant 0 : index
    %swap3A_19 = vector.load %arg4[%swap3A, %swap3A_18] : memref<2528x128xf32, #tpu.memory_space<vmem>>, vector<2528x128xf32>
    tpu.vector_store %arg4[%swap3A, %swap3A_18], %mul3A_17 {strides = array<i32>} : memref<2528x128xf32, #tpu.memory_space<vmem>>, vector<2528x128xf32>,
    %convert_element_type3A = arith.truncf %rsqrt3A : vector<2528x1xf32> to vector<2528x1xbf16>
    %broadcast_in_dim3A_20 = vector.shape_cast %convert_element_type3A : vector<2528x1xbf16> to vector<2528x1xbf16>
    %broadcast_in_dim3A_21 = vector.broadcast %broadcast_in_dim3A_20 : vector<2528x1xbf16> to vector<2528x128xbf16>
    %swap3A_22 = arith.constant 0 : index
    %swap3A_23 = arith.constant 0 : index
    %swap3A_24 = vector.load %arg5[%swap3A_22, %swap3A_23] : memref<2528x128xbf16, #tpu.memory_space<vmem>>, vector<2528x128xbf16>
    tpu.vector_store %arg5[%swap3A_22, %swap3A_23], %broadcast_in_dim3A_21 {strides = array<i32>} : memref<2528x128xbf16, #tpu.memory_space<vmem>>, vector<2528x128xbf16>,
    %convert_element_type3A_25 = arith.truncf %rsqrt3A_13 : vector<2528x1xf32> to vector<2528x1xbf16>
    %broadcast_in_dim3A_26 = vector.shape_cast %convert_element_type3A_25 : vector<2528x1xbf16> to vector<2528x1xbf16>
    %broadcast_in_dim3A_27 = vector.broadcast %broadcast_in_dim3A_26 : vector<2528x1xbf16> to vector<2528x128xbf16>
    %swap3A_28 = arith.constant 0 : index
    %swap3A_29 = arith.constant 0 : index
    %swap3A_30 = vector.load %arg6[%swap3A_28, %swap3A_29] : memref<2528x128xbf16, #tpu.memory_space<vmem>>, vector<2528x128xbf16>
    tpu.vector_store %arg6[%swap3A_28, %swap3A_29], %broadcast_in_dim3A_27 {strides = array<i32>} : memref<2528x128xbf16, #tpu.memory_space<vmem>>, vector<2528x128xbf16>,
    return
  }
  func.func @transform_0(%arg0: i32) -> (i32, i32) {
    %c0_i32 = arith.constant 0 : i32
    %c0_i32_0 = arith.constant 0 : i32
    return %arg0, %c0_i32 : i32, i32
  }
  func.func @transform_1(%arg0: i32) -> (i32, i32) {
    %c0_i32 = arith.constant 0 : i32
    %c0_i32_0 = arith.constant 0 : i32
    return %arg0, %c0_i32 : i32, i32
  }
  func.func @transform_2(%arg0: i32) -> (i32, i32) {
    %c0_i32 = arith.constant 0 : i32
    %c0_i32_0 = arith.constant 0 : i32
    return %arg0, %c0_i32 : i32, i32
  }
  func.func @transform_3(%arg0: i32) -> (i32, i32) {
    %c0_i32 = arith.constant 0 : i32
    %c0_i32_0 = arith.constant 0 : i32
    return %arg0, %c0_i32 : i32, i32
  }
  func.func @transform_4(%arg0: i32) -> (i32, i32) {
    %c0_i32 = arith.constant 0 : i32
    %c0_i32_0 = arith.constant 0 : i32
    return %arg0, %c0_i32 : i32, i32
  }
  func.func @transform_5(%arg0: i32) -> (i32, i32) {
    %c0_i32 = arith.constant 0 : i32
    %c0_i32_0 = arith.constant 0 : i32
    return %arg0, %c0_i32 : i32, i32
  }
}

module attributes {stable_mosaic.version = 14 : i64} {
  func.func @_layer_body(%arg0: i32, %arg1: memref<2528x128xf32, #tpu.memory_space<vmem>>, %arg2: memref<2528x128xbf16, #tpu.memory_space<vmem>>, %arg3: memref<2528x128xbf16, #tpu.memory_space<vmem>>, %arg4: memref<128x128xf32, #tpu.memory_space<vmem>>, %arg5: memref<1x128xf32, #tpu.memory_space<vmem>>, %arg6: memref<128x128xf32, #tpu.memory_space<vmem>>, %arg7: memref<2528x128xf32, #tpu.memory_space<vmem>>) attributes {dimension_semantics = [#tpu.dimension_semantics<arbitrary>], iteration_bounds = array<i64: 4>, scalar_prefetch = 0 : i64, scratch_operands = 0 : i64, tpu.core_type = #tpu.core_type<tc>, window_params = [{transform_indices = @transform_0, window_bounds = array<i64: 2528, 128>}, {transform_indices = @transform_1, window_bounds = array<i64: 2528, 128>}, {transform_indices = @transform_2, window_bounds = array<i64: 2528, 128>}, {pipeline_mode = #tpu.pipeline_mode<synchronous>, transform_indices = @transform_3, window_bounds = array<i64: 128, 128>}, {pipeline_mode = #tpu.pipeline_mode<synchronous>, transform_indices = @transform_4, window_bounds = array<i64: 1, 128>}, {pipeline_mode = #tpu.pipeline_mode<synchronous>, transform_indices = @transform_5, window_bounds = array<i64: 128, 128>}, {transform_indices = @transform_6, window_bounds = array<i64: 2528, 128>}]} {
    %get3A = arith.constant 0 : index
    %get3A_0 = arith.constant 0 : index
    %get3A_1 = vector.load %arg2[%get3A, %get3A_0] : memref<2528x128xbf16, #tpu.memory_space<vmem>>, vector<2528x128xbf16>
    %convert_element_type3A = arith.extf %get3A_1 : vector<2528x128xbf16> to vector<2528x128xf32>
    %get3A_2 = arith.constant 0 : index
    %get3A_3 = arith.constant 0 : index
    %get3A_4 = vector.load %arg1[%get3A_2, %get3A_3] : memref<2528x128xf32, #tpu.memory_space<vmem>>, vector<2528x128xf32>
    %mul3A = arith.mulf %get3A_4, %convert_element_type3A : vector<2528x128xf32>
    %get3A_5 = arith.constant 0 : index
    %get3A_6 = arith.constant 0 : index
    %get3A_7 = vector.load %arg4[%get3A_5, %get3A_6] : memref<128x128xf32, #tpu.memory_space<vmem>>, vector<128x128xf32>
    %dot_general3A = arith.constant dense<0.000000e+00> : vector<2528x128xf32>
    %dot_general3A_8 = tpu.matmul %mul3A, %get3A_7, %dot_general3A {dimension_numbers = #tpu.dot_dimension_numbers<[1], [0], [0], [1], [0, 0, 1, 1], [], []>, transpose_lhs_hint = false} : vector<2528x128xf32>, vector<128x128xf32>, vector<2528x128xf32> -> vector<2528x128xf32>
    %get3A_9 = arith.constant 0 : index
    %get3A_10 = arith.constant 0 : index
    %get3A_11 = vector.load %arg5[%get3A_9, %get3A_10] : memref<1x128xf32, #tpu.memory_space<vmem>>, vector<1x128xf32>
    %add3A = vector.broadcast %get3A_11 : vector<1x128xf32> to vector<2528x128xf32>
    %add3A_12 = arith.addf %dot_general3A_8, %add3A : vector<2528x128xf32>
    %max3A = arith.constant 0.000000e+00 : f32
    %max3A_13 = vector.broadcast %max3A : f32 to vector<2528x128xf32>
    %max3A_14 = arith.maximumf %add3A_12, %max3A_13 : vector<2528x128xf32>
    %get3A_15 = arith.constant 0 : index
    %get3A_16 = arith.constant 0 : index
    %get3A_17 = vector.load %arg3[%get3A_15, %get3A_16] : memref<2528x128xbf16, #tpu.memory_space<vmem>>, vector<2528x128xbf16>
    %convert_element_type3A_18 = arith.extf %get3A_17 : vector<2528x128xbf16> to vector<2528x128xf32>
    %get3A_19 = arith.constant 0 : index
    %get3A_20 = arith.constant 0 : index
    %get3A_21 = vector.load %arg6[%get3A_19, %get3A_20] : memref<128x128xf32, #tpu.memory_space<vmem>>, vector<128x128xf32>
    %dot_general3A_22 = arith.constant dense<0.000000e+00> : vector<2528x128xf32>
    %dot_general3A_23 = tpu.matmul %max3A_14, %get3A_21, %dot_general3A_22 {dimension_numbers = #tpu.dot_dimension_numbers<[1], [0], [0], [1], [0, 0, 1, 1], [], []>, transpose_lhs_hint = false} : vector<2528x128xf32>, vector<128x128xf32>, vector<2528x128xf32> -> vector<2528x128xf32>
    %mul3A_24 = arith.mulf %dot_general3A_23, %convert_element_type3A_18 : vector<2528x128xf32>
    %swap3A = arith.constant 0 : index
    %swap3A_25 = arith.constant 0 : index
    %swap3A_26 = vector.load %arg7[%swap3A, %swap3A_25] : memref<2528x128xf32, #tpu.memory_space<vmem>>, vector<2528x128xf32>
    tpu.vector_store %arg7[%swap3A, %swap3A_25], %mul3A_24 {strides = array<i32>} : memref<2528x128xf32, #tpu.memory_space<vmem>>, vector<2528x128xf32>,
    return
  }
  func.func @transform_0(%arg0: i32) -> (i32, i32) {
    %c0_i32 = arith.constant 0 : i32
    %c0_i32_0 = arith.constant 0 : i32
    return %arg0, %c0_i32 : i32, i32
  }
  func.func @transform_1(%arg0: i32) -> (i32, i32) {
    %c0_i32 = arith.constant 0 : i32
    %c0_i32_0 = arith.constant 0 : i32
    return %arg0, %c0_i32 : i32, i32
  }
  func.func @transform_2(%arg0: i32) -> (i32, i32) {
    %c0_i32 = arith.constant 0 : i32
    %c0_i32_0 = arith.constant 0 : i32
    return %arg0, %c0_i32 : i32, i32
  }
  func.func @transform_3(%arg0: i32) -> (i32, i32) {
    %c0_i32 = arith.constant 0 : i32
    %c0_i32_0 = arith.constant 0 : i32
    %c0_i32_1 = arith.constant 0 : i32
    return %c0_i32, %c0_i32_0 : i32, i32
  }
  func.func @transform_4(%arg0: i32) -> (i32, i32) {
    %c0_i32 = arith.constant 0 : i32
    %c0_i32_0 = arith.constant 0 : i32
    %c0_i32_1 = arith.constant 0 : i32
    return %c0_i32, %c0_i32_0 : i32, i32
  }
  func.func @transform_5(%arg0: i32) -> (i32, i32) {
    %c0_i32 = arith.constant 0 : i32
    %c0_i32_0 = arith.constant 0 : i32
    %c0_i32_1 = arith.constant 0 : i32
    return %c0_i32, %c0_i32_0 : i32, i32
  }
  func.func @transform_6(%arg0: i32) -> (i32, i32) {
    %c0_i32 = arith.constant 0 : i32
    %c0_i32_0 = arith.constant 0 : i32
    return %arg0, %c0_i32 : i32, i32
  }
}

module attributes {stable_mosaic.version = 14 : i64} {
  func.func @_final_body(%arg0: i32, %arg1: memref<2000x128xf32, #tpu.memory_space<vmem>>, %arg2: memref<2000x128xbf16, #tpu.memory_space<vmem>>, %arg3: memref<1x40xf32, #tpu.memory_space<vmem>>, %arg4: memref<2000x40xf32, #tpu.memory_space<vmem>>) attributes {dimension_semantics = [#tpu.dimension_semantics<arbitrary>], iteration_bounds = array<i64: 5>, scalar_prefetch = 0 : i64, scratch_operands = 0 : i64, tpu.core_type = #tpu.core_type<tc>, window_params = [{transform_indices = @transform_0, window_bounds = array<i64: 2000, 128>}, {transform_indices = @transform_1, window_bounds = array<i64: 2000, 128>}, {pipeline_mode = #tpu.pipeline_mode<synchronous>, transform_indices = @transform_2, window_bounds = array<i64: 1, 40>}, {transform_indices = @transform_3, window_bounds = array<i64: 2000, 40>}]} {
    %get3A = arith.constant 0 : index
    %get3A_0 = arith.constant 0 : index
    %get3A_1 = vector.load %arg1[%get3A, %get3A_0] : memref<2000x128xf32, #tpu.memory_space<vmem>>, vector<2000x128xf32>
    %get3A_2 = arith.constant 0 : index
    %get3A_3 = arith.constant 0 : index
    %get3A_4 = vector.load %arg2[%get3A_2, %get3A_3] : memref<2000x128xbf16, #tpu.memory_space<vmem>>, vector<2000x128xbf16>
    %convert_element_type3A = arith.extf %get3A_4 : vector<2000x128xbf16> to vector<2000x128xf32>
    %slice3A = vector.extract_strided_slice %get3A_1 {offsets = [0, 0], sizes = [2000, 40], strides = [1, 1]} : vector<2000x128xf32> to vector<2000x40xf32>
    %slice3A_5 = vector.extract_strided_slice %get3A_1 {offsets = [0, 40], sizes = [2000, 40], strides = [1, 1]} : vector<2000x128xf32> to vector<2000x40xf32>
    %add3A = arith.addf %slice3A, %slice3A_5 : vector<2000x40xf32>
    %slice3A_6 = vector.extract_strided_slice %convert_element_type3A {offsets = [0, 0], sizes = [2000, 40], strides = [1, 1]} : vector<2000x128xf32> to vector<2000x40xf32>
    %mul3A = arith.mulf %add3A, %slice3A_6 : vector<2000x40xf32>
    %get3A_7 = arith.constant 0 : index
    %get3A_8 = arith.constant 0 : index
    %get3A_9 = vector.load %arg3[%get3A_7, %get3A_8] : memref<1x40xf32, #tpu.memory_space<vmem>>, vector<1x40xf32>
    %add3A_10 = vector.broadcast %get3A_9 : vector<1x40xf32> to vector<2000x40xf32>
    %add3A_11 = arith.addf %mul3A, %add3A_10 : vector<2000x40xf32>
    %swap3A = arith.constant 0 : index
    %swap3A_12 = arith.constant 0 : index
    %swap3A_13 = vector.load %arg4[%swap3A, %swap3A_12] : memref<2000x40xf32, #tpu.memory_space<vmem>>, vector<2000x40xf32>
    tpu.vector_store %arg4[%swap3A, %swap3A_12], %add3A_11 {strides = array<i32>} : memref<2000x40xf32, #tpu.memory_space<vmem>>, vector<2000x40xf32>,
    return
  }
  func.func @transform_0(%arg0: i32) -> (i32, i32) {
    %c0_i32 = arith.constant 0 : i32
    %c0_i32_0 = arith.constant 0 : i32
    return %arg0, %c0_i32 : i32, i32
  }
  func.func @transform_1(%arg0: i32) -> (i32, i32) {
    %c0_i32 = arith.constant 0 : i32
    %c0_i32_0 = arith.constant 0 : i32
    return %arg0, %c0_i32 : i32, i32
  }
  func.func @transform_2(%arg0: i32) -> (i32, i32) {
    %c0_i32 = arith.constant 0 : i32
    %c0_i32_0 = arith.constant 0 : i32
    %c0_i32_1 = arith.constant 0 : i32
    return %c0_i32, %c0_i32_0 : i32, i32
  }
  func.func @transform_3(%arg0: i32) -> (i32, i32) {
    %c0_i32 = arith.constant 0 : i32
    %c0_i32_0 = arith.constant 0 : i32
    return %arg0, %c0_i32 : i32, i32
  }
}

</mosaic_0001>

<sc_bundles>
// kernel: kernel.11.cloned.1.call-start
scs
__scs_entry_jumppad:
0x0: {  	(pc) =	sbr.rel $0x88, $3  }
0x1: {  	(tag) =	ssettag $0x0;
	lr =	simm.s32 $0x1  }
0x2: {  	[smem:$0x3F9B] =	sst lr;
	_ =	strace $0xD0000000  }
0x3: {  	_ = 	snop  }
0x4: {  	_ = 	snop  }
0x5: {  	_ = 	snop  }
0x6: {  	_ = 	snop  }
0x7: {  	_ = 	snop  }
__scs_overlays_trampoline_lowered:
0x8: {  	[smem:$0x3FAA] =	sst s0  }
0x9: {  	[smem:$0x3FAB] =	sst s1  }
0xa: {  	[smem:$0x3FAC] =	sst s2  }
0xb: {  	[smem:$0x3FAD] =	sst s3  }
0xc: {  	[smem:$0x3FAE] =	sst s4  }
0xd: {  	[smem:$0x3FAF] =	sst s5  }
0xe: {  	[smem:$0x3FB0] =	sst s6  }
0xf: {  	[smem:$0x3FB1] =	sst s7  }
0x10: {  	[smem:$0x3FB2] =	sst s8  }
0x11: {  	[smem:$0x3FB3] =	sst s9;
	s0 =	simm.s32 @!p0 $0x0  }
0x12: {  	s1 =	sld [smem:$0x3F99];
	s0 =	simm.s32 @p0 $0x1  }
0x13: {  	[smem:$0x3FB4] =	sst s0;
	s0 =	simm.s32 @!p1 $0x0  }
0x14: {  	s2 =	sld [smem:$0x3F98];
	s0 =	simm.s32 @p1 $0x1  }
0x15: {  	[smem:$0x3FB5] =	sst s0;
	s0 =	simm.s32 @!p2 $0x0  }
0x16: {  	s3 =	sld [smem:$0x3FDB];
	s0 =	simm.s32 @p2 $0x1  }
0x17: {  	s4 =	simm.s32 $0x1BF5;
	[smem:$0x3FB7] =	sst s0  }
0x18: {  	s0 =	sld [smem:$0x3F9A];
	_ =	swait.ge [sflag:s4], $0x0  }
0x19: {  	s7 =	sld [smem:$0x3F9B]  }
0x1a: {  	s8 =	sadd.s32 $0xFFFFE003, lr  }
0x1b: {  	s9 =	sadd.s32 $0xFFFFFEF7, lr;
	s5 =	simm.s32 $0xFFFFFFFF;
	p2 =	slt.u32 s8, $0xFFFFF086  }
0x1c: {  	p1 =	slt.u32 s9, $0xF7A;
	s5 =	simm.s32 @!p2 $0x0  }
0x1d: {  	s5 =	simm.s32 @p1 $0x1;
	p0 =	seq.s32 s7, s2  }
0x1e: {  	s7 =	smul.u32 @!p0 $0xF7A, s2;
	p2 =	seq.s32 @!p0 s5, $0x0  }
0x1f: {  	s9 =	smul.u32 $0xF7A, s1;
	s8 =	simm.s32 @!p0 $0x1BF5;
	p2 =	por !p2, p0  }
0x20: {  	[sflag:s8] =	ssyncset.s32 @!p0 $0xFFFFF086;
	s6 =	sadd.s32 @!p0 s3, s7;
	s7 =	simm.s32 @!p0 $0x108  }
0x21: {  	s3 =	sadd.s32 s3, s9;
	s6 =	sadd.s32 @!p0 $0x88, s6;
	s7 =	simm.s32 @p2 $0x1082  }
0x22: {  	[simem:s7], [sflag:s8] =	dma.local @!p0 [hbm:s6], $0xF7A  }
0x23: {  	s9 =	sor.u32 $0xD0000000, s2;
	s6 =	simm.s32 $0x108;
	_ =	swait.ge @!p0 [sflag:s8], $0x0  }
0x24: {  	s3 =	sadd.s32 $0x88, s3;
	s6 =	simm.s32 @!p1 $0x1082;
	[sflag:s4] =	ssyncset.s32 $0xFFFFF086  }
0x25: {  	[simem:s6], [sflag:s4] =	dma.local [hbm:s3], $0xF7A  }
0x26: {  	[smem:$0x3F9B] =	sst s1;
	(tag) =	ssettag s2;
	_ =	strace s9  }
0x27: {  	s1 =	sld [smem:$0x3FAB]  }
0x28: {  	s2 =	sld [smem:$0x3FAC]  }
0x29: {  	s4 =	sld [smem:$0x3FAE]  }
0x2a: {  	p0 =	seq.s32 s5, $0x0;
	s5 =	sld [smem:$0x3FAF]  }
0x2b: {  	s6 =	sld [smem:$0x3FB0]  }
0x2c: {  	s7 =	sld [smem:$0x3FB1]  }
0x2d: {  	s3 =	simm.s32 $0x108;
	s8 =	sld [smem:$0x3FB2]  }
0x2e: {  	s3 =	simm.s32 @!p0 $0x1082;
	s9 =	sld [smem:$0x3FB3]  }
0x2f: {  	lr =	sadd.s32 s0, s3;
	s0 =	sld [smem:$0x3FAA]  }
0x30: {  	s3 =	sld [smem:$0x3FAD]  }
0x31: {  	[smem:$0x3FB6] =	sst s10  }
0x32: {  	s10 =	sld [smem:$0x3FB4];
	_ =	sdelay $0x3  }
0x33: {  	p0 =	seq.s32 s10, $0x1;
	s10 =	sld [smem:$0x3FB6];
	_ =	sdelay $0x3  }
0x34: {  	[smem:$0x3FB6] =	sst s10  }
0x35: {  	s10 =	sld [smem:$0x3FB5];
	_ =	sdelay $0x3  }
0x36: {  	p1 =	seq.s32 s10, $0x1;
	s10 =	sld [smem:$0x3FB6];
	_ =	sdelay $0x3  }
0x37: {  	[smem:$0x3FB6] =	sst s10  }
0x38: {  	s10 =	sld [smem:$0x3FB7]  }
0x39: {  	_ = 	snop;
	(pc) =	sbr.ind lr, $3  }
0x3a: {  	_ = 	snop  }
0x3b: {  	_ = 	snop  }
0x3c: {  	p2 =	seq.s32 s10, $0x1;
	s10 =	sld [smem:$0x3FB6]  }
0x3d: {  	_ =	shalt  }
0x3e: {  	_ =	shalt  }
0x3f: {  	_ =	shalt  }
0x40: {  	_ =	shalt  }
0x41: {  	_ =	shalt  }
0x42: {  	_ =	shalt  }
0x43: {  	_ =	shalt  }
0x44: {  	_ =	shalt  }
0x45: {  	_ =	shalt  }
0x46: {  	_ =	shalt  }
0x47: {  	_ =	shalt  }
0x48: {  	_ =	shalt  }
0x49: {  	_ =	shalt  }
0x4a: {  	_ =	shalt  }
0x4b: {  	_ =	shalt  }
0x4c: {  	_ =	shalt  }
0x4d: {  	_ =	shalt  }
0x4e: {  	_ =	shalt  }
0x4f: {  	_ =	shalt  }
0x50: {  	_ =	shalt  }
0x51: {  	_ =	shalt  }
0x52: {  	_ =	shalt  }
0x53: {  	_ =	shalt  }
0x54: {  	_ =	shalt  }
0x55: {  	_ =	shalt  }
0x56: {  	_ =	shalt  }
0x57: {  	_ =	shalt  }
0x58: {  	_ =	shalt  }
0x59: {  	_ =	shalt  }
0x5a: {  	_ =	shalt  }
0x5b: {  	_ =	shalt  }
0x5c: {  	_ =	shalt  }
0x5d: {  	_ =	shalt  }
0x5e: {  	_ =	shalt  }
0x5f: {  	_ =	shalt  }
0x60: {  	_ =	shalt  }
0x61: {  	_ =	shalt  }
0x62: {  	_ =	shalt  }
0x63: {  	_ =	shalt  }
0x64: {  	_ =	shalt  }
0x65: {  	_ =	shalt  }
0x66: {  	_ =	shalt  }
0x67: {  	_ =	shalt  }
0x68: {  	_ =	shalt  }
0x69: {  	_ =	shalt  }
0x6a: {  	_ =	shalt  }
0x6b: {  	_ =	shalt  }
0x6c: {  	_ =	shalt  }
0x6d: {  	_ =	shalt  }
0x6e: {  	_ =	shalt  }
0x6f: {  	_ =	shalt  }
0x70: {  	_ =	shalt  }
0x71: {  	_ =	shalt  }
0x72: {  	_ =	shalt  }
0x73: {  	_ =	shalt  }
0x74: {  	_ =	shalt  }
0x75: {  	_ =	shalt  }
0x76: {  	_ =	shalt  }
0x77: {  	_ =	shalt  }
0x78: {  	_ =	shalt  }
0x79: {  	_ =	shalt  }
0x7a: {  	_ =	shalt  }
0x7b: {  	_ =	shalt  }
0x7c: {  	_ =	shalt  }
0x7d: {  	_ =	shalt  }
0x7e: {  	_ =	shalt  }
0x7f: {  	_ =	shalt  }
0x80: {  	_ =	shalt  }
0x81: {  	_ =	shalt  }
0x82: {  	_ =	shalt  }
0x83: {  	_ =	shalt  }
0x84: {  	_ =	shalt  }
0x85: {  	_ =	shalt  }
0x86: {  	_ =	shalt  }
0x87: {  	_ =	shalt  }
.Lfunc_end0:
.L_simem_size_0:
called_computation.1_lowered:
.L_overlay_start_0:
0x88: {  	s2 =	sld [smem:$0x3FD9]  }
0x89: {  	s3 =	sld [smem:$0x3FFE];
	_ =	sdelay $0x1  }
0x8a: {  	s1 =	srdreg.scid  }
0x8b: {  	s0 =	sand.u32 $0x1, s1  }
0x8c: {  	s17 =	sshll.u32 s0, $0xA;
	s2 =	sadd.s32 s3, s2  }
0x8d: {  	s2 =	sadd.s32 s2, s17  }
0x8e: {  	[smem:$0x3FC2] =	sst s2  }
0x8f: {  	_ = 	snop  }
0x90: {  	s2 =	sld [smem:$0x3FD0];
	(tm) =	ssettm $0x1  }
0x91: {  	s18 =	sld [smem:$0x3FFB];
	_ =	sdelay $0x3  }
0x92: {  	_ =	strace s18  }
0x93: {  	s3 =	sld [smem:$0x3FFC];
	_ =	sdelay $0x3  }
0x94: {  	_ =	strace s3  }
0x95: {  	s3 =	sld [smem:$0x3FFD];
	_ =	sdelay $0x3  }
0x96: {  	_ =	strace s3  }
0x97: {  	_ =	strace $0x8FFFFFFF  }
0x98: {  	s19 =	sld [smem:$0x3FDB];
	_ =	sdelay $0x1  }
0x99: {  	s4 =	simm.s32 $_scs_section_size  }
0x9a: {  	s5 =	simm.s32 $_size__tile_overlayer_lowered;
	s6 =	simm.s32 $_tile_overlayer_lowered  }
0x9b: {  	s22 =	simm.s32 $0x1BFF;
	s21 =	sshll.u32 s6, $0x1;
	s3 =	sadd.s32 s4, s19  }
0x9c: {  	s7 =	simm.s32 $0x0;
	s20 =	sshll.u32 s5, $0x1;
	s5 =	sadd.s32 s21, s3  }
0x9d: {  	[timem:s7], [sflag:s22] =	dma.local [hbm:s5], s20  }
0x9e: {  	_ =	swait.ge [sflag:s22], s20  }
0x9f: {  	s4 =	ssub.s32 $0x0, s20;
	[sflag:s22] =	ssyncset.done $0x0  }
0xa0: {  	[sflag:s22] =	ssyncadd.s32 s4;
	_ =	sdelay $0x1  }
0xa1: {  	s23 =	simm.s32 $0x1B8B  }
0xa2: {  	_ =	swait.ge [sflag:s23], $0x1  }
0xa3: {  	[sflag:s23] =	ssyncset.done $0x0  }
0xa4: {  	s25 =	simm.s32 $0x1B8E;
	s24 =	sld [smem:$0x3FFE];
	[sflag:s23] =	ssyncadd.s32 $0xFFFFFFFF  }
0xa5: {  	s26 =	simm.s32 $execute0_lowered;
	[smem:$0x3FD2] =	sst s25  }
0xa6: {  	s5 =	sshll.u32 s26, $0x1;
	_ =	strace $0x80000049;
	[dreg:$0x1] =	wrdreg $0xFFFFFFFF  }
0xa7: {  	s28 =	simm.s32 $_size_execute0_lowered;
	s3 =	sadd.s32 s3, s5;
	[dreg:$0x0] =	wrdreg $0x0  }
0xa8: {  	s5 =	sshll.u32 s28, $0x1;
	[dreg:$0x2] =	wrdreg s3  }
0xa9: {  	[dreg:$0x3] =	wrdreg s5  }
0xaa: {  	[dreg:$0x4] =	wrdreg $0xC0  }
0xab: {  	_ =	task [dreg:s7], $0x5FFFF  }
0xac: {  	[dreg:$0x1] =	wrdreg $0xFFFFFFFF  }
0xad: {  	[dreg:$0x0] =	wrdreg $0x60  }
0xae: {  	[dreg:$0x2] =	wrdreg s24  }
0xaf: {  	[dreg:$0x3] =	wrdreg s2  }
0xb0: {  	[dreg:$0x4] =	wrdreg $0x12A000  }
0xb1: {  	[dreg:$0x5] =	wrdreg $0x0  }
0xb2: {  	[dreg:$0x6] =	wrdreg $0x9  }
0xb3: {  	_ =	task.clear_ibuf [dreg:s7], $0x7FFFF;
	_ =	strace $0x90000049  }
0xb4: {  	s29 =	simm.s32 $0x9;
	_ =	strace $0x8000004B  }
0xb5: {  	_ =	swait.ge [sflag:s29], $0x1  }
0xb6: {  	[sflag:s29] =	ssyncadd.s32 $0xFFFFFFFF  }
0xb7: {  	_ =	strace $0x9000004B  }
0xb8: {  	_ =	sfence  }
0xb9: {  	s30 =	sld [smem:$0x0];
	_ =	sdelay $0x2  }
0xba: {  	s31 =	sshll.u32 s1, $0xD;
	s1 =	sshrl.u32 s1, $0x2  }
0xbb: {  	s3 =	sand.u32 $0x4000, s31;
	s1 =	sadd.s32 s1, s30  }
0xbc: {  	s0 =	sor.u32 s3, s0;
	s1 =	sshll.u32 s1, $0x11  }
0xbd: {  	s0 =	sor.u32 s1, s0  }
0xbe: {  	s0 =	sadd.s32 $0x8F2B, s0  }
0xbf: {  	[sflag:s0] =	ssyncadd.remote.s32 $0x1  }
0xc0: {  	_ =	sfence.sel $0xFFFF  }
0xc1: {  	[dreg:$0x0] =	wrdreg $0xFFFFFFFF;
	(pc) =	sbr.abs _section_cstart, $3  }
0xc2: {  	[dreg:$0x1] =	wrdreg $0xFFFFFFFF  }
0xc3: {  	_ =	task.clear_ibuf [dreg:s7], $0x2FFFF;
	_ =	strace $0x9FFFFFFF  }
0xc4: {  	(tm) =	ssettm $0x7FFFFFFF  }
0xc5: {  	_ =	shalt  }
tec
execute0_lowered:
.L_overlay_start_1:
0x0: {  	(tag) =	ssettag $0x1  }
0x1: {  	s0 =	rddreg [dreg:$0x0]  }
0x2: {  	s2 =	rddreg [dreg:$0x1]  }
0x3: {  	s1 =	rddreg [dreg:$0x2]  }
0x4: {  	s3 =	rddreg [dreg:$0x3]  }
0x5: {  	s4 =	simm.s32 $0x0;
	s5 =	srdreg.scid;
	s12 =	stileid.u32  }
0x6: {  	s28 =	simm.s32 $0xC;
	s29 =	simm.s32 $0x1C800;
	s6 =	smul.u32 $0x13C00, s12  }
0x7: {  	s30 =	simm.s32 $0xA400;
	s31 =	simm.s32 $0xAA00;
	s25 =	smul.u32 $0x9E00, s12  }
0x8: {  	[smem:$0x7FF] =	sst s4;
	s5 =	sand.u32 $0x1, s5;
	s9 =	smul.u32 $0x27800, s12  }
0x9: {  	s10 =	sadd.s32 $0x18000, s0;
	s14 =	sshll.u32 s12, $0x6;
	s16 =	smul.u32 $0x5000, s12  }
0xa: {  	s12 =	smul.u32 $0xA00, s12;
	s7 =	sshll.u32 s5, $0x6;
	s5 =	ssub.s32 $0x2, s5  }
0xb: {  	_ =	strace $0x8000004A;
	s6 =	sor.u32 s7, s6;
	s8 =	sshrl.u32 s5, $0x1  }
0xc: {  	s26 =	sadd.s32 s25, s1;
	s9 =	sshrl.u32 s9, $0x2;
	s7 =	sadd.s32 s25, s3  }
0xd: {  	s24 =	sadd.s32 s12, s10;
	s9 =	sadd.s32 s9, s3;
	s26 =	sshrl.u32 s26, $0x3  }
0xe: {  	s25 =	sadd.s32 s12, s2;
	s15 =	sadd.s32 $0x13C0, s9;
	[dreg:$0x15] =	wrdreg s26  }
0xf: {  	s12 =	simm.s32 $0x9;
	s13 =	sadd.s32 $0x2780, s9;
	[dreg:$0x6] =	wrdreg s15  }
0x10: {  	s6 =	sshrl.u32 s6, $0x3;
	s17 =	sadd.s32 $0x3B40, s9;
	[dreg:$0x7] =	wrdreg s13  }
0x11: {  	s5 =	ssub.s32 s5, s8;
	s18 =	sadd.s32 $0x4F00, s9;
	[dreg:$0x8] =	wrdreg s17  }
0x12: {  	s8 =	simm.s32 $0xEA00;
	s19 =	sadd.s32 $0x62C0, s9;
	[dreg:$0x9] =	wrdreg s18  }
0x13: {  	s0 =	sadd.s32 s6, s0;
	s20 =	sadd.s32 $0x7680, s9;
	[dreg:$0xa] =	wrdreg s19  }
0x14: {  	s6 =	sor.u32 $0x1C0C, s14;
	s9 =	sadd.s32 $0x8A40, s9;
	[dreg:$0xb] =	wrdreg s20  }
0x15: {  	s5 =	smax.u32 s5, $0x1;
	s14 =	simm.s32 $0xB;
	[dreg:$0xc] =	wrdreg s9  }
0x16: {  	s11 =	sadd.s32 $0x22000, s0;
	s0 =	sadd.s32 $0x49800, s0;
	[dreg:$0x12] =	wrdreg s5  }
0x17: {  	s18 =	simm.s32 $0x10;
	s5 =	simm.s32 $0xCA00;
	s13 =	simm.s32 $0xA  }
0x18: {  	s15 =	simm.s32 $0x0;
	[dreg:$0x5] =	wrdreg s11;
	s11 =	sshrl.u32 s16, $0x3  }
0x19: {  	[dreg:$0x11] =	wrdreg s0;
	s0 =	sadd.s32 $0x80, s24;
	s24 =	simm.s32 $0x1  }
0x1a: {  	s21 =	sor.u32 $0x40, s11;
	s22 =	sadd.s32 s2, s11;
	[dreg:$0x13] =	wrdreg s0  }
0x1b: {  	s11 =	sadd.s32 s10, s11;
	s0 =	sadd.s32 $0x80, s25;
	[dreg:$0xd] =	wrdreg s22  }
0x1c: {  	s25 =	simm.s32 $0x8;
	[dreg:$0xe] =	wrdreg s11;
	s23 =	sadd.s32 s2, s21  }
0x1d: {  	s9 =	sadd.s32 s10, s21;
	[dreg:$0x14] =	wrdreg s0;
	s0 =	simm.s32 $0x5  }
0x1e: {  	s2 =	simm.s32 $0x80;
	s10 =	simm.s32 $0x2;
	[dreg:$0xf] =	wrdreg s23  }
0x1f: {  	v0 =	vimm.f32 $0.0e+00;
	s11 =	simm.s32 $0x4;
	[dreg:$0x10] =	wrdreg s9;
	s9 =	simm.s32 $0x10A00  }
.LBB2_1:
0x20: {  	s16 =	rddreg [dreg:$0x5]  }
0x21: {  	s17 =	rddreg [dreg:$0x15]  }
0x22: {  	[spmem:s17@s25], [sflag:s6] =	dma.strided [hbm:s16@s18], $0x13C0, s24, $0x8   }
0x23: {  	_ =	swait.ge [sflag:s28], $0x13C0  }
0x24: {  	[sflag:s28] =	ssyncset.done $0x0  }
0x25: {  	s19 =	simm.s32 $0x100;
	s16 =	simm.s32 $0x0;
	[sflag:s28] =	ssyncadd.s32 $0xFFFFEC40  }
.LBB2_2:
0x26: {  	p0 =	sne.s32 s19, $0x4E00;
	[tilespmem:s16+$0x1C830] =	vst v0;
	s20 =	smov.u32 s19;
	s19 =	sadd.s32 $0x100, s19  }
.Ltmp0:
0x27: {  	[tilespmem:s16+$0x1C820] =	vst v0;
	(pc) =	sbr.rel @p0 .LBB2_2-.Ltmp0, $3  }
0x28: {  	[tilespmem:s16+$0x1C800] =	vst v0  }
0x29: {  	[tilespmem:s16+$0x1C810] =	vst v0;
	_ =	sdelay $0x1  }
0x2a: {  	s16 =	sshra.s32 s20, $0x2  }
0x2b: {  	[tilespmem:s16+$0x1C830] =	vst v0  }
0x2c: {  	[tilespmem:s16+$0x1C820] =	vst v0  }
0x2d: {  	[tilespmem:s16+$0x1C800] =	vst v0  }
0x2e: {  	[tilespmem:s16+$0x1C810] =	vst v0  }
0x2f: {  	[spmem:s7] =	stream.linear.scatter [tilespmem:s29], [sflag:$0xC], $0x13C0, $0x38;
	[tilespmem:$0x1DBC0] =	vst v63  }
0x30: {  	_ =	swait.ge [sflag:s28], $0x13C0  }
0x31: {  	[sflag:s28] =	ssyncset.done $0x0  }
0x32: {  	s19 =	rddreg [dreg:$0x6];
	[sflag:s28] =	ssyncadd.s32 $0xFFFFEC40  }
0x33: {  	[spmem:s19] =	stream.linear.scatter [tilespmem:s29], [sflag:$0xC], $0x13C0, $0x38;
	[tilespmem:$0x1DBC0] =	vst v63  }
0x34: {  	_ =	swait.ge [sflag:s28], $0x13C0  }
0x35: {  	[sflag:s28] =	ssyncset.done $0x0  }
0x36: {  	s20 =	rddreg [dreg:$0x7];
	[sflag:s28] =	ssyncadd.s32 $0xFFFFEC40  }
0x37: {  	[spmem:s20] =	stream.linear.scatter [tilespmem:s29], [sflag:$0xC], $0x13C0, $0x38;
	[tilespmem:$0x1DBC0] =	vst v63  }
0x38: {  	_ =	swait.ge [sflag:s28], $0x13C0  }
0x39: {  	[sflag:s28] =	ssyncset.done $0x0  }
0x3a: {  	s21 =	rddreg [dreg:$0x8];
	[sflag:s28] =	ssyncadd.s32 $0xFFFFEC40  }
0x3b: {  	[spmem:s21] =	stream.linear.scatter [tilespmem:s29], [sflag:$0xC], $0x13C0, $0x38;
	[tilespmem:$0x1DBC0] =	vst v63  }
0x3c: {  	_ =	swait.ge [sflag:s28], $0x13C0  }
0x3d: {  	[sflag:s28] =	ssyncset.done $0x0  }
0x3e: {  	s22 =	rddreg [dreg:$0x9];
	[sflag:s28] =	ssyncadd.s32 $0xFFFFEC40  }
0x3f: {  	[spmem:s22] =	stream.linear.scatter [tilespmem:s29], [sflag:$0xC], $0x13C0, $0x38;
	[tilespmem:$0x1DBC0] =	vst v63  }
0x40: {  	_ =	swait.ge [sflag:s28], $0x13C0  }
0x41: {  	[sflag:s28] =	ssyncset.done $0x0  }
0x42: {  	s23 =	rddreg [dreg:$0xa];
	[sflag:s28] =	ssyncadd.s32 $0xFFFFEC40  }
0x43: {  	[spmem:s23] =	stream.linear.scatter [tilespmem:s29], [sflag:$0xC], $0x13C0, $0x38;
	[tilespmem:$0x1DBC0] =	vst v63  }
0x44: {  	_ =	swait.ge [sflag:s28], $0x13C0  }
0x45: {  	[sflag:s28] =	ssyncset.done $0x0  }
0x46: {  	s26 =	rddreg [dreg:$0xb];
	[sflag:s28] =	ssyncadd.s32 $0xFFFFEC40  }
0x47: {  	[spmem:s26] =	stream.linear.scatter [tilespmem:s29], [sflag:$0xC], $0x13C0, $0x38;
	[tilespmem:$0x1DBC0] =	vst v63  }
0x48: {  	_ =	swait.ge [sflag:s28], $0x13C0  }
0x49: {  	[sflag:s28] =	ssyncset.done $0x0  }
0x4a: {  	s17 =	rddreg [dreg:$0xc];
	[sflag:s28] =	ssyncadd.s32 $0xFFFFEC40  }
0x4b: {  	[spmem:s17] =	stream.linear.scatter [tilespmem:s29], [sflag:$0xC], $0x13C0, $0x38;
	[tilespmem:$0x1DBC0] =	vst v63  }
0x4c: {  	_ =	swait.ge [sflag:s28], $0x13C0  }
0x4d: {  	[sflag:s28] =	ssyncset.done $0x0  }
0x4e: {  	s18 =	rddreg [dreg:$0xd];
	[sflag:s28] =	ssyncadd.s32 $0xFFFFEC40  }
0x4f: {  	[tilespmem:s30], [sflag:$0x5] =	stream.linear.gather [hbm4b:s18+s4], $0x200, $0x38;
	[tilespmem:$0x1DBC0] =	vst v63  }
0x50: {  	s17 =	simm.s32 $0x9E00;
	s19 =	rddreg [dreg:$0xe]  }
0x51: {  	[tilespmem:s17], [sflag:$0x5] =	stream.linear.gather [hbm4b:s19+s4], $0x200, $0x38;
	[tilespmem:$0x1DBC0] =	vst v63  }
0x52: {  	_ =	swait.ge [sflag:s0], $0x200  }
0x53: {  	[sflag:s0] =	ssyncset.done $0x0  }
0x54: {  	[sflag:s0] =	ssyncadd.s32 $0xFFFFFE00  }
0x55: {  	_ =	swait.ge [sflag:s0], $0x200  }
0x56: {  	[sflag:s0] =	ssyncset.done $0x0  }
0x57: {  	s21 =	simm.s32 $0xA600;
	s20 =	rddreg [dreg:$0xf];
	[sflag:s0] =	ssyncadd.s32 $0xFFFFFE00  }
0x58: {  	[tilespmem:s21], [sflag:$0x6] =	stream.linear.gather [hbm4b:s20+s4], $0x200, $0x38;
	[tilespmem:$0x1DBC0] =	vst v63  }
0x59: {  	s23 =	simm.s32 $0xA000;
	s22 =	rddreg [dreg:$0x10]  }
0x5a: {  	[tilespmem:s23], [sflag:$0x6] =	stream.linear.gather [hbm4b:s22+s4], $0x200, $0x38;
	[tilespmem:$0x1DBC0] =	vst v63  }
0x5b: {  	[bflag:$0x0] =	sbarrier.arrive $0xFFFF  }
0x5c: {  	[tilespmem:s31], [sflag:$0x1] =	stream.indirect.gather [spmem:s1], $0x40, s30, s2, $0xb8;
	[tilespmem:$0x1DBC0] =	vst v63  }
0x5d: {  	s22 =	rddreg [dreg:$0x14]  }
0x5e: {  	s16 =	simm.s32 $0x2;
	s26 =	simm.s32 $0xA480;
	s21 =	rddreg [dreg:$0x13]  }
0x5f: {  	[tilespmem:s5], [sflag:$0x2] =	stream.indirect.gather [spmem:s1], $0x40, s26, s2, $0xb8;
	[tilespmem:$0x1DBC0] =	vst v63  }
.LBB2_4:
0x60: {  	s20 =	smul.u32 $0xAB, s16;
	_ =	sdelay $0x1  }
0x61: {  	s19 =	sadd.s32 $0xFFFFFF55, s20  }
0x62: {  	s19 =	sshrl.u32 s19, $0x9  }
0x63: {  	s19 =	sand.u32 $0x7F, s19  }
0x64: {  	s19 =	smul.u32 $0x3, s19;
	_ =	sdelay $0x1  }
0x65: {  	s19 =	sxor.u32 $0xFFFFFFFF, s19  }
0x66: {  	s19 =	sadd.s32 s16, s19  }
0x67: {  	p0 =	seq.s32 s16, $0x29;
	s19 =	sand.u32 $0xFF, s19  }
0x68: {  	s26 =	sadd.s32 @!p0 $0x5, s19  }
0x69: {  	_ =	swait.ge @!p0 [sflag:s26], $0x200  }
0x6a: {  	s20 =	sadd.s32 $0xFFFFFEAA, s20;
	[sflag:s26] =	ssyncset.done @!p0 $0x0  }
0x6b: {  	s20 =	sshrl.u32 s20, $0x9;
	[sflag:s26] =	ssyncadd.s32 @!p0 $0xFFFFFE00  }
0x6c: {  	s20 =	sand.u32 $0x7F, s20;
	_ =	swait.ge @!p0 [sflag:s26], $0x200  }
0x6d: {  	s20 =	smul.u32 $0x3, s20;
	[sflag:s26] =	ssyncset.done @!p0 $0x0  }
0x6e: {  	p1 =	seq.s32 @!p0 s16, $0x2;
	[sflag:s26] =	ssyncadd.s32 @!p0 $0xFFFFFE00;
	s26 =	sadd.s32 $0xFFFFFFFE, s16  }
0x6f: {  	p1 =	por p0, !p1;
	s20 =	ssub.s32 s26, s20  }
0x70: {  	_ =	swait.ge @p1 [sflag:s13], $0x2000;
	s20 =	sand.u32 $0xFF, s20  }
0x71: {  	[sflag:s13] =	ssyncset.done @p1 $0x0;
	s20 =	sshll.u32 s20, $0x9  }
0x72: {  	[sflag:s13] =	ssyncadd.s32 @p1 $0xFFFFE000;
	s18 =	sadd.s32 $0xA500, s20  }
0x73: {  	[tilespmem:s8], [sflag:$0x3] =	stream.indirect.gather [spmem:s1], $0x40, s18, s2, $0xb8;
	[tilespmem:$0x1DBC0] =	vst v63  }
0x74: {  	_ =	swait.ge [sflag:s24], $0x2000  }
0x75: {  	p1 =	seq.s32 s16, $0x2;
	[sflag:s24] =	ssyncset.done $0x0  }
0x76: {  	s23 =	sadd.s32 $0x9E00, s20;
	s18 =	simm.s32 @!p1 $0xB;
	[sflag:s24] =	ssyncadd.s32 $0xFFFFE000  }
0x77: {  	[spmem:s3] =	stream.indirect.scatter.add.f32 [tilespmem:s31], [sflag:$0x8], $0x40, s23, s2, $0xb8;
	[tilespmem:$0x1DBC0] =	vst v63  }
0x78: {  	_ =	swait.ge @!p1 [sflag:s18], $0x2000  }
0x79: {  	[sflag:s18] =	ssyncset.done @!p1 $0x0  }
0x7a: {  	s17 =	sadd.s32 $0xA580, s20;
	[sflag:s18] =	ssyncadd.s32 @!p1 $0xFFFFE000  }
0x7b: {  	[tilespmem:s9], [sflag:$0x4] =	stream.indirect.gather [spmem:s1], $0x40, s17, s2, $0xb8;
	[tilespmem:$0x1DBC0] =	vst v63  }
0x7c: {  	_ =	swait.ge [sflag:s10], $0x2000  }
0x7d: {  	[sflag:s10] =	ssyncset.done $0x0  }
0x7e: {  	s23 =	sadd.s32 $0x9E80, s20;
	s18 =	simm.s32 @p0 $0x3;
	[sflag:s10] =	ssyncadd.s32 $0xFFFFE000  }
0x7f: {  	[spmem:s3] =	stream.indirect.scatter.add.f32 [tilespmem:s5], [sflag:$0x9], $0x40, s23, s2, $0xb8;
	[tilespmem:$0x1DBC0] =	vst v63  }
0x80: {  	_ =	swait.ge @p0 [sflag:s18], $0x2000  }
0x81: {  	s17 =	simm.s32 @p0 $0xEA00;
	[sflag:s18] =	ssyncset.done @p0 $0x0  }
0x82: {  	s23 =	simm.s32 @p0 $0x80;
	[sflag:s18] =	ssyncadd.s32 @p0 $0xFFFFE000;
	s18 =	sadd.s32 @p0 $0x9F00, s20  }
0x83: {  	[spmem:s3] =	stream.indirect.scatter.add.f32 @p0 [tilespmem:s17], [sflag:$0xA], $0x40, s18, s23, $0xb8;
	[tilespmem:$0x1DBC0] =	vst v63  }
0x84: {  	s17 =	simm.s32 @!p0 $0x8  }
0x85: {  	_ =	swait.ge @!p0 [sflag:s17], $0x2000  }
0x86: {  	[sflag:s17] =	ssyncset.done @!p0 $0x0  }
0x87: {  	[sflag:s17] =	ssyncadd.s32 @!p0 $0xFFFFE000;
	s17 =	sshll.u32 @!p0 s19, $0x9  }
0x88: {  	s23 =	simm.s32 @!p0 $0xAA00;
	s19 =	simm.s32 @!p0 $0x80;
	s18 =	sadd.s32 @!p0 $0xA400, s17  }
0x89: {  	[tilespmem:s23], [sflag:$0x1] =	stream.indirect.gather @!p0 [spmem:s1], $0x40, s18, s19, $0xb8;
	[tilespmem:$0x1DBC0] =	vst v63  }
0x8a: {  	s18 =	simm.s32 @!p0 $0x3  }
0x8b: {  	_ =	swait.ge @!p0 [sflag:s18], $0x2000  }
0x8c: {  	[sflag:s18] =	ssyncset.done @!p0 $0x0  }
0x8d: {  	s23 =	simm.s32 @!p0 $0xEA00;
	[sflag:s18] =	ssyncadd.s32 @!p0 $0xFFFFE000;
	s18 =	sadd.s32 @!p0 $0x9F00, s20  }
0x8e: {  	[spmem:s3] =	stream.indirect.scatter.add.f32 @!p0 [tilespmem:s23], [sflag:$0xA], $0x40, s18, s19, $0xb8;
	[tilespmem:$0x1DBC0] =	vst v63  }
0x8f: {  	s18 =	simm.s32 @!p0 $0x9  }
0x90: {  	_ =	swait.ge @!p0 [sflag:s18], $0x2000  }
0x91: {  	p1 =	sgt.u32 s26, $0x25;
	s17 =	sadd.s32 @!p0 $0xA480, s17;
	[sflag:s18] =	ssyncset.done @!p0 $0x0  }
0x92: {  	s23 =	smul.u32 @!p1 $0xAB, s16;
	[sflag:s18] =	ssyncadd.s32 @!p0 $0xFFFFE000;
	s18 =	simm.s32 @!p0 $0xCA00  }
0x93: {  	[tilespmem:s18], [sflag:$0x2] =	stream.indirect.gather @!p0 [spmem:s1], $0x40, s17, s19, $0xb8;
	[tilespmem:$0x1DBC0] =	vst v63  }
0x94: {  	s17 =	sshrl.u32 @!p1 s23, $0x9;
	_ =	swait.ge [sflag:s11], $0x2000  }
0x95: {  	s17 =	sand.u32 @!p1 $0x7F, s17;
	[sflag:s11] =	ssyncset.done $0x0  }
0x96: {  	s26 =	sadd.s32 $0x9F80, s20;
	s17 =	smul.u32 @!p1 $0x3, s17;
	[sflag:s11] =	ssyncadd.s32 $0xFFFFE000  }
0x97: {  	[spmem:s3] =	stream.indirect.scatter.add.f32 [tilespmem:s9], [sflag:$0xB], $0x40, s26, s2, $0xb8;
	[tilespmem:$0x1DBC0] =	vst v63  }
0x98: {  	s17 =	ssub.s32 @!p1 s16, s17  }
0x99: {  	s16 =	sadd.s32 $0x1, s16;
	s17 =	sand.u32 @!p1 $0xFF, s17  }
0x9a: {  	s20 =	simm.s32 @!p1 $0x0;
	p0 =	sne.s32 s16, $0x2A;
	s18 =	sshll.u32 @!p1 s17, $0x9  }
.Ltmp1:
0x9b: {  	s17 =	sadd.s32 @!p1 $0x5, s17;
	s19 =	sadd.s32 @!p1 $0xA400, s18;
	(pc) =	sbr.rel @p0 .LBB2_4-.Ltmp1, $4  }
0x9c: {  	[tilespmem:s19], [sflag:s17] =	stream.linear.gather @!p1 [hbm4b:s22+s20], $0x200, $0x38;
	[tilespmem:$0x1DBC0] =	vst v63  }
0x9d: {  	s18 =	sadd.s32 @!p1 $0x9E00, s18  }
0x9e: {  	[tilespmem:s18], [sflag:s17] =	stream.linear.gather @!p1 [hbm4b:s21+s20], $0x200, $0x38;
	[tilespmem:$0x1DBC0] =	vst v63  }
0x9f: {  	s22 =	sadd.s32 $0x40, s22;
	s21 =	sadd.s32 $0x40, s21  }
0xa0: {  	_ =	swait.ge [sflag:s25], $0x2000  }
0xa1: {  	[sflag:s25] =	ssyncset.done $0x0  }
0xa2: {  	[sflag:s25] =	ssyncadd.s32 $0xFFFFE000  }
0xa3: {  	_ =	swait.ge [sflag:s12], $0x2000  }
0xa4: {  	[sflag:s12] =	ssyncset.done $0x0  }
0xa5: {  	[sflag:s12] =	ssyncadd.s32 $0xFFFFE000  }
0xa6: {  	_ =	swait.ge [sflag:s13], $0x2000  }
0xa7: {  	[sflag:s13] =	ssyncset.done $0x0  }
0xa8: {  	[sflag:s13] =	ssyncadd.s32 $0xFFFFE000  }
0xa9: {  	_ =	swait.ge [sflag:s14], $0x2000  }
0xaa: {  	[sflag:s14] =	ssyncset.done $0x0  }
0xab: {  	[sflag:s14] =	ssyncadd.s32 $0xFFFFE000  }
0xac: {  	[bflag:$0x0] =	sbarrier.arrive $0xFFFF  }
0xad: {  	s16 =	sshrl.u32 s7, $0x3;
	s18 =	simm.s32 $0x10;
	s17 =	rddreg [dreg:$0x11]  }
0xae: {  	[hbm:s17@s18], [sflag:s6] =	dma.strided [spmem:s16@s25], $0x13C0, s24, $0x8   }
0xaf: {  	_ =	swait.ge [sflag:s28], $0x13C0  }
0xb0: {  	s15 =	sadd.s32 $0x1, s15;
	s26 =	rddreg [dreg:$0x12]  }
0xb1: {  	p0 =	sne.s32 s15, s26  }
.Ltmp2:
0xb2: {  	_ = 	snop;
	(pc) =	sbr.rel @p0 .LBB2_1-.Ltmp2, $3  }
0xb3: {  	_ =	sdelay $0x1  }
0xb4: {  	[sflag:s28] =	ssyncset.done $0x0  }
0xb5: {  	[sflag:s28] =	ssyncadd.s32 $0xFFFFEC40  }
0xb6: {  	_ =	sfence.sel $0x180000  }
0xb7: {  	[bflag:$0x0] =	sbarrier.arrive $0xFFFF  }
0xb8: {  	_ =	strace $0x9000004A  }
0xb9: {  	s0 =	stileid.u32;
	[bflag:$0x2] =	sbarrier.arrive $0xFFFF  }
0xba: {  	p0 =	sne.s32 s0, $0x0;
	s0 =	rddreg [dreg:$0x4]  }
0xbb: {  	s0 =	sadd.s32 @!p0 $0x100000, s0  }
0xbc: {  	[sflag:s0] =	ssyncadd.tile.s32 @!p0 $0x1;
	_ =	shalt  }
.Lfunc_end2:
_tile_overlayer_lowered:
.L_overlay_start_2:
0xbd: {  	(tag) =	ssettag $0x2  }
0xbe: {  	s0 =	rddreg [dreg:$0x0];
	s2 =	stileid.u32  }
0xbf: {  	s1 =	rddreg [dreg:$0x1];
	p0 =	sne.s32 s2, $0x0  }
0xc0: {  	s3 =	rddreg [dreg:$0x2];
	[bflag:$0x3] =	sbarrier.arrive $0xFFFF;
	s2 =	simm.s32 @!p0 $0x1C0C  }
0xc1: {  	[timem:s3], [sflag:s2] =	dma.local @!p0 [hbm:s0], s1  }
0xc2: {  	s0 =	simm.s32 @!p0 $0xC  }
0xc3: {  	_ =	swait.ge @!p0 [sflag:s0], s1  }
0xc4: {  	s1 =	ssub.s32 @!p0 $0x0, s1;
	[sflag:s0] =	ssyncset.done @!p0 $0x0  }
0xc5: {  	[sflag:s0] =	ssyncadd.s32 @!p0 s1  }
0xc6: {  	[bflag:$0x3] =	sbarrier.arrive $0xFFFF  }
0xc7: {  	_ =	shalt  }

// kernel: kernel.14.cloned.1.call-start
scs
__scs_entry_jumppad:
0x0: {  	(pc) =	sbr.rel $0x88, $3  }
0x1: {  	(tag) =	ssettag $0x0;
	lr =	simm.s32 $0x1  }
0x2: {  	[smem:$0x3F9B] =	sst lr;
	_ =	strace $0xD0000000  }
0x3: {  	_ = 	snop  }
0x4: {  	_ = 	snop  }
0x5: {  	_ = 	snop  }
0x6: {  	_ = 	snop  }
0x7: {  	_ = 	snop  }
__scs_overlays_trampoline_lowered:
0x8: {  	[smem:$0x3FAA] =	sst s0  }
0x9: {  	[smem:$0x3FAB] =	sst s1  }
0xa: {  	[smem:$0x3FAC] =	sst s2  }
0xb: {  	[smem:$0x3FAD] =	sst s3  }
0xc: {  	[smem:$0x3FAE] =	sst s4  }
0xd: {  	[smem:$0x3FAF] =	sst s5  }
0xe: {  	[smem:$0x3FB0] =	sst s6  }
0xf: {  	[smem:$0x3FB1] =	sst s7  }
0x10: {  	[smem:$0x3FB2] =	sst s8  }
0x11: {  	[smem:$0x3FB3] =	sst s9;
	s0 =	simm.s32 @!p0 $0x0  }
0x12: {  	s1 =	sld [smem:$0x3F99];
	s0 =	simm.s32 @p0 $0x1  }
0x13: {  	[smem:$0x3FB4] =	sst s0;
	s0 =	simm.s32 @!p1 $0x0  }
0x14: {  	s2 =	sld [smem:$0x3F98];
	s0 =	simm.s32 @p1 $0x1  }
0x15: {  	[smem:$0x3FB5] =	sst s0;
	s0 =	simm.s32 @!p2 $0x0  }
0x16: {  	s3 =	sld [smem:$0x3FDB];
	s0 =	simm.s32 @p2 $0x1  }
0x17: {  	s4 =	simm.s32 $0x1BF5;
	[smem:$0x3FB7] =	sst s0  }
0x18: {  	s0 =	sld [smem:$0x3F9A];
	_ =	swait.ge [sflag:s4], $0x0  }
0x19: {  	s7 =	sld [smem:$0x3F9B]  }
0x1a: {  	s8 =	sadd.s32 $0xFFFFE003, lr  }
0x1b: {  	s9 =	sadd.s32 $0xFFFFFEF7, lr;
	s5 =	simm.s32 $0xFFFFFFFF;
	p2 =	slt.u32 s8, $0xFFFFF086  }
0x1c: {  	p1 =	slt.u32 s9, $0xF7A;
	s5 =	simm.s32 @!p2 $0x0  }
0x1d: {  	s5 =	simm.s32 @p1 $0x1;
	p0 =	seq.s32 s7, s2  }
0x1e: {  	s7 =	smul.u32 @!p0 $0xF7A, s2;
	p2 =	seq.s32 @!p0 s5, $0x0  }
0x1f: {  	s9 =	smul.u32 $0xF7A, s1;
	s8 =	simm.s32 @!p0 $0x1BF5;
	p2 =	por !p2, p0  }
0x20: {  	[sflag:s8] =	ssyncset.s32 @!p0 $0xFFFFF086;
	s6 =	sadd.s32 @!p0 s3, s7;
	s7 =	simm.s32 @!p0 $0x108  }
0x21: {  	s3 =	sadd.s32 s3, s9;
	s6 =	sadd.s32 @!p0 $0x88, s6;
	s7 =	simm.s32 @p2 $0x1082  }
0x22: {  	[simem:s7], [sflag:s8] =	dma.local @!p0 [hbm:s6], $0xF7A  }
0x23: {  	s9 =	sor.u32 $0xD0000000, s2;
	s6 =	simm.s32 $0x108;
	_ =	swait.ge @!p0 [sflag:s8], $0x0  }
0x24: {  	s3 =	sadd.s32 $0x88, s3;
	s6 =	simm.s32 @!p1 $0x1082;
	[sflag:s4] =	ssyncset.s32 $0xFFFFF086  }
0x25: {  	[simem:s6], [sflag:s4] =	dma.local [hbm:s3], $0xF7A  }
0x26: {  	[smem:$0x3F9B] =	sst s1;
	(tag) =	ssettag s2;
	_ =	strace s9  }
0x27: {  	s1 =	sld [smem:$0x3FAB]  }
0x28: {  	s2 =	sld [smem:$0x3FAC]  }
0x29: {  	s4 =	sld [smem:$0x3FAE]  }
0x2a: {  	p0 =	seq.s32 s5, $0x0;
	s5 =	sld [smem:$0x3FAF]  }
0x2b: {  	s6 =	sld [smem:$0x3FB0]  }
0x2c: {  	s7 =	sld [smem:$0x3FB1]  }
0x2d: {  	s3 =	simm.s32 $0x108;
	s8 =	sld [smem:$0x3FB2]  }
0x2e: {  	s3 =	simm.s32 @!p0 $0x1082;
	s9 =	sld [smem:$0x3FB3]  }
0x2f: {  	lr =	sadd.s32 s0, s3;
	s0 =	sld [smem:$0x3FAA]  }
0x30: {  	s3 =	sld [smem:$0x3FAD]  }
0x31: {  	[smem:$0x3FB6] =	sst s10  }
0x32: {  	s10 =	sld [smem:$0x3FB4];
	_ =	sdelay $0x3  }
0x33: {  	p0 =	seq.s32 s10, $0x1;
	s10 =	sld [smem:$0x3FB6];
	_ =	sdelay $0x3  }
0x34: {  	[smem:$0x3FB6] =	sst s10  }
0x35: {  	s10 =	sld [smem:$0x3FB5];
	_ =	sdelay $0x3  }
0x36: {  	p1 =	seq.s32 s10, $0x1;
	s10 =	sld [smem:$0x3FB6];
	_ =	sdelay $0x3  }
0x37: {  	[smem:$0x3FB6] =	sst s10  }
0x38: {  	s10 =	sld [smem:$0x3FB7]  }
0x39: {  	_ = 	snop;
	(pc) =	sbr.ind lr, $3  }
0x3a: {  	_ = 	snop  }
0x3b: {  	_ = 	snop  }
0x3c: {  	p2 =	seq.s32 s10, $0x1;
	s10 =	sld [smem:$0x3FB6]  }
0x3d: {  	_ =	shalt  }
0x3e: {  	_ =	shalt  }
0x3f: {  	_ =	shalt  }
0x40: {  	_ =	shalt  }
0x41: {  	_ =	shalt  }
0x42: {  	_ =	shalt  }
0x43: {  	_ =	shalt  }
0x44: {  	_ =	shalt  }
0x45: {  	_ =	shalt  }
0x46: {  	_ =	shalt  }
0x47: {  	_ =	shalt  }
0x48: {  	_ =	shalt  }
0x49: {  	_ =	shalt  }
0x4a: {  	_ =	shalt  }
0x4b: {  	_ =	shalt  }
0x4c: {  	_ =	shalt  }
0x4d: {  	_ =	shalt  }
0x4e: {  	_ =	shalt  }
0x4f: {  	_ =	shalt  }
0x50: {  	_ =	shalt  }
0x51: {  	_ =	shalt  }
0x52: {  	_ =	shalt  }
0x53: {  	_ =	shalt  }
0x54: {  	_ =	shalt  }
0x55: {  	_ =	shalt  }
0x56: {  	_ =	shalt  }
0x57: {  	_ =	shalt  }
0x58: {  	_ =	shalt  }
0x59: {  	_ =	shalt  }
0x5a: {  	_ =	shalt  }
0x5b: {  	_ =	shalt  }
0x5c: {  	_ =	shalt  }
0x5d: {  	_ =	shalt  }
0x5e: {  	_ =	shalt  }
0x5f: {  	_ =	shalt  }
0x60: {  	_ =	shalt  }
0x61: {  	_ =	shalt  }
0x62: {  	_ =	shalt  }
0x63: {  	_ =	shalt  }
0x64: {  	_ =	shalt  }
0x65: {  	_ =	shalt  }
0x66: {  	_ =	shalt  }
0x67: {  	_ =	shalt  }
0x68: {  	_ =	shalt  }
0x69: {  	_ =	shalt  }
0x6a: {  	_ =	shalt  }
0x6b: {  	_ =	shalt  }
0x6c: {  	_ =	shalt  }
0x6d: {  	_ =	shalt  }
0x6e: {  	_ =	shalt  }
0x6f: {  	_ =	shalt  }
0x70: {  	_ =	shalt  }
0x71: {  	_ =	shalt  }
0x72: {  	_ =	shalt  }
0x73: {  	_ =	shalt  }
0x74: {  	_ =	shalt  }
0x75: {  	_ =	shalt  }
0x76: {  	_ =	shalt  }
0x77: {  	_ =	shalt  }
0x78: {  	_ =	shalt  }
0x79: {  	_ =	shalt  }
0x7a: {  	_ =	shalt  }
0x7b: {  	_ =	shalt  }
0x7c: {  	_ =	shalt  }
0x7d: {  	_ =	shalt  }
0x7e: {  	_ =	shalt  }
0x7f: {  	_ =	shalt  }
0x80: {  	_ =	shalt  }
0x81: {  	_ =	shalt  }
0x82: {  	_ =	shalt  }
0x83: {  	_ =	shalt  }
0x84: {  	_ =	shalt  }
0x85: {  	_ =	shalt  }
0x86: {  	_ =	shalt  }
0x87: {  	_ =	shalt  }
.Lfunc_end0:
.L_simem_size_0:
called_computation.2_lowered:
.L_overlay_start_0:
0x88: {  	s2 =	sld [smem:$0x3FD9]  }
0x89: {  	s3 =	sld [smem:$0x3FFE];
	_ =	sdelay $0x1  }
0x8a: {  	s1 =	srdreg.scid  }
0x8b: {  	s0 =	sand.u32 $0x1, s1  }
0x8c: {  	s17 =	sshll.u32 s0, $0xA;
	s2 =	sadd.s32 s3, s2  }
0x8d: {  	s2 =	sadd.s32 s2, s17  }
0x8e: {  	[smem:$0x3FC2] =	sst s2  }
0x8f: {  	_ = 	snop  }
0x90: {  	s2 =	sld [smem:$0x3FD0];
	(tm) =	ssettm $0x1  }
0x91: {  	s18 =	sld [smem:$0x3FFB];
	_ =	sdelay $0x3  }
0x92: {  	_ =	strace s18  }
0x93: {  	s3 =	sld [smem:$0x3FFC];
	_ =	sdelay $0x3  }
0x94: {  	_ =	strace s3  }
0x95: {  	s3 =	sld [smem:$0x3FFD];
	_ =	sdelay $0x3  }
0x96: {  	_ =	strace s3  }
0x97: {  	_ =	strace $0x8FFFFFFF  }
0x98: {  	s19 =	sld [smem:$0x3FDB];
	_ =	sdelay $0x1  }
0x99: {  	s4 =	simm.s32 $_scs_section_size  }
0x9a: {  	s5 =	simm.s32 $_size__tile_overlayer_lowered;
	s6 =	simm.s32 $_tile_overlayer_lowered  }
0x9b: {  	s22 =	simm.s32 $0x1BFF;
	s21 =	sshll.u32 s6, $0x1;
	s3 =	sadd.s32 s4, s19  }
0x9c: {  	s7 =	simm.s32 $0x0;
	s20 =	sshll.u32 s5, $0x1;
	s5 =	sadd.s32 s21, s3  }
0x9d: {  	[timem:s7], [sflag:s22] =	dma.local [hbm:s5], s20  }
0x9e: {  	_ =	swait.ge [sflag:s22], s20  }
0x9f: {  	s4 =	ssub.s32 $0x0, s20;
	[sflag:s22] =	ssyncset.done $0x0  }
0xa0: {  	[sflag:s22] =	ssyncadd.s32 s4;
	_ =	sdelay $0x1  }
0xa1: {  	s23 =	simm.s32 $0x1B8B  }
0xa2: {  	_ =	swait.ge [sflag:s23], $0x1  }
0xa3: {  	[sflag:s23] =	ssyncset.done $0x0  }
0xa4: {  	s25 =	simm.s32 $0x1B8E;
	s24 =	sld [smem:$0x3FFE];
	[sflag:s23] =	ssyncadd.s32 $0xFFFFFFFF  }
0xa5: {  	s26 =	simm.s32 $execute0_lowered;
	[smem:$0x3FD2] =	sst s25  }
0xa6: {  	s5 =	sshll.u32 s26, $0x1;
	_ =	strace $0x8000004C;
	[dreg:$0x1] =	wrdreg $0xFFFFFFFF  }
0xa7: {  	s28 =	simm.s32 $_size_execute0_lowered;
	s3 =	sadd.s32 s3, s5;
	[dreg:$0x0] =	wrdreg $0x0  }
0xa8: {  	s5 =	sshll.u32 s28, $0x1;
	[dreg:$0x2] =	wrdreg s3  }
0xa9: {  	[dreg:$0x3] =	wrdreg s5  }
0xaa: {  	[dreg:$0x4] =	wrdreg $0xC0  }
0xab: {  	_ =	task [dreg:s7], $0x5FFFF  }
0xac: {  	[dreg:$0x1] =	wrdreg $0xFFFFFFFF  }
0xad: {  	[dreg:$0x0] =	wrdreg $0x60  }
0xae: {  	[dreg:$0x2] =	wrdreg s24  }
0xaf: {  	[dreg:$0x3] =	wrdreg s2  }
0xb0: {  	[dreg:$0x4] =	wrdreg $0x11AC00  }
0xb1: {  	[dreg:$0x5] =	wrdreg $0x0  }
0xb2: {  	[dreg:$0x6] =	wrdreg $0x9  }
0xb3: {  	_ =	task.clear_ibuf [dreg:s7], $0x7FFFF;
	_ =	strace $0x9000004C  }
0xb4: {  	s29 =	simm.s32 $0x9;
	_ =	strace $0x8000004E  }
0xb5: {  	_ =	swait.ge [sflag:s29], $0x1  }
0xb6: {  	[sflag:s29] =	ssyncadd.s32 $0xFFFFFFFF  }
0xb7: {  	_ =	strace $0x9000004E  }
0xb8: {  	_ =	sfence  }
0xb9: {  	s30 =	sld [smem:$0x0];
	_ =	sdelay $0x2  }
0xba: {  	s31 =	sshll.u32 s1, $0xD;
	s1 =	sshrl.u32 s1, $0x2  }
0xbb: {  	s3 =	sand.u32 $0x4000, s31;
	s1 =	sadd.s32 s1, s30  }
0xbc: {  	s0 =	sor.u32 s3, s0;
	s1 =	sshll.u32 s1, $0x11  }
0xbd: {  	s0 =	sor.u32 s1, s0  }
0xbe: {  	s0 =	sadd.s32 $0x8F2B, s0  }
0xbf: {  	[sflag:s0] =	ssyncadd.remote.s32 $0x1  }
0xc0: {  	_ =	sfence.sel $0xFFFF  }
0xc1: {  	[dreg:$0x0] =	wrdreg $0xFFFFFFFF;
	(pc) =	sbr.abs _section_cstart, $3  }
0xc2: {  	[dreg:$0x1] =	wrdreg $0xFFFFFFFF  }
0xc3: {  	_ =	task.clear_ibuf [dreg:s7], $0x2FFFF;
	_ =	strace $0x9FFFFFFF  }
0xc4: {  	(tm) =	ssettm $0x7FFFFFFF  }
0xc5: {  	_ =	shalt  }
tec
execute0_lowered:
.L_overlay_start_1:
0x0: {  	(tag) =	ssettag $0x1  }
0x1: {  	s0 =	rddreg [dreg:$0x0]  }
0x2: {  	s1 =	rddreg [dreg:$0x1]  }
0x3: {  	s2 =	rddreg [dreg:$0x2];
	s13 =	stileid.u32  }
0x4: {  	s4 =	srdreg.scid;
	s3 =	rddreg [dreg:$0x3];
	s18 =	simm.s32 $0x0  }
0x5: {  	s28 =	simm.s32 $0x14;
	s29 =	simm.s32 $0x17D80;
	s5 =	smul.u32 $0x13C00, s13  }
0x6: {  	s31 =	simm.s32 $0x7AC0;
	s30 =	simm.s32 $0x0;
	s21 =	smul.u32 $0x62C0, s13  }
0x7: {  	s8 =	sand.u32 $0x1, s4;
	[smem:$0x7FF] =	sst s18;
	s12 =	smul.u32 $0x18B00, s13  }
0x8: {  	s11 =	sshll.u32 s13, $0x1;
	s24 =	sshll.u32 s13, $0x6;
	s13 =	smul.u32 $0x5000, s13  }
0x9: {  	s9 =	sadd.s32 $0x18000, s0;
	s6 =	smul.u32 $0x28, s8;
	_ =	strace $0x8000004D  }
0xa: {  	s20 =	ssub.s32 $0x2, s8;
	s22 =	sor.u32 s8, s11;
	s8 =	smul.u32 $0x2800, s8  }
0xb: {  	s7 =	sshrl.u32 s5, $0x3;
	s10 =	sshrl.u32 s20, $0x1;
	s11 =	sadd.s32 s21, s2  }
0xc: {  	s12 =	sshrl.u32 s12, $0x2;
	s5 =	sor.u32 s6, s5;
	s19 =	sadd.s32 s7, s0  }
0xd: {  	s6 =	sor.u32 $0x1C14, s24;
	s12 =	sadd.s32 s12, s3;
	s23 =	sadd.s32 $0x22000, s19  }
0xe: {  	s7 =	sadd.s32 s21, s3;
	s25 =	sadd.s32 $0xC58, s12;
	[dreg:$0x5] =	wrdreg s23  }
0xf: {  	s8 =	sadd.s32 s8, s13;
	s26 =	sadd.s32 $0x18B0, s12;
	[dreg:$0x6] =	wrdreg s25  }
0x10: {  	s13 =	simm.s32 $0x4;
	s14 =	sadd.s32 $0x2508, s12;
	[dreg:$0x7] =	wrdreg s26  }
0x11: {  	s5 =	sshrl.u32 s5, $0x3;
	s15 =	sadd.s32 $0x3160, s12;
	[dreg:$0x8] =	wrdreg s14  }
0x12: {  	s16 =	sadd.s32 $0x3DB8, s12;
	s17 =	sadd.s32 $0x4A10, s12;
	[dreg:$0x9] =	wrdreg s15  }
0x13: {  	s18 =	sadd.s32 $0x5668, s12;
	s8 =	sadd.s32 $0x800, s8;
	[dreg:$0xa] =	wrdreg s16  }
0x14: {  	s12 =	simm.s32 $0x106C0;
	s0 =	sadd.s32 s5, s0;
	[dreg:$0xb] =	wrdreg s17  }
0x15: {  	s5 =	ssub.s32 s20, s10;
	s10 =	smul.u32 $0x2800, s22;
	[dreg:$0xc] =	wrdreg s18  }
0x16: {  	s24 =	sshrl.u32 s8, $0x3;
	s26 =	sshrl.u32 s11, $0x3;
	s17 =	simm.s32 $0x5  }
0x17: {  	s8 =	simm.s32 $0xB6C0;
	s11 =	simm.s32 $0x2;
	s14 =	simm.s32 $0x6  }
0x18: {  	s15 =	simm.s32 $0x8;
	s0 =	sadd.s32 $0x49800, s0;
	[dreg:$0x15] =	wrdreg s26  }
0x19: {  	s23 =	smax.u32 s5, $0x1;
	s25 =	sadd.s32 s24, s9;
	[dreg:$0x11] =	wrdreg s0  }
0x1a: {  	s26 =	simm.s32 $0x10;
	s5 =	simm.s32 $0x8EC0;
	[dreg:$0x12] =	wrdreg s23  }
0x1b: {  	s10 =	sshrl.u32 s10, $0x3;
	[dreg:$0x13] =	wrdreg s25;
	s0 =	sadd.s32 s24, s1  }
0x1c: {  	s24 =	simm.s32 $0x1;
	s19 =	sadd.s32 s1, s10;
	[dreg:$0x14] =	wrdreg s0  }
0x1d: {  	s20 =	sadd.s32 s9, s10;
	s10 =	sor.u32 $0x80, s10;
	[dreg:$0xd] =	wrdreg s19  }
0x1e: {  	s0 =	simm.s32 $0x80;
	[dreg:$0xe] =	wrdreg s20;
	s21 =	sadd.s32 s1, s10  }
0x1f: {  	s22 =	sadd.s32 s9, s10;
	s1 =	simm.s32 $0x9;
	[dreg:$0xf] =	wrdreg s21  }
0x20: {  	v0 =	vimm.f32 $0.0e+00;
	s9 =	simm.s32 $0xCAC0;
	s10 =	simm.s32 $0xDEC0;
	[dreg:$0x10] =	wrdreg s22  }
.LBB2_1:
0x21: {  	s4 =	rddreg [dreg:$0x5]  }
0x22: {  	s16 =	rddreg [dreg:$0x15]  }
0x23: {  	[spmem:s16@s17], [sflag:s6] =	dma.strided [hbm:s4@s26], $0xC58, s24, $0x5   }
0x24: {  	_ =	swait.ge [sflag:s28], $0xC58  }
0x25: {  	[sflag:s28] =	ssyncset.done $0x0  }
0x26: {  	s17 =	simm.s32 $0x0;
	[sflag:s28] =	ssyncadd.s32 $0xFFFFF3A8  }
0x27: {  	s16 =	simm.s32 $0xA0;
	[tilespmem:s17+$0x17D90] =	vst v0  }
.LBB2_2:
0x28: {  	p0 =	sne.s32 s16, $0x30C0;
	[tilespmem:s17+$0x17D98] =	vst v0;
	s18 =	smov.u32 s16;
	s16 =	sadd.s32 $0xA0, s16  }
.Ltmp0:
0x29: {  	[tilespmem:s17+$0x17D80] =	vst v0;
	(pc) =	sbr.rel @p0 .LBB2_2-.Ltmp0, $3  }
0x2a: {  	_ =	sdelay $0x1  }
0x2b: {  	s17 =	sshra.s32 s18, $0x2  }
0x2c: {  	[tilespmem:s17+$0x17D90] =	vst v0  }
0x2d: {  	[tilespmem:s17+$0x17D98] =	vst v0  }
0x2e: {  	[tilespmem:s17+$0x17D80] =	vst v0  }
0x2f: {  	[spmem:s7] =	stream.linear.scatter [tilespmem:s29], [sflag:$0x14], $0xC58, $0x38;
	[tilespmem:$0x189D8] =	vst v63  }
0x30: {  	_ =	swait.ge [sflag:s28], $0xC58  }
0x31: {  	[sflag:s28] =	ssyncset.done $0x0  }
0x32: {  	s4 =	rddreg [dreg:$0x6];
	[sflag:s28] =	ssyncadd.s32 $0xFFFFF3A8  }
0x33: {  	[spmem:s4] =	stream.linear.scatter [tilespmem:s29], [sflag:$0x14], $0xC58, $0x38;
	[tilespmem:$0x189D8] =	vst v63  }
0x34: {  	_ =	swait.ge [sflag:s28], $0xC58  }
0x35: {  	[sflag:s28] =	ssyncset.done $0x0  }
0x36: {  	s20 =	rddreg [dreg:$0x7];
	[sflag:s28] =	ssyncadd.s32 $0xFFFFF3A8  }
0x37: {  	[spmem:s20] =	stream.linear.scatter [tilespmem:s29], [sflag:$0x14], $0xC58, $0x38;
	[tilespmem:$0x189D8] =	vst v63  }
0x38: {  	_ =	swait.ge [sflag:s28], $0xC58  }
0x39: {  	[sflag:s28] =	ssyncset.done $0x0  }
0x3a: {  	s21 =	rddreg [dreg:$0x8];
	[sflag:s28] =	ssyncadd.s32 $0xFFFFF3A8  }
0x3b: {  	[spmem:s21] =	stream.linear.scatter [tilespmem:s29], [sflag:$0x14], $0xC58, $0x38;
	[tilespmem:$0x189D8] =	vst v63  }
0x3c: {  	_ =	swait.ge [sflag:s28], $0xC58  }
0x3d: {  	[sflag:s28] =	ssyncset.done $0x0  }
0x3e: {  	s22 =	rddreg [dreg:$0x9];
	[sflag:s28] =	ssyncadd.s32 $0xFFFFF3A8  }
0x3f: {  	[spmem:s22] =	stream.linear.scatter [tilespmem:s29], [sflag:$0x14], $0xC58, $0x38;
	[tilespmem:$0x189D8] =	vst v63  }
0x40: {  	_ =	swait.ge [sflag:s28], $0xC58  }
0x41: {  	[sflag:s28] =	ssyncset.done $0x0  }
0x42: {  	s23 =	rddreg [dreg:$0xa];
	[sflag:s28] =	ssyncadd.s32 $0xFFFFF3A8  }
0x43: {  	[spmem:s23] =	stream.linear.scatter [tilespmem:s29], [sflag:$0x14], $0xC58, $0x38;
	[tilespmem:$0x189D8] =	vst v63  }
0x44: {  	_ =	swait.ge [sflag:s28], $0xC58  }
0x45: {  	[sflag:s28] =	ssyncset.done $0x0  }
0x46: {  	s25 =	rddreg [dreg:$0xb];
	[sflag:s28] =	ssyncadd.s32 $0xFFFFF3A8  }
0x47: {  	[spmem:s25] =	stream.linear.scatter [tilespmem:s29], [sflag:$0x14], $0xC58, $0x38;
	[tilespmem:$0x189D8] =	vst v63  }
0x48: {  	_ =	swait.ge [sflag:s28], $0xC58  }
0x49: {  	[sflag:s28] =	ssyncset.done $0x0  }
0x4a: {  	s16 =	rddreg [dreg:$0xc];
	[sflag:s28] =	ssyncadd.s32 $0xFFFFF3A8  }
0x4b: {  	[spmem:s16] =	stream.linear.scatter [tilespmem:s29], [sflag:$0x14], $0xC58, $0x38;
	[tilespmem:$0x189D8] =	vst v63  }
0x4c: {  	_ =	swait.ge [sflag:s28], $0xC58  }
0x4d: {  	s17 =	simm.s32 $0x0;
	[sflag:s28] =	ssyncset.done $0x0  }
0x4e: {  	s21 =	simm.s32 $0x6EC0;
	s16 =	rddreg [dreg:$0xd];
	[sflag:s28] =	ssyncadd.s32 $0xFFFFF3A8  }
0x4f: {  	[tilespmem:s21], [sflag:$0x9] =	stream.linear.gather [hbm4b:s16+s17], $0x400, $0x38;
	[tilespmem:$0x189D8] =	vst v63  }
0x50: {  	s18 =	simm.s32 $0x62C0;
	s22 =	rddreg [dreg:$0xe]  }
0x51: {  	[tilespmem:s18], [sflag:$0x9] =	stream.linear.gather [hbm4b:s22+s17], $0x400, $0x38;
	[tilespmem:$0x189D8] =	vst v63  }
0x52: {  	_ =	swait.ge [sflag:s1], $0x400  }
0x53: {  	[sflag:s1] =	ssyncset.done $0x0  }
0x54: {  	[sflag:s1] =	ssyncadd.s32 $0xFFFFFC00  }
0x55: {  	_ =	swait.ge [sflag:s1], $0x400  }
0x56: {  	[sflag:s1] =	ssyncset.done $0x0  }
0x57: {  	s25 =	simm.s32 $0x72C0;
	s23 =	rddreg [dreg:$0xf];
	[sflag:s1] =	ssyncadd.s32 $0xFFFFFC00  }
0x58: {  	[tilespmem:s25], [sflag:$0xA] =	stream.linear.gather [hbm4b:s23+s17], $0x400, $0x38;
	[tilespmem:$0x189D8] =	vst v63  }
0x59: {  	s20 =	simm.s32 $0x66C0;
	s19 =	rddreg [dreg:$0x10]  }
0x5a: {  	[tilespmem:s20], [sflag:$0xA] =	stream.linear.gather [hbm4b:s19+s17], $0x400, $0x38;
	[tilespmem:$0x189D8] =	vst v63  }
0x5b: {  	[bflag:$0x0] =	sbarrier.arrive $0xFFFF  }
0x5c: {  	[tilespmem:s31], [sflag:$0x1] =	stream.indirect.gather [spmem:s2], $0x28, s21, s0, $0xb8;
	[tilespmem:$0x189D8] =	vst v63  }
0x5d: {  	s21 =	simm.s32 $0x6F40  }
0x5e: {  	[tilespmem:s5], [sflag:$0x2] =	stream.indirect.gather [spmem:s2], $0x28, s21, s0, $0xb8;
	[tilespmem:$0x189D8] =	vst v63  }
0x5f: {  	s22 =	simm.s32 $0x6FC0;
	s23 =	simm.s32 $0xA2C0;
	s16 =	rddreg [dreg:$0x13]  }
0x60: {  	[tilespmem:s23], [sflag:$0x3] =	stream.indirect.gather [spmem:s2], $0x28, s22, s0, $0xb8;
	[tilespmem:$0x189D8] =	vst v63  }
0x61: {  	s25 =	simm.s32 $0x7040;
	s21 =	simm.s32 $0x2;
	s22 =	rddreg [dreg:$0x14]  }
0x62: {  	[tilespmem:s8], [sflag:$0x4] =	stream.indirect.gather [spmem:s2], $0x28, s25, s0, $0xb8;
	[tilespmem:$0x189D8] =	vst v63  }
.LBB2_4:
0x63: {  	s17 =	smul.u32 $0xAB, s21;
	_ =	sdelay $0x1  }
0x64: {  	s18 =	sadd.s32 $0xFFFFFF55, s17  }
0x65: {  	s18 =	sshrl.u32 s18, $0x9  }
0x66: {  	s18 =	sand.u32 $0x7F, s18  }
0x67: {  	s18 =	smul.u32 $0x3, s18;
	_ =	sdelay $0x1  }
0x68: {  	s18 =	sxor.u32 $0xFFFFFFFF, s18  }
0x69: {  	s18 =	sadd.s32 s21, s18  }
0x6a: {  	p0 =	seq.s32 s21, $0xB;
	s19 =	sand.u32 $0xFF, s18  }
0x6b: {  	s18 =	sadd.s32 @!p0 $0x9, s19  }
0x6c: {  	_ =	swait.ge @!p0 [sflag:s18], $0x400  }
0x6d: {  	s17 =	sadd.s32 $0xFFFFFEAA, s17;
	[sflag:s18] =	ssyncset.done @!p0 $0x0  }
0x6e: {  	s17 =	sshrl.u32 s17, $0x9;
	[sflag:s18] =	ssyncadd.s32 @!p0 $0xFFFFFC00  }
0x6f: {  	s17 =	sand.u32 $0x7F, s17;
	_ =	swait.ge @!p0 [sflag:s18], $0x400  }
0x70: {  	s17 =	smul.u32 $0x3, s17;
	[sflag:s18] =	ssyncset.done @!p0 $0x0  }
0x71: {  	p1 =	seq.s32 @!p0 s21, $0x2;
	[sflag:s18] =	ssyncadd.s32 @!p0 $0xFFFFFC00;
	s18 =	sadd.s32 $0xFFFFFFFE, s21  }
0x72: {  	p1 =	por p0, !p1;
	s17 =	ssub.s32 s18, s17  }
0x73: {  	_ =	swait.ge @p1 [sflag:s26], $0x1400;
	s17 =	sand.u32 $0xFF, s17  }
0x74: {  	[sflag:s26] =	ssyncset.done @p1 $0x0;
	s17 =	sshll.u32 s17, $0xA  }
0x75: {  	[sflag:s26] =	ssyncadd.s32 @p1 $0xFFFFEC00;
	s20 =	sadd.s32 $0x70C0, s17  }
0x76: {  	[tilespmem:s9], [sflag:$0x5] =	stream.indirect.gather [spmem:s2], $0x28, s20, s0, $0xb8;
	[tilespmem:$0x189D8] =	vst v63  }
0x77: {  	_ =	swait.ge [sflag:s24], $0x1400  }
0x78: {  	p1 =	seq.s32 s21, $0x2;
	[sflag:s24] =	ssyncset.done $0x0  }
0x79: {  	s25 =	sadd.s32 $0x62C0, s17;
	s20 =	simm.s32 @!p1 $0x11;
	[sflag:s24] =	ssyncadd.s32 $0xFFFFEC00  }
0x7a: {  	[spmem:s3] =	stream.indirect.scatter.add.f32 [tilespmem:s31], [sflag:$0xC], $0x28, s25, s0, $0xb8;
	[tilespmem:$0x189D8] =	vst v63  }
0x7b: {  	_ =	swait.ge @!p1 [sflag:s20], $0x1400  }
0x7c: {  	[sflag:s20] =	ssyncset.done @!p1 $0x0  }
0x7d: {  	s4 =	sadd.s32 $0x7140, s17;
	[sflag:s20] =	ssyncadd.s32 @!p1 $0xFFFFEC00  }
0x7e: {  	[tilespmem:s10], [sflag:$0x6] =	stream.indirect.gather [spmem:s2], $0x28, s4, s0, $0xb8;
	[tilespmem:$0x189D8] =	vst v63  }
0x7f: {  	_ =	swait.ge [sflag:s11], $0x1400  }
0x80: {  	[sflag:s11] =	ssyncset.done $0x0  }
0x81: {  	s23 =	sadd.s32 $0x6340, s17;
	[sflag:s11] =	ssyncadd.s32 $0xFFFFEC00  }
0x82: {  	[spmem:s3] =	stream.indirect.scatter.add.f32 [tilespmem:s5], [sflag:$0xD], $0x28, s23, s0, $0xb8;
	[tilespmem:$0x189D8] =	vst v63  }
0x83: {  	s25 =	simm.s32 @p1 $0x80;
	s20 =	sadd.s32 @p1 $0x71C0, s17;
	s23 =	simm.s32 @p1 $0xF2C0  }
0x84: {  	[tilespmem:s23], [sflag:$0x7] =	stream.indirect.gather @p1 [spmem:s2], $0x28, s20, s25, $0xb8;
	[tilespmem:$0x189D8] =	vst v63  }
0x85: {  	s20 =	simm.s32 @p1 $0x3  }
0x86: {  	_ =	swait.ge @p1 [sflag:s20], $0x1400  }
0x87: {  	[sflag:s20] =	ssyncset.done @p1 $0x0  }
0x88: {  	s23 =	simm.s32 @p1 $0xA2C0;
	[sflag:s20] =	ssyncadd.s32 @p1 $0xFFFFEC00;
	s20 =	sadd.s32 @p1 $0x63C0, s17  }
0x89: {  	[spmem:s3] =	stream.indirect.scatter.add.f32 @p1 [tilespmem:s23], [sflag:$0xE], $0x28, s20, s25, $0xb8;
	[tilespmem:$0x189D8] =	vst v63  }
0x8a: {  	s20 =	simm.s32 @!p1 $0x12  }
0x8b: {  	_ =	swait.ge @!p1 [sflag:s20], $0x1400  }
0x8c: {  	s23 =	simm.s32 @!p1 $0x80;
	[sflag:s20] =	ssyncset.done @!p1 $0x0  }
0x8d: {  	s25 =	simm.s32 @!p1 $0xF2C0;
	[sflag:s20] =	ssyncadd.s32 @!p1 $0xFFFFEC00;
	s20 =	sadd.s32 @!p1 $0x71C0, s17  }
0x8e: {  	[tilespmem:s25], [sflag:$0x7] =	stream.indirect.gather @!p1 [spmem:s2], $0x28, s20, s23, $0xb8;
	[tilespmem:$0x189D8] =	vst v63  }
0x8f: {  	s20 =	simm.s32 @!p1 $0x3  }
0x90: {  	_ =	swait.ge @!p1 [sflag:s20], $0x1400  }
0x91: {  	[sflag:s20] =	ssyncset.done @!p1 $0x0  }
0x92: {  	s25 =	simm.s32 @!p1 $0xA2C0;
	[sflag:s20] =	ssyncadd.s32 @!p1 $0xFFFFEC00;
	s20 =	sadd.s32 @!p1 $0x63C0, s17  }
0x93: {  	[spmem:s3] =	stream.indirect.scatter.add.f32 @!p1 [tilespmem:s25], [sflag:$0xE], $0x28, s20, s23, $0xb8;
	[tilespmem:$0x189D8] =	vst v63  }
0x94: {  	s20 =	simm.s32 @!p1 $0x13  }
0x95: {  	_ =	swait.ge @!p1 [sflag:s20], $0x1400  }
0x96: {  	[sflag:s20] =	ssyncset.done @!p1 $0x0  }
0x97: {  	s25 =	sadd.s32 $0x7240, s17;
	[sflag:s20] =	ssyncadd.s32 @!p1 $0xFFFFEC00  }
0x98: {  	[tilespmem:s12], [sflag:$0x8] =	stream.indirect.gather [spmem:s2], $0x28, s25, s0, $0xb8;
	[tilespmem:$0x189D8] =	vst v63  }
0x99: {  	_ =	swait.ge [sflag:s13], $0x1400  }
0x9a: {  	[sflag:s13] =	ssyncset.done $0x0  }
0x9b: {  	s4 =	sadd.s32 $0x6440, s17;
	s20 =	simm.s32 @p0 $0x5;
	[sflag:s13] =	ssyncadd.s32 $0xFFFFEC00  }
0x9c: {  	[spmem:s3] =	stream.indirect.scatter.add.f32 [tilespmem:s8], [sflag:$0xF], $0x28, s4, s0, $0xb8;
	[tilespmem:$0x189D8] =	vst v63  }
0x9d: {  	_ =	swait.ge @p0 [sflag:s20], $0x1400  }
0x9e: {  	s23 =	simm.s32 @p0 $0x80;
	[sflag:s20] =	ssyncset.done @p0 $0x0  }
0x9f: {  	s25 =	simm.s32 @p0 $0xCAC0;
	[sflag:s20] =	ssyncadd.s32 @p0 $0xFFFFEC00;
	s20 =	sadd.s32 @p0 $0x64C0, s17  }
0xa0: {  	[spmem:s3] =	stream.indirect.scatter.add.f32 @p0 [tilespmem:s25], [sflag:$0x10], $0x28, s20, s23, $0xb8;
	[tilespmem:$0x189D8] =	vst v63  }
0xa1: {  	s20 =	simm.s32 @!p0 $0xC  }
0xa2: {  	_ =	swait.ge @!p0 [sflag:s20], $0x1400  }
0xa3: {  	s19 =	sshll.u32 @!p0 s19, $0xA;
	s4 =	simm.s32 @!p0 $0x7AC0;
	[sflag:s20] =	ssyncset.done @!p0 $0x0  }
0xa4: {  	s25 =	simm.s32 @!p0 $0x80;
	[sflag:s20] =	ssyncadd.s32 @!p0 $0xFFFFEC00;
	s20 =	sadd.s32 @!p0 $0x6EC0, s19  }
0xa5: {  	[tilespmem:s4], [sflag:$0x1] =	stream.indirect.gather @!p0 [spmem:s2], $0x28, s20, s25, $0xb8;
	[tilespmem:$0x189D8] =	vst v63  }
0xa6: {  	s4 =	simm.s32 @!p0 $0x5  }
0xa7: {  	_ =	swait.ge @!p0 [sflag:s4], $0x1400  }
0xa8: {  	[sflag:s4] =	ssyncset.done @!p0 $0x0  }
0xa9: {  	s20 =	simm.s32 @!p0 $0xCAC0;
	[sflag:s4] =	ssyncadd.s32 @!p0 $0xFFFFEC00;
	s4 =	sadd.s32 @!p0 $0x64C0, s17  }
0xaa: {  	[spmem:s3] =	stream.indirect.scatter.add.f32 @!p0 [tilespmem:s20], [sflag:$0x10], $0x28, s4, s25, $0xb8;
	[tilespmem:$0x189D8] =	vst v63  }
0xab: {  	s4 =	simm.s32 @!p0 $0xD  }
0xac: {  	_ =	swait.ge @!p0 [sflag:s4], $0x1400  }
0xad: {  	[sflag:s4] =	ssyncset.done @!p0 $0x0  }
0xae: {  	s20 =	simm.s32 @!p0 $0x8EC0;
	[sflag:s4] =	ssyncadd.s32 @!p0 $0xFFFFEC00;
	s4 =	sadd.s32 @!p0 $0x6F40, s19  }
0xaf: {  	[tilespmem:s20], [sflag:$0x2] =	stream.indirect.gather @!p0 [spmem:s2], $0x28, s4, s25, $0xb8;
	[tilespmem:$0x189D8] =	vst v63  }
0xb0: {  	_ =	swait.ge [sflag:s14], $0x1400  }
0xb1: {  	[sflag:s14] =	ssyncset.done $0x0  }
0xb2: {  	s20 =	sadd.s32 $0x6540, s17;
	s4 =	simm.s32 @p0 $0x7;
	[sflag:s14] =	ssyncadd.s32 $0xFFFFEC00  }
0xb3: {  	[spmem:s3] =	stream.indirect.scatter.add.f32 [tilespmem:s10], [sflag:$0x11], $0x28, s20, s0, $0xb8;
	[tilespmem:$0x189D8] =	vst v63  }
0xb4: {  	_ =	swait.ge @p0 [sflag:s4], $0x1400  }
0xb5: {  	[sflag:s4] =	ssyncset.done @p0 $0x0  }
0xb6: {  	s20 =	simm.s32 @p0 $0xF2C0;
	[sflag:s4] =	ssyncadd.s32 @p0 $0xFFFFEC00;
	s4 =	sadd.s32 @p0 $0x65C0, s17  }
0xb7: {  	[spmem:s3] =	stream.indirect.scatter.add.f32 @p0 [tilespmem:s20], [sflag:$0x12], $0x28, s4, s23, $0xb8;
	[tilespmem:$0x189D8] =	vst v63  }
0xb8: {  	s4 =	simm.s32 @!p0 $0xE  }
0xb9: {  	_ =	swait.ge @!p0 [sflag:s4], $0x1400  }
0xba: {  	[sflag:s4] =	ssyncset.done @!p0 $0x0  }
0xbb: {  	s20 =	simm.s32 @!p0 $0xA2C0;
	[sflag:s4] =	ssyncadd.s32 @!p0 $0xFFFFEC00;
	s4 =	sadd.s32 @!p0 $0x6FC0, s19  }
0xbc: {  	[tilespmem:s20], [sflag:$0x3] =	stream.indirect.gather @!p0 [spmem:s2], $0x28, s4, s25, $0xb8;
	[tilespmem:$0x189D8] =	vst v63  }
0xbd: {  	s4 =	simm.s32 @!p0 $0x7  }
0xbe: {  	_ =	swait.ge @!p0 [sflag:s4], $0x1400  }
0xbf: {  	[sflag:s4] =	ssyncset.done @!p0 $0x0  }
0xc0: {  	s20 =	simm.s32 @!p0 $0xF2C0;
	[sflag:s4] =	ssyncadd.s32 @!p0 $0xFFFFEC00;
	s4 =	sadd.s32 @!p0 $0x65C0, s17  }
0xc1: {  	[spmem:s3] =	stream.indirect.scatter.add.f32 @!p0 [tilespmem:s20], [sflag:$0x12], $0x28, s4, s25, $0xb8;
	[tilespmem:$0x189D8] =	vst v63  }
0xc2: {  	s4 =	simm.s32 @!p0 $0xF  }
0xc3: {  	_ =	swait.ge @!p0 [sflag:s4], $0x1400  }
0xc4: {  	p1 =	sgt.u32 s18, $0x7;
	s18 =	simm.s32 @!p0 $0xB6C0;
	[sflag:s4] =	ssyncset.done @!p0 $0x0  }
0xc5: {  	[sflag:s4] =	ssyncadd.s32 @!p0 $0xFFFFEC00;
	s4 =	sadd.s32 @!p0 $0x7040, s19;
	s19 =	smul.u32 @!p1 $0xAB, s21  }
0xc6: {  	[tilespmem:s18], [sflag:$0x4] =	stream.indirect.gather @!p0 [spmem:s2], $0x28, s4, s25, $0xb8;
	[tilespmem:$0x189D8] =	vst v63  }
0xc7: {  	_ =	swait.ge [sflag:s15], $0x1400;
	s4 =	sshrl.u32 @!p1 s19, $0x9  }
0xc8: {  	[sflag:s15] =	ssyncset.done $0x0;
	s4 =	sand.u32 @!p1 $0x7F, s4  }
0xc9: {  	s17 =	sadd.s32 $0x6640, s17;
	[sflag:s15] =	ssyncadd.s32 $0xFFFFEC00;
	s4 =	smul.u32 @!p1 $0x3, s4  }
0xca: {  	[spmem:s3] =	stream.indirect.scatter.add.f32 [tilespmem:s12], [sflag:$0x13], $0x28, s17, s0, $0xb8;
	[tilespmem:$0x189D8] =	vst v63  }
0xcb: {  	s4 =	ssub.s32 @!p1 s21, s4  }
0xcc: {  	s21 =	sadd.s32 $0x1, s21;
	s4 =	sand.u32 @!p1 $0xFF, s4  }
0xcd: {  	s19 =	simm.s32 @!p1 $0x0;
	p0 =	sne.s32 s21, $0xC;
	s17 =	sshll.u32 @!p1 s4, $0xA  }
.Ltmp1:
0xce: {  	s4 =	sadd.s32 @!p1 $0x9, s4;
	s18 =	sadd.s32 @!p1 $0x6EC0, s17;
	(pc) =	sbr.rel @p0 .LBB2_4-.Ltmp1, $4  }
0xcf: {  	[tilespmem:s18], [sflag:s4] =	stream.linear.gather @!p1 [hbm4b:s22+s19], $0x400, $0x38;
	[tilespmem:$0x189D8] =	vst v63  }
0xd0: {  	s17 =	sor.u32 @!p1 $0x62C0, s17  }
0xd1: {  	[tilespmem:s17], [sflag:s4] =	stream.linear.gather @!p1 [hbm4b:s16+s19], $0x400, $0x38;
	[tilespmem:$0x189D8] =	vst v63  }
0xd2: {  	s22 =	sadd.s32 $0x80, s22;
	s16 =	sadd.s32 $0x80, s16  }
0xd3: {  	s4 =	simm.s32 $0xC  }
0xd4: {  	_ =	swait.ge [sflag:s4], $0x1400  }
0xd5: {  	[sflag:s4] =	ssyncset.done $0x0  }
0xd6: {  	s17 =	simm.s32 $0xD;
	[sflag:s4] =	ssyncadd.s32 $0xFFFFEC00  }
0xd7: {  	_ =	swait.ge [sflag:s17], $0x1400  }
0xd8: {  	[sflag:s17] =	ssyncset.done $0x0  }
0xd9: {  	s18 =	simm.s32 $0xE;
	[sflag:s17] =	ssyncadd.s32 $0xFFFFEC00  }
0xda: {  	_ =	swait.ge [sflag:s18], $0x1400  }
0xdb: {  	[sflag:s18] =	ssyncset.done $0x0  }
0xdc: {  	s19 =	simm.s32 $0xF;
	[sflag:s18] =	ssyncadd.s32 $0xFFFFEC00  }
0xdd: {  	_ =	swait.ge [sflag:s19], $0x1400  }
0xde: {  	[sflag:s19] =	ssyncset.done $0x0  }
0xdf: {  	[sflag:s19] =	ssyncadd.s32 $0xFFFFEC00  }
0xe0: {  	_ =	swait.ge [sflag:s26], $0x1400  }
0xe1: {  	[sflag:s26] =	ssyncset.done $0x0  }
0xe2: {  	s20 =	simm.s32 $0x11;
	[sflag:s26] =	ssyncadd.s32 $0xFFFFEC00  }
0xe3: {  	_ =	swait.ge [sflag:s20], $0x1400  }
0xe4: {  	[sflag:s20] =	ssyncset.done $0x0  }
0xe5: {  	s21 =	simm.s32 $0x12;
	[sflag:s20] =	ssyncadd.s32 $0xFFFFEC00  }
0xe6: {  	_ =	swait.ge [sflag:s21], $0x1400  }
0xe7: {  	[sflag:s21] =	ssyncset.done $0x0  }
0xe8: {  	s22 =	simm.s32 $0x13;
	[sflag:s21] =	ssyncadd.s32 $0xFFFFEC00  }
0xe9: {  	_ =	swait.ge [sflag:s22], $0x1400  }
0xea: {  	[sflag:s22] =	ssyncset.done $0x0  }
0xeb: {  	[sflag:s22] =	ssyncadd.s32 $0xFFFFEC00  }
0xec: {  	[bflag:$0x0] =	sbarrier.arrive $0xFFFF  }
0xed: {  	s23 =	sshrl.u32 s7, $0x3;
	s17 =	simm.s32 $0x5;
	s16 =	rddreg [dreg:$0x11]  }
0xee: {  	[hbm:s16@s26], [sflag:s6] =	dma.strided [spmem:s23@s17], $0xC58, s24, $0x5   }
0xef: {  	_ =	swait.ge [sflag:s28], $0xC58  }
0xf0: {  	s30 =	sadd.s32 $0x1, s30;
	s25 =	rddreg [dreg:$0x12]  }
0xf1: {  	p0 =	sne.s32 s30, s25  }
.Ltmp2:
0xf2: {  	_ = 	snop;
	(pc) =	sbr.rel @p0 .LBB2_1-.Ltmp2, $3  }
0xf3: {  	_ =	sdelay $0x1  }
0xf4: {  	[sflag:s28] =	ssyncset.done $0x0  }
0xf5: {  	[sflag:s28] =	ssyncadd.s32 $0xFFFFF3A8  }
0xf6: {  	_ =	sfence.sel $0x180000  }
0xf7: {  	[bflag:$0x0] =	sbarrier.arrive $0xFFFF  }
0xf8: {  	_ =	strace $0x9000004D  }
0xf9: {  	s0 =	stileid.u32;
	[bflag:$0x2] =	sbarrier.arrive $0xFFFF  }
0xfa: {  	p0 =	sne.s32 s0, $0x0;
	s0 =	rddreg [dreg:$0x4]  }
0xfb: {  	s0 =	sadd.s32 @!p0 $0x100000, s0  }
0xfc: {  	[sflag:s0] =	ssyncadd.tile.s32 @!p0 $0x1;
	_ =	shalt  }
.Lfunc_end2:
_tile_overlayer_lowered:
.L_overlay_start_2:
0xfd: {  	(tag) =	ssettag $0x2  }
0xfe: {  	s0 =	rddreg [dreg:$0x0];
	s2 =	stileid.u32  }
0xff: {  	s1 =	rddreg [dreg:$0x1];
	p0 =	sne.s32 s2, $0x0  }
0x100: {  	s3 =	rddreg [dreg:$0x2];
	[bflag:$0x3] =	sbarrier.arrive $0xFFFF;
	s2 =	simm.s32 @!p0 $0x1C14  }
0x101: {  	[timem:s3], [sflag:s2] =	dma.local @!p0 [hbm:s0], s1  }
0x102: {  	s0 =	simm.s32 @!p0 $0x14  }
0x103: {  	_ =	swait.ge @!p0 [sflag:s0], s1  }
0x104: {  	s1 =	ssub.s32 @!p0 $0x0, s1;
	[sflag:s0] =	ssyncset.done @!p0 $0x0  }
0x105: {  	[sflag:s0] =	ssyncadd.s32 @!p0 s1  }
0x106: {  	[bflag:$0x3] =	sbarrier.arrive $0xFFFF  }
0x107: {  	_ =	shalt  }

// kernel: kernel.8.cloned.1.call-start
scs
__scs_entry_jumppad:
0x0: {  	(pc) =	sbr.rel $0x88, $3  }
0x1: {  	(tag) =	ssettag $0x0;
	lr =	simm.s32 $0x1  }
0x2: {  	[smem:$0x3F9B] =	sst lr;
	_ =	strace $0xD0000000  }
0x3: {  	_ = 	snop  }
0x4: {  	_ = 	snop  }
0x5: {  	_ = 	snop  }
0x6: {  	_ = 	snop  }
0x7: {  	_ = 	snop  }
__scs_overlays_trampoline_lowered:
0x8: {  	[smem:$0x3FAA] =	sst s0  }
0x9: {  	[smem:$0x3FAB] =	sst s1  }
0xa: {  	[smem:$0x3FAC] =	sst s2  }
0xb: {  	[smem:$0x3FAD] =	sst s3  }
0xc: {  	[smem:$0x3FAE] =	sst s4  }
0xd: {  	[smem:$0x3FAF] =	sst s5  }
0xe: {  	[smem:$0x3FB0] =	sst s6  }
0xf: {  	[smem:$0x3FB1] =	sst s7  }
0x10: {  	[smem:$0x3FB2] =	sst s8  }
0x11: {  	[smem:$0x3FB3] =	sst s9;
	s0 =	simm.s32 @!p0 $0x0  }
0x12: {  	s1 =	sld [smem:$0x3F99];
	s0 =	simm.s32 @p0 $0x1  }
0x13: {  	[smem:$0x3FB4] =	sst s0;
	s0 =	simm.s32 @!p1 $0x0  }
0x14: {  	s2 =	sld [smem:$0x3F98];
	s0 =	simm.s32 @p1 $0x1  }
0x15: {  	[smem:$0x3FB5] =	sst s0;
	s0 =	simm.s32 @!p2 $0x0  }
0x16: {  	s3 =	sld [smem:$0x3FDB];
	s0 =	simm.s32 @p2 $0x1  }
0x17: {  	s4 =	simm.s32 $0x1BF5;
	[smem:$0x3FB7] =	sst s0  }
0x18: {  	s0 =	sld [smem:$0x3F9A];
	_ =	swait.ge [sflag:s4], $0x0  }
0x19: {  	s7 =	sld [smem:$0x3F9B]  }
0x1a: {  	s8 =	sadd.s32 $0xFFFFE003, lr  }
0x1b: {  	s9 =	sadd.s32 $0xFFFFFEF7, lr;
	s5 =	simm.s32 $0xFFFFFFFF;
	p2 =	slt.u32 s8, $0xFFFFF086  }
0x1c: {  	p1 =	slt.u32 s9, $0xF7A;
	s5 =	simm.s32 @!p2 $0x0  }
0x1d: {  	s5 =	simm.s32 @p1 $0x1;
	p0 =	seq.s32 s7, s2  }
0x1e: {  	s7 =	smul.u32 @!p0 $0xF7A, s2;
	p2 =	seq.s32 @!p0 s5, $0x0  }
0x1f: {  	s9 =	smul.u32 $0xF7A, s1;
	s8 =	simm.s32 @!p0 $0x1BF5;
	p2 =	por !p2, p0  }
0x20: {  	[sflag:s8] =	ssyncset.s32 @!p0 $0xFFFFF086;
	s6 =	sadd.s32 @!p0 s3, s7;
	s7 =	simm.s32 @!p0 $0x108  }
0x21: {  	s3 =	sadd.s32 s3, s9;
	s6 =	sadd.s32 @!p0 $0x88, s6;
	s7 =	simm.s32 @p2 $0x1082  }
0x22: {  	[simem:s7], [sflag:s8] =	dma.local @!p0 [hbm:s6], $0xF7A  }
0x23: {  	s9 =	sor.u32 $0xD0000000, s2;
	s6 =	simm.s32 $0x108;
	_ =	swait.ge @!p0 [sflag:s8], $0x0  }
0x24: {  	s3 =	sadd.s32 $0x88, s3;
	s6 =	simm.s32 @!p1 $0x1082;
	[sflag:s4] =	ssyncset.s32 $0xFFFFF086  }
0x25: {  	[simem:s6], [sflag:s4] =	dma.local [hbm:s3], $0xF7A  }
0x26: {  	[smem:$0x3F9B] =	sst s1;
	(tag) =	ssettag s2;
	_ =	strace s9  }
0x27: {  	s1 =	sld [smem:$0x3FAB]  }
0x28: {  	s2 =	sld [smem:$0x3FAC]  }
0x29: {  	s4 =	sld [smem:$0x3FAE]  }
0x2a: {  	p0 =	seq.s32 s5, $0x0;
	s5 =	sld [smem:$0x3FAF]  }
0x2b: {  	s6 =	sld [smem:$0x3FB0]  }
0x2c: {  	s7 =	sld [smem:$0x3FB1]  }
0x2d: {  	s3 =	simm.s32 $0x108;
	s8 =	sld [smem:$0x3FB2]  }
0x2e: {  	s3 =	simm.s32 @!p0 $0x1082;
	s9 =	sld [smem:$0x3FB3]  }
0x2f: {  	lr =	sadd.s32 s0, s3;
	s0 =	sld [smem:$0x3FAA]  }
0x30: {  	s3 =	sld [smem:$0x3FAD]  }
0x31: {  	[smem:$0x3FB6] =	sst s10  }
0x32: {  	s10 =	sld [smem:$0x3FB4];
	_ =	sdelay $0x3  }
0x33: {  	p0 =	seq.s32 s10, $0x1;
	s10 =	sld [smem:$0x3FB6];
	_ =	sdelay $0x3  }
0x34: {  	[smem:$0x3FB6] =	sst s10  }
0x35: {  	s10 =	sld [smem:$0x3FB5];
	_ =	sdelay $0x3  }
0x36: {  	p1 =	seq.s32 s10, $0x1;
	s10 =	sld [smem:$0x3FB6];
	_ =	sdelay $0x3  }
0x37: {  	[smem:$0x3FB6] =	sst s10  }
0x38: {  	s10 =	sld [smem:$0x3FB7]  }
0x39: {  	_ = 	snop;
	(pc) =	sbr.ind lr, $3  }
0x3a: {  	_ = 	snop  }
0x3b: {  	_ = 	snop  }
0x3c: {  	p2 =	seq.s32 s10, $0x1;
	s10 =	sld [smem:$0x3FB6]  }
0x3d: {  	_ =	shalt  }
0x3e: {  	_ =	shalt  }
0x3f: {  	_ =	shalt  }
0x40: {  	_ =	shalt  }
0x41: {  	_ =	shalt  }
0x42: {  	_ =	shalt  }
0x43: {  	_ =	shalt  }
0x44: {  	_ =	shalt  }
0x45: {  	_ =	shalt  }
0x46: {  	_ =	shalt  }
0x47: {  	_ =	shalt  }
0x48: {  	_ =	shalt  }
0x49: {  	_ =	shalt  }
0x4a: {  	_ =	shalt  }
0x4b: {  	_ =	shalt  }
0x4c: {  	_ =	shalt  }
0x4d: {  	_ =	shalt  }
0x4e: {  	_ =	shalt  }
0x4f: {  	_ =	shalt  }
0x50: {  	_ =	shalt  }
0x51: {  	_ =	shalt  }
0x52: {  	_ =	shalt  }
0x53: {  	_ =	shalt  }
0x54: {  	_ =	shalt  }
0x55: {  	_ =	shalt  }
0x56: {  	_ =	shalt  }
0x57: {  	_ =	shalt  }
0x58: {  	_ =	shalt  }
0x59: {  	_ =	shalt  }
0x5a: {  	_ =	shalt  }
0x5b: {  	_ =	shalt  }
0x5c: {  	_ =	shalt  }
0x5d: {  	_ =	shalt  }
0x5e: {  	_ =	shalt  }
0x5f: {  	_ =	shalt  }
0x60: {  	_ =	shalt  }
0x61: {  	_ =	shalt  }
0x62: {  	_ =	shalt  }
0x63: {  	_ =	shalt  }
0x64: {  	_ =	shalt  }
0x65: {  	_ =	shalt  }
0x66: {  	_ =	shalt  }
0x67: {  	_ =	shalt  }
0x68: {  	_ =	shalt  }
0x69: {  	_ =	shalt  }
0x6a: {  	_ =	shalt  }
0x6b: {  	_ =	shalt  }
0x6c: {  	_ =	shalt  }
0x6d: {  	_ =	shalt  }
0x6e: {  	_ =	shalt  }
0x6f: {  	_ =	shalt  }
0x70: {  	_ =	shalt  }
0x71: {  	_ =	shalt  }
0x72: {  	_ =	shalt  }
0x73: {  	_ =	shalt  }
0x74: {  	_ =	shalt  }
0x75: {  	_ =	shalt  }
0x76: {  	_ =	shalt  }
0x77: {  	_ =	shalt  }
0x78: {  	_ =	shalt  }
0x79: {  	_ =	shalt  }
0x7a: {  	_ =	shalt  }
0x7b: {  	_ =	shalt  }
0x7c: {  	_ =	shalt  }
0x7d: {  	_ =	shalt  }
0x7e: {  	_ =	shalt  }
0x7f: {  	_ =	shalt  }
0x80: {  	_ =	shalt  }
0x81: {  	_ =	shalt  }
0x82: {  	_ =	shalt  }
0x83: {  	_ =	shalt  }
0x84: {  	_ =	shalt  }
0x85: {  	_ =	shalt  }
0x86: {  	_ =	shalt  }
0x87: {  	_ =	shalt  }
.Lfunc_end0:
.L_simem_size_0:
called_computation_lowered:
.L_overlay_start_0:
0x88: {  	s2 =	sld [smem:$0x3FD9]  }
0x89: {  	s3 =	sld [smem:$0x3FFE];
	_ =	sdelay $0x1  }
0x8a: {  	s1 =	srdreg.scid  }
0x8b: {  	s0 =	sand.u32 $0x1, s1  }
0x8c: {  	s17 =	sshll.u32 s0, $0xA;
	s2 =	sadd.s32 s3, s2  }
0x8d: {  	s2 =	sadd.s32 s2, s17  }
0x8e: {  	[smem:$0x3FC2] =	sst s2  }
0x8f: {  	_ = 	snop  }
0x90: {  	s2 =	sld [smem:$0x3FD0];
	(tm) =	ssettm $0x1  }
0x91: {  	s18 =	sld [smem:$0x3FFB];
	_ =	sdelay $0x3  }
0x92: {  	_ =	strace s18  }
0x93: {  	s3 =	sld [smem:$0x3FFC];
	_ =	sdelay $0x3  }
0x94: {  	_ =	strace s3  }
0x95: {  	s3 =	sld [smem:$0x3FFD];
	_ =	sdelay $0x3  }
0x96: {  	_ =	strace s3  }
0x97: {  	_ =	strace $0x8FFFFFFF  }
0x98: {  	s19 =	sld [smem:$0x3FDB];
	_ =	sdelay $0x1  }
0x99: {  	s4 =	simm.s32 $_scs_section_size  }
0x9a: {  	s5 =	simm.s32 $_size__tile_overlayer_lowered;
	s6 =	simm.s32 $_tile_overlayer_lowered  }
0x9b: {  	s22 =	simm.s32 $0x1BFF;
	s21 =	sshll.u32 s6, $0x1;
	s3 =	sadd.s32 s4, s19  }
0x9c: {  	s7 =	simm.s32 $0x0;
	s20 =	sshll.u32 s5, $0x1;
	s5 =	sadd.s32 s21, s3  }
0x9d: {  	[timem:s7], [sflag:s22] =	dma.local [hbm:s5], s20  }
0x9e: {  	_ =	swait.ge [sflag:s22], s20  }
0x9f: {  	s4 =	ssub.s32 $0x0, s20;
	[sflag:s22] =	ssyncset.done $0x0  }
0xa0: {  	[sflag:s22] =	ssyncadd.s32 s4;
	_ =	sdelay $0x1  }
0xa1: {  	s23 =	simm.s32 $0x1B8B  }
0xa2: {  	_ =	swait.ge [sflag:s23], $0x1  }
0xa3: {  	[sflag:s23] =	ssyncset.done $0x0  }
0xa4: {  	s25 =	simm.s32 $0x1B8E;
	s24 =	sld [smem:$0x3FFE];
	[sflag:s23] =	ssyncadd.s32 $0xFFFFFFFF  }
0xa5: {  	s26 =	simm.s32 $execute0_lowered;
	[smem:$0x3FD2] =	sst s25  }
0xa6: {  	s5 =	sshll.u32 s26, $0x1;
	_ =	strace $0x80000046;
	[dreg:$0x1] =	wrdreg $0xFFFFFFFF  }
0xa7: {  	s28 =	simm.s32 $_size_execute0_lowered;
	s3 =	sadd.s32 s3, s5;
	[dreg:$0x0] =	wrdreg $0x0  }
0xa8: {  	s5 =	sshll.u32 s28, $0x1;
	[dreg:$0x2] =	wrdreg s3  }
0xa9: {  	[dreg:$0x3] =	wrdreg s5  }
0xaa: {  	[dreg:$0x4] =	wrdreg $0xC0  }
0xab: {  	_ =	task [dreg:s7], $0x5FFFF  }
0xac: {  	[dreg:$0x1] =	wrdreg $0xFFFFFFFF  }
0xad: {  	[dreg:$0x0] =	wrdreg $0x60  }
0xae: {  	[dreg:$0x2] =	wrdreg s24  }
0xaf: {  	[dreg:$0x3] =	wrdreg s2  }
0xb0: {  	[dreg:$0x4] =	wrdreg $0xF3200  }
0xb1: {  	[dreg:$0x5] =	wrdreg $0x9  }
0xb2: {  	_ =	task.clear_ibuf [dreg:s7], $0x6FFFF;
	_ =	strace $0x90000046  }
0xb3: {  	s29 =	simm.s32 $0x9;
	_ =	strace $0x80000048  }
0xb4: {  	_ =	swait.ge [sflag:s29], $0x1  }
0xb5: {  	[sflag:s29] =	ssyncadd.s32 $0xFFFFFFFF  }
0xb6: {  	_ =	strace $0x90000048  }
0xb7: {  	_ =	sfence  }
0xb8: {  	s30 =	sld [smem:$0x0];
	_ =	sdelay $0x2  }
0xb9: {  	s31 =	sshll.u32 s1, $0xD;
	s1 =	sshrl.u32 s1, $0x2  }
0xba: {  	s3 =	sand.u32 $0x4000, s31;
	s1 =	sadd.s32 s1, s30  }
0xbb: {  	s0 =	sor.u32 s3, s0;
	s1 =	sshll.u32 s1, $0x11  }
0xbc: {  	s0 =	sor.u32 s1, s0  }
0xbd: {  	s0 =	sadd.s32 $0x8F2B, s0  }
0xbe: {  	[sflag:s0] =	ssyncadd.remote.s32 $0x1  }
0xbf: {  	_ =	sfence.sel $0xFFFF  }
0xc0: {  	[dreg:$0x0] =	wrdreg $0xFFFFFFFF;
	(pc) =	sbr.abs _section_cstart, $3  }
0xc1: {  	[dreg:$0x1] =	wrdreg $0xFFFFFFFF  }
0xc2: {  	_ =	task.clear_ibuf [dreg:s7], $0x2FFFF;
	_ =	strace $0x9FFFFFFF  }
0xc3: {  	(tm) =	ssettm $0x7FFFFFFF  }
tec
execute0_lowered:
.L_overlay_start_1:
0x0: {  	(tag) =	ssettag $0x1  }
0x1: {  	s3 =	rddreg [dreg:$0x0]  }
0x2: {  	s1 =	srdreg.scid;
	s7 =	rddreg [dreg:$0x1]  }
0x3: {  	s0 =	stileid.u32;
	s12 =	rddreg [dreg:$0x2]  }
0x4: {  	s2 =	simm.s32 $0x0;
	s20 =	simm.s32 $0x280;
	s21 =	simm.s32 $0x2800  }
0x5: {  	s22 =	simm.s32 $0x9E20;
	s23 =	simm.s32 $0xEE20;
	s24 =	simm.s32 $0xF0A0  }
0x6: {  	s25 =	simm.s32 $0x0;
	s11 =	sand.u32 $0x1, s1;
	s1 =	rddreg [dreg:$0x3]  }
0x7: {  	s28 =	sshll.u32 s0, $0x1;
	[smem:$0x7FF] =	sst s2;
	s13 =	sadd.s32 $0x17400, s3  }
0x8: {  	s14 =	sadd.s32 $0x17A00, s3;
	s15 =	sadd.s32 $0x16800, s3;
	s10 =	smul.u32 $0x14000, s0  }
0x9: {  	s16 =	sadd.s32 $0x16E00, s3;
	s19 =	smul.u32 $0x280, s0;
	s4 =	sor.u32 s11, s28  }
0xa: {  	s9 =	sadd.s32 $0x18000, s3;
	_ =	strace $0x80000047;
	s5 =	smul.u32 $0x2710, s4  }
0xb: {  	s6 =	ssub.s32 $0x2, s11;
	p0 =	seq.s32 s11, $0x1;
	s4 =	smul.u32 $0x2800, s4  }
0xc: {  	s29 =	sshrl.u32 s6, $0x1;
	s30 =	sshrl.u32 s10, $0x2;
	s11 =	sadd.s32 s19, s12  }
0xd: {  	s31 =	sshrl.u32 s19, $0x3;
	s13 =	smov.u32 @p0 s14;
	s15 =	smov.u32 @p0 s16  }
0xe: {  	s16 =	simm.s32 $0x1;
	s19 =	simm.s32 $0x4E20;
	s17 =	ssub.s32 s6, s29  }
0xf: {  	s13 =	sadd.s32 s13, s31;
	s14 =	sadd.s32 s15, s31;
	s5 =	sshrl.u32 s5, $0x3  }
0x10: {  	s15 =	simm.s32 $0x2710;
	s8 =	sshrl.u32 s4, $0x3;
	s5 =	sadd.s32 s5, s3  }
0x11: {  	s6 =	sadd.s32 s9, s8;
	s18 =	sadd.s32 $0x4E2, s8;
	s3 =	sadd.s32 $0x2E00, s5  }
0x12: {  	s4 =	sadd.s32 $0xCA40, s5;
	s5 =	sadd.s32 s7, s8;
	s7 =	sadd.s32 s7, s18  }
0x13: {  	s8 =	sadd.s32 s30, s12;
	s9 =	sadd.s32 s9, s18;
	s12 =	smax.u32 s17, $0x1  }
0x14: {  	v0 =	vimm.f32 $0.0e+00;
	v1 =	vimm.s32 $0x2710;
	v2 =	vimm.f32 $1.000000000e+00;
	s17 =	simm.s32 $0x14320;
	s18 =	simm.s32 $0x7620;
	s10 =	sadd.s32 $0x2800, s8  }
.LBB2_1:
0x15: {  	s26 =	simm.s32 $0x40;
	s28 =	simm.s32 $0x0  }
.LBB2_2:
0x16: {  	p0 =	sne.s32 s26, $0x9FC0;
	[tilespmem:s28+$0x7620] =	vst v0;
	s29 =	smov.u32 s26;
	s26 =	sadd.s32 $0x40, s26  }
.Ltmp0:
0x17: {  	[tilespmem:s28+$0x4E20] =	vst v0;
	(pc) =	sbr.rel @p0 .LBB2_2-.Ltmp0, $2  }
0x18: {  	_ =	sdelay $0x2  }
0x19: {  	s28 =	sshra.s32 s29, $0x2  }
0x1a: {  	[tilespmem:s28+$0x7620] =	vst v0  }
0x1b: {  	[tilespmem:s28+$0x4E20] =	vst v0;
	s26 =	simm.s32 $0x0  }
0x1c: {  	[tilespmem:s15], [sflag:$0x1] =	stream.linear.gather [hbm4b:s3+s26], $0x2710, $0x38;
	[tilespmem:$0x14410] =	vst v63  }
0x1d: {  	_ =	swait.ge [sflag:s16], $0x2710  }
0x1e: {  	[sflag:s16] =	ssyncset.done $0x0  }
0x1f: {  	[sflag:s16] =	ssyncadd.s32 $0xFFFFD8F0  }
0x20: {  	[tilespmem:s26], [sflag:$0x1] =	stream.linear.gather [hbm4b:s4+s26], $0x2710, $0x38;
	[tilespmem:$0x14410] =	vst v63  }
0x21: {  	_ =	swait.ge [sflag:s16], $0x2710  }
0x22: {  	[sflag:s16] =	ssyncset.done $0x0  }
0x23: {  	[sflag:s16] =	ssyncadd.s32 $0xFFFFD8F0  }
0x24: {  	[tilespmem:$0x14320] =	vst v1  }
0x25: {  	[tilespmem:$0x14330] =	vst v1  }
0x26: {  	[tilespmem:$0x14340] =	vst v1  }
0x27: {  	[tilespmem:$0x14350] =	vst v1  }
0x28: {  	[tilespmem:$0x14360] =	vst v1  }
0x29: {  	[tilespmem:$0x14370] =	vst v1  }
0x2a: {  	[tilespmem:$0x14380] =	vst v1  }
0x2b: {  	[tilespmem:$0x14390] =	vst v1  }
0x2c: {  	[tilespmem:$0x143A0] =	vst v1  }
0x2d: {  	[tilespmem:$0x143B0] =	vst v1  }
0x2e: {  	[tilespmem:$0x143C0] =	vst v1  }
0x2f: {  	[tilespmem:$0x143D0] =	vst v1  }
0x30: {  	[tilespmem:$0x143E0] =	vst v1  }
0x31: {  	[tilespmem:$0x143F0] =	vst v1  }
0x32: {  	[tilespmem:$0x14400] =	vst v1  }
0x33: {  	[hbm4b:s5+s26] =	stream.linear.scatter [tilespmem:s15], [sflag:$0x1], $0x2710, $0x38;
	[tilespmem:$0x14410] =	vst v63  }
0x34: {  	_ =	swait.ge [sflag:s16], $0x2710  }
0x35: {  	[sflag:s16] =	ssyncset.done $0x0  }
0x36: {  	[sflag:s16] =	ssyncadd.s32 $0xFFFFD8F0  }
0x37: {  	[hbm4b:s6+s26] =	stream.linear.scatter [tilespmem:s26], [sflag:$0x1], $0x2710, $0x38;
	[tilespmem:$0x14410] =	vst v63  }
0x38: {  	_ =	swait.ge [sflag:s16], $0x2710  }
0x39: {  	[sflag:s16] =	ssyncset.done $0x0  }
0x3a: {  	[sflag:s16] =	ssyncadd.s32 $0xFFFFD8F0  }
0x3b: {  	[hbm4b:s7+s26] =	stream.linear.scatter [tilespmem:s17], [sflag:$0x1], $0xF0, $0x38;
	[tilespmem:$0x14410] =	vst v63  }
0x3c: {  	_ =	swait.ge [sflag:s16], $0xF0  }
0x3d: {  	[sflag:s16] =	ssyncset.done $0x0  }
0x3e: {  	[sflag:s16] =	ssyncadd.s32 $0xFFFFFF10  }
0x3f: {  	[hbm4b:s9+s26] =	stream.linear.scatter [tilespmem:s17], [sflag:$0x1], $0xF0, $0x38;
	[tilespmem:$0x14410] =	vst v63  }
0x40: {  	_ =	swait.ge [sflag:s16], $0xF0  }
0x41: {  	[sflag:s16] =	ssyncset.done $0x0  }
0x42: {  	s28 =	simm.s32 $0x0;
	s26 =	simm.s32 $0x40;
	[sflag:s16] =	ssyncadd.s32 $0xFFFFFF10  }
.LBB2_4:
0x43: {  	p0 =	sne.s32 s26, $0x9C00;
	v3 =	vld [tilespmem:s28+$0x2710];
	_ =	sdelay $0x7  }
0x44: {  	[tilespmem:v3+s18+$0x0] =	vst.idx.add.f32.msk $0xffff, v2  }
0x45: {  	v3 =	vld [tilespmem:s28+$0x0];
	_ =	sdelay $0x3  }
.Ltmp1:
0x46: {  	(pc) =	sbr.rel @p0 .LBB2_4-.Ltmp1, $2  }
0x47: {  	_ =	sdelay $0x2  }
0x48: {  	s28 =	sshra.s32 s26, $0x2;
	s26 =	sadd.s32 $0x40, s26;
	[tilespmem:v3+s19+$0x0] =	vst.idx.add.f32.msk $0xffff, v2  }
0x49: {  	v3 =	vld [tilespmem:s28+$0x2710];
	_ =	sdelay $0x7  }
0x4a: {  	[tilespmem:v3+s18+$0x0] =	vst.idx.add.f32.msk $0xffff, v2  }
0x4b: {  	v3 =	vld [tilespmem:s28+$0x0];
	_ =	sdelay $0x7  }
0x4c: {  	[tilespmem:v3+s19+$0x0] =	vst.idx.add.f32.msk $0xffff, v2  }
0x4d: {  	[spmem:s8] =	stream.linear.scatter [tilespmem:s18], [sflag:$0x1], $0x2800, $0x38;
	[tilespmem:$0x14410] =	vst v63  }
0x4e: {  	_ =	swait.ge [sflag:s16], $0x2800  }
0x4f: {  	[sflag:s16] =	ssyncset.done $0x0  }
0x50: {  	[sflag:s16] =	ssyncadd.s32 $0xFFFFD800  }
0x51: {  	[spmem:s10] =	stream.linear.scatter [tilespmem:s19], [sflag:$0x1], $0x2800, $0x38;
	[tilespmem:$0x14410] =	vst v63  }
0x52: {  	_ =	swait.ge [sflag:s16], $0x2800  }
0x53: {  	[sflag:s16] =	ssyncset.done $0x0  }
0x54: {  	[sflag:s16] =	ssyncadd.s32 $0xFFFFD800  }
0x55: {  	[bflag:$0x0] =	sbarrier.arrive $0xFFFF  }
0x56: {  	[tilespmem:s22], [sflag:$0x1] =	stream.strided.gather [spmem:s11], $0x5000, s21, s20, $0x38;
	[tilespmem:$0x14410] =	vst v63  }
0x57: {  	_ =	swait.ge [sflag:s16], $0x5000  }
0x58: {  	[sflag:s16] =	ssyncset.done $0x0  }
0x59: {  	s26 =	simm.s32 $0x0;
	[sflag:s16] =	ssyncadd.s32 $0xFFFFB000  }
0x5a: {  	v3 =	vld [tilespmem:s26+$0xA0A0]  }
0x5b: {  	v4 =	vld [tilespmem:s26+$0xA5A0]  }
0x5c: {  	v5 =	vld [tilespmem:s26+$0x9E20]  }
0x5d: {  	v6 =	vld [tilespmem:s26+$0xAAA0]  }
0x5e: {  	v7 =	vld [tilespmem:s26+$0xA320]  }
0x5f: {  	v8 =	vld [tilespmem:s26+$0xAFA0]  }
0x60: {  	v9 =	vld [tilespmem:s26+$0xA820];
	v3 =	vadd.f32 v4, v3  }
0x61: {  	v4 =	vld [tilespmem:s26+$0xB4A0]  }
0x62: {  	v10 =	vld [tilespmem:s26+$0xAD20];
	v3 =	vadd.f32 v6, v3  }
0x63: {  	v5 =	vadd.f32 v7, v5;
	v6 =	vld [tilespmem:s26+$0xB9A0]  }
0x64: {  	v7 =	vld [tilespmem:s26+$0xB220];
	v3 =	vadd.f32 v8, v3  }
0x65: {  	v5 =	vadd.f32 v9, v5;
	v8 =	vld [tilespmem:s26+$0xBEA0]  }
0x66: {  	v9 =	vld [tilespmem:s26+$0xB720];
	v3 =	vadd.f32 v4, v3  }
0x67: {  	v5 =	vadd.f32 v10, v5;
	v4 =	vld [tilespmem:s26+$0xC3A0]  }
0x68: {  	v10 =	vld [tilespmem:s26+$0xBC20];
	v3 =	vadd.f32 v6, v3  }
0x69: {  	v5 =	vadd.f32 v7, v5;
	v6 =	vld [tilespmem:s26+$0xC8A0]  }
0x6a: {  	v7 =	vld [tilespmem:s26+$0xC120];
	v3 =	vadd.f32 v8, v3  }
0x6b: {  	v5 =	vadd.f32 v9, v5;
	v8 =	vld [tilespmem:s26+$0xCDA0]  }
0x6c: {  	v9 =	vld [tilespmem:s26+$0xC620];
	v3 =	vadd.f32 v4, v3  }
0x6d: {  	v5 =	vadd.f32 v10, v5;
	v4 =	vld [tilespmem:s26+$0xD2A0]  }
0x6e: {  	v10 =	vld [tilespmem:s26+$0xCB20];
	v3 =	vadd.f32 v6, v3  }
0x6f: {  	v5 =	vadd.f32 v7, v5;
	v6 =	vld [tilespmem:s26+$0xD7A0]  }
0x70: {  	v7 =	vld [tilespmem:s26+$0xD020];
	v3 =	vadd.f32 v8, v3  }
0x71: {  	v5 =	vadd.f32 v9, v5;
	v8 =	vld [tilespmem:s26+$0xDCA0]  }
0x72: {  	v9 =	vld [tilespmem:s26+$0xD520];
	v3 =	vadd.f32 v4, v3  }
0x73: {  	v5 =	vadd.f32 v10, v5;
	v4 =	vld [tilespmem:s26+$0xE1A0]  }
0x74: {  	v10 =	vld [tilespmem:s26+$0xDA20];
	v3 =	vadd.f32 v6, v3  }
0x75: {  	v11 =	vld [tilespmem:s26+$0xE6A0];
	v6 =	vadd.f32 v7, v5  }
0x76: {  	v5 =	vld [tilespmem:s26+$0xDF20];
	v3 =	vadd.f32 v8, v3  }
0x77: {  	v7 =	vld [tilespmem:s26+$0xEBA0];
	v8 =	vadd.f32 v9, v6  }
0x78: {  	v6 =	vld [tilespmem:s26+$0xE420];
	v9 =	vadd.f32 v4, v3  }
0x79: {  	s28 =	simm.s32 $0x10;
	v4 =	vld [tilespmem:s26+$0xE920];
	v8 =	vadd.f32 v10, v8  }
0x7a: {  	s29 =	simm.s32 $0x80;
	v3 =	vld [tilespmem:s28+$0xA0A0];
	v9 =	vadd.f32 v11, v9  }
.LBB2_6:
0x7b: {  	p0 =	sne.s32 s29, $0x9C0;
	v10 =	vld [tilespmem:s28+$0xA5A0];
	v5 =	vadd.f32 v5, v8  }
0x7c: {  	v8 =	vld [tilespmem:s28+$0x9E20];
	v7 =	vadd.f32 v7, v9  }
0x7d: {  	v9 =	vld [tilespmem:s28+$0xAAA0];
	v5 =	vadd.f32 v6, v5  }
0x7e: {  	v6 =	vld [tilespmem:s28+$0xA320];
	[tilespmem:s26+$0xF0A0] =	vst v7  }
0x7f: {  	v7 =	vld [tilespmem:s28+$0xAFA0];
	v4 =	vadd.f32 v4, v5  }
0x80: {  	v5 =	vld [tilespmem:s28+$0xA820];
	v3 =	vadd.f32 v10, v3  }
0x81: {  	v10 =	vld [tilespmem:s28+$0xB4A0];
	[tilespmem:s26+$0xEE20] =	vst v4;
	s26 =	smov.u32 s28  }
0x82: {  	v4 =	vld [tilespmem:s26+$0xAD20];
	v3 =	vadd.f32 v9, v3  }
0x83: {  	v6 =	vadd.f32 v6, v8;
	v8 =	vld [tilespmem:s26+$0xB9A0]  }
0x84: {  	v9 =	vld [tilespmem:s26+$0xB220];
	v3 =	vadd.f32 v7, v3  }
0x85: {  	v5 =	vadd.f32 v5, v6;
	v6 =	vld [tilespmem:s26+$0xBEA0]  }
0x86: {  	v7 =	vld [tilespmem:s26+$0xB720];
	v3 =	vadd.f32 v10, v3  }
0x87: {  	v4 =	vadd.f32 v4, v5;
	v5 =	vld [tilespmem:s26+$0xC3A0]  }
0x88: {  	v10 =	vld [tilespmem:s26+$0xBC20];
	v3 =	vadd.f32 v8, v3  }
0x89: {  	v4 =	vadd.f32 v9, v4;
	v8 =	vld [tilespmem:s26+$0xC8A0]  }
0x8a: {  	v9 =	vld [tilespmem:s26+$0xC120];
	v3 =	vadd.f32 v6, v3  }
0x8b: {  	v4 =	vadd.f32 v7, v4;
	v6 =	vld [tilespmem:s26+$0xCDA0]  }
0x8c: {  	v7 =	vld [tilespmem:s26+$0xC620];
	v3 =	vadd.f32 v5, v3  }
0x8d: {  	v4 =	vadd.f32 v10, v4;
	v5 =	vld [tilespmem:s26+$0xD2A0]  }
0x8e: {  	v10 =	vld [tilespmem:s26+$0xCB20];
	v3 =	vadd.f32 v8, v3  }
0x8f: {  	v4 =	vadd.f32 v9, v4;
	v8 =	vld [tilespmem:s26+$0xD7A0]  }
0x90: {  	v9 =	vld [tilespmem:s26+$0xD020];
	v3 =	vadd.f32 v6, v3  }
0x91: {  	v4 =	vadd.f32 v7, v4;
	v6 =	vld [tilespmem:s26+$0xDCA0]  }
0x92: {  	v7 =	vld [tilespmem:s26+$0xD520];
	v3 =	vadd.f32 v5, v3  }
0x93: {  	v4 =	vadd.f32 v10, v4;
	v10 =	vld [tilespmem:s26+$0xE1A0]  }
0x94: {  	v11 =	vld [tilespmem:s26+$0xDA20];
	v3 =	vadd.f32 v8, v3  }
0x95: {  	v4 =	vadd.f32 v9, v4;
	v9 =	vld [tilespmem:s26+$0xE6A0]  }
.Ltmp2:
0x96: {  	v5 =	vld [tilespmem:s26+$0xDF20];
	v3 =	vadd.f32 v6, v3;
	(pc) =	sbr.rel @p0 .LBB2_6-.Ltmp2, $4  }
0x97: {  	v4 =	vadd.f32 v7, v4;
	v7 =	vld [tilespmem:s26+$0xEBA0]  }
0x98: {  	v6 =	vld [tilespmem:s26+$0xE420];
	v10 =	vadd.f32 v10, v3  }
0x99: {  	s28 =	sshra.s32 s29, $0x2;
	v8 =	vadd.f32 v11, v4;
	v4 =	vld [tilespmem:s26+$0xE920]  }
0x9a: {  	s29 =	sadd.s32 $0x40, s29;
	v3 =	vld [tilespmem:s28+$0xA0A0];
	v9 =	vadd.f32 v9, v10  }
0x9b: {  	v10 =	vld [tilespmem:s28+$0xA5A0];
	v5 =	vadd.f32 v5, v8  }
0x9c: {  	v11 =	vld [tilespmem:s28+$0x9E20];
	v7 =	vadd.f32 v7, v9  }
0x9d: {  	v37 =	vld [tilespmem:s28+$0xAAA0];
	v5 =	vadd.f32 v6, v5  }
0x9e: {  	v38 =	vld [tilespmem:s28+$0xA320];
	[tilespmem:s26+$0xF0A0] =	vst v7  }
0x9f: {  	v39 =	vld [tilespmem:s28+$0xAFA0];
	v4 =	vadd.f32 v4, v5  }
0xa0: {  	v40 =	vld [tilespmem:s28+$0xA820]  }
0xa1: {  	v7 =	vld [tilespmem:s28+$0xB4A0];
	[tilespmem:s26+$0xEE20] =	vst v4  }
0xa2: {  	v3 =	vadd.f32 v10, v3;
	v4 =	vld [tilespmem:s28+$0xAD20]  }
0xa3: {  	v9 =	vadd.f32 v38, v11  }
0xa4: {  	v3 =	vadd.f32 v37, v3;
	v41 =	vld [tilespmem:s28+$0xB220]  }
0xa5: {  	v42 =	vld [tilespmem:s28+$0xB9A0];
	v5 =	vadd.f32 v40, v9  }
0xa6: {  	v43 =	vld [tilespmem:s28+$0xB720];
	v3 =	vadd.f32 v39, v3  }
0xa7: {  	v44 =	vld [tilespmem:s28+$0xBEA0];
	v4 =	vadd.f32 v4, v5  }
0xa8: {  	v45 =	vld [tilespmem:s28+$0xBC20];
	v3 =	vadd.f32 v7, v3  }
0xa9: {  	v46 =	vld [tilespmem:s28+$0xC3A0];
	v4 =	vadd.f32 v41, v4  }
0xaa: {  	v47 =	vld [tilespmem:s28+$0xC120];
	v3 =	vadd.f32 v42, v3  }
0xab: {  	v48 =	vld [tilespmem:s28+$0xC8A0];
	v4 =	vadd.f32 v43, v4  }
0xac: {  	v49 =	vld [tilespmem:s28+$0xC620];
	v3 =	vadd.f32 v44, v3  }
0xad: {  	v50 =	vld [tilespmem:s28+$0xCDA0];
	v4 =	vadd.f32 v45, v4  }
0xae: {  	v51 =	vld [tilespmem:s28+$0xCB20];
	v3 =	vadd.f32 v46, v3  }
0xaf: {  	v52 =	vld [tilespmem:s28+$0xD2A0];
	v4 =	vadd.f32 v47, v4  }
0xb0: {  	v53 =	vld [tilespmem:s28+$0xD020];
	v3 =	vadd.f32 v48, v3  }
0xb1: {  	v54 =	vld [tilespmem:s28+$0xD7A0];
	v4 =	vadd.f32 v49, v4  }
0xb2: {  	v55 =	vld [tilespmem:s28+$0xD520];
	v3 =	vadd.f32 v50, v3  }
0xb3: {  	v56 =	vld [tilespmem:s28+$0xDCA0];
	v4 =	vadd.f32 v51, v4  }
0xb4: {  	v57 =	vld [tilespmem:s28+$0xDA20];
	v3 =	vadd.f32 v52, v3  }
0xb5: {  	v58 =	vld [tilespmem:s28+$0xE1A0];
	v4 =	vadd.f32 v53, v4  }
0xb6: {  	v59 =	vld [tilespmem:s28+$0xDF20];
	v3 =	vadd.f32 v54, v3  }
0xb7: {  	v60 =	vld [tilespmem:s28+$0xE6A0];
	v4 =	vadd.f32 v55, v4  }
0xb8: {  	v61 =	vld [tilespmem:s28+$0xE420];
	v3 =	vadd.f32 v56, v3  }
0xb9: {  	v62 =	vld [tilespmem:s28+$0xEBA0];
	v4 =	vadd.f32 v57, v4  }
0xba: {  	v63 =	vld [tilespmem:s28+$0xE920];
	v3 =	vadd.f32 v58, v3  }
0xbb: {  	v4 =	vadd.f32 v59, v4  }
0xbc: {  	v3 =	vadd.f32 v60, v3  }
0xbd: {  	v4 =	vadd.f32 v61, v4  }
0xbe: {  	v3 =	vadd.f32 v62, v3  }
0xbf: {  	v4 =	vadd.f32 v63, v4  }
0xc0: {  	[tilespmem:s28+$0xF0A0] =	vst v3  }
0xc1: {  	[tilespmem:s28+$0xEE20] =	vst v4  }
0xc2: {  	[hbm4b:s13+s2] =	stream.linear.scatter [tilespmem:s23], [sflag:$0x1], $0x280, $0x38;
	[tilespmem:$0x14410] =	vst v63  }
0xc3: {  	s25 =	sadd.s32 $0x1, s25;
	_ =	swait.ge [sflag:s16], $0x280  }
0xc4: {  	p0 =	sne.s32 s25, s12;
	[sflag:s16] =	ssyncset.done $0x0  }
.Ltmp3:
0xc5: {  	[sflag:s16] =	ssyncadd.s32 $0xFFFFFD80;
	(pc) =	sbr.rel @p0 .LBB2_1-.Ltmp3, $4  }
0xc6: {  	[hbm4b:s14+s2] =	stream.linear.scatter [tilespmem:s24], [sflag:$0x1], $0x280, $0x38;
	[tilespmem:$0x14410] =	vst v63  }
0xc7: {  	_ =	swait.ge [sflag:s16], $0x280  }
0xc8: {  	[sflag:s16] =	ssyncset.done $0x0  }
0xc9: {  	[sflag:s16] =	ssyncadd.s32 $0xFFFFFD80  }
0xca: {  	_ =	sfence.sel $0x180000  }
0xcb: {  	[bflag:$0x0] =	sbarrier.arrive $0xFFFF  }
0xcc: {  	p0 =	sne.s32 s0, $0x0;
	_ =	strace $0x90000047  }
0xcd: {  	s0 =	sadd.s32 @!p0 $0x100000, s1;
	[bflag:$0x2] =	sbarrier.arrive $0xFFFF  }
0xce: {  	[sflag:s0] =	ssyncadd.tile.s32 @!p0 $0x1;
	_ =	shalt  }
.Lfunc_end2:
_tile_overlayer_lowered:
.L_overlay_start_2:
0xcf: {  	(tag) =	ssettag $0x2  }
0xd0: {  	s0 =	rddreg [dreg:$0x0];
	s2 =	stileid.u32  }
0xd1: {  	s1 =	rddreg [dreg:$0x1];
	p0 =	sne.s32 s2, $0x0  }
0xd2: {  	s3 =	rddreg [dreg:$0x2];
	[bflag:$0x3] =	sbarrier.arrive $0xFFFF;
	s2 =	simm.s32 @!p0 $0x1C01  }
0xd3: {  	[timem:s3], [sflag:s2] =	dma.local @!p0 [hbm:s0], s1  }
0xd4: {  	s0 =	simm.s32 @!p0 $0x1  }
0xd5: {  	_ =	swait.ge @!p0 [sflag:s0], s1  }
0xd6: {  	s1 =	ssub.s32 @!p0 $0x0, s1;
	[sflag:s0] =	ssyncset.done @!p0 $0x0  }
0xd7: {  	[sflag:s0] =	ssyncadd.s32 @!p0 s1  }
0xd8: {  	[bflag:$0x3] =	sbarrier.arrive $0xFFFF  }
0xd9: {  	_ =	shalt  }

</sc_bundles>
